<compile_context>
chip_gen: v7x
topology: tpu7x:2x2x1
jax: 0.10.2.dev20260603
libtpu: 0.0.44.dev20260713+nightly
codegen_flags: <defaults>
</compile_context>

<pallas_src>
import functools

import jax
import jax.numpy as jnp
from jax import lax
from jax.experimental import pallas as pl
from jax.experimental.pallas import tpu as pltpu
from jax.experimental.pallas import tpu_sc as plsc

N, E, D, H, G = 10000, 320000, 128, 128, 64
NC, NS = 2, 16
NW = NC * NS
C = 128
NCH = 80
GC = 16
EPT = NCH * C
EP = EPT * NW
NP = 10240
RPT = NP // NS
TRASH = N
R = 1000
NBLK = N // R


def _sc_agg_body(x_hbm, edges_hbm, acc_hbm, acc_sh, rows0, rows1,
                 idx_s0, idx_d0, idx_s1, idx_d1, sg0, sg1, ss0, ss1, si):
    src_hbm = edges_hbm.at[0]
    dst_hbm = edges_hbm.at[1]
    cid = lax.axis_index("c")
    sid = lax.axis_index("s")
    wid = cid * NS + sid

    @pl.loop(0, C)
    def _(r):
        @pl.loop(0, D // 16)
        def _(c):
            rows0.at[r, pl.ds(c * 16, 16)][...] = jnp.zeros((16,), jnp.float32)

    @pl.loop(0, RPT // C)
    def _(k):
        pltpu.sync_copy(rows0, acc_sh.at[pl.ds(sid * RPT + k * C, C)])

    plsc.subcore_barrier()

    def _wait_gather(buf, sem):
        pltpu.make_async_copy(x_hbm.at[pl.ds(0, C)], buf, sem).wait()

    def _wait_scatter(buf, sem):
        pltpu.make_async_copy(buf, acc_sh.at[pl.ds(0, C)], sem).wait()

    def _fire_gather(islab, c, buf, sem):
        pltpu.async_copy(x_hbm.at[islab.at[c, pl.ds(0, C // 2)]],
                         buf.at[pl.ds(0, C // 2)], sem)
        pltpu.async_copy(x_hbm.at[islab.at[c, pl.ds(C // 2, C // 2)]],
                         buf.at[pl.ds(C // 2, C // 2)], sem)

    pltpu.sync_copy(src_hbm.at[pl.ds(wid * NCH, GC)], idx_s0)
    pltpu.sync_copy(dst_hbm.at[pl.ds(wid * NCH, GC)], idx_d0)
    _fire_gather(idx_s0, 0, rows0, sg0)

    ng = NCH // GC
    for g in range(ng):
        isb, idb = (idx_s0, idx_d0) if g % 2 == 0 else (idx_s1, idx_d1)
        isn, idn = (idx_s1, idx_d1) if g % 2 == 0 else (idx_s0, idx_d0)
        if g + 1 < ng:
            nslab = wid * NCH + (g + 1) * GC
            pltpu.async_copy(src_hbm.at[pl.ds(nslab, GC)], isn, si)
            pltpu.async_copy(dst_hbm.at[pl.ds(nslab, GC)], idn, si)

        @pl.loop(0, GC // 2)
        def _(p):
            c0 = 2 * p
            _fire_gather(isb, c0 + 1, rows1, sg1)
            _wait_gather(rows0, sg0)
            pltpu.async_copy(rows0, acc_sh.at[idb.at[c0]], ss0, add=True)
            _wait_gather(rows1, sg1)
            pltpu.async_copy(rows1, acc_sh.at[idb.at[c0 + 1]], ss1, add=True)
            _wait_scatter(rows0, ss0)

            @pl.when(p < GC // 2 - 1)
            def _():
                _fire_gather(isb, c0 + 2, rows0, sg0)

            _wait_scatter(rows1, ss1)

        if g + 1 < ng:
            pltpu.make_async_copy(src_hbm.at[pl.ds(wid * NCH, GC)], isn,
                                  si).wait()
            pltpu.make_async_copy(dst_hbm.at[pl.ds(wid * NCH, GC)], idn,
                                  si).wait()
            _fire_gather(isn, 0, rows0, sg0)

    plsc.subcore_barrier()

    pltpu.sync_copy(acc_sh.at[pl.ds(sid * RPT, RPT)],
                    acc_hbm.at[cid, pl.ds(sid * RPT, RPT)])


def _sc_deg_body(edges_hbm, cnt_hbm, cnt_sh, rows, idx_d, ss0, ss1):
    dst_hbm = edges_hbm.at[1]
    cid = lax.axis_index("c")
    sid = lax.axis_index("s")
    wid = cid * NS + sid

    @pl.loop(0, C)
    def _(r):
        @pl.loop(0, D // 16)
        def _(c):
            rows.at[r, pl.ds(c * 16, 16)][...] = jnp.zeros((16,), jnp.float32)

    @pl.loop(0, RPT // C)
    def _(k):
        pltpu.sync_copy(rows, cnt_sh.at[pl.ds(sid * RPT + k * C, C)])

    @pl.loop(0, C)
    def _(r):
        @pl.loop(0, D // 16)
        def _(c):
            rows.at[r, pl.ds(c * 16, 16)][...] = jnp.ones((16,), jnp.float32)

    plsc.subcore_barrier()

    @pl.loop(0, NCH // GC)
    def _(g):
        slab = wid * NCH + g * GC
        pltpu.sync_copy(dst_hbm.at[pl.ds(slab, GC)], idx_d)

        @pl.loop(0, GC // 2)
        def _(p):
            c0 = 2 * p
            s0 = pltpu.async_copy(rows, cnt_sh.at[idx_d.at[c0]], ss0,
                                  add=True)
            s1 = pltpu.async_copy(rows, cnt_sh.at[idx_d.at[c0 + 1]], ss1,
                                  add=True)
            s0.wait()
            s1.wait()

    plsc.subcore_barrier()
    pltpu.sync_copy(cnt_sh.at[pl.ds(sid * RPT, RPT)],
                    cnt_hbm.at[cid, pl.ds(sid * RPT, RPT)])


@functools.cache
def _get_sc_agg():
    mesh = plsc.VectorSubcoreMesh(core_axis_name="c", subcore_axis_name="s")
    return pl.kernel(
        _sc_agg_body,
        out_type=[jax.ShapeDtypeStruct((NC, NP, D), jnp.float32)],
        mesh=mesh,
        scratch_types=[
            pltpu.VMEM_SHARED((NP, D), jnp.float32),
            pltpu.VMEM((C, D), jnp.float32),
            pltpu.VMEM((C, D), jnp.float32),
            pltpu.VMEM((GC, C), jnp.int32),
            pltpu.VMEM((GC, C), jnp.int32),
            pltpu.VMEM((GC, C), jnp.int32),
            pltpu.VMEM((GC, C), jnp.int32),
            pltpu.SemaphoreType.DMA,
            pltpu.SemaphoreType.DMA,
            pltpu.SemaphoreType.DMA,
            pltpu.SemaphoreType.DMA,
            pltpu.SemaphoreType.DMA,
        ])


@functools.cache
def _get_sc_deg():
    mesh = plsc.VectorSubcoreMesh(core_axis_name="c", subcore_axis_name="s")
    return pl.kernel(
        _sc_deg_body,
        out_type=[jax.ShapeDtypeStruct((NC, NP, D), jnp.float32)],
        mesh=mesh,
        scratch_types=[
            pltpu.VMEM_SHARED((NP, D), jnp.float32),
            pltpu.VMEM((C, D), jnp.float32),
            pltpu.VMEM((GC, C), jnp.int32),
            pltpu.SemaphoreType.DMA,
            pltpu.SemaphoreType.DMA,
        ])


def _tc_sage_body(acc_ref, cnt_ref, x_ref, wl_ref, wr_ref, b_ref, o_ref):
    acc = acc_ref[0] + acc_ref[1]
    cnt = cnt_ref[0, :, 0:1] + cnt_ref[1, :, 0:1]
    agg = acc / jnp.maximum(cnt, 1.0)
    h = (jnp.dot(agg, wl_ref[...], preferred_element_type=jnp.float32)
         + jnp.dot(x_ref[...], wr_ref[...], preferred_element_type=jnp.float32)
         + b_ref[...])
    o_ref[...] = jnp.maximum(h, 0.0)


def _tc_sage(acc, cnt, x, wl, wr, b):
    return pl.pallas_call(
        _tc_sage_body,
        grid=(NBLK,),
        in_specs=[
            pl.BlockSpec((NC, R, D), lambda i: (0, i, 0)),
            pl.BlockSpec((NC, R, D), lambda i: (0, i, 0)),
            pl.BlockSpec((R, D), lambda i: (i, 0)),
            pl.BlockSpec((D, H), lambda i: (0, 0)),
            pl.BlockSpec((D, H), lambda i: (0, 0)),
            pl.BlockSpec((1, H), lambda i: (0, 0)),
        ],
        out_specs=pl.BlockSpec((R, H), lambda i: (i, 0)),
        out_shape=jax.ShapeDtypeStruct((N, H), jnp.float32),
    )(acc, cnt, x, wl, wr, b)


def _tc_final_body(acc_ref, cnt_ref, h1_ref, batch_ref, wl_ref, wr_ref, b_ref,
                   wc1_ref, bc1_ref, wc2_ref, bc2_ref, o_ref, psum, pcnt):
    i = pl.program_id(0)

    @pl.when(i == 0)
    def _():
        psum[...] = jnp.zeros((G, H), jnp.float32)
        pcnt[...] = jnp.zeros((G, H), jnp.float32)

    acc = acc_ref[0] + acc_ref[1]
    cnt = cnt_ref[0, :, 0:1] + cnt_ref[1, :, 0:1]
    agg = acc / jnp.maximum(cnt, 1.0)
    h2 = (jnp.dot(agg, wl_ref[...], preferred_element_type=jnp.float32)
          + jnp.dot(h1_ref[...], wr_ref[...], preferred_element_type=jnp.float32)
          + b_ref[...])
    h2 = jnp.maximum(h2, 0.0)
    bid = batch_ref[0, 0, :]
    m = (bid[None, :] == lax.broadcasted_iota(jnp.int32, (G, R), 0))
    m = m.astype(jnp.float32)
    psum[...] += jnp.dot(m, h2, preferred_element_type=jnp.float32,
                         precision=lax.Precision.HIGHEST)
    pcnt[...] += jnp.broadcast_to(jnp.sum(m, axis=1)[:, None], (G, H))

    @pl.when(i == NBLK - 1)
    def _():
        emb = psum[...] / jnp.maximum(pcnt[...], 1.0)
        z = jnp.maximum(
            jnp.dot(emb, wc1_ref[...], preferred_element_type=jnp.float32)
            + bc1_ref[...], 0.0)
        zb = z.astype(jnp.bfloat16).astype(jnp.float32)
        wb = wc2_ref[...].astype(jnp.bfloat16).astype(jnp.float32)
        o_ref[0, :] = jnp.sum(zb * wb, axis=1) + bc2_ref[0, 0]


def _tc_final(acc, cnt, h1, batch3, wl, wr, b, wc1, bc1, wc2, bc2):
    return pl.pallas_call(
        _tc_final_body,
        grid=(NBLK,),
        in_specs=[
            pl.BlockSpec((NC, R, D), lambda i: (0, i, 0)),
            pl.BlockSpec((NC, R, D), lambda i: (0, i, 0)),
            pl.BlockSpec((R, H), lambda i: (i, 0)),
            pl.BlockSpec((1, 1, R), lambda i: (i, 0, 0)),
            pl.BlockSpec((H, H), lambda i: (0, 0)),
            pl.BlockSpec((H, H), lambda i: (0, 0)),
            pl.BlockSpec((1, H), lambda i: (0, 0)),
            pl.BlockSpec((H, H), lambda i: (0, 0)),
            pl.BlockSpec((1, H), lambda i: (0, 0)),
            pl.BlockSpec((1, H), lambda i: (0, 0)),
            pl.BlockSpec((1, 1), lambda i: (0, 0)),
        ],
        out_specs=pl.BlockSpec((1, G), lambda i: (0, 0)),
        out_shape=jax.ShapeDtypeStruct((1, G), jnp.float32),
        scratch_shapes=[
            pltpu.VMEM((G, H), jnp.float32),
            pltpu.VMEM((G, H), jnp.float32),
        ],
    )(acc, cnt, h1, batch3, wl, wr, b, wc1, bc1, wc2, bc2)


def kernel(x, edge_index, batch, W_l0, b_l0, W_r0, W_l1, b_l1, W_r1,
           W_c1, b_c1, W_c2, b_c2):
    pad = EP - E
    ar = jnp.arange(pad, dtype=edge_index.dtype)
    pads = jnp.stack([(ar * 37) % N, TRASH + ar % (NP - N)])
    edges = jnp.concatenate([edge_index, pads], axis=1).reshape(2, NW * NCH, C)

    cnt, = _get_sc_deg()(edges)
    acc0, = _get_sc_agg()(x, edges)
    h1 = _tc_sage(acc0, cnt, x, W_l0, W_r0, b_l0.reshape(1, H))
    acc1, = _get_sc_agg()(h1, edges)
    out = _tc_final(acc1, cnt, h1, batch.reshape(NBLK, 1, R),
                    W_l1, W_r1, b_l1.reshape(1, H),
                    W_c1, b_c1.reshape(1, H), W_c2.reshape(1, H),
                    b_c2.reshape(1, 1))
    return out.reshape(G)

# --- scband reference (transcript-rebuilt; emitter-appended) ---
"""Pipeline reference for scband-gnnsimple-75368086110725 (READ-ONLY COPY).

The authoritative reference and input builder live on the scoring server;
editing this copy changes nothing except your own understanding.
"""

import jax, jax.numpy as jnp
import numpy as np

N, E, D, H, G = 10000, 320000, 128, 128, 64


def setup_inputs(seed: int = 0) -> dict:
    key = jax.random.key(seed)
    ks = jax.random.split(key, 16)
    x = jax.random.normal(ks[0], (N, D), dtype=jnp.float32)
    edge_index = jax.random.randint(ks[1], (2, E), 0, N)
    batch = jnp.sort(jax.random.randint(ks[2], (N,), 0, G))
    s_d = 1.0 / np.sqrt(D)
    s_h = 1.0 / np.sqrt(H)
    # SAGEConv layer 0: lin_l (neighbor agg, with bias), lin_r (root, no bias)
    W_l0 = jax.random.uniform(ks[3], (D, H), jnp.float32, -s_d, s_d)
    b_l0 = jax.random.uniform(ks[4], (H,), jnp.float32, -s_d, s_d)
    W_r0 = jax.random.uniform(ks[5], (D, H), jnp.float32, -s_d, s_d)
    # SAGEConv layer 1
    W_l1 = jax.random.uniform(ks[6], (H, H), jnp.float32, -s_h, s_h)
    b_l1 = jax.random.uniform(ks[7], (H,), jnp.float32, -s_h, s_h)
    W_r1 = jax.random.uniform(ks[8], (H, H), jnp.float32, -s_h, s_h)
    # classifier: Linear(H,H) -> ReLU -> Dropout(eval: identity) -> Linear(H,1)
    W_c1 = jax.random.uniform(ks[9], (H, H), jnp.float32, -s_h, s_h)
    b_c1 = jax.random.uniform(ks[10], (H,), jnp.float32, -s_h, s_h)
    W_c2 = jax.random.uniform(ks[11], (H, 1), jnp.float32, -s_h, s_h)
    b_c2 = jax.random.uniform(ks[12], (1,), jnp.float32, -s_h, s_h)
    return {"x": x, "edge_index": edge_index, "batch": batch,
            "W_l0": W_l0, "b_l0": b_l0, "W_r0": W_r0,
            "W_l1": W_l1, "b_l1": b_l1, "W_r1": W_r1,
            "W_c1": W_c1, "b_c1": b_c1, "W_c2": W_c2, "b_c2": b_c2}


def _sage_conv(x, src, dst, W_l, b_l, W_r):
    # PyG SAGEConv with mean aggregation: out = lin_l(mean_{j in N(i)} x_j) + lin_r(x_i)
    msg = x[src]
    seg_sum = jax.ops.segment_sum(msg, dst, num_segments=N)
    cnt = jax.ops.segment_sum(jnp.ones((src.shape[0],), jnp.float32), dst, num_segments=N)
    agg = seg_sum / jnp.clip(cnt, 1.0, None)[:, None]
    return agg @ W_l + b_l + x @ W_r


def reference(x, edge_index, batch, W_l0, b_l0, W_r0, W_l1, b_l1, W_r1, W_c1, b_c1, W_c2, b_c2):
    src = edge_index[0]
    dst = edge_index[1]
    h = jax.nn.relu(_sage_conv(x, src, dst, W_l0, b_l0, W_r0))
    h = jax.nn.relu(_sage_conv(h, src, dst, W_l1, b_l1, W_r1))
    # global_mean_pool over batch assignment
    g_sum = jax.ops.segment_sum(h, batch, num_segments=G)
    g_cnt = jax.ops.segment_sum(jnp.ones((N,), jnp.float32), batch, num_segments=G)
    graph_emb = g_sum / jnp.clip(g_cnt, 1.0, None)[:, None]
    # classifier (dropout is identity in eval)
    z = jax.nn.relu(graph_emb @ W_c1 + b_c1)
    out = (z @ W_c2 + b_c2).squeeze(-1)
    return out

if __name__ == "__main__":
    import jax
    _d = setup_inputs()
    print(jax.jit(kernel)(*tuple(_d.values())))

</pallas_src>

<mosaic_0001>
#map = affine_map<(d0, d1) -> (0, 0)>
#map1 = affine_map<(d0, d1) -> (0, 0, 0)>
module attributes {stable_mosaic.version = 14 : i64} {
  func.func @_sc_agg_body(%arg0: i32, %arg1: i32, %arg2: memref<10000x128xf32, #tpu.memory_space<hbm>>, %arg3: memref<2x2560x128xi32, #tpu.memory_space<hbm>>, %arg4: memref<2x10240x128xf32, #tpu.memory_space<hbm>>, %arg5: memref<10240x128xf32, #tpu.memory_space<vmem_shared>>, %arg6: memref<128x128xf32, #tpu.memory_space<vmem>>, %arg7: memref<128x128xf32, #tpu.memory_space<vmem>>, %arg8: memref<16x128xi32, #tpu.memory_space<vmem>>, %arg9: memref<16x128xi32, #tpu.memory_space<vmem>>, %arg10: memref<16x128xi32, #tpu.memory_space<vmem>>, %arg11: memref<16x128xi32, #tpu.memory_space<vmem>>, %arg12: memref<!tpu.dma_semaphore, #tpu.memory_space<semaphore_mem>>, %arg13: memref<!tpu.dma_semaphore, #tpu.memory_space<semaphore_mem>>, %arg14: memref<!tpu.dma_semaphore, #tpu.memory_space<semaphore_mem>>, %arg15: memref<!tpu.dma_semaphore, #tpu.memory_space<semaphore_mem>>, %arg16: memref<!tpu.dma_semaphore, #tpu.memory_space<semaphore_mem>>) attributes {dimension_semantics = [#tpu.dimension_semantics<core_parallel>, #tpu.dimension_semantics<subcore_parallel>], iteration_bounds = array<i64: 2, 16>, scalar_prefetch = 0 : i64, scratch_operands = 12 : i64, tpu.core_type = #tpu.core_type<sc_vector_subcore>, window_params = [{transform_indices = #map}, {transform_indices = #map1}, {transform_indices = #map1}]} {
    %mul3A = arith.constant 16 : i32
    %mul3A_0 = arith.muli %arg0, %mul3A : i32
    %add3A = arith.addi %mul3A_0, %arg1 : i32
    %scan3A = arith.constant 0 : i32
    %scan3A_1 = arith.constant 128 : i32
    %scan3A_2 = arith.addi %scan3A, %scan3A_1 : i32
    %scan3A_3 = arith.constant 1 : i32
    scf.for %scan3A_383 = %scan3A to %scan3A_2 step %scan3A_3  : i32 {
      %mul3A_384 = arith.constant 1 : i32
      %mul3A_385 = arith.muli %scan3A_383, %mul3A_384 : i32
      %add3A_386 = arith.constant 0 : i32
      %add3A_387 = arith.addi %add3A_386, %mul3A_385 : i32
      %scan3A_388 = arith.constant 0 : i32
      %scan3A_389 = arith.constant 8 : i32
      %scan3A_390 = arith.addi %scan3A_388, %scan3A_389 : i32
      %scan3A_391 = arith.constant 1 : i32
      scf.for %scan3A_393 = %scan3A_388 to %scan3A_390 step %scan3A_391  : i32 {
        %mul3A_394 = arith.constant 1 : i32
        %mul3A_395 = arith.muli %scan3A_393, %mul3A_394 : i32
        %add3A_396 = arith.constant 0 : i32
        %add3A_397 = arith.addi %add3A_396, %mul3A_395 : i32
        %broadcast_in_dim3A = arith.constant 0.000000e+00 : f32
        %broadcast_in_dim3A_398 = vector.broadcast %broadcast_in_dim3A : f32 to vector<16xf32>
        %mul3A_399 = arith.constant 16 : i32
        %mul3A_400 = arith.muli %add3A_397, %mul3A_399 : i32
        %swap3A = arith.index_cast %add3A_387 : i32 to index
        %swap3A_401 = arith.index_cast %mul3A_400 : i32 to index
        %swap3A_402 = tpu.vector_load %arg6[%swap3A, %swap3A_401] {strides = array<i32>} : memref<128x128xf32, #tpu.memory_space<vmem>>, vector<1x16xf32>,
        %swap3A_403 = vector.shape_cast %swap3A_402 : vector<1x16xf32> to vector<16xf32>
        %swap3A_404 = vector.shape_cast %broadcast_in_dim3A_398 : vector<16xf32> to vector<1x16xf32>
        tpu.vector_store %arg6[%swap3A, %swap3A_401], %swap3A_404 {strides = array<i32>} : memref<128x128xf32, #tpu.memory_space<vmem>>, vector<1x16xf32>,
      }
      %scan3A_392 = arith.constant 8 : i32
    }
    %scan3A_4 = arith.constant 128 : i32
    %scan3A_5 = arith.constant 0 : i32
    %scan3A_6 = arith.constant 5 : i32
    %scan3A_7 = arith.addi %scan3A_5, %scan3A_6 : i32
    %scan3A_8 = arith.constant 1 : i32
    scf.for %scan3A_383 = %scan3A_5 to %scan3A_7 step %scan3A_8  : i32 {
      %mul3A_384 = arith.constant 1 : i32
      %mul3A_385 = arith.muli %scan3A_383, %mul3A_384 : i32
      %add3A_386 = arith.constant 0 : i32
      %add3A_387 = arith.addi %add3A_386, %mul3A_385 : i32
      %mul3A_388 = arith.constant 640 : i32
      %mul3A_389 = arith.muli %arg1, %mul3A_388 : i32
      %mul3A_390 = arith.constant 128 : i32
      %mul3A_391 = arith.muli %add3A_387, %mul3A_390 : i32
      %add3A_392 = arith.addi %mul3A_389, %mul3A_391 : i32
      "tpu.region"() ({
        %run_scoped3A_393 = tpu.sem_alloc : memref<!tpu.dma_semaphore, #tpu.memory_space<semaphore_mem>>
        %dma_start3A_394 = arith.constant 0 : i32
        %dma_start3A_395 = tpu.memref_slice %arg5[%add3A_392, %dma_start3A_394] : memref<10240x128xf32, #tpu.memory_space<vmem_shared>> -> memref<128x128xf32, #tpu.memory_space<vmem_shared>>
        %dma_start3A_396 = arith.constant 0 : i32
        %dma_start3A_397 = tpu.memref_slice %arg5[%add3A_392, %dma_start3A_396] : memref<10240x128xf32, #tpu.memory_space<vmem_shared>> -> memref<128x128xf32, #tpu.memory_space<vmem_shared>>
        tpu.enqueue_dma source(%arg6 : memref<128x128xf32, #tpu.memory_space<vmem>>) target(%dma_start3A_397 : memref<128x128xf32, #tpu.memory_space<vmem_shared>>) target_semaphore(%run_scoped3A_393 : memref<!tpu.dma_semaphore, #tpu.memory_space<semaphore_mem>>)
        %dma_wait3A_398 = arith.constant 0 : i32
        %dma_wait3A_399 = tpu.memref_slice %arg5[%add3A_392, %dma_wait3A_398] : memref<10240x128xf32, #tpu.memory_space<vmem_shared>> -> memref<128x128xf32, #tpu.memory_space<vmem_shared>>
        %dma_wait3A_400 = arith.constant 0 : i32
        %dma_wait3A_401 = tpu.memref_slice %arg5[%add3A_392, %dma_wait3A_400] : memref<10240x128xf32, #tpu.memory_space<vmem_shared>> -> memref<128x128xf32, #tpu.memory_space<vmem_shared>>
        tpu.wait_dma2 semaphore(%run_scoped3A_393 : memref<!tpu.dma_semaphore, #tpu.memory_space<semaphore_mem>>) src(%arg6 : memref<128x128xf32, #tpu.memory_space<vmem>>) dst(%dma_wait3A_401 : memref<128x128xf32, #tpu.memory_space<vmem_shared>>)
        tpu.yield
      }) : () -> ()
    }
    %scan3A_9 = arith.constant 5 : i32
    %barrier3A = arith.constant 0 : index
    tpu.barrier barrier_id(%barrier3A)
    %mul3A_10 = arith.constant 80 : i32
    %mul3A_11 = arith.muli %add3A, %mul3A_10 : i32
    %run_scoped3A = arith.constant 0 : i32
    "tpu.region"() ({
      %run_scoped3A_383 = tpu.sem_alloc : memref<!tpu.dma_semaphore, #tpu.memory_space<semaphore_mem>>
      %dma_start3A_384 = arith.constant 0 : i32
      %dma_start3A_385 = arith.constant 0 : i32
      %dma_start3A_386 = tpu.memref_slice %arg3[%run_scoped3A, %dma_start3A_384, %dma_start3A_385] : memref<2x2560x128xi32, #tpu.memory_space<hbm>> -> memref<1x2560x128xi32, #tpu.memory_space<hbm>>
      %dma_start3A_387 = tpu.memref_squeeze %dma_start3A_386 : memref<1x2560x128xi32, #tpu.memory_space<hbm>> -> memref<2560x128xi32, #tpu.memory_space<hbm>>
      %dma_start3A_388 = arith.constant 0 : i32
      %dma_start3A_389 = tpu.memref_slice %dma_start3A_387[%mul3A_11, %dma_start3A_388] : memref<2560x128xi32, #tpu.memory_space<hbm>> -> memref<16x128xi32, #tpu.memory_space<hbm>>
      %dma_start3A_390 = arith.constant 0 : i32
      %dma_start3A_391 = arith.constant 0 : i32
      %dma_start3A_392 = tpu.memref_slice %arg3[%run_scoped3A, %dma_start3A_390, %dma_start3A_391] : memref<2x2560x128xi32, #tpu.memory_space<hbm>> -> memref<1x2560x128xi32, #tpu.memory_space<hbm>>
      %dma_start3A_393 = tpu.memref_squeeze %dma_start3A_392 : memref<1x2560x128xi32, #tpu.memory_space<hbm>> -> memref<2560x128xi32, #tpu.memory_space<hbm>>
      %dma_start3A_394 = arith.constant 0 : i32
      %dma_start3A_395 = tpu.memref_slice %dma_start3A_393[%mul3A_11, %dma_start3A_394] : memref<2560x128xi32, #tpu.memory_space<hbm>> -> memref<16x128xi32, #tpu.memory_space<hbm>>
      tpu.enqueue_dma source(%dma_start3A_395 : memref<16x128xi32, #tpu.memory_space<hbm>>) target(%arg8 : memref<16x128xi32, #tpu.memory_space<vmem>>) target_semaphore(%run_scoped3A_383 : memref<!tpu.dma_semaphore, #tpu.memory_space<semaphore_mem>>)
      %dma_wait3A_396 = arith.constant 0 : i32
      %dma_wait3A_397 = arith.constant 0 : i32
      %dma_wait3A_398 = tpu.memref_slice %arg3[%run_scoped3A, %dma_wait3A_396, %dma_wait3A_397] : memref<2x2560x128xi32, #tpu.memory_space<hbm>> -> memref<1x2560x128xi32, #tpu.memory_space<hbm>>
      %dma_wait3A_399 = tpu.memref_squeeze %dma_wait3A_398 : memref<1x2560x128xi32, #tpu.memory_space<hbm>> -> memref<2560x128xi32, #tpu.memory_space<hbm>>
      %dma_wait3A_400 = arith.constant 0 : i32
      %dma_wait3A_401 = tpu.memref_slice %dma_wait3A_399[%mul3A_11, %dma_wait3A_400] : memref<2560x128xi32, #tpu.memory_space<hbm>> -> memref<16x128xi32, #tpu.memory_space<hbm>>
      %dma_wait3A_402 = arith.constant 0 : i32
      %dma_wait3A_403 = arith.constant 0 : i32
      %dma_wait3A_404 = tpu.memref_slice %arg3[%run_scoped3A, %dma_wait3A_402, %dma_wait3A_403] : memref<2x2560x128xi32, #tpu.memory_space<hbm>> -> memref<1x2560x128xi32, #tpu.memory_space<hbm>>
      %dma_wait3A_405 = tpu.memref_squeeze %dma_wait3A_404 : memref<1x2560x128xi32, #tpu.memory_space<hbm>> -> memref<2560x128xi32, #tpu.memory_space<hbm>>
      %dma_wait3A_406 = arith.constant 0 : i32
      %dma_wait3A_407 = tpu.memref_slice %dma_wait3A_405[%mul3A_11, %dma_wait3A_406] : memref<2560x128xi32, #tpu.memory_space<hbm>> -> memref<16x128xi32, #tpu.memory_space<hbm>>
      tpu.wait_dma2 semaphore(%run_scoped3A_383 : memref<!tpu.dma_semaphore, #tpu.memory_space<semaphore_mem>>) src(%dma_wait3A_407 : memref<16x128xi32, #tpu.memory_space<hbm>>) dst(%arg8 : memref<16x128xi32, #tpu.memory_space<vmem>>)
      tpu.yield
    }) : () -> ()
    %mul3A_12 = arith.constant 80 : i32
    %mul3A_13 = arith.muli %add3A, %mul3A_12 : i32
    %run_scoped3A_14 = arith.constant 1 : i32
    "tpu.region"() ({
      %run_scoped3A_383 = tpu.sem_alloc : memref<!tpu.dma_semaphore, #tpu.memory_space<semaphore_mem>>
      %dma_start3A_384 = arith.constant 0 : i32
      %dma_start3A_385 = arith.constant 0 : i32
      %dma_start3A_386 = tpu.memref_slice %arg3[%run_scoped3A_14, %dma_start3A_384, %dma_start3A_385] : memref<2x2560x128xi32, #tpu.memory_space<hbm>> -> memref<1x2560x128xi32, #tpu.memory_space<hbm>>
      %dma_start3A_387 = tpu.memref_squeeze %dma_start3A_386 : memref<1x2560x128xi32, #tpu.memory_space<hbm>> -> memref<2560x128xi32, #tpu.memory_space<hbm>>
      %dma_start3A_388 = arith.constant 0 : i32
      %dma_start3A_389 = tpu.memref_slice %dma_start3A_387[%mul3A_13, %dma_start3A_388] : memref<2560x128xi32, #tpu.memory_space<hbm>> -> memref<16x128xi32, #tpu.memory_space<hbm>>
      %dma_start3A_390 = arith.constant 0 : i32
      %dma_start3A_391 = arith.constant 0 : i32
      %dma_start3A_392 = tpu.memref_slice %arg3[%run_scoped3A_14, %dma_start3A_390, %dma_start3A_391] : memref<2x2560x128xi32, #tpu.memory_space<hbm>> -> memref<1x2560x128xi32, #tpu.memory_space<hbm>>
      %dma_start3A_393 = tpu.memref_squeeze %dma_start3A_392 : memref<1x2560x128xi32, #tpu.memory_space<hbm>> -> memref<2560x128xi32, #tpu.memory_space<hbm>>
      %dma_start3A_394 = arith.constant 0 : i32
      %dma_start3A_395 = tpu.memref_slice %dma_start3A_393[%mul3A_13, %dma_start3A_394] : memref<2560x128xi32, #tpu.memory_space<hbm>> -> memref<16x128xi32, #tpu.memory_space<hbm>>
      tpu.enqueue_dma source(%dma_start3A_395 : memref<16x128xi32, #tpu.memory_space<hbm>>) target(%arg9 : memref<16x128xi32, #tpu.memory_space<vmem>>) target_semaphore(%run_scoped3A_383 : memref<!tpu.dma_semaphore, #tpu.memory_space<semaphore_mem>>)
      %dma_wait3A_396 = arith.constant 0 : i32
      %dma_wait3A_397 = arith.constant 0 : i32
      %dma_wait3A_398 = tpu.memref_slice %arg3[%run_scoped3A_14, %dma_wait3A_396, %dma_wait3A_397] : memref<2x2560x128xi32, #tpu.memory_space<hbm>> -> memref<1x2560x128xi32, #tpu.memory_space<hbm>>
      %dma_wait3A_399 = tpu.memref_squeeze %dma_wait3A_398 : memref<1x2560x128xi32, #tpu.memory_space<hbm>> -> memref<2560x128xi32, #tpu.memory_space<hbm>>
      %dma_wait3A_400 = arith.constant 0 : i32
      %dma_wait3A_401 = tpu.memref_slice %dma_wait3A_399[%mul3A_13, %dma_wait3A_400] : memref<2560x128xi32, #tpu.memory_space<hbm>> -> memref<16x128xi32, #tpu.memory_space<hbm>>
      %dma_wait3A_402 = arith.constant 0 : i32
      %dma_wait3A_403 = arith.constant 0 : i32
      %dma_wait3A_404 = tpu.memref_slice %arg3[%run_scoped3A_14, %dma_wait3A_402, %dma_wait3A_403] : memref<2x2560x128xi32, #tpu.memory_space<hbm>> -> memref<1x2560x128xi32, #tpu.memory_space<hbm>>
      %dma_wait3A_405 = tpu.memref_squeeze %dma_wait3A_404 : memref<1x2560x128xi32, #tpu.memory_space<hbm>> -> memref<2560x128xi32, #tpu.memory_space<hbm>>
      %dma_wait3A_406 = arith.constant 0 : i32
      %dma_wait3A_407 = tpu.memref_slice %dma_wait3A_405[%mul3A_13, %dma_wait3A_406] : memref<2560x128xi32, #tpu.memory_space<hbm>> -> memref<16x128xi32, #tpu.memory_space<hbm>>
      tpu.wait_dma2 semaphore(%run_scoped3A_383 : memref<!tpu.dma_semaphore, #tpu.memory_space<semaphore_mem>>) src(%dma_wait3A_407 : memref<16x128xi32, #tpu.memory_space<hbm>>) dst(%arg9 : memref<16x128xi32, #tpu.memory_space<vmem>>)
      tpu.yield
    }) : () -> ()
    %dma_start3A = arith.constant 0 : i32
    %dma_start3A_15 = arith.constant 0 : i32
    %dma_start3A_16 = arith.constant 0 : i32
    %dma_start3A_17 = tpu.memref_slice %arg6[%dma_start3A_15, %dma_start3A_16] : memref<128x128xf32, #tpu.memory_space<vmem>> -> memref<64x128xf32, #tpu.memory_space<vmem>>
    %dma_start3A_18 = arith.constant 0 : i32
    %dma_start3A_19 = tpu.memref_slice %arg8[%dma_start3A, %dma_start3A_18] : memref<16x128xi32, #tpu.memory_space<vmem>> -> memref<1x64xi32, #tpu.memory_space<vmem>>
    %dma_start3A_20 = tpu.memref_squeeze %dma_start3A_19 : memref<1x64xi32, #tpu.memory_space<vmem>> -> memref<64xi32, #tpu.memory_space<vmem>>
    %dma_start3A_21 = arith.constant 0 : i32
    %dma_start3A_22 = arith.constant 0 : i32
    %dma_start3A_23 = tpu.memref_slice %arg2[%dma_start3A_21, %dma_start3A_22] : memref<10000x128xf32, #tpu.memory_space<hbm>> -> memref<10000x128xf32, #tpu.memory_space<hbm>>
    tpu.enqueue_indirect_dma source(%dma_start3A_23 : memref<10000x128xf32, #tpu.memory_space<hbm>>) target(%dma_start3A_17 : memref<64x128xf32, #tpu.memory_space<vmem>>) offsets(%dma_start3A_20 : memref<64xi32, #tpu.memory_space<vmem>>) semaphore(%arg12 : memref<!tpu.dma_semaphore, #tpu.memory_space<semaphore_mem>>)
    %dma_start3A_24 = arith.constant 0 : i32
    %dma_start3A_25 = arith.constant 64 : i32
    %dma_start3A_26 = arith.constant 0 : i32
    %dma_start3A_27 = tpu.memref_slice %arg6[%dma_start3A_25, %dma_start3A_26] : memref<128x128xf32, #tpu.memory_space<vmem>> -> memref<64x128xf32, #tpu.memory_space<vmem>>
    %dma_start3A_28 = arith.constant 64 : i32
    %dma_start3A_29 = tpu.memref_slice %arg8[%dma_start3A_24, %dma_start3A_28] : memref<16x128xi32, #tpu.memory_space<vmem>> -> memref<1x64xi32, #tpu.memory_space<vmem>>
    %dma_start3A_30 = tpu.memref_squeeze %dma_start3A_29 : memref<1x64xi32, #tpu.memory_space<vmem>> -> memref<64xi32, #tpu.memory_space<vmem>>
    %dma_start3A_31 = arith.constant 0 : i32
    %dma_start3A_32 = arith.constant 0 : i32
    %dma_start3A_33 = tpu.memref_slice %arg2[%dma_start3A_31, %dma_start3A_32] : memref<10000x128xf32, #tpu.memory_space<hbm>> -> memref<10000x128xf32, #tpu.memory_space<hbm>>
    tpu.enqueue_indirect_dma source(%dma_start3A_33 : memref<10000x128xf32, #tpu.memory_space<hbm>>) target(%dma_start3A_27 : memref<64x128xf32, #tpu.memory_space<vmem>>) offsets(%dma_start3A_30 : memref<64xi32, #tpu.memory_space<vmem>>) semaphore(%arg12 : memref<!tpu.dma_semaphore, #tpu.memory_space<semaphore_mem>>)
    %mul3A_34 = arith.constant 80 : i32
    %mul3A_35 = arith.muli %add3A, %mul3A_34 : i32
    %add3A_36 = arith.constant 16 : i32
    %add3A_37 = arith.addi %mul3A_35, %add3A_36 : i32
    %dma_start3A_38 = arith.constant 0 : i32
    %dma_start3A_39 = arith.constant 0 : i32
    %dma_start3A_40 = arith.constant 0 : i32
    %dma_start3A_41 = tpu.memref_slice %arg3[%dma_start3A_38, %dma_start3A_39, %dma_start3A_40] : memref<2x2560x128xi32, #tpu.memory_space<hbm>> -> memref<1x2560x128xi32, #tpu.memory_space<hbm>>
    %dma_start3A_42 = tpu.memref_squeeze %dma_start3A_41 : memref<1x2560x128xi32, #tpu.memory_space<hbm>> -> memref<2560x128xi32, #tpu.memory_space<hbm>>
    %dma_start3A_43 = arith.constant 0 : i32
    %dma_start3A_44 = tpu.memref_slice %dma_start3A_42[%add3A_37, %dma_start3A_43] : memref<2560x128xi32, #tpu.memory_space<hbm>> -> memref<16x128xi32, #tpu.memory_space<hbm>>
    %dma_start3A_45 = arith.constant 0 : i32
    %dma_start3A_46 = arith.constant 0 : i32
    %dma_start3A_47 = tpu.memref_slice %arg3[%dma_start3A_38, %dma_start3A_45, %dma_start3A_46] : memref<2x2560x128xi32, #tpu.memory_space<hbm>> -> memref<1x2560x128xi32, #tpu.memory_space<hbm>>
    %dma_start3A_48 = tpu.memref_squeeze %dma_start3A_47 : memref<1x2560x128xi32, #tpu.memory_space<hbm>> -> memref<2560x128xi32, #tpu.memory_space<hbm>>
    %dma_start3A_49 = arith.constant 0 : i32
    %dma_start3A_50 = tpu.memref_slice %dma_start3A_48[%add3A_37, %dma_start3A_49] : memref<2560x128xi32, #tpu.memory_space<hbm>> -> memref<16x128xi32, #tpu.memory_space<hbm>>
    tpu.enqueue_dma source(%dma_start3A_50 : memref<16x128xi32, #tpu.memory_space<hbm>>) target(%arg10 : memref<16x128xi32, #tpu.memory_space<vmem>>) target_semaphore(%arg16 : memref<!tpu.dma_semaphore, #tpu.memory_space<semaphore_mem>>)
    %dma_start3A_51 = arith.constant 1 : i32
    %dma_start3A_52 = arith.constant 0 : i32
    %dma_start3A_53 = arith.constant 0 : i32
    %dma_start3A_54 = tpu.memref_slice %arg3[%dma_start3A_51, %dma_start3A_52, %dma_start3A_53] : memref<2x2560x128xi32, #tpu.memory_space<hbm>> -> memref<1x2560x128xi32, #tpu.memory_space<hbm>>
    %dma_start3A_55 = tpu.memref_squeeze %dma_start3A_54 : memref<1x2560x128xi32, #tpu.memory_space<hbm>> -> memref<2560x128xi32, #tpu.memory_space<hbm>>
    %dma_start3A_56 = arith.constant 0 : i32
    %dma_start3A_57 = tpu.memref_slice %dma_start3A_55[%add3A_37, %dma_start3A_56] : memref<2560x128xi32, #tpu.memory_space<hbm>> -> memref<16x128xi32, #tpu.memory_space<hbm>>
    %dma_start3A_58 = arith.constant 0 : i32
    %dma_start3A_59 = arith.constant 0 : i32
    %dma_start3A_60 = tpu.memref_slice %arg3[%dma_start3A_51, %dma_start3A_58, %dma_start3A_59] : memref<2x2560x128xi32, #tpu.memory_space<hbm>> -> memref<1x2560x128xi32, #tpu.memory_space<hbm>>
    %dma_start3A_61 = tpu.memref_squeeze %dma_start3A_60 : memref<1x2560x128xi32, #tpu.memory_space<hbm>> -> memref<2560x128xi32, #tpu.memory_space<hbm>>
    %dma_start3A_62 = arith.constant 0 : i32
    %dma_start3A_63 = tpu.memref_slice %dma_start3A_61[%add3A_37, %dma_start3A_62] : memref<2560x128xi32, #tpu.memory_space<hbm>> -> memref<16x128xi32, #tpu.memory_space<hbm>>
    tpu.enqueue_dma source(%dma_start3A_63 : memref<16x128xi32, #tpu.memory_space<hbm>>) target(%arg11 : memref<16x128xi32, #tpu.memory_space<vmem>>) target_semaphore(%arg16 : memref<!tpu.dma_semaphore, #tpu.memory_space<semaphore_mem>>)
    %scan3A_64 = arith.constant 0 : i32
    %scan3A_65 = arith.constant 8 : i32
    %scan3A_66 = arith.addi %scan3A_64, %scan3A_65 : i32
    %scan3A_67 = arith.constant 1 : i32
    scf.for %scan3A_383 = %scan3A_64 to %scan3A_66 step %scan3A_67  : i32 {
      %mul3A_384 = arith.constant 1 : i32
      %mul3A_385 = arith.muli %scan3A_383, %mul3A_384 : i32
      %add3A_386 = arith.constant 0 : i32
      %add3A_387 = arith.addi %add3A_386, %mul3A_385 : i32
      %mul3A_388 = arith.constant 2 : i32
      %mul3A_389 = arith.muli %mul3A_388, %add3A_387 : i32
      %add3A_390 = arith.constant 1 : i32
      %add3A_391 = arith.addi %mul3A_389, %add3A_390 : i32
      %dma_start3A_392 = arith.constant 0 : i32
      %dma_start3A_393 = arith.constant 0 : i32
      %dma_start3A_394 = tpu.memref_slice %arg7[%dma_start3A_392, %dma_start3A_393] : memref<128x128xf32, #tpu.memory_space<vmem>> -> memref<64x128xf32, #tpu.memory_space<vmem>>
      %dma_start3A_395 = arith.constant 0 : i32
      %dma_start3A_396 = tpu.memref_slice %arg8[%add3A_391, %dma_start3A_395] : memref<16x128xi32, #tpu.memory_space<vmem>> -> memref<1x64xi32, #tpu.memory_space<vmem>>
      %dma_start3A_397 = tpu.memref_squeeze %dma_start3A_396 : memref<1x64xi32, #tpu.memory_space<vmem>> -> memref<64xi32, #tpu.memory_space<vmem>>
      %dma_start3A_398 = arith.constant 0 : i32
      %dma_start3A_399 = arith.constant 0 : i32
      %dma_start3A_400 = tpu.memref_slice %arg2[%dma_start3A_398, %dma_start3A_399] : memref<10000x128xf32, #tpu.memory_space<hbm>> -> memref<10000x128xf32, #tpu.memory_space<hbm>>
      tpu.enqueue_indirect_dma source(%dma_start3A_400 : memref<10000x128xf32, #tpu.memory_space<hbm>>) target(%dma_start3A_394 : memref<64x128xf32, #tpu.memory_space<vmem>>) offsets(%dma_start3A_397 : memref<64xi32, #tpu.memory_space<vmem>>) semaphore(%arg13 : memref<!tpu.dma_semaphore, #tpu.memory_space<semaphore_mem>>)
      %dma_start3A_401 = arith.constant 64 : i32
      %dma_start3A_402 = arith.constant 0 : i32
      %dma_start3A_403 = tpu.memref_slice %arg7[%dma_start3A_401, %dma_start3A_402] : memref<128x128xf32, #tpu.memory_space<vmem>> -> memref<64x128xf32, #tpu.memory_space<vmem>>
      %dma_start3A_404 = arith.constant 64 : i32
      %dma_start3A_405 = tpu.memref_slice %arg8[%add3A_391, %dma_start3A_404] : memref<16x128xi32, #tpu.memory_space<vmem>> -> memref<1x64xi32, #tpu.memory_space<vmem>>
      %dma_start3A_406 = tpu.memref_squeeze %dma_start3A_405 : memref<1x64xi32, #tpu.memory_space<vmem>> -> memref<64xi32, #tpu.memory_space<vmem>>
      %dma_start3A_407 = arith.constant 0 : i32
      %dma_start3A_408 = arith.constant 0 : i32
      %dma_start3A_409 = tpu.memref_slice %arg2[%dma_start3A_407, %dma_start3A_408] : memref<10000x128xf32, #tpu.memory_space<hbm>> -> memref<10000x128xf32, #tpu.memory_space<hbm>>
      tpu.enqueue_indirect_dma source(%dma_start3A_409 : memref<10000x128xf32, #tpu.memory_space<hbm>>) target(%dma_start3A_403 : memref<64x128xf32, #tpu.memory_space<vmem>>) offsets(%dma_start3A_406 : memref<64xi32, #tpu.memory_space<vmem>>) semaphore(%arg13 : memref<!tpu.dma_semaphore, #tpu.memory_space<semaphore_mem>>)
      %dma_wait3A_410 = arith.constant 0 : i32
      %dma_wait3A_411 = arith.constant 0 : i32
      %dma_wait3A_412 = tpu.memref_slice %arg2[%dma_wait3A_410, %dma_wait3A_411] : memref<10000x128xf32, #tpu.memory_space<hbm>> -> memref<128x128xf32, #tpu.memory_space<hbm>>
      %dma_wait3A_413 = arith.constant 0 : i32
      %dma_wait3A_414 = arith.constant 0 : i32
      %dma_wait3A_415 = tpu.memref_slice %arg2[%dma_wait3A_413, %dma_wait3A_414] : memref<10000x128xf32, #tpu.memory_space<hbm>> -> memref<128x128xf32, #tpu.memory_space<hbm>>
      tpu.wait_dma2 semaphore(%arg12 : memref<!tpu.dma_semaphore, #tpu.memory_space<semaphore_mem>>) src(%dma_wait3A_415 : memref<128x128xf32, #tpu.memory_space<hbm>>) dst(%arg6 : memref<128x128xf32, #tpu.memory_space<vmem>>)
      %dma_start3A_416 = arith.constant 0 : i32
      %dma_start3A_417 = tpu.memref_slice %arg9[%mul3A_389, %dma_start3A_416] : memref<16x128xi32, #tpu.memory_space<vmem>> -> memref<1x128xi32, #tpu.memory_space<vmem>>
      %dma_start3A_418 = tpu.memref_squeeze %dma_start3A_417 : memref<1x128xi32, #tpu.memory_space<vmem>> -> memref<128xi32, #tpu.memory_space<vmem>>
      %dma_start3A_419 = arith.constant 0 : i32
      %dma_start3A_420 = arith.constant 0 : i32
      %dma_start3A_421 = tpu.memref_slice %arg5[%dma_start3A_419, %dma_start3A_420] : memref<10240x128xf32, #tpu.memory_space<vmem_shared>> -> memref<10240x128xf32, #tpu.memory_space<vmem_shared>>
      tpu.enqueue_indirect_dma source(%arg6 : memref<128x128xf32, #tpu.memory_space<vmem>>) target(%dma_start3A_421 : memref<10240x128xf32, #tpu.memory_space<vmem_shared>>) offsets(%dma_start3A_418 : memref<128xi32, #tpu.memory_space<vmem>>) semaphore(%arg14 : memref<!tpu.dma_semaphore, #tpu.memory_space<semaphore_mem>>) {add = true}
      %dma_wait3A_422 = arith.constant 0 : i32
      %dma_wait3A_423 = arith.constant 0 : i32
      %dma_wait3A_424 = tpu.memref_slice %arg2[%dma_wait3A_422, %dma_wait3A_423] : memref<10000x128xf32, #tpu.memory_space<hbm>> -> memref<128x128xf32, #tpu.memory_space<hbm>>
      %dma_wait3A_425 = arith.constant 0 : i32
      %dma_wait3A_426 = arith.constant 0 : i32
      %dma_wait3A_427 = tpu.memref_slice %arg2[%dma_wait3A_425, %dma_wait3A_426] : memref<10000x128xf32, #tpu.memory_space<hbm>> -> memref<128x128xf32, #tpu.memory_space<hbm>>
      tpu.wait_dma2 semaphore(%arg13 : memref<!tpu.dma_semaphore, #tpu.memory_space<semaphore_mem>>) src(%dma_wait3A_427 : memref<128x128xf32, #tpu.memory_space<hbm>>) dst(%arg7 : memref<128x128xf32, #tpu.memory_space<vmem>>)
      %add3A_428 = arith.constant 1 : i32
      %add3A_429 = arith.addi %mul3A_389, %add3A_428 : i32
      %dma_start3A_430 = arith.constant 0 : i32
      %dma_start3A_431 = tpu.memref_slice %arg9[%add3A_429, %dma_start3A_430] : memref<16x128xi32, #tpu.memory_space<vmem>> -> memref<1x128xi32, #tpu.memory_space<vmem>>
      %dma_start3A_432 = tpu.memref_squeeze %dma_start3A_431 : memref<1x128xi32, #tpu.memory_space<vmem>> -> memref<128xi32, #tpu.memory_space<vmem>>
      %dma_start3A_433 = arith.constant 0 : i32
      %dma_start3A_434 = arith.constant 0 : i32
      %dma_start3A_435 = tpu.memref_slice %arg5[%dma_start3A_433, %dma_start3A_434] : memref<10240x128xf32, #tpu.memory_space<vmem_shared>> -> memref<10240x128xf32, #tpu.memory_space<vmem_shared>>
      tpu.enqueue_indirect_dma source(%arg7 : memref<128x128xf32, #tpu.memory_space<vmem>>) target(%dma_start3A_435 : memref<10240x128xf32, #tpu.memory_space<vmem_shared>>) offsets(%dma_start3A_432 : memref<128xi32, #tpu.memory_space<vmem>>) semaphore(%arg15 : memref<!tpu.dma_semaphore, #tpu.memory_space<semaphore_mem>>) {add = true}
      %dma_wait3A_436 = arith.constant 0 : i32
      %dma_wait3A_437 = arith.constant 0 : i32
      %dma_wait3A_438 = tpu.memref_slice %arg5[%dma_wait3A_436, %dma_wait3A_437] : memref<10240x128xf32, #tpu.memory_space<vmem_shared>> -> memref<128x128xf32, #tpu.memory_space<vmem_shared>>
      %dma_wait3A_439 = arith.constant 0 : i32
      %dma_wait3A_440 = arith.constant 0 : i32
      %dma_wait3A_441 = tpu.memref_slice %arg5[%dma_wait3A_439, %dma_wait3A_440] : memref<10240x128xf32, #tpu.memory_space<vmem_shared>> -> memref<128x128xf32, #tpu.memory_space<vmem_shared>>
      tpu.wait_dma2 semaphore(%arg14 : memref<!tpu.dma_semaphore, #tpu.memory_space<semaphore_mem>>) src(%arg6 : memref<128x128xf32, #tpu.memory_space<vmem>>) dst(%dma_wait3A_441 : memref<128x128xf32, #tpu.memory_space<vmem_shared>>)
      %lt3A = arith.constant 7 : i32
      %lt3A_442 = arith.cmpi slt, %add3A_387, %lt3A : i32
      %convert_element_type3A = arith.extui %lt3A_442 : i1 to i32
      %cond3A = arith.constant 0 : i32
      %cond3A_443 = arith.cmpi ne, %convert_element_type3A, %cond3A : i32
      scf.if %cond3A_443 {
        %add3A_450 = arith.constant 2 : i32
        %add3A_451 = arith.addi %mul3A_389, %add3A_450 : i32
        %dma_start3A_452 = arith.constant 0 : i32
        %dma_start3A_453 = arith.constant 0 : i32
        %dma_start3A_454 = tpu.memref_slice %arg6[%dma_start3A_452, %dma_start3A_453] : memref<128x128xf32, #tpu.memory_space<vmem>> -> memref<64x128xf32, #tpu.memory_space<vmem>>
        %dma_start3A_455 = arith.constant 0 : i32
        %dma_start3A_456 = tpu.memref_slice %arg8[%add3A_451, %dma_start3A_455] : memref<16x128xi32, #tpu.memory_space<vmem>> -> memref<1x64xi32, #tpu.memory_space<vmem>>
        %dma_start3A_457 = tpu.memref_squeeze %dma_start3A_456 : memref<1x64xi32, #tpu.memory_space<vmem>> -> memref<64xi32, #tpu.memory_space<vmem>>
        %dma_start3A_458 = arith.constant 0 : i32
        %dma_start3A_459 = arith.constant 0 : i32
        %dma_start3A_460 = tpu.memref_slice %arg2[%dma_start3A_458, %dma_start3A_459] : memref<10000x128xf32, #tpu.memory_space<hbm>> -> memref<10000x128xf32, #tpu.memory_space<hbm>>
        tpu.enqueue_indirect_dma source(%dma_start3A_460 : memref<10000x128xf32, #tpu.memory_space<hbm>>) target(%dma_start3A_454 : memref<64x128xf32, #tpu.memory_space<vmem>>) offsets(%dma_start3A_457 : memref<64xi32, #tpu.memory_space<vmem>>) semaphore(%arg12 : memref<!tpu.dma_semaphore, #tpu.memory_space<semaphore_mem>>)
        %dma_start3A_461 = arith.constant 64 : i32
        %dma_start3A_462 = arith.constant 0 : i32
        %dma_start3A_463 = tpu.memref_slice %arg6[%dma_start3A_461, %dma_start3A_462] : memref<128x128xf32, #tpu.memory_space<vmem>> -> memref<64x128xf32, #tpu.memory_space<vmem>>
        %dma_start3A_464 = arith.constant 64 : i32
        %dma_start3A_465 = tpu.memref_slice %arg8[%add3A_451, %dma_start3A_464] : memref<16x128xi32, #tpu.memory_space<vmem>> -> memref<1x64xi32, #tpu.memory_space<vmem>>
        %dma_start3A_466 = tpu.memref_squeeze %dma_start3A_465 : memref<1x64xi32, #tpu.memory_space<vmem>> -> memref<64xi32, #tpu.memory_space<vmem>>
        %dma_start3A_467 = arith.constant 0 : i32
        %dma_start3A_468 = arith.constant 0 : i32
        %dma_start3A_469 = tpu.memref_slice %arg2[%dma_start3A_467, %dma_start3A_468] : memref<10000x128xf32, #tpu.memory_space<hbm>> -> memref<10000x128xf32, #tpu.memory_space<hbm>>
        tpu.enqueue_indirect_dma source(%dma_start3A_469 : memref<10000x128xf32, #tpu.memory_space<hbm>>) target(%dma_start3A_463 : memref<64x128xf32, #tpu.memory_space<vmem>>) offsets(%dma_start3A_466 : memref<64xi32, #tpu.memory_space<vmem>>) semaphore(%arg12 : memref<!tpu.dma_semaphore, #tpu.memory_space<semaphore_mem>>)
      } else {
      }
      %dma_wait3A_444 = arith.constant 0 : i32
      %dma_wait3A_445 = arith.constant 0 : i32
      %dma_wait3A_446 = tpu.memref_slice %arg5[%dma_wait3A_444, %dma_wait3A_445] : memref<10240x128xf32, #tpu.memory_space<vmem_shared>> -> memref<128x128xf32, #tpu.memory_space<vmem_shared>>
      %dma_wait3A_447 = arith.constant 0 : i32
      %dma_wait3A_448 = arith.constant 0 : i32
      %dma_wait3A_449 = tpu.memref_slice %arg5[%dma_wait3A_447, %dma_wait3A_448] : memref<10240x128xf32, #tpu.memory_space<vmem_shared>> -> memref<128x128xf32, #tpu.memory_space<vmem_shared>>
      tpu.wait_dma2 semaphore(%arg15 : memref<!tpu.dma_semaphore, #tpu.memory_space<semaphore_mem>>) src(%arg7 : memref<128x128xf32, #tpu.memory_space<vmem>>) dst(%dma_wait3A_449 : memref<128x128xf32, #tpu.memory_space<vmem_shared>>)
    }
    %scan3A_68 = arith.constant 8 : i32
    %mul3A_69 = arith.constant 80 : i32
    %mul3A_70 = arith.muli %add3A, %mul3A_69 : i32
    %dma_wait3A = arith.constant 0 : i32
    %dma_wait3A_71 = arith.constant 0 : i32
    %dma_wait3A_72 = arith.constant 0 : i32
    %dma_wait3A_73 = tpu.memref_slice %arg3[%dma_wait3A, %dma_wait3A_71, %dma_wait3A_72] : memref<2x2560x128xi32, #tpu.memory_space<hbm>> -> memref<1x2560x128xi32, #tpu.memory_space<hbm>>
    %dma_wait3A_74 = tpu.memref_squeeze %dma_wait3A_73 : memref<1x2560x128xi32, #tpu.memory_space<hbm>> -> memref<2560x128xi32, #tpu.memory_space<hbm>>
    %dma_wait3A_75 = arith.constant 0 : i32
    %dma_wait3A_76 = tpu.memref_slice %dma_wait3A_74[%mul3A_70, %dma_wait3A_75] : memref<2560x128xi32, #tpu.memory_space<hbm>> -> memref<16x128xi32, #tpu.memory_space<hbm>>
    %dma_wait3A_77 = arith.constant 0 : i32
    %dma_wait3A_78 = arith.constant 0 : i32
    %dma_wait3A_79 = tpu.memref_slice %arg3[%dma_wait3A, %dma_wait3A_77, %dma_wait3A_78] : memref<2x2560x128xi32, #tpu.memory_space<hbm>> -> memref<1x2560x128xi32, #tpu.memory_space<hbm>>
    %dma_wait3A_80 = tpu.memref_squeeze %dma_wait3A_79 : memref<1x2560x128xi32, #tpu.memory_space<hbm>> -> memref<2560x128xi32, #tpu.memory_space<hbm>>
    %dma_wait3A_81 = arith.constant 0 : i32
    %dma_wait3A_82 = tpu.memref_slice %dma_wait3A_80[%mul3A_70, %dma_wait3A_81] : memref<2560x128xi32, #tpu.memory_space<hbm>> -> memref<16x128xi32, #tpu.memory_space<hbm>>
    tpu.wait_dma2 semaphore(%arg16 : memref<!tpu.dma_semaphore, #tpu.memory_space<semaphore_mem>>) src(%dma_wait3A_82 : memref<16x128xi32, #tpu.memory_space<hbm>>) dst(%arg10 : memref<16x128xi32, #tpu.memory_space<vmem>>)
    %mul3A_83 = arith.constant 80 : i32
    %mul3A_84 = arith.muli %add3A, %mul3A_83 : i32
    %dma_wait3A_85 = arith.constant 1 : i32
    %dma_wait3A_86 = arith.constant 0 : i32
    %dma_wait3A_87 = arith.constant 0 : i32
    %dma_wait3A_88 = tpu.memref_slice %arg3[%dma_wait3A_85, %dma_wait3A_86, %dma_wait3A_87] : memref<2x2560x128xi32, #tpu.memory_space<hbm>> -> memref<1x2560x128xi32, #tpu.memory_space<hbm>>
    %dma_wait3A_89 = tpu.memref_squeeze %dma_wait3A_88 : memref<1x2560x128xi32, #tpu.memory_space<hbm>> -> memref<2560x128xi32, #tpu.memory_space<hbm>>
    %dma_wait3A_90 = arith.constant 0 : i32
    %dma_wait3A_91 = tpu.memref_slice %dma_wait3A_89[%mul3A_84, %dma_wait3A_90] : memref<2560x128xi32, #tpu.memory_space<hbm>> -> memref<16x128xi32, #tpu.memory_space<hbm>>
    %dma_wait3A_92 = arith.constant 0 : i32
    %dma_wait3A_93 = arith.constant 0 : i32
    %dma_wait3A_94 = tpu.memref_slice %arg3[%dma_wait3A_85, %dma_wait3A_92, %dma_wait3A_93] : memref<2x2560x128xi32, #tpu.memory_space<hbm>> -> memref<1x2560x128xi32, #tpu.memory_space<hbm>>
    %dma_wait3A_95 = tpu.memref_squeeze %dma_wait3A_94 : memref<1x2560x128xi32, #tpu.memory_space<hbm>> -> memref<2560x128xi32, #tpu.memory_space<hbm>>
    %dma_wait3A_96 = arith.constant 0 : i32
    %dma_wait3A_97 = tpu.memref_slice %dma_wait3A_95[%mul3A_84, %dma_wait3A_96] : memref<2560x128xi32, #tpu.memory_space<hbm>> -> memref<16x128xi32, #tpu.memory_space<hbm>>
    tpu.wait_dma2 semaphore(%arg16 : memref<!tpu.dma_semaphore, #tpu.memory_space<semaphore_mem>>) src(%dma_wait3A_97 : memref<16x128xi32, #tpu.memory_space<hbm>>) dst(%arg11 : memref<16x128xi32, #tpu.memory_space<vmem>>)
    %dma_start3A_98 = arith.constant 0 : i32
    %dma_start3A_99 = arith.constant 0 : i32
    %dma_start3A_100 = arith.constant 0 : i32
    %dma_start3A_101 = tpu.memref_slice %arg6[%dma_start3A_99, %dma_start3A_100] : memref<128x128xf32, #tpu.memory_space<vmem>> -> memref<64x128xf32, #tpu.memory_space<vmem>>
    %dma_start3A_102 = arith.constant 0 : i32
    %dma_start3A_103 = tpu.memref_slice %arg10[%dma_start3A_98, %dma_start3A_102] : memref<16x128xi32, #tpu.memory_space<vmem>> -> memref<1x64xi32, #tpu.memory_space<vmem>>
    %dma_start3A_104 = tpu.memref_squeeze %dma_start3A_103 : memref<1x64xi32, #tpu.memory_space<vmem>> -> memref<64xi32, #tpu.memory_space<vmem>>
    %dma_start3A_105 = arith.constant 0 : i32
    %dma_start3A_106 = arith.constant 0 : i32
    %dma_start3A_107 = tpu.memref_slice %arg2[%dma_start3A_105, %dma_start3A_106] : memref<10000x128xf32, #tpu.memory_space<hbm>> -> memref<10000x128xf32, #tpu.memory_space<hbm>>
    tpu.enqueue_indirect_dma source(%dma_start3A_107 : memref<10000x128xf32, #tpu.memory_space<hbm>>) target(%dma_start3A_101 : memref<64x128xf32, #tpu.memory_space<vmem>>) offsets(%dma_start3A_104 : memref<64xi32, #tpu.memory_space<vmem>>) semaphore(%arg12 : memref<!tpu.dma_semaphore, #tpu.memory_space<semaphore_mem>>)
    %dma_start3A_108 = arith.constant 0 : i32
    %dma_start3A_109 = arith.constant 64 : i32
    %dma_start3A_110 = arith.constant 0 : i32
    %dma_start3A_111 = tpu.memref_slice %arg6[%dma_start3A_109, %dma_start3A_110] : memref<128x128xf32, #tpu.memory_space<vmem>> -> memref<64x128xf32, #tpu.memory_space<vmem>>
    %dma_start3A_112 = arith.constant 64 : i32
    %dma_start3A_113 = tpu.memref_slice %arg10[%dma_start3A_108, %dma_start3A_112] : memref<16x128xi32, #tpu.memory_space<vmem>> -> memref<1x64xi32, #tpu.memory_space<vmem>>
    %dma_start3A_114 = tpu.memref_squeeze %dma_start3A_113 : memref<1x64xi32, #tpu.memory_space<vmem>> -> memref<64xi32, #tpu.memory_space<vmem>>
    %dma_start3A_115 = arith.constant 0 : i32
    %dma_start3A_116 = arith.constant 0 : i32
    %dma_start3A_117 = tpu.memref_slice %arg2[%dma_start3A_115, %dma_start3A_116] : memref<10000x128xf32, #tpu.memory_space<hbm>> -> memref<10000x128xf32, #tpu.memory_space<hbm>>
    tpu.enqueue_indirect_dma source(%dma_start3A_117 : memref<10000x128xf32, #tpu.memory_space<hbm>>) target(%dma_start3A_111 : memref<64x128xf32, #tpu.memory_space<vmem>>) offsets(%dma_start3A_114 : memref<64xi32, #tpu.memory_space<vmem>>) semaphore(%arg12 : memref<!tpu.dma_semaphore, #tpu.memory_space<semaphore_mem>>)
    %mul3A_118 = arith.constant 80 : i32
    %mul3A_119 = arith.muli %add3A, %mul3A_118 : i32
    %add3A_120 = arith.constant 32 : i32
    %add3A_121 = arith.addi %mul3A_119, %add3A_120 : i32
    %dma_start3A_122 = arith.constant 0 : i32
    %dma_start3A_123 = arith.constant 0 : i32
    %dma_start3A_124 = arith.constant 0 : i32
    %dma_start3A_125 = tpu.memref_slice %arg3[%dma_start3A_122, %dma_start3A_123, %dma_start3A_124] : memref<2x2560x128xi32, #tpu.memory_space<hbm>> -> memref<1x2560x128xi32, #tpu.memory_space<hbm>>
    %dma_start3A_126 = tpu.memref_squeeze %dma_start3A_125 : memref<1x2560x128xi32, #tpu.memory_space<hbm>> -> memref<2560x128xi32, #tpu.memory_space<hbm>>
    %dma_start3A_127 = arith.constant 0 : i32
    %dma_start3A_128 = tpu.memref_slice %dma_start3A_126[%add3A_121, %dma_start3A_127] : memref<2560x128xi32, #tpu.memory_space<hbm>> -> memref<16x128xi32, #tpu.memory_space<hbm>>
    %dma_start3A_129 = arith.constant 0 : i32
    %dma_start3A_130 = arith.constant 0 : i32
    %dma_start3A_131 = tpu.memref_slice %arg3[%dma_start3A_122, %dma_start3A_129, %dma_start3A_130] : memref<2x2560x128xi32, #tpu.memory_space<hbm>> -> memref<1x2560x128xi32, #tpu.memory_space<hbm>>
    %dma_start3A_132 = tpu.memref_squeeze %dma_start3A_131 : memref<1x2560x128xi32, #tpu.memory_space<hbm>> -> memref<2560x128xi32, #tpu.memory_space<hbm>>
    %dma_start3A_133 = arith.constant 0 : i32
    %dma_start3A_134 = tpu.memref_slice %dma_start3A_132[%add3A_121, %dma_start3A_133] : memref<2560x128xi32, #tpu.memory_space<hbm>> -> memref<16x128xi32, #tpu.memory_space<hbm>>
    tpu.enqueue_dma source(%dma_start3A_134 : memref<16x128xi32, #tpu.memory_space<hbm>>) target(%arg8 : memref<16x128xi32, #tpu.memory_space<vmem>>) target_semaphore(%arg16 : memref<!tpu.dma_semaphore, #tpu.memory_space<semaphore_mem>>)
    %dma_start3A_135 = arith.constant 1 : i32
    %dma_start3A_136 = arith.constant 0 : i32
    %dma_start3A_137 = arith.constant 0 : i32
    %dma_start3A_138 = tpu.memref_slice %arg3[%dma_start3A_135, %dma_start3A_136, %dma_start3A_137] : memref<2x2560x128xi32, #tpu.memory_space<hbm>> -> memref<1x2560x128xi32, #tpu.memory_space<hbm>>
    %dma_start3A_139 = tpu.memref_squeeze %dma_start3A_138 : memref<1x2560x128xi32, #tpu.memory_space<hbm>> -> memref<2560x128xi32, #tpu.memory_space<hbm>>
    %dma_start3A_140 = arith.constant 0 : i32
    %dma_start3A_141 = tpu.memref_slice %dma_start3A_139[%add3A_121, %dma_start3A_140] : memref<2560x128xi32, #tpu.memory_space<hbm>> -> memref<16x128xi32, #tpu.memory_space<hbm>>
    %dma_start3A_142 = arith.constant 0 : i32
    %dma_start3A_143 = arith.constant 0 : i32
    %dma_start3A_144 = tpu.memref_slice %arg3[%dma_start3A_135, %dma_start3A_142, %dma_start3A_143] : memref<2x2560x128xi32, #tpu.memory_space<hbm>> -> memref<1x2560x128xi32, #tpu.memory_space<hbm>>
    %dma_start3A_145 = tpu.memref_squeeze %dma_start3A_144 : memref<1x2560x128xi32, #tpu.memory_space<hbm>> -> memref<2560x128xi32, #tpu.memory_space<hbm>>
    %dma_start3A_146 = arith.constant 0 : i32
    %dma_start3A_147 = tpu.memref_slice %dma_start3A_145[%add3A_121, %dma_start3A_146] : memref<2560x128xi32, #tpu.memory_space<hbm>> -> memref<16x128xi32, #tpu.memory_space<hbm>>
    tpu.enqueue_dma source(%dma_start3A_147 : memref<16x128xi32, #tpu.memory_space<hbm>>) target(%arg9 : memref<16x128xi32, #tpu.memory_space<vmem>>) target_semaphore(%arg16 : memref<!tpu.dma_semaphore, #tpu.memory_space<semaphore_mem>>)
    %scan3A_148 = arith.constant 0 : i32
    %scan3A_149 = arith.constant 8 : i32
    %scan3A_150 = arith.addi %scan3A_148, %scan3A_149 : i32
    %scan3A_151 = arith.constant 1 : i32
    scf.for %scan3A_383 = %scan3A_148 to %scan3A_150 step %scan3A_151  : i32 {
      %mul3A_384 = arith.constant 1 : i32
      %mul3A_385 = arith.muli %scan3A_383, %mul3A_384 : i32
      %add3A_386 = arith.constant 0 : i32
      %add3A_387 = arith.addi %add3A_386, %mul3A_385 : i32
      %mul3A_388 = arith.constant 2 : i32
      %mul3A_389 = arith.muli %mul3A_388, %add3A_387 : i32
      %add3A_390 = arith.constant 1 : i32
      %add3A_391 = arith.addi %mul3A_389, %add3A_390 : i32
      %dma_start3A_392 = arith.constant 0 : i32
      %dma_start3A_393 = arith.constant 0 : i32
      %dma_start3A_394 = tpu.memref_slice %arg7[%dma_start3A_392, %dma_start3A_393] : memref<128x128xf32, #tpu.memory_space<vmem>> -> memref<64x128xf32, #tpu.memory_space<vmem>>
      %dma_start3A_395 = arith.constant 0 : i32
      %dma_start3A_396 = tpu.memref_slice %arg10[%add3A_391, %dma_start3A_395] : memref<16x128xi32, #tpu.memory_space<vmem>> -> memref<1x64xi32, #tpu.memory_space<vmem>>
      %dma_start3A_397 = tpu.memref_squeeze %dma_start3A_396 : memref<1x64xi32, #tpu.memory_space<vmem>> -> memref<64xi32, #tpu.memory_space<vmem>>
      %dma_start3A_398 = arith.constant 0 : i32
      %dma_start3A_399 = arith.constant 0 : i32
      %dma_start3A_400 = tpu.memref_slice %arg2[%dma_start3A_398, %dma_start3A_399] : memref<10000x128xf32, #tpu.memory_space<hbm>> -> memref<10000x128xf32, #tpu.memory_space<hbm>>
      tpu.enqueue_indirect_dma source(%dma_start3A_400 : memref<10000x128xf32, #tpu.memory_space<hbm>>) target(%dma_start3A_394 : memref<64x128xf32, #tpu.memory_space<vmem>>) offsets(%dma_start3A_397 : memref<64xi32, #tpu.memory_space<vmem>>) semaphore(%arg13 : memref<!tpu.dma_semaphore, #tpu.memory_space<semaphore_mem>>)
      %dma_start3A_401 = arith.constant 64 : i32
      %dma_start3A_402 = arith.constant 0 : i32
      %dma_start3A_403 = tpu.memref_slice %arg7[%dma_start3A_401, %dma_start3A_402] : memref<128x128xf32, #tpu.memory_space<vmem>> -> memref<64x128xf32, #tpu.memory_space<vmem>>
      %dma_start3A_404 = arith.constant 64 : i32
      %dma_start3A_405 = tpu.memref_slice %arg10[%add3A_391, %dma_start3A_404] : memref<16x128xi32, #tpu.memory_space<vmem>> -> memref<1x64xi32, #tpu.memory_space<vmem>>
      %dma_start3A_406 = tpu.memref_squeeze %dma_start3A_405 : memref<1x64xi32, #tpu.memory_space<vmem>> -> memref<64xi32, #tpu.memory_space<vmem>>
      %dma_start3A_407 = arith.constant 0 : i32
      %dma_start3A_408 = arith.constant 0 : i32
      %dma_start3A_409 = tpu.memref_slice %arg2[%dma_start3A_407, %dma_start3A_408] : memref<10000x128xf32, #tpu.memory_space<hbm>> -> memref<10000x128xf32, #tpu.memory_space<hbm>>
      tpu.enqueue_indirect_dma source(%dma_start3A_409 : memref<10000x128xf32, #tpu.memory_space<hbm>>) target(%dma_start3A_403 : memref<64x128xf32, #tpu.memory_space<vmem>>) offsets(%dma_start3A_406 : memref<64xi32, #tpu.memory_space<vmem>>) semaphore(%arg13 : memref<!tpu.dma_semaphore, #tpu.memory_space<semaphore_mem>>)
      %dma_wait3A_410 = arith.constant 0 : i32
      %dma_wait3A_411 = arith.constant 0 : i32
      %dma_wait3A_412 = tpu.memref_slice %arg2[%dma_wait3A_410, %dma_wait3A_411] : memref<10000x128xf32, #tpu.memory_space<hbm>> -> memref<128x128xf32, #tpu.memory_space<hbm>>
      %dma_wait3A_413 = arith.constant 0 : i32
      %dma_wait3A_414 = arith.constant 0 : i32
      %dma_wait3A_415 = tpu.memref_slice %arg2[%dma_wait3A_413, %dma_wait3A_414] : memref<10000x128xf32, #tpu.memory_space<hbm>> -> memref<128x128xf32, #tpu.memory_space<hbm>>
      tpu.wait_dma2 semaphore(%arg12 : memref<!tpu.dma_semaphore, #tpu.memory_space<semaphore_mem>>) src(%dma_wait3A_415 : memref<128x128xf32, #tpu.memory_space<hbm>>) dst(%arg6 : memref<128x128xf32, #tpu.memory_space<vmem>>)
      %dma_start3A_416 = arith.constant 0 : i32
      %dma_start3A_417 = tpu.memref_slice %arg11[%mul3A_389, %dma_start3A_416] : memref<16x128xi32, #tpu.memory_space<vmem>> -> memref<1x128xi32, #tpu.memory_space<vmem>>
      %dma_start3A_418 = tpu.memref_squeeze %dma_start3A_417 : memref<1x128xi32, #tpu.memory_space<vmem>> -> memref<128xi32, #tpu.memory_space<vmem>>
      %dma_start3A_419 = arith.constant 0 : i32
      %dma_start3A_420 = arith.constant 0 : i32
      %dma_start3A_421 = tpu.memref_slice %arg5[%dma_start3A_419, %dma_start3A_420] : memref<10240x128xf32, #tpu.memory_space<vmem_shared>> -> memref<10240x128xf32, #tpu.memory_space<vmem_shared>>
      tpu.enqueue_indirect_dma source(%arg6 : memref<128x128xf32, #tpu.memory_space<vmem>>) target(%dma_start3A_421 : memref<10240x128xf32, #tpu.memory_space<vmem_shared>>) offsets(%dma_start3A_418 : memref<128xi32, #tpu.memory_space<vmem>>) semaphore(%arg14 : memref<!tpu.dma_semaphore, #tpu.memory_space<semaphore_mem>>) {add = true}
      %dma_wait3A_422 = arith.constant 0 : i32
      %dma_wait3A_423 = arith.constant 0 : i32
      %dma_wait3A_424 = tpu.memref_slice %arg2[%dma_wait3A_422, %dma_wait3A_423] : memref<10000x128xf32, #tpu.memory_space<hbm>> -> memref<128x128xf32, #tpu.memory_space<hbm>>
      %dma_wait3A_425 = arith.constant 0 : i32
      %dma_wait3A_426 = arith.constant 0 : i32
      %dma_wait3A_427 = tpu.memref_slice %arg2[%dma_wait3A_425, %dma_wait3A_426] : memref<10000x128xf32, #tpu.memory_space<hbm>> -> memref<128x128xf32, #tpu.memory_space<hbm>>
      tpu.wait_dma2 semaphore(%arg13 : memref<!tpu.dma_semaphore, #tpu.memory_space<semaphore_mem>>) src(%dma_wait3A_427 : memref<128x128xf32, #tpu.memory_space<hbm>>) dst(%arg7 : memref<128x128xf32, #tpu.memory_space<vmem>>)
      %add3A_428 = arith.constant 1 : i32
      %add3A_429 = arith.addi %mul3A_389, %add3A_428 : i32
      %dma_start3A_430 = arith.constant 0 : i32
      %dma_start3A_431 = tpu.memref_slice %arg11[%add3A_429, %dma_start3A_430] : memref<16x128xi32, #tpu.memory_space<vmem>> -> memref<1x128xi32, #tpu.memory_space<vmem>>
      %dma_start3A_432 = tpu.memref_squeeze %dma_start3A_431 : memref<1x128xi32, #tpu.memory_space<vmem>> -> memref<128xi32, #tpu.memory_space<vmem>>
      %dma_start3A_433 = arith.constant 0 : i32
      %dma_start3A_434 = arith.constant 0 : i32
      %dma_start3A_435 = tpu.memref_slice %arg5[%dma_start3A_433, %dma_start3A_434] : memref<10240x128xf32, #tpu.memory_space<vmem_shared>> -> memref<10240x128xf32, #tpu.memory_space<vmem_shared>>
      tpu.enqueue_indirect_dma source(%arg7 : memref<128x128xf32, #tpu.memory_space<vmem>>) target(%dma_start3A_435 : memref<10240x128xf32, #tpu.memory_space<vmem_shared>>) offsets(%dma_start3A_432 : memref<128xi32, #tpu.memory_space<vmem>>) semaphore(%arg15 : memref<!tpu.dma_semaphore, #tpu.memory_space<semaphore_mem>>) {add = true}
      %dma_wait3A_436 = arith.constant 0 : i32
      %dma_wait3A_437 = arith.constant 0 : i32
      %dma_wait3A_438 = tpu.memref_slice %arg5[%dma_wait3A_436, %dma_wait3A_437] : memref<10240x128xf32, #tpu.memory_space<vmem_shared>> -> memref<128x128xf32, #tpu.memory_space<vmem_shared>>
      %dma_wait3A_439 = arith.constant 0 : i32
      %dma_wait3A_440 = arith.constant 0 : i32
      %dma_wait3A_441 = tpu.memref_slice %arg5[%dma_wait3A_439, %dma_wait3A_440] : memref<10240x128xf32, #tpu.memory_space<vmem_shared>> -> memref<128x128xf32, #tpu.memory_space<vmem_shared>>
      tpu.wait_dma2 semaphore(%arg14 : memref<!tpu.dma_semaphore, #tpu.memory_space<semaphore_mem>>) src(%arg6 : memref<128x128xf32, #tpu.memory_space<vmem>>) dst(%dma_wait3A_441 : memref<128x128xf32, #tpu.memory_space<vmem_shared>>)
      %lt3A = arith.constant 7 : i32
      %lt3A_442 = arith.cmpi slt, %add3A_387, %lt3A : i32
      %convert_element_type3A = arith.extui %lt3A_442 : i1 to i32
      %cond3A = arith.constant 0 : i32
      %cond3A_443 = arith.cmpi ne, %convert_element_type3A, %cond3A : i32
      scf.if %cond3A_443 {
        %add3A_450 = arith.constant 2 : i32
        %add3A_451 = arith.addi %mul3A_389, %add3A_450 : i32
        %dma_start3A_452 = arith.constant 0 : i32
        %dma_start3A_453 = arith.constant 0 : i32
        %dma_start3A_454 = tpu.memref_slice %arg6[%dma_start3A_452, %dma_start3A_453] : memref<128x128xf32, #tpu.memory_space<vmem>> -> memref<64x128xf32, #tpu.memory_space<vmem>>
        %dma_start3A_455 = arith.constant 0 : i32
        %dma_start3A_456 = tpu.memref_slice %arg10[%add3A_451, %dma_start3A_455] : memref<16x128xi32, #tpu.memory_space<vmem>> -> memref<1x64xi32, #tpu.memory_space<vmem>>
        %dma_start3A_457 = tpu.memref_squeeze %dma_start3A_456 : memref<1x64xi32, #tpu.memory_space<vmem>> -> memref<64xi32, #tpu.memory_space<vmem>>
        %dma_start3A_458 = arith.constant 0 : i32
        %dma_start3A_459 = arith.constant 0 : i32
        %dma_start3A_460 = tpu.memref_slice %arg2[%dma_start3A_458, %dma_start3A_459] : memref<10000x128xf32, #tpu.memory_space<hbm>> -> memref<10000x128xf32, #tpu.memory_space<hbm>>
        tpu.enqueue_indirect_dma source(%dma_start3A_460 : memref<10000x128xf32, #tpu.memory_space<hbm>>) target(%dma_start3A_454 : memref<64x128xf32, #tpu.memory_space<vmem>>) offsets(%dma_start3A_457 : memref<64xi32, #tpu.memory_space<vmem>>) semaphore(%arg12 : memref<!tpu.dma_semaphore, #tpu.memory_space<semaphore_mem>>)
        %dma_start3A_461 = arith.constant 64 : i32
        %dma_start3A_462 = arith.constant 0 : i32
        %dma_start3A_463 = tpu.memref_slice %arg6[%dma_start3A_461, %dma_start3A_462] : memref<128x128xf32, #tpu.memory_space<vmem>> -> memref<64x128xf32, #tpu.memory_space<vmem>>
        %dma_start3A_464 = arith.constant 64 : i32
        %dma_start3A_465 = tpu.memref_slice %arg10[%add3A_451, %dma_start3A_464] : memref<16x128xi32, #tpu.memory_space<vmem>> -> memref<1x64xi32, #tpu.memory_space<vmem>>
        %dma_start3A_466 = tpu.memref_squeeze %dma_start3A_465 : memref<1x64xi32, #tpu.memory_space<vmem>> -> memref<64xi32, #tpu.memory_space<vmem>>
        %dma_start3A_467 = arith.constant 0 : i32
        %dma_start3A_468 = arith.constant 0 : i32
        %dma_start3A_469 = tpu.memref_slice %arg2[%dma_start3A_467, %dma_start3A_468] : memref<10000x128xf32, #tpu.memory_space<hbm>> -> memref<10000x128xf32, #tpu.memory_space<hbm>>
        tpu.enqueue_indirect_dma source(%dma_start3A_469 : memref<10000x128xf32, #tpu.memory_space<hbm>>) target(%dma_start3A_463 : memref<64x128xf32, #tpu.memory_space<vmem>>) offsets(%dma_start3A_466 : memref<64xi32, #tpu.memory_space<vmem>>) semaphore(%arg12 : memref<!tpu.dma_semaphore, #tpu.memory_space<semaphore_mem>>)
      } else {
      }
      %dma_wait3A_444 = arith.constant 0 : i32
      %dma_wait3A_445 = arith.constant 0 : i32
      %dma_wait3A_446 = tpu.memref_slice %arg5[%dma_wait3A_444, %dma_wait3A_445] : memref<10240x128xf32, #tpu.memory_space<vmem_shared>> -> memref<128x128xf32, #tpu.memory_space<vmem_shared>>
      %dma_wait3A_447 = arith.constant 0 : i32
      %dma_wait3A_448 = arith.constant 0 : i32
      %dma_wait3A_449 = tpu.memref_slice %arg5[%dma_wait3A_447, %dma_wait3A_448] : memref<10240x128xf32, #tpu.memory_space<vmem_shared>> -> memref<128x128xf32, #tpu.memory_space<vmem_shared>>
      tpu.wait_dma2 semaphore(%arg15 : memref<!tpu.dma_semaphore, #tpu.memory_space<semaphore_mem>>) src(%arg7 : memref<128x128xf32, #tpu.memory_space<vmem>>) dst(%dma_wait3A_449 : memref<128x128xf32, #tpu.memory_space<vmem_shared>>)
    }
    %scan3A_152 = arith.constant 8 : i32
    %mul3A_153 = arith.constant 80 : i32
    %mul3A_154 = arith.muli %add3A, %mul3A_153 : i32
    %dma_wait3A_155 = arith.constant 0 : i32
    %dma_wait3A_156 = arith.constant 0 : i32
    %dma_wait3A_157 = arith.constant 0 : i32
    %dma_wait3A_158 = tpu.memref_slice %arg3[%dma_wait3A_155, %dma_wait3A_156, %dma_wait3A_157] : memref<2x2560x128xi32, #tpu.memory_space<hbm>> -> memref<1x2560x128xi32, #tpu.memory_space<hbm>>
    %dma_wait3A_159 = tpu.memref_squeeze %dma_wait3A_158 : memref<1x2560x128xi32, #tpu.memory_space<hbm>> -> memref<2560x128xi32, #tpu.memory_space<hbm>>
    %dma_wait3A_160 = arith.constant 0 : i32
    %dma_wait3A_161 = tpu.memref_slice %dma_wait3A_159[%mul3A_154, %dma_wait3A_160] : memref<2560x128xi32, #tpu.memory_space<hbm>> -> memref<16x128xi32, #tpu.memory_space<hbm>>
    %dma_wait3A_162 = arith.constant 0 : i32
    %dma_wait3A_163 = arith.constant 0 : i32
    %dma_wait3A_164 = tpu.memref_slice %arg3[%dma_wait3A_155, %dma_wait3A_162, %dma_wait3A_163] : memref<2x2560x128xi32, #tpu.memory_space<hbm>> -> memref<1x2560x128xi32, #tpu.memory_space<hbm>>
    %dma_wait3A_165 = tpu.memref_squeeze %dma_wait3A_164 : memref<1x2560x128xi32, #tpu.memory_space<hbm>> -> memref<2560x128xi32, #tpu.memory_space<hbm>>
    %dma_wait3A_166 = arith.constant 0 : i32
    %dma_wait3A_167 = tpu.memref_slice %dma_wait3A_165[%mul3A_154, %dma_wait3A_166] : memref<2560x128xi32, #tpu.memory_space<hbm>> -> memref<16x128xi32, #tpu.memory_space<hbm>>
    tpu.wait_dma2 semaphore(%arg16 : memref<!tpu.dma_semaphore, #tpu.memory_space<semaphore_mem>>) src(%dma_wait3A_167 : memref<16x128xi32, #tpu.memory_space<hbm>>) dst(%arg8 : memref<16x128xi32, #tpu.memory_space<vmem>>)
    %mul3A_168 = arith.constant 80 : i32
    %mul3A_169 = arith.muli %add3A, %mul3A_168 : i32
    %dma_wait3A_170 = arith.constant 1 : i32
    %dma_wait3A_171 = arith.constant 0 : i32
    %dma_wait3A_172 = arith.constant 0 : i32
    %dma_wait3A_173 = tpu.memref_slice %arg3[%dma_wait3A_170, %dma_wait3A_171, %dma_wait3A_172] : memref<2x2560x128xi32, #tpu.memory_space<hbm>> -> memref<1x2560x128xi32, #tpu.memory_space<hbm>>
    %dma_wait3A_174 = tpu.memref_squeeze %dma_wait3A_173 : memref<1x2560x128xi32, #tpu.memory_space<hbm>> -> memref<2560x128xi32, #tpu.memory_space<hbm>>
    %dma_wait3A_175 = arith.constant 0 : i32
    %dma_wait3A_176 = tpu.memref_slice %dma_wait3A_174[%mul3A_169, %dma_wait3A_175] : memref<2560x128xi32, #tpu.memory_space<hbm>> -> memref<16x128xi32, #tpu.memory_space<hbm>>
    %dma_wait3A_177 = arith.constant 0 : i32
    %dma_wait3A_178 = arith.constant 0 : i32
    %dma_wait3A_179 = tpu.memref_slice %arg3[%dma_wait3A_170, %dma_wait3A_177, %dma_wait3A_178] : memref<2x2560x128xi32, #tpu.memory_space<hbm>> -> memref<1x2560x128xi32, #tpu.memory_space<hbm>>
    %dma_wait3A_180 = tpu.memref_squeeze %dma_wait3A_179 : memref<1x2560x128xi32, #tpu.memory_space<hbm>> -> memref<2560x128xi32, #tpu.memory_space<hbm>>
    %dma_wait3A_181 = arith.constant 0 : i32
    %dma_wait3A_182 = tpu.memref_slice %dma_wait3A_180[%mul3A_169, %dma_wait3A_181] : memref<2560x128xi32, #tpu.memory_space<hbm>> -> memref<16x128xi32, #tpu.memory_space<hbm>>
    tpu.wait_dma2 semaphore(%arg16 : memref<!tpu.dma_semaphore, #tpu.memory_space<semaphore_mem>>) src(%dma_wait3A_182 : memref<16x128xi32, #tpu.memory_space<hbm>>) dst(%arg9 : memref<16x128xi32, #tpu.memory_space<vmem>>)
    %dma_start3A_183 = arith.constant 0 : i32
    %dma_start3A_184 = arith.constant 0 : i32
    %dma_start3A_185 = arith.constant 0 : i32
    %dma_start3A_186 = tpu.memref_slice %arg6[%dma_start3A_184, %dma_start3A_185] : memref<128x128xf32, #tpu.memory_space<vmem>> -> memref<64x128xf32, #tpu.memory_space<vmem>>
    %dma_start3A_187 = arith.constant 0 : i32
    %dma_start3A_188 = tpu.memref_slice %arg8[%dma_start3A_183, %dma_start3A_187] : memref<16x128xi32, #tpu.memory_space<vmem>> -> memref<1x64xi32, #tpu.memory_space<vmem>>
    %dma_start3A_189 = tpu.memref_squeeze %dma_start3A_188 : memref<1x64xi32, #tpu.memory_space<vmem>> -> memref<64xi32, #tpu.memory_space<vmem>>
    %dma_start3A_190 = arith.constant 0 : i32
    %dma_start3A_191 = arith.constant 0 : i32
    %dma_start3A_192 = tpu.memref_slice %arg2[%dma_start3A_190, %dma_start3A_191] : memref<10000x128xf32, #tpu.memory_space<hbm>> -> memref<10000x128xf32, #tpu.memory_space<hbm>>
    tpu.enqueue_indirect_dma source(%dma_start3A_192 : memref<10000x128xf32, #tpu.memory_space<hbm>>) target(%dma_start3A_186 : memref<64x128xf32, #tpu.memory_space<vmem>>) offsets(%dma_start3A_189 : memref<64xi32, #tpu.memory_space<vmem>>) semaphore(%arg12 : memref<!tpu.dma_semaphore, #tpu.memory_space<semaphore_mem>>)
    %dma_start3A_193 = arith.constant 0 : i32
    %dma_start3A_194 = arith.constant 64 : i32
    %dma_start3A_195 = arith.constant 0 : i32
    %dma_start3A_196 = tpu.memref_slice %arg6[%dma_start3A_194, %dma_start3A_195] : memref<128x128xf32, #tpu.memory_space<vmem>> -> memref<64x128xf32, #tpu.memory_space<vmem>>
    %dma_start3A_197 = arith.constant 64 : i32
    %dma_start3A_198 = tpu.memref_slice %arg8[%dma_start3A_193, %dma_start3A_197] : memref<16x128xi32, #tpu.memory_space<vmem>> -> memref<1x64xi32, #tpu.memory_space<vmem>>
    %dma_start3A_199 = tpu.memref_squeeze %dma_start3A_198 : memref<1x64xi32, #tpu.memory_space<vmem>> -> memref<64xi32, #tpu.memory_space<vmem>>
    %dma_start3A_200 = arith.constant 0 : i32
    %dma_start3A_201 = arith.constant 0 : i32
    %dma_start3A_202 = tpu.memref_slice %arg2[%dma_start3A_200, %dma_start3A_201] : memref<10000x128xf32, #tpu.memory_space<hbm>> -> memref<10000x128xf32, #tpu.memory_space<hbm>>
    tpu.enqueue_indirect_dma source(%dma_start3A_202 : memref<10000x128xf32, #tpu.memory_space<hbm>>) target(%dma_start3A_196 : memref<64x128xf32, #tpu.memory_space<vmem>>) offsets(%dma_start3A_199 : memref<64xi32, #tpu.memory_space<vmem>>) semaphore(%arg12 : memref<!tpu.dma_semaphore, #tpu.memory_space<semaphore_mem>>)
    %mul3A_203 = arith.constant 80 : i32
    %mul3A_204 = arith.muli %add3A, %mul3A_203 : i32
    %add3A_205 = arith.constant 48 : i32
    %add3A_206 = arith.addi %mul3A_204, %add3A_205 : i32
    %dma_start3A_207 = arith.constant 0 : i32
    %dma_start3A_208 = arith.constant 0 : i32
    %dma_start3A_209 = arith.constant 0 : i32
    %dma_start3A_210 = tpu.memref_slice %arg3[%dma_start3A_207, %dma_start3A_208, %dma_start3A_209] : memref<2x2560x128xi32, #tpu.memory_space<hbm>> -> memref<1x2560x128xi32, #tpu.memory_space<hbm>>
    %dma_start3A_211 = tpu.memref_squeeze %dma_start3A_210 : memref<1x2560x128xi32, #tpu.memory_space<hbm>> -> memref<2560x128xi32, #tpu.memory_space<hbm>>
    %dma_start3A_212 = arith.constant 0 : i32
    %dma_start3A_213 = tpu.memref_slice %dma_start3A_211[%add3A_206, %dma_start3A_212] : memref<2560x128xi32, #tpu.memory_space<hbm>> -> memref<16x128xi32, #tpu.memory_space<hbm>>
    %dma_start3A_214 = arith.constant 0 : i32
    %dma_start3A_215 = arith.constant 0 : i32
    %dma_start3A_216 = tpu.memref_slice %arg3[%dma_start3A_207, %dma_start3A_214, %dma_start3A_215] : memref<2x2560x128xi32, #tpu.memory_space<hbm>> -> memref<1x2560x128xi32, #tpu.memory_space<hbm>>
    %dma_start3A_217 = tpu.memref_squeeze %dma_start3A_216 : memref<1x2560x128xi32, #tpu.memory_space<hbm>> -> memref<2560x128xi32, #tpu.memory_space<hbm>>
    %dma_start3A_218 = arith.constant 0 : i32
    %dma_start3A_219 = tpu.memref_slice %dma_start3A_217[%add3A_206, %dma_start3A_218] : memref<2560x128xi32, #tpu.memory_space<hbm>> -> memref<16x128xi32, #tpu.memory_space<hbm>>
    tpu.enqueue_dma source(%dma_start3A_219 : memref<16x128xi32, #tpu.memory_space<hbm>>) target(%arg10 : memref<16x128xi32, #tpu.memory_space<vmem>>) target_semaphore(%arg16 : memref<!tpu.dma_semaphore, #tpu.memory_space<semaphore_mem>>)
    %dma_start3A_220 = arith.constant 1 : i32
    %dma_start3A_221 = arith.constant 0 : i32
    %dma_start3A_222 = arith.constant 0 : i32
    %dma_start3A_223 = tpu.memref_slice %arg3[%dma_start3A_220, %dma_start3A_221, %dma_start3A_222] : memref<2x2560x128xi32, #tpu.memory_space<hbm>> -> memref<1x2560x128xi32, #tpu.memory_space<hbm>>
    %dma_start3A_224 = tpu.memref_squeeze %dma_start3A_223 : memref<1x2560x128xi32, #tpu.memory_space<hbm>> -> memref<2560x128xi32, #tpu.memory_space<hbm>>
    %dma_start3A_225 = arith.constant 0 : i32
    %dma_start3A_226 = tpu.memref_slice %dma_start3A_224[%add3A_206, %dma_start3A_225] : memref<2560x128xi32, #tpu.memory_space<hbm>> -> memref<16x128xi32, #tpu.memory_space<hbm>>
    %dma_start3A_227 = arith.constant 0 : i32
    %dma_start3A_228 = arith.constant 0 : i32
    %dma_start3A_229 = tpu.memref_slice %arg3[%dma_start3A_220, %dma_start3A_227, %dma_start3A_228] : memref<2x2560x128xi32, #tpu.memory_space<hbm>> -> memref<1x2560x128xi32, #tpu.memory_space<hbm>>
    %dma_start3A_230 = tpu.memref_squeeze %dma_start3A_229 : memref<1x2560x128xi32, #tpu.memory_space<hbm>> -> memref<2560x128xi32, #tpu.memory_space<hbm>>
    %dma_start3A_231 = arith.constant 0 : i32
    %dma_start3A_232 = tpu.memref_slice %dma_start3A_230[%add3A_206, %dma_start3A_231] : memref<2560x128xi32, #tpu.memory_space<hbm>> -> memref<16x128xi32, #tpu.memory_space<hbm>>
    tpu.enqueue_dma source(%dma_start3A_232 : memref<16x128xi32, #tpu.memory_space<hbm>>) target(%arg11 : memref<16x128xi32, #tpu.memory_space<vmem>>) target_semaphore(%arg16 : memref<!tpu.dma_semaphore, #tpu.memory_space<semaphore_mem>>)
    %scan3A_233 = arith.constant 0 : i32
    %scan3A_234 = arith.constant 8 : i32
    %scan3A_235 = arith.addi %scan3A_233, %scan3A_234 : i32
    %scan3A_236 = arith.constant 1 : i32
    scf.for %scan3A_383 = %scan3A_233 to %scan3A_235 step %scan3A_236  : i32 {
      %mul3A_384 = arith.constant 1 : i32
      %mul3A_385 = arith.muli %scan3A_383, %mul3A_384 : i32
      %add3A_386 = arith.constant 0 : i32
      %add3A_387 = arith.addi %add3A_386, %mul3A_385 : i32
      %mul3A_388 = arith.constant 2 : i32
      %mul3A_389 = arith.muli %mul3A_388, %add3A_387 : i32
      %add3A_390 = arith.constant 1 : i32
      %add3A_391 = arith.addi %mul3A_389, %add3A_390 : i32
      %dma_start3A_392 = arith.constant 0 : i32
      %dma_start3A_393 = arith.constant 0 : i32
      %dma_start3A_394 = tpu.memref_slice %arg7[%dma_start3A_392, %dma_start3A_393] : memref<128x128xf32, #tpu.memory_space<vmem>> -> memref<64x128xf32, #tpu.memory_space<vmem>>
      %dma_start3A_395 = arith.constant 0 : i32
      %dma_start3A_396 = tpu.memref_slice %arg8[%add3A_391, %dma_start3A_395] : memref<16x128xi32, #tpu.memory_space<vmem>> -> memref<1x64xi32, #tpu.memory_space<vmem>>
      %dma_start3A_397 = tpu.memref_squeeze %dma_start3A_396 : memref<1x64xi32, #tpu.memory_space<vmem>> -> memref<64xi32, #tpu.memory_space<vmem>>
      %dma_start3A_398 = arith.constant 0 : i32
      %dma_start3A_399 = arith.constant 0 : i32
      %dma_start3A_400 = tpu.memref_slice %arg2[%dma_start3A_398, %dma_start3A_399] : memref<10000x128xf32, #tpu.memory_space<hbm>> -> memref<10000x128xf32, #tpu.memory_space<hbm>>
      tpu.enqueue_indirect_dma source(%dma_start3A_400 : memref<10000x128xf32, #tpu.memory_space<hbm>>) target(%dma_start3A_394 : memref<64x128xf32, #tpu.memory_space<vmem>>) offsets(%dma_start3A_397 : memref<64xi32, #tpu.memory_space<vmem>>) semaphore(%arg13 : memref<!tpu.dma_semaphore, #tpu.memory_space<semaphore_mem>>)
      %dma_start3A_401 = arith.constant 64 : i32
      %dma_start3A_402 = arith.constant 0 : i32
      %dma_start3A_403 = tpu.memref_slice %arg7[%dma_start3A_401, %dma_start3A_402] : memref<128x128xf32, #tpu.memory_space<vmem>> -> memref<64x128xf32, #tpu.memory_space<vmem>>
      %dma_start3A_404 = arith.constant 64 : i32
      %dma_start3A_405 = tpu.memref_slice %arg8[%add3A_391, %dma_start3A_404] : memref<16x128xi32, #tpu.memory_space<vmem>> -> memref<1x64xi32, #tpu.memory_space<vmem>>
      %dma_start3A_406 = tpu.memref_squeeze %dma_start3A_405 : memref<1x64xi32, #tpu.memory_space<vmem>> -> memref<64xi32, #tpu.memory_space<vmem>>
      %dma_start3A_407 = arith.constant 0 : i32
      %dma_start3A_408 = arith.constant 0 : i32
      %dma_start3A_409 = tpu.memref_slice %arg2[%dma_start3A_407, %dma_start3A_408] : memref<10000x128xf32, #tpu.memory_space<hbm>> -> memref<10000x128xf32, #tpu.memory_space<hbm>>
      tpu.enqueue_indirect_dma source(%dma_start3A_409 : memref<10000x128xf32, #tpu.memory_space<hbm>>) target(%dma_start3A_403 : memref<64x128xf32, #tpu.memory_space<vmem>>) offsets(%dma_start3A_406 : memref<64xi32, #tpu.memory_space<vmem>>) semaphore(%arg13 : memref<!tpu.dma_semaphore, #tpu.memory_space<semaphore_mem>>)
      %dma_wait3A_410 = arith.constant 0 : i32
      %dma_wait3A_411 = arith.constant 0 : i32
      %dma_wait3A_412 = tpu.memref_slice %arg2[%dma_wait3A_410, %dma_wait3A_411] : memref<10000x128xf32, #tpu.memory_space<hbm>> -> memref<128x128xf32, #tpu.memory_space<hbm>>
      %dma_wait3A_413 = arith.constant 0 : i32
      %dma_wait3A_414 = arith.constant 0 : i32
      %dma_wait3A_415 = tpu.memref_slice %arg2[%dma_wait3A_413, %dma_wait3A_414] : memref<10000x128xf32, #tpu.memory_space<hbm>> -> memref<128x128xf32, #tpu.memory_space<hbm>>
      tpu.wait_dma2 semaphore(%arg12 : memref<!tpu.dma_semaphore, #tpu.memory_space<semaphore_mem>>) src(%dma_wait3A_415 : memref<128x128xf32, #tpu.memory_space<hbm>>) dst(%arg6 : memref<128x128xf32, #tpu.memory_space<vmem>>)
      %dma_start3A_416 = arith.constant 0 : i32
      %dma_start3A_417 = tpu.memref_slice %arg9[%mul3A_389, %dma_start3A_416] : memref<16x128xi32, #tpu.memory_space<vmem>> -> memref<1x128xi32, #tpu.memory_space<vmem>>
      %dma_start3A_418 = tpu.memref_squeeze %dma_start3A_417 : memref<1x128xi32, #tpu.memory_space<vmem>> -> memref<128xi32, #tpu.memory_space<vmem>>
      %dma_start3A_419 = arith.constant 0 : i32
      %dma_start3A_420 = arith.constant 0 : i32
      %dma_start3A_421 = tpu.memref_slice %arg5[%dma_start3A_419, %dma_start3A_420] : memref<10240x128xf32, #tpu.memory_space<vmem_shared>> -> memref<10240x128xf32, #tpu.memory_space<vmem_shared>>
      tpu.enqueue_indirect_dma source(%arg6 : memref<128x128xf32, #tpu.memory_space<vmem>>) target(%dma_start3A_421 : memref<10240x128xf32, #tpu.memory_space<vmem_shared>>) offsets(%dma_start3A_418 : memref<128xi32, #tpu.memory_space<vmem>>) semaphore(%arg14 : memref<!tpu.dma_semaphore, #tpu.memory_space<semaphore_mem>>) {add = true}
      %dma_wait3A_422 = arith.constant 0 : i32
      %dma_wait3A_423 = arith.constant 0 : i32
      %dma_wait3A_424 = tpu.memref_slice %arg2[%dma_wait3A_422, %dma_wait3A_423] : memref<10000x128xf32, #tpu.memory_space<hbm>> -> memref<128x128xf32, #tpu.memory_space<hbm>>
      %dma_wait3A_425 = arith.constant 0 : i32
      %dma_wait3A_426 = arith.constant 0 : i32
      %dma_wait3A_427 = tpu.memref_slice %arg2[%dma_wait3A_425, %dma_wait3A_426] : memref<10000x128xf32, #tpu.memory_space<hbm>> -> memref<128x128xf32, #tpu.memory_space<hbm>>
      tpu.wait_dma2 semaphore(%arg13 : memref<!tpu.dma_semaphore, #tpu.memory_space<semaphore_mem>>) src(%dma_wait3A_427 : memref<128x128xf32, #tpu.memory_space<hbm>>) dst(%arg7 : memref<128x128xf32, #tpu.memory_space<vmem>>)
      %add3A_428 = arith.constant 1 : i32
      %add3A_429 = arith.addi %mul3A_389, %add3A_428 : i32
      %dma_start3A_430 = arith.constant 0 : i32
      %dma_start3A_431 = tpu.memref_slice %arg9[%add3A_429, %dma_start3A_430] : memref<16x128xi32, #tpu.memory_space<vmem>> -> memref<1x128xi32, #tpu.memory_space<vmem>>
      %dma_start3A_432 = tpu.memref_squeeze %dma_start3A_431 : memref<1x128xi32, #tpu.memory_space<vmem>> -> memref<128xi32, #tpu.memory_space<vmem>>
      %dma_start3A_433 = arith.constant 0 : i32
      %dma_start3A_434 = arith.constant 0 : i32
      %dma_start3A_435 = tpu.memref_slice %arg5[%dma_start3A_433, %dma_start3A_434] : memref<10240x128xf32, #tpu.memory_space<vmem_shared>> -> memref<10240x128xf32, #tpu.memory_space<vmem_shared>>
      tpu.enqueue_indirect_dma source(%arg7 : memref<128x128xf32, #tpu.memory_space<vmem>>) target(%dma_start3A_435 : memref<10240x128xf32, #tpu.memory_space<vmem_shared>>) offsets(%dma_start3A_432 : memref<128xi32, #tpu.memory_space<vmem>>) semaphore(%arg15 : memref<!tpu.dma_semaphore, #tpu.memory_space<semaphore_mem>>) {add = true}
      %dma_wait3A_436 = arith.constant 0 : i32
      %dma_wait3A_437 = arith.constant 0 : i32
      %dma_wait3A_438 = tpu.memref_slice %arg5[%dma_wait3A_436, %dma_wait3A_437] : memref<10240x128xf32, #tpu.memory_space<vmem_shared>> -> memref<128x128xf32, #tpu.memory_space<vmem_shared>>
      %dma_wait3A_439 = arith.constant 0 : i32
      %dma_wait3A_440 = arith.constant 0 : i32
      %dma_wait3A_441 = tpu.memref_slice %arg5[%dma_wait3A_439, %dma_wait3A_440] : memref<10240x128xf32, #tpu.memory_space<vmem_shared>> -> memref<128x128xf32, #tpu.memory_space<vmem_shared>>
      tpu.wait_dma2 semaphore(%arg14 : memref<!tpu.dma_semaphore, #tpu.memory_space<semaphore_mem>>) src(%arg6 : memref<128x128xf32, #tpu.memory_space<vmem>>) dst(%dma_wait3A_441 : memref<128x128xf32, #tpu.memory_space<vmem_shared>>)
      %lt3A = arith.constant 7 : i32
      %lt3A_442 = arith.cmpi slt, %add3A_387, %lt3A : i32
      %convert_element_type3A = arith.extui %lt3A_442 : i1 to i32
      %cond3A = arith.constant 0 : i32
      %cond3A_443 = arith.cmpi ne, %convert_element_type3A, %cond3A : i32
      scf.if %cond3A_443 {
        %add3A_450 = arith.constant 2 : i32
        %add3A_451 = arith.addi %mul3A_389, %add3A_450 : i32
        %dma_start3A_452 = arith.constant 0 : i32
        %dma_start3A_453 = arith.constant 0 : i32
        %dma_start3A_454 = tpu.memref_slice %arg6[%dma_start3A_452, %dma_start3A_453] : memref<128x128xf32, #tpu.memory_space<vmem>> -> memref<64x128xf32, #tpu.memory_space<vmem>>
        %dma_start3A_455 = arith.constant 0 : i32
        %dma_start3A_456 = tpu.memref_slice %arg8[%add3A_451, %dma_start3A_455] : memref<16x128xi32, #tpu.memory_space<vmem>> -> memref<1x64xi32, #tpu.memory_space<vmem>>
        %dma_start3A_457 = tpu.memref_squeeze %dma_start3A_456 : memref<1x64xi32, #tpu.memory_space<vmem>> -> memref<64xi32, #tpu.memory_space<vmem>>
        %dma_start3A_458 = arith.constant 0 : i32
        %dma_start3A_459 = arith.constant 0 : i32
        %dma_start3A_460 = tpu.memref_slice %arg2[%dma_start3A_458, %dma_start3A_459] : memref<10000x128xf32, #tpu.memory_space<hbm>> -> memref<10000x128xf32, #tpu.memory_space<hbm>>
        tpu.enqueue_indirect_dma source(%dma_start3A_460 : memref<10000x128xf32, #tpu.memory_space<hbm>>) target(%dma_start3A_454 : memref<64x128xf32, #tpu.memory_space<vmem>>) offsets(%dma_start3A_457 : memref<64xi32, #tpu.memory_space<vmem>>) semaphore(%arg12 : memref<!tpu.dma_semaphore, #tpu.memory_space<semaphore_mem>>)
        %dma_start3A_461 = arith.constant 64 : i32
        %dma_start3A_462 = arith.constant 0 : i32
        %dma_start3A_463 = tpu.memref_slice %arg6[%dma_start3A_461, %dma_start3A_462] : memref<128x128xf32, #tpu.memory_space<vmem>> -> memref<64x128xf32, #tpu.memory_space<vmem>>
        %dma_start3A_464 = arith.constant 64 : i32
        %dma_start3A_465 = tpu.memref_slice %arg8[%add3A_451, %dma_start3A_464] : memref<16x128xi32, #tpu.memory_space<vmem>> -> memref<1x64xi32, #tpu.memory_space<vmem>>
        %dma_start3A_466 = tpu.memref_squeeze %dma_start3A_465 : memref<1x64xi32, #tpu.memory_space<vmem>> -> memref<64xi32, #tpu.memory_space<vmem>>
        %dma_start3A_467 = arith.constant 0 : i32
        %dma_start3A_468 = arith.constant 0 : i32
        %dma_start3A_469 = tpu.memref_slice %arg2[%dma_start3A_467, %dma_start3A_468] : memref<10000x128xf32, #tpu.memory_space<hbm>> -> memref<10000x128xf32, #tpu.memory_space<hbm>>
        tpu.enqueue_indirect_dma source(%dma_start3A_469 : memref<10000x128xf32, #tpu.memory_space<hbm>>) target(%dma_start3A_463 : memref<64x128xf32, #tpu.memory_space<vmem>>) offsets(%dma_start3A_466 : memref<64xi32, #tpu.memory_space<vmem>>) semaphore(%arg12 : memref<!tpu.dma_semaphore, #tpu.memory_space<semaphore_mem>>)
      } else {
      }
      %dma_wait3A_444 = arith.constant 0 : i32
      %dma_wait3A_445 = arith.constant 0 : i32
      %dma_wait3A_446 = tpu.memref_slice %arg5[%dma_wait3A_444, %dma_wait3A_445] : memref<10240x128xf32, #tpu.memory_space<vmem_shared>> -> memref<128x128xf32, #tpu.memory_space<vmem_shared>>
      %dma_wait3A_447 = arith.constant 0 : i32
      %dma_wait3A_448 = arith.constant 0 : i32
      %dma_wait3A_449 = tpu.memref_slice %arg5[%dma_wait3A_447, %dma_wait3A_448] : memref<10240x128xf32, #tpu.memory_space<vmem_shared>> -> memref<128x128xf32, #tpu.memory_space<vmem_shared>>
      tpu.wait_dma2 semaphore(%arg15 : memref<!tpu.dma_semaphore, #tpu.memory_space<semaphore_mem>>) src(%arg7 : memref<128x128xf32, #tpu.memory_space<vmem>>) dst(%dma_wait3A_449 : memref<128x128xf32, #tpu.memory_space<vmem_shared>>)
    }
    %scan3A_237 = arith.constant 8 : i32
    %mul3A_238 = arith.constant 80 : i32
    %mul3A_239 = arith.muli %add3A, %mul3A_238 : i32
    %dma_wait3A_240 = arith.constant 0 : i32
    %dma_wait3A_241 = arith.constant 0 : i32
    %dma_wait3A_242 = arith.constant 0 : i32
    %dma_wait3A_243 = tpu.memref_slice %arg3[%dma_wait3A_240, %dma_wait3A_241, %dma_wait3A_242] : memref<2x2560x128xi32, #tpu.memory_space<hbm>> -> memref<1x2560x128xi32, #tpu.memory_space<hbm>>
    %dma_wait3A_244 = tpu.memref_squeeze %dma_wait3A_243 : memref<1x2560x128xi32, #tpu.memory_space<hbm>> -> memref<2560x128xi32, #tpu.memory_space<hbm>>
    %dma_wait3A_245 = arith.constant 0 : i32
    %dma_wait3A_246 = tpu.memref_slice %dma_wait3A_244[%mul3A_239, %dma_wait3A_245] : memref<2560x128xi32, #tpu.memory_space<hbm>> -> memref<16x128xi32, #tpu.memory_space<hbm>>
    %dma_wait3A_247 = arith.constant 0 : i32
    %dma_wait3A_248 = arith.constant 0 : i32
    %dma_wait3A_249 = tpu.memref_slice %arg3[%dma_wait3A_240, %dma_wait3A_247, %dma_wait3A_248] : memref<2x2560x128xi32, #tpu.memory_space<hbm>> -> memref<1x2560x128xi32, #tpu.memory_space<hbm>>
    %dma_wait3A_250 = tpu.memref_squeeze %dma_wait3A_249 : memref<1x2560x128xi32, #tpu.memory_space<hbm>> -> memref<2560x128xi32, #tpu.memory_space<hbm>>
    %dma_wait3A_251 = arith.constant 0 : i32
    %dma_wait3A_252 = tpu.memref_slice %dma_wait3A_250[%mul3A_239, %dma_wait3A_251] : memref<2560x128xi32, #tpu.memory_space<hbm>> -> memref<16x128xi32, #tpu.memory_space<hbm>>
    tpu.wait_dma2 semaphore(%arg16 : memref<!tpu.dma_semaphore, #tpu.memory_space<semaphore_mem>>) src(%dma_wait3A_252 : memref<16x128xi32, #tpu.memory_space<hbm>>) dst(%arg10 : memref<16x128xi32, #tpu.memory_space<vmem>>)
    %mul3A_253 = arith.constant 80 : i32
    %mul3A_254 = arith.muli %add3A, %mul3A_253 : i32
    %dma_wait3A_255 = arith.constant 1 : i32
    %dma_wait3A_256 = arith.constant 0 : i32
    %dma_wait3A_257 = arith.constant 0 : i32
    %dma_wait3A_258 = tpu.memref_slice %arg3[%dma_wait3A_255, %dma_wait3A_256, %dma_wait3A_257] : memref<2x2560x128xi32, #tpu.memory_space<hbm>> -> memref<1x2560x128xi32, #tpu.memory_space<hbm>>
    %dma_wait3A_259 = tpu.memref_squeeze %dma_wait3A_258 : memref<1x2560x128xi32, #tpu.memory_space<hbm>> -> memref<2560x128xi32, #tpu.memory_space<hbm>>
    %dma_wait3A_260 = arith.constant 0 : i32
    %dma_wait3A_261 = tpu.memref_slice %dma_wait3A_259[%mul3A_254, %dma_wait3A_260] : memref<2560x128xi32, #tpu.memory_space<hbm>> -> memref<16x128xi32, #tpu.memory_space<hbm>>
    %dma_wait3A_262 = arith.constant 0 : i32
    %dma_wait3A_263 = arith.constant 0 : i32
    %dma_wait3A_264 = tpu.memref_slice %arg3[%dma_wait3A_255, %dma_wait3A_262, %dma_wait3A_263] : memref<2x2560x128xi32, #tpu.memory_space<hbm>> -> memref<1x2560x128xi32, #tpu.memory_space<hbm>>
    %dma_wait3A_265 = tpu.memref_squeeze %dma_wait3A_264 : memref<1x2560x128xi32, #tpu.memory_space<hbm>> -> memref<2560x128xi32, #tpu.memory_space<hbm>>
    %dma_wait3A_266 = arith.constant 0 : i32
    %dma_wait3A_267 = tpu.memref_slice %dma_wait3A_265[%mul3A_254, %dma_wait3A_266] : memref<2560x128xi32, #tpu.memory_space<hbm>> -> memref<16x128xi32, #tpu.memory_space<hbm>>
    tpu.wait_dma2 semaphore(%arg16 : memref<!tpu.dma_semaphore, #tpu.memory_space<semaphore_mem>>) src(%dma_wait3A_267 : memref<16x128xi32, #tpu.memory_space<hbm>>) dst(%arg11 : memref<16x128xi32, #tpu.memory_space<vmem>>)
    %dma_start3A_268 = arith.constant 0 : i32
    %dma_start3A_269 = arith.constant 0 : i32
    %dma_start3A_270 = arith.constant 0 : i32
    %dma_start3A_271 = tpu.memref_slice %arg6[%dma_start3A_269, %dma_start3A_270] : memref<128x128xf32, #tpu.memory_space<vmem>> -> memref<64x128xf32, #tpu.memory_space<vmem>>
    %dma_start3A_272 = arith.constant 0 : i32
    %dma_start3A_273 = tpu.memref_slice %arg10[%dma_start3A_268, %dma_start3A_272] : memref<16x128xi32, #tpu.memory_space<vmem>> -> memref<1x64xi32, #tpu.memory_space<vmem>>
    %dma_start3A_274 = tpu.memref_squeeze %dma_start3A_273 : memref<1x64xi32, #tpu.memory_space<vmem>> -> memref<64xi32, #tpu.memory_space<vmem>>
    %dma_start3A_275 = arith.constant 0 : i32
    %dma_start3A_276 = arith.constant 0 : i32
    %dma_start3A_277 = tpu.memref_slice %arg2[%dma_start3A_275, %dma_start3A_276] : memref<10000x128xf32, #tpu.memory_space<hbm>> -> memref<10000x128xf32, #tpu.memory_space<hbm>>
    tpu.enqueue_indirect_dma source(%dma_start3A_277 : memref<10000x128xf32, #tpu.memory_space<hbm>>) target(%dma_start3A_271 : memref<64x128xf32, #tpu.memory_space<vmem>>) offsets(%dma_start3A_274 : memref<64xi32, #tpu.memory_space<vmem>>) semaphore(%arg12 : memref<!tpu.dma_semaphore, #tpu.memory_space<semaphore_mem>>)
    %dma_start3A_278 = arith.constant 0 : i32
    %dma_start3A_279 = arith.constant 64 : i32
    %dma_start3A_280 = arith.constant 0 : i32
    %dma_start3A_281 = tpu.memref_slice %arg6[%dma_start3A_279, %dma_start3A_280] : memref<128x128xf32, #tpu.memory_space<vmem>> -> memref<64x128xf32, #tpu.memory_space<vmem>>
    %dma_start3A_282 = arith.constant 64 : i32
    %dma_start3A_283 = tpu.memref_slice %arg10[%dma_start3A_278, %dma_start3A_282] : memref<16x128xi32, #tpu.memory_space<vmem>> -> memref<1x64xi32, #tpu.memory_space<vmem>>
    %dma_start3A_284 = tpu.memref_squeeze %dma_start3A_283 : memref<1x64xi32, #tpu.memory_space<vmem>> -> memref<64xi32, #tpu.memory_space<vmem>>
    %dma_start3A_285 = arith.constant 0 : i32
    %dma_start3A_286 = arith.constant 0 : i32
    %dma_start3A_287 = tpu.memref_slice %arg2[%dma_start3A_285, %dma_start3A_286] : memref<10000x128xf32, #tpu.memory_space<hbm>> -> memref<10000x128xf32, #tpu.memory_space<hbm>>
    tpu.enqueue_indirect_dma source(%dma_start3A_287 : memref<10000x128xf32, #tpu.memory_space<hbm>>) target(%dma_start3A_281 : memref<64x128xf32, #tpu.memory_space<vmem>>) offsets(%dma_start3A_284 : memref<64xi32, #tpu.memory_space<vmem>>) semaphore(%arg12 : memref<!tpu.dma_semaphore, #tpu.memory_space<semaphore_mem>>)
    %mul3A_288 = arith.constant 80 : i32
    %mul3A_289 = arith.muli %add3A, %mul3A_288 : i32
    %add3A_290 = arith.constant 64 : i32
    %add3A_291 = arith.addi %mul3A_289, %add3A_290 : i32
    %dma_start3A_292 = arith.constant 0 : i32
    %dma_start3A_293 = arith.constant 0 : i32
    %dma_start3A_294 = arith.constant 0 : i32
    %dma_start3A_295 = tpu.memref_slice %arg3[%dma_start3A_292, %dma_start3A_293, %dma_start3A_294] : memref<2x2560x128xi32, #tpu.memory_space<hbm>> -> memref<1x2560x128xi32, #tpu.memory_space<hbm>>
    %dma_start3A_296 = tpu.memref_squeeze %dma_start3A_295 : memref<1x2560x128xi32, #tpu.memory_space<hbm>> -> memref<2560x128xi32, #tpu.memory_space<hbm>>
    %dma_start3A_297 = arith.constant 0 : i32
    %dma_start3A_298 = tpu.memref_slice %dma_start3A_296[%add3A_291, %dma_start3A_297] : memref<2560x128xi32, #tpu.memory_space<hbm>> -> memref<16x128xi32, #tpu.memory_space<hbm>>
    %dma_start3A_299 = arith.constant 0 : i32
    %dma_start3A_300 = arith.constant 0 : i32
    %dma_start3A_301 = tpu.memref_slice %arg3[%dma_start3A_292, %dma_start3A_299, %dma_start3A_300] : memref<2x2560x128xi32, #tpu.memory_space<hbm>> -> memref<1x2560x128xi32, #tpu.memory_space<hbm>>
    %dma_start3A_302 = tpu.memref_squeeze %dma_start3A_301 : memref<1x2560x128xi32, #tpu.memory_space<hbm>> -> memref<2560x128xi32, #tpu.memory_space<hbm>>
    %dma_start3A_303 = arith.constant 0 : i32
    %dma_start3A_304 = tpu.memref_slice %dma_start3A_302[%add3A_291, %dma_start3A_303] : memref<2560x128xi32, #tpu.memory_space<hbm>> -> memref<16x128xi32, #tpu.memory_space<hbm>>
    tpu.enqueue_dma source(%dma_start3A_304 : memref<16x128xi32, #tpu.memory_space<hbm>>) target(%arg8 : memref<16x128xi32, #tpu.memory_space<vmem>>) target_semaphore(%arg16 : memref<!tpu.dma_semaphore, #tpu.memory_space<semaphore_mem>>)
    %dma_start3A_305 = arith.constant 1 : i32
    %dma_start3A_306 = arith.constant 0 : i32
    %dma_start3A_307 = arith.constant 0 : i32
    %dma_start3A_308 = tpu.memref_slice %arg3[%dma_start3A_305, %dma_start3A_306, %dma_start3A_307] : memref<2x2560x128xi32, #tpu.memory_space<hbm>> -> memref<1x2560x128xi32, #tpu.memory_space<hbm>>
    %dma_start3A_309 = tpu.memref_squeeze %dma_start3A_308 : memref<1x2560x128xi32, #tpu.memory_space<hbm>> -> memref<2560x128xi32, #tpu.memory_space<hbm>>
    %dma_start3A_310 = arith.constant 0 : i32
    %dma_start3A_311 = tpu.memref_slice %dma_start3A_309[%add3A_291, %dma_start3A_310] : memref<2560x128xi32, #tpu.memory_space<hbm>> -> memref<16x128xi32, #tpu.memory_space<hbm>>
    %dma_start3A_312 = arith.constant 0 : i32
    %dma_start3A_313 = arith.constant 0 : i32
    %dma_start3A_314 = tpu.memref_slice %arg3[%dma_start3A_305, %dma_start3A_312, %dma_start3A_313] : memref<2x2560x128xi32, #tpu.memory_space<hbm>> -> memref<1x2560x128xi32, #tpu.memory_space<hbm>>
    %dma_start3A_315 = tpu.memref_squeeze %dma_start3A_314 : memref<1x2560x128xi32, #tpu.memory_space<hbm>> -> memref<2560x128xi32, #tpu.memory_space<hbm>>
    %dma_start3A_316 = arith.constant 0 : i32
    %dma_start3A_317 = tpu.memref_slice %dma_start3A_315[%add3A_291, %dma_start3A_316] : memref<2560x128xi32, #tpu.memory_space<hbm>> -> memref<16x128xi32, #tpu.memory_space<hbm>>
    tpu.enqueue_dma source(%dma_start3A_317 : memref<16x128xi32, #tpu.memory_space<hbm>>) target(%arg9 : memref<16x128xi32, #tpu.memory_space<vmem>>) target_semaphore(%arg16 : memref<!tpu.dma_semaphore, #tpu.memory_space<semaphore_mem>>)
    %scan3A_318 = arith.constant 0 : i32
    %scan3A_319 = arith.constant 8 : i32
    %scan3A_320 = arith.addi %scan3A_318, %scan3A_319 : i32
    %scan3A_321 = arith.constant 1 : i32
    scf.for %scan3A_383 = %scan3A_318 to %scan3A_320 step %scan3A_321  : i32 {
      %mul3A_384 = arith.constant 1 : i32
      %mul3A_385 = arith.muli %scan3A_383, %mul3A_384 : i32
      %add3A_386 = arith.constant 0 : i32
      %add3A_387 = arith.addi %add3A_386, %mul3A_385 : i32
      %mul3A_388 = arith.constant 2 : i32
      %mul3A_389 = arith.muli %mul3A_388, %add3A_387 : i32
      %add3A_390 = arith.constant 1 : i32
      %add3A_391 = arith.addi %mul3A_389, %add3A_390 : i32
      %dma_start3A_392 = arith.constant 0 : i32
      %dma_start3A_393 = arith.constant 0 : i32
      %dma_start3A_394 = tpu.memref_slice %arg7[%dma_start3A_392, %dma_start3A_393] : memref<128x128xf32, #tpu.memory_space<vmem>> -> memref<64x128xf32, #tpu.memory_space<vmem>>
      %dma_start3A_395 = arith.constant 0 : i32
      %dma_start3A_396 = tpu.memref_slice %arg10[%add3A_391, %dma_start3A_395] : memref<16x128xi32, #tpu.memory_space<vmem>> -> memref<1x64xi32, #tpu.memory_space<vmem>>
      %dma_start3A_397 = tpu.memref_squeeze %dma_start3A_396 : memref<1x64xi32, #tpu.memory_space<vmem>> -> memref<64xi32, #tpu.memory_space<vmem>>
      %dma_start3A_398 = arith.constant 0 : i32
      %dma_start3A_399 = arith.constant 0 : i32
      %dma_start3A_400 = tpu.memref_slice %arg2[%dma_start3A_398, %dma_start3A_399] : memref<10000x128xf32, #tpu.memory_space<hbm>> -> memref<10000x128xf32, #tpu.memory_space<hbm>>
      tpu.enqueue_indirect_dma source(%dma_start3A_400 : memref<10000x128xf32, #tpu.memory_space<hbm>>) target(%dma_start3A_394 : memref<64x128xf32, #tpu.memory_space<vmem>>) offsets(%dma_start3A_397 : memref<64xi32, #tpu.memory_space<vmem>>) semaphore(%arg13 : memref<!tpu.dma_semaphore, #tpu.memory_space<semaphore_mem>>)
      %dma_start3A_401 = arith.constant 64 : i32
      %dma_start3A_402 = arith.constant 0 : i32
      %dma_start3A_403 = tpu.memref_slice %arg7[%dma_start3A_401, %dma_start3A_402] : memref<128x128xf32, #tpu.memory_space<vmem>> -> memref<64x128xf32, #tpu.memory_space<vmem>>
      %dma_start3A_404 = arith.constant 64 : i32
      %dma_start3A_405 = tpu.memref_slice %arg10[%add3A_391, %dma_start3A_404] : memref<16x128xi32, #tpu.memory_space<vmem>> -> memref<1x64xi32, #tpu.memory_space<vmem>>
      %dma_start3A_406 = tpu.memref_squeeze %dma_start3A_405 : memref<1x64xi32, #tpu.memory_space<vmem>> -> memref<64xi32, #tpu.memory_space<vmem>>
      %dma_start3A_407 = arith.constant 0 : i32
      %dma_start3A_408 = arith.constant 0 : i32
      %dma_start3A_409 = tpu.memref_slice %arg2[%dma_start3A_407, %dma_start3A_408] : memref<10000x128xf32, #tpu.memory_space<hbm>> -> memref<10000x128xf32, #tpu.memory_space<hbm>>
      tpu.enqueue_indirect_dma source(%dma_start3A_409 : memref<10000x128xf32, #tpu.memory_space<hbm>>) target(%dma_start3A_403 : memref<64x128xf32, #tpu.memory_space<vmem>>) offsets(%dma_start3A_406 : memref<64xi32, #tpu.memory_space<vmem>>) semaphore(%arg13 : memref<!tpu.dma_semaphore, #tpu.memory_space<semaphore_mem>>)
      %dma_wait3A_410 = arith.constant 0 : i32
      %dma_wait3A_411 = arith.constant 0 : i32
      %dma_wait3A_412 = tpu.memref_slice %arg2[%dma_wait3A_410, %dma_wait3A_411] : memref<10000x128xf32, #tpu.memory_space<hbm>> -> memref<128x128xf32, #tpu.memory_space<hbm>>
      %dma_wait3A_413 = arith.constant 0 : i32
      %dma_wait3A_414 = arith.constant 0 : i32
      %dma_wait3A_415 = tpu.memref_slice %arg2[%dma_wait3A_413, %dma_wait3A_414] : memref<10000x128xf32, #tpu.memory_space<hbm>> -> memref<128x128xf32, #tpu.memory_space<hbm>>
      tpu.wait_dma2 semaphore(%arg12 : memref<!tpu.dma_semaphore, #tpu.memory_space<semaphore_mem>>) src(%dma_wait3A_415 : memref<128x128xf32, #tpu.memory_space<hbm>>) dst(%arg6 : memref<128x128xf32, #tpu.memory_space<vmem>>)
      %dma_start3A_416 = arith.constant 0 : i32
      %dma_start3A_417 = tpu.memref_slice %arg11[%mul3A_389, %dma_start3A_416] : memref<16x128xi32, #tpu.memory_space<vmem>> -> memref<1x128xi32, #tpu.memory_space<vmem>>
      %dma_start3A_418 = tpu.memref_squeeze %dma_start3A_417 : memref<1x128xi32, #tpu.memory_space<vmem>> -> memref<128xi32, #tpu.memory_space<vmem>>
      %dma_start3A_419 = arith.constant 0 : i32
      %dma_start3A_420 = arith.constant 0 : i32
      %dma_start3A_421 = tpu.memref_slice %arg5[%dma_start3A_419, %dma_start3A_420] : memref<10240x128xf32, #tpu.memory_space<vmem_shared>> -> memref<10240x128xf32, #tpu.memory_space<vmem_shared>>
      tpu.enqueue_indirect_dma source(%arg6 : memref<128x128xf32, #tpu.memory_space<vmem>>) target(%dma_start3A_421 : memref<10240x128xf32, #tpu.memory_space<vmem_shared>>) offsets(%dma_start3A_418 : memref<128xi32, #tpu.memory_space<vmem>>) semaphore(%arg14 : memref<!tpu.dma_semaphore, #tpu.memory_space<semaphore_mem>>) {add = true}
      %dma_wait3A_422 = arith.constant 0 : i32
      %dma_wait3A_423 = arith.constant 0 : i32
      %dma_wait3A_424 = tpu.memref_slice %arg2[%dma_wait3A_422, %dma_wait3A_423] : memref<10000x128xf32, #tpu.memory_space<hbm>> -> memref<128x128xf32, #tpu.memory_space<hbm>>
      %dma_wait3A_425 = arith.constant 0 : i32
      %dma_wait3A_426 = arith.constant 0 : i32
      %dma_wait3A_427 = tpu.memref_slice %arg2[%dma_wait3A_425, %dma_wait3A_426] : memref<10000x128xf32, #tpu.memory_space<hbm>> -> memref<128x128xf32, #tpu.memory_space<hbm>>
      tpu.wait_dma2 semaphore(%arg13 : memref<!tpu.dma_semaphore, #tpu.memory_space<semaphore_mem>>) src(%dma_wait3A_427 : memref<128x128xf32, #tpu.memory_space<hbm>>) dst(%arg7 : memref<128x128xf32, #tpu.memory_space<vmem>>)
      %add3A_428 = arith.constant 1 : i32
      %add3A_429 = arith.addi %mul3A_389, %add3A_428 : i32
      %dma_start3A_430 = arith.constant 0 : i32
      %dma_start3A_431 = tpu.memref_slice %arg11[%add3A_429, %dma_start3A_430] : memref<16x128xi32, #tpu.memory_space<vmem>> -> memref<1x128xi32, #tpu.memory_space<vmem>>
      %dma_start3A_432 = tpu.memref_squeeze %dma_start3A_431 : memref<1x128xi32, #tpu.memory_space<vmem>> -> memref<128xi32, #tpu.memory_space<vmem>>
      %dma_start3A_433 = arith.constant 0 : i32
      %dma_start3A_434 = arith.constant 0 : i32
      %dma_start3A_435 = tpu.memref_slice %arg5[%dma_start3A_433, %dma_start3A_434] : memref<10240x128xf32, #tpu.memory_space<vmem_shared>> -> memref<10240x128xf32, #tpu.memory_space<vmem_shared>>
      tpu.enqueue_indirect_dma source(%arg7 : memref<128x128xf32, #tpu.memory_space<vmem>>) target(%dma_start3A_435 : memref<10240x128xf32, #tpu.memory_space<vmem_shared>>) offsets(%dma_start3A_432 : memref<128xi32, #tpu.memory_space<vmem>>) semaphore(%arg15 : memref<!tpu.dma_semaphore, #tpu.memory_space<semaphore_mem>>) {add = true}
      %dma_wait3A_436 = arith.constant 0 : i32
      %dma_wait3A_437 = arith.constant 0 : i32
      %dma_wait3A_438 = tpu.memref_slice %arg5[%dma_wait3A_436, %dma_wait3A_437] : memref<10240x128xf32, #tpu.memory_space<vmem_shared>> -> memref<128x128xf32, #tpu.memory_space<vmem_shared>>
      %dma_wait3A_439 = arith.constant 0 : i32
      %dma_wait3A_440 = arith.constant 0 : i32
      %dma_wait3A_441 = tpu.memref_slice %arg5[%dma_wait3A_439, %dma_wait3A_440] : memref<10240x128xf32, #tpu.memory_space<vmem_shared>> -> memref<128x128xf32, #tpu.memory_space<vmem_shared>>
      tpu.wait_dma2 semaphore(%arg14 : memref<!tpu.dma_semaphore, #tpu.memory_space<semaphore_mem>>) src(%arg6 : memref<128x128xf32, #tpu.memory_space<vmem>>) dst(%dma_wait3A_441 : memref<128x128xf32, #tpu.memory_space<vmem_shared>>)
      %lt3A = arith.constant 7 : i32
      %lt3A_442 = arith.cmpi slt, %add3A_387, %lt3A : i32
      %convert_element_type3A = arith.extui %lt3A_442 : i1 to i32
      %cond3A = arith.constant 0 : i32
      %cond3A_443 = arith.cmpi ne, %convert_element_type3A, %cond3A : i32
      scf.if %cond3A_443 {
        %add3A_450 = arith.constant 2 : i32
        %add3A_451 = arith.addi %mul3A_389, %add3A_450 : i32
        %dma_start3A_452 = arith.constant 0 : i32
        %dma_start3A_453 = arith.constant 0 : i32
        %dma_start3A_454 = tpu.memref_slice %arg6[%dma_start3A_452, %dma_start3A_453] : memref<128x128xf32, #tpu.memory_space<vmem>> -> memref<64x128xf32, #tpu.memory_space<vmem>>
        %dma_start3A_455 = arith.constant 0 : i32
        %dma_start3A_456 = tpu.memref_slice %arg10[%add3A_451, %dma_start3A_455] : memref<16x128xi32, #tpu.memory_space<vmem>> -> memref<1x64xi32, #tpu.memory_space<vmem>>
        %dma_start3A_457 = tpu.memref_squeeze %dma_start3A_456 : memref<1x64xi32, #tpu.memory_space<vmem>> -> memref<64xi32, #tpu.memory_space<vmem>>
        %dma_start3A_458 = arith.constant 0 : i32
        %dma_start3A_459 = arith.constant 0 : i32
        %dma_start3A_460 = tpu.memref_slice %arg2[%dma_start3A_458, %dma_start3A_459] : memref<10000x128xf32, #tpu.memory_space<hbm>> -> memref<10000x128xf32, #tpu.memory_space<hbm>>
        tpu.enqueue_indirect_dma source(%dma_start3A_460 : memref<10000x128xf32, #tpu.memory_space<hbm>>) target(%dma_start3A_454 : memref<64x128xf32, #tpu.memory_space<vmem>>) offsets(%dma_start3A_457 : memref<64xi32, #tpu.memory_space<vmem>>) semaphore(%arg12 : memref<!tpu.dma_semaphore, #tpu.memory_space<semaphore_mem>>)
        %dma_start3A_461 = arith.constant 64 : i32
        %dma_start3A_462 = arith.constant 0 : i32
        %dma_start3A_463 = tpu.memref_slice %arg6[%dma_start3A_461, %dma_start3A_462] : memref<128x128xf32, #tpu.memory_space<vmem>> -> memref<64x128xf32, #tpu.memory_space<vmem>>
        %dma_start3A_464 = arith.constant 64 : i32
        %dma_start3A_465 = tpu.memref_slice %arg10[%add3A_451, %dma_start3A_464] : memref<16x128xi32, #tpu.memory_space<vmem>> -> memref<1x64xi32, #tpu.memory_space<vmem>>
        %dma_start3A_466 = tpu.memref_squeeze %dma_start3A_465 : memref<1x64xi32, #tpu.memory_space<vmem>> -> memref<64xi32, #tpu.memory_space<vmem>>
        %dma_start3A_467 = arith.constant 0 : i32
        %dma_start3A_468 = arith.constant 0 : i32
        %dma_start3A_469 = tpu.memref_slice %arg2[%dma_start3A_467, %dma_start3A_468] : memref<10000x128xf32, #tpu.memory_space<hbm>> -> memref<10000x128xf32, #tpu.memory_space<hbm>>
        tpu.enqueue_indirect_dma source(%dma_start3A_469 : memref<10000x128xf32, #tpu.memory_space<hbm>>) target(%dma_start3A_463 : memref<64x128xf32, #tpu.memory_space<vmem>>) offsets(%dma_start3A_466 : memref<64xi32, #tpu.memory_space<vmem>>) semaphore(%arg12 : memref<!tpu.dma_semaphore, #tpu.memory_space<semaphore_mem>>)
      } else {
      }
      %dma_wait3A_444 = arith.constant 0 : i32
      %dma_wait3A_445 = arith.constant 0 : i32
      %dma_wait3A_446 = tpu.memref_slice %arg5[%dma_wait3A_444, %dma_wait3A_445] : memref<10240x128xf32, #tpu.memory_space<vmem_shared>> -> memref<128x128xf32, #tpu.memory_space<vmem_shared>>
      %dma_wait3A_447 = arith.constant 0 : i32
      %dma_wait3A_448 = arith.constant 0 : i32
      %dma_wait3A_449 = tpu.memref_slice %arg5[%dma_wait3A_447, %dma_wait3A_448] : memref<10240x128xf32, #tpu.memory_space<vmem_shared>> -> memref<128x128xf32, #tpu.memory_space<vmem_shared>>
      tpu.wait_dma2 semaphore(%arg15 : memref<!tpu.dma_semaphore, #tpu.memory_space<semaphore_mem>>) src(%arg7 : memref<128x128xf32, #tpu.memory_space<vmem>>) dst(%dma_wait3A_449 : memref<128x128xf32, #tpu.memory_space<vmem_shared>>)
    }
    %scan3A_322 = arith.constant 8 : i32
    %mul3A_323 = arith.constant 80 : i32
    %mul3A_324 = arith.muli %add3A, %mul3A_323 : i32
    %dma_wait3A_325 = arith.constant 0 : i32
    %dma_wait3A_326 = arith.constant 0 : i32
    %dma_wait3A_327 = arith.constant 0 : i32
    %dma_wait3A_328 = tpu.memref_slice %arg3[%dma_wait3A_325, %dma_wait3A_326, %dma_wait3A_327] : memref<2x2560x128xi32, #tpu.memory_space<hbm>> -> memref<1x2560x128xi32, #tpu.memory_space<hbm>>
    %dma_wait3A_329 = tpu.memref_squeeze %dma_wait3A_328 : memref<1x2560x128xi32, #tpu.memory_space<hbm>> -> memref<2560x128xi32, #tpu.memory_space<hbm>>
    %dma_wait3A_330 = arith.constant 0 : i32
    %dma_wait3A_331 = tpu.memref_slice %dma_wait3A_329[%mul3A_324, %dma_wait3A_330] : memref<2560x128xi32, #tpu.memory_space<hbm>> -> memref<16x128xi32, #tpu.memory_space<hbm>>
    %dma_wait3A_332 = arith.constant 0 : i32
    %dma_wait3A_333 = arith.constant 0 : i32
    %dma_wait3A_334 = tpu.memref_slice %arg3[%dma_wait3A_325, %dma_wait3A_332, %dma_wait3A_333] : memref<2x2560x128xi32, #tpu.memory_space<hbm>> -> memref<1x2560x128xi32, #tpu.memory_space<hbm>>
    %dma_wait3A_335 = tpu.memref_squeeze %dma_wait3A_334 : memref<1x2560x128xi32, #tpu.memory_space<hbm>> -> memref<2560x128xi32, #tpu.memory_space<hbm>>
    %dma_wait3A_336 = arith.constant 0 : i32
    %dma_wait3A_337 = tpu.memref_slice %dma_wait3A_335[%mul3A_324, %dma_wait3A_336] : memref<2560x128xi32, #tpu.memory_space<hbm>> -> memref<16x128xi32, #tpu.memory_space<hbm>>
    tpu.wait_dma2 semaphore(%arg16 : memref<!tpu.dma_semaphore, #tpu.memory_space<semaphore_mem>>) src(%dma_wait3A_337 : memref<16x128xi32, #tpu.memory_space<hbm>>) dst(%arg8 : memref<16x128xi32, #tpu.memory_space<vmem>>)
    %mul3A_338 = arith.constant 80 : i32
    %mul3A_339 = arith.muli %add3A, %mul3A_338 : i32
    %dma_wait3A_340 = arith.constant 1 : i32
    %dma_wait3A_341 = arith.constant 0 : i32
    %dma_wait3A_342 = arith.constant 0 : i32
    %dma_wait3A_343 = tpu.memref_slice %arg3[%dma_wait3A_340, %dma_wait3A_341, %dma_wait3A_342] : memref<2x2560x128xi32, #tpu.memory_space<hbm>> -> memref<1x2560x128xi32, #tpu.memory_space<hbm>>
    %dma_wait3A_344 = tpu.memref_squeeze %dma_wait3A_343 : memref<1x2560x128xi32, #tpu.memory_space<hbm>> -> memref<2560x128xi32, #tpu.memory_space<hbm>>
    %dma_wait3A_345 = arith.constant 0 : i32
    %dma_wait3A_346 = tpu.memref_slice %dma_wait3A_344[%mul3A_339, %dma_wait3A_345] : memref<2560x128xi32, #tpu.memory_space<hbm>> -> memref<16x128xi32, #tpu.memory_space<hbm>>
    %dma_wait3A_347 = arith.constant 0 : i32
    %dma_wait3A_348 = arith.constant 0 : i32
    %dma_wait3A_349 = tpu.memref_slice %arg3[%dma_wait3A_340, %dma_wait3A_347, %dma_wait3A_348] : memref<2x2560x128xi32, #tpu.memory_space<hbm>> -> memref<1x2560x128xi32, #tpu.memory_space<hbm>>
    %dma_wait3A_350 = tpu.memref_squeeze %dma_wait3A_349 : memref<1x2560x128xi32, #tpu.memory_space<hbm>> -> memref<2560x128xi32, #tpu.memory_space<hbm>>
    %dma_wait3A_351 = arith.constant 0 : i32
    %dma_wait3A_352 = tpu.memref_slice %dma_wait3A_350[%mul3A_339, %dma_wait3A_351] : memref<2560x128xi32, #tpu.memory_space<hbm>> -> memref<16x128xi32, #tpu.memory_space<hbm>>
    tpu.wait_dma2 semaphore(%arg16 : memref<!tpu.dma_semaphore, #tpu.memory_space<semaphore_mem>>) src(%dma_wait3A_352 : memref<16x128xi32, #tpu.memory_space<hbm>>) dst(%arg9 : memref<16x128xi32, #tpu.memory_space<vmem>>)
    %dma_start3A_353 = arith.constant 0 : i32
    %dma_start3A_354 = arith.constant 0 : i32
    %dma_start3A_355 = arith.constant 0 : i32
    %dma_start3A_356 = tpu.memref_slice %arg6[%dma_start3A_354, %dma_start3A_355] : memref<128x128xf32, #tpu.memory_space<vmem>> -> memref<64x128xf32, #tpu.memory_space<vmem>>
    %dma_start3A_357 = arith.constant 0 : i32
    %dma_start3A_358 = tpu.memref_slice %arg8[%dma_start3A_353, %dma_start3A_357] : memref<16x128xi32, #tpu.memory_space<vmem>> -> memref<1x64xi32, #tpu.memory_space<vmem>>
    %dma_start3A_359 = tpu.memref_squeeze %dma_start3A_358 : memref<1x64xi32, #tpu.memory_space<vmem>> -> memref<64xi32, #tpu.memory_space<vmem>>
    %dma_start3A_360 = arith.constant 0 : i32
    %dma_start3A_361 = arith.constant 0 : i32
    %dma_start3A_362 = tpu.memref_slice %arg2[%dma_start3A_360, %dma_start3A_361] : memref<10000x128xf32, #tpu.memory_space<hbm>> -> memref<10000x128xf32, #tpu.memory_space<hbm>>
    tpu.enqueue_indirect_dma source(%dma_start3A_362 : memref<10000x128xf32, #tpu.memory_space<hbm>>) target(%dma_start3A_356 : memref<64x128xf32, #tpu.memory_space<vmem>>) offsets(%dma_start3A_359 : memref<64xi32, #tpu.memory_space<vmem>>) semaphore(%arg12 : memref<!tpu.dma_semaphore, #tpu.memory_space<semaphore_mem>>)
    %dma_start3A_363 = arith.constant 0 : i32
    %dma_start3A_364 = arith.constant 64 : i32
    %dma_start3A_365 = arith.constant 0 : i32
    %dma_start3A_366 = tpu.memref_slice %arg6[%dma_start3A_364, %dma_start3A_365] : memref<128x128xf32, #tpu.memory_space<vmem>> -> memref<64x128xf32, #tpu.memory_space<vmem>>
    %dma_start3A_367 = arith.constant 64 : i32
    %dma_start3A_368 = tpu.memref_slice %arg8[%dma_start3A_363, %dma_start3A_367] : memref<16x128xi32, #tpu.memory_space<vmem>> -> memref<1x64xi32, #tpu.memory_space<vmem>>
    %dma_start3A_369 = tpu.memref_squeeze %dma_start3A_368 : memref<1x64xi32, #tpu.memory_space<vmem>> -> memref<64xi32, #tpu.memory_space<vmem>>
    %dma_start3A_370 = arith.constant 0 : i32
    %dma_start3A_371 = arith.constant 0 : i32
    %dma_start3A_372 = tpu.memref_slice %arg2[%dma_start3A_370, %dma_start3A_371] : memref<10000x128xf32, #tpu.memory_space<hbm>> -> memref<10000x128xf32, #tpu.memory_space<hbm>>
    tpu.enqueue_indirect_dma source(%dma_start3A_372 : memref<10000x128xf32, #tpu.memory_space<hbm>>) target(%dma_start3A_366 : memref<64x128xf32, #tpu.memory_space<vmem>>) offsets(%dma_start3A_369 : memref<64xi32, #tpu.memory_space<vmem>>) semaphore(%arg12 : memref<!tpu.dma_semaphore, #tpu.memory_space<semaphore_mem>>)
    %scan3A_373 = arith.constant 0 : i32
    %scan3A_374 = arith.constant 8 : i32
    %scan3A_375 = arith.addi %scan3A_373, %scan3A_374 : i32
    %scan3A_376 = arith.constant 1 : i32
    scf.for %scan3A_383 = %scan3A_373 to %scan3A_375 step %scan3A_376  : i32 {
      %mul3A_384 = arith.constant 1 : i32
      %mul3A_385 = arith.muli %scan3A_383, %mul3A_384 : i32
      %add3A_386 = arith.constant 0 : i32
      %add3A_387 = arith.addi %add3A_386, %mul3A_385 : i32
      %mul3A_388 = arith.constant 2 : i32
      %mul3A_389 = arith.muli %mul3A_388, %add3A_387 : i32
      %add3A_390 = arith.constant 1 : i32
      %add3A_391 = arith.addi %mul3A_389, %add3A_390 : i32
      %dma_start3A_392 = arith.constant 0 : i32
      %dma_start3A_393 = arith.constant 0 : i32
      %dma_start3A_394 = tpu.memref_slice %arg7[%dma_start3A_392, %dma_start3A_393] : memref<128x128xf32, #tpu.memory_space<vmem>> -> memref<64x128xf32, #tpu.memory_space<vmem>>
      %dma_start3A_395 = arith.constant 0 : i32
      %dma_start3A_396 = tpu.memref_slice %arg8[%add3A_391, %dma_start3A_395] : memref<16x128xi32, #tpu.memory_space<vmem>> -> memref<1x64xi32, #tpu.memory_space<vmem>>
      %dma_start3A_397 = tpu.memref_squeeze %dma_start3A_396 : memref<1x64xi32, #tpu.memory_space<vmem>> -> memref<64xi32, #tpu.memory_space<vmem>>
      %dma_start3A_398 = arith.constant 0 : i32
      %dma_start3A_399 = arith.constant 0 : i32
      %dma_start3A_400 = tpu.memref_slice %arg2[%dma_start3A_398, %dma_start3A_399] : memref<10000x128xf32, #tpu.memory_space<hbm>> -> memref<10000x128xf32, #tpu.memory_space<hbm>>
      tpu.enqueue_indirect_dma source(%dma_start3A_400 : memref<10000x128xf32, #tpu.memory_space<hbm>>) target(%dma_start3A_394 : memref<64x128xf32, #tpu.memory_space<vmem>>) offsets(%dma_start3A_397 : memref<64xi32, #tpu.memory_space<vmem>>) semaphore(%arg13 : memref<!tpu.dma_semaphore, #tpu.memory_space<semaphore_mem>>)
      %dma_start3A_401 = arith.constant 64 : i32
      %dma_start3A_402 = arith.constant 0 : i32
      %dma_start3A_403 = tpu.memref_slice %arg7[%dma_start3A_401, %dma_start3A_402] : memref<128x128xf32, #tpu.memory_space<vmem>> -> memref<64x128xf32, #tpu.memory_space<vmem>>
      %dma_start3A_404 = arith.constant 64 : i32
      %dma_start3A_405 = tpu.memref_slice %arg8[%add3A_391, %dma_start3A_404] : memref<16x128xi32, #tpu.memory_space<vmem>> -> memref<1x64xi32, #tpu.memory_space<vmem>>
      %dma_start3A_406 = tpu.memref_squeeze %dma_start3A_405 : memref<1x64xi32, #tpu.memory_space<vmem>> -> memref<64xi32, #tpu.memory_space<vmem>>
      %dma_start3A_407 = arith.constant 0 : i32
      %dma_start3A_408 = arith.constant 0 : i32
      %dma_start3A_409 = tpu.memref_slice %arg2[%dma_start3A_407, %dma_start3A_408] : memref<10000x128xf32, #tpu.memory_space<hbm>> -> memref<10000x128xf32, #tpu.memory_space<hbm>>
      tpu.enqueue_indirect_dma source(%dma_start3A_409 : memref<10000x128xf32, #tpu.memory_space<hbm>>) target(%dma_start3A_403 : memref<64x128xf32, #tpu.memory_space<vmem>>) offsets(%dma_start3A_406 : memref<64xi32, #tpu.memory_space<vmem>>) semaphore(%arg13 : memref<!tpu.dma_semaphore, #tpu.memory_space<semaphore_mem>>)
      %dma_wait3A_410 = arith.constant 0 : i32
      %dma_wait3A_411 = arith.constant 0 : i32
      %dma_wait3A_412 = tpu.memref_slice %arg2[%dma_wait3A_410, %dma_wait3A_411] : memref<10000x128xf32, #tpu.memory_space<hbm>> -> memref<128x128xf32, #tpu.memory_space<hbm>>
      %dma_wait3A_413 = arith.constant 0 : i32
      %dma_wait3A_414 = arith.constant 0 : i32
      %dma_wait3A_415 = tpu.memref_slice %arg2[%dma_wait3A_413, %dma_wait3A_414] : memref<10000x128xf32, #tpu.memory_space<hbm>> -> memref<128x128xf32, #tpu.memory_space<hbm>>
      tpu.wait_dma2 semaphore(%arg12 : memref<!tpu.dma_semaphore, #tpu.memory_space<semaphore_mem>>) src(%dma_wait3A_415 : memref<128x128xf32, #tpu.memory_space<hbm>>) dst(%arg6 : memref<128x128xf32, #tpu.memory_space<vmem>>)
      %dma_start3A_416 = arith.constant 0 : i32
      %dma_start3A_417 = tpu.memref_slice %arg9[%mul3A_389, %dma_start3A_416] : memref<16x128xi32, #tpu.memory_space<vmem>> -> memref<1x128xi32, #tpu.memory_space<vmem>>
      %dma_start3A_418 = tpu.memref_squeeze %dma_start3A_417 : memref<1x128xi32, #tpu.memory_space<vmem>> -> memref<128xi32, #tpu.memory_space<vmem>>
      %dma_start3A_419 = arith.constant 0 : i32
      %dma_start3A_420 = arith.constant 0 : i32
      %dma_start3A_421 = tpu.memref_slice %arg5[%dma_start3A_419, %dma_start3A_420] : memref<10240x128xf32, #tpu.memory_space<vmem_shared>> -> memref<10240x128xf32, #tpu.memory_space<vmem_shared>>
      tpu.enqueue_indirect_dma source(%arg6 : memref<128x128xf32, #tpu.memory_space<vmem>>) target(%dma_start3A_421 : memref<10240x128xf32, #tpu.memory_space<vmem_shared>>) offsets(%dma_start3A_418 : memref<128xi32, #tpu.memory_space<vmem>>) semaphore(%arg14 : memref<!tpu.dma_semaphore, #tpu.memory_space<semaphore_mem>>) {add = true}
      %dma_wait3A_422 = arith.constant 0 : i32
      %dma_wait3A_423 = arith.constant 0 : i32
      %dma_wait3A_424 = tpu.memref_slice %arg2[%dma_wait3A_422, %dma_wait3A_423] : memref<10000x128xf32, #tpu.memory_space<hbm>> -> memref<128x128xf32, #tpu.memory_space<hbm>>
      %dma_wait3A_425 = arith.constant 0 : i32
      %dma_wait3A_426 = arith.constant 0 : i32
      %dma_wait3A_427 = tpu.memref_slice %arg2[%dma_wait3A_425, %dma_wait3A_426] : memref<10000x128xf32, #tpu.memory_space<hbm>> -> memref<128x128xf32, #tpu.memory_space<hbm>>
      tpu.wait_dma2 semaphore(%arg13 : memref<!tpu.dma_semaphore, #tpu.memory_space<semaphore_mem>>) src(%dma_wait3A_427 : memref<128x128xf32, #tpu.memory_space<hbm>>) dst(%arg7 : memref<128x128xf32, #tpu.memory_space<vmem>>)
      %add3A_428 = arith.constant 1 : i32
      %add3A_429 = arith.addi %mul3A_389, %add3A_428 : i32
      %dma_start3A_430 = arith.constant 0 : i32
      %dma_start3A_431 = tpu.memref_slice %arg9[%add3A_429, %dma_start3A_430] : memref<16x128xi32, #tpu.memory_space<vmem>> -> memref<1x128xi32, #tpu.memory_space<vmem>>
      %dma_start3A_432 = tpu.memref_squeeze %dma_start3A_431 : memref<1x128xi32, #tpu.memory_space<vmem>> -> memref<128xi32, #tpu.memory_space<vmem>>
      %dma_start3A_433 = arith.constant 0 : i32
      %dma_start3A_434 = arith.constant 0 : i32
      %dma_start3A_435 = tpu.memref_slice %arg5[%dma_start3A_433, %dma_start3A_434] : memref<10240x128xf32, #tpu.memory_space<vmem_shared>> -> memref<10240x128xf32, #tpu.memory_space<vmem_shared>>
      tpu.enqueue_indirect_dma source(%arg7 : memref<128x128xf32, #tpu.memory_space<vmem>>) target(%dma_start3A_435 : memref<10240x128xf32, #tpu.memory_space<vmem_shared>>) offsets(%dma_start3A_432 : memref<128xi32, #tpu.memory_space<vmem>>) semaphore(%arg15 : memref<!tpu.dma_semaphore, #tpu.memory_space<semaphore_mem>>) {add = true}
      %dma_wait3A_436 = arith.constant 0 : i32
      %dma_wait3A_437 = arith.constant 0 : i32
      %dma_wait3A_438 = tpu.memref_slice %arg5[%dma_wait3A_436, %dma_wait3A_437] : memref<10240x128xf32, #tpu.memory_space<vmem_shared>> -> memref<128x128xf32, #tpu.memory_space<vmem_shared>>
      %dma_wait3A_439 = arith.constant 0 : i32
      %dma_wait3A_440 = arith.constant 0 : i32
      %dma_wait3A_441 = tpu.memref_slice %arg5[%dma_wait3A_439, %dma_wait3A_440] : memref<10240x128xf32, #tpu.memory_space<vmem_shared>> -> memref<128x128xf32, #tpu.memory_space<vmem_shared>>
      tpu.wait_dma2 semaphore(%arg14 : memref<!tpu.dma_semaphore, #tpu.memory_space<semaphore_mem>>) src(%arg6 : memref<128x128xf32, #tpu.memory_space<vmem>>) dst(%dma_wait3A_441 : memref<128x128xf32, #tpu.memory_space<vmem_shared>>)
      %lt3A = arith.constant 7 : i32
      %lt3A_442 = arith.cmpi slt, %add3A_387, %lt3A : i32
      %convert_element_type3A = arith.extui %lt3A_442 : i1 to i32
      %cond3A = arith.constant 0 : i32
      %cond3A_443 = arith.cmpi ne, %convert_element_type3A, %cond3A : i32
      scf.if %cond3A_443 {
        %add3A_450 = arith.constant 2 : i32
        %add3A_451 = arith.addi %mul3A_389, %add3A_450 : i32
        %dma_start3A_452 = arith.constant 0 : i32
        %dma_start3A_453 = arith.constant 0 : i32
        %dma_start3A_454 = tpu.memref_slice %arg6[%dma_start3A_452, %dma_start3A_453] : memref<128x128xf32, #tpu.memory_space<vmem>> -> memref<64x128xf32, #tpu.memory_space<vmem>>
        %dma_start3A_455 = arith.constant 0 : i32
        %dma_start3A_456 = tpu.memref_slice %arg8[%add3A_451, %dma_start3A_455] : memref<16x128xi32, #tpu.memory_space<vmem>> -> memref<1x64xi32, #tpu.memory_space<vmem>>
        %dma_start3A_457 = tpu.memref_squeeze %dma_start3A_456 : memref<1x64xi32, #tpu.memory_space<vmem>> -> memref<64xi32, #tpu.memory_space<vmem>>
        %dma_start3A_458 = arith.constant 0 : i32
        %dma_start3A_459 = arith.constant 0 : i32
        %dma_start3A_460 = tpu.memref_slice %arg2[%dma_start3A_458, %dma_start3A_459] : memref<10000x128xf32, #tpu.memory_space<hbm>> -> memref<10000x128xf32, #tpu.memory_space<hbm>>
        tpu.enqueue_indirect_dma source(%dma_start3A_460 : memref<10000x128xf32, #tpu.memory_space<hbm>>) target(%dma_start3A_454 : memref<64x128xf32, #tpu.memory_space<vmem>>) offsets(%dma_start3A_457 : memref<64xi32, #tpu.memory_space<vmem>>) semaphore(%arg12 : memref<!tpu.dma_semaphore, #tpu.memory_space<semaphore_mem>>)
        %dma_start3A_461 = arith.constant 64 : i32
        %dma_start3A_462 = arith.constant 0 : i32
        %dma_start3A_463 = tpu.memref_slice %arg6[%dma_start3A_461, %dma_start3A_462] : memref<128x128xf32, #tpu.memory_space<vmem>> -> memref<64x128xf32, #tpu.memory_space<vmem>>
        %dma_start3A_464 = arith.constant 64 : i32
        %dma_start3A_465 = tpu.memref_slice %arg8[%add3A_451, %dma_start3A_464] : memref<16x128xi32, #tpu.memory_space<vmem>> -> memref<1x64xi32, #tpu.memory_space<vmem>>
        %dma_start3A_466 = tpu.memref_squeeze %dma_start3A_465 : memref<1x64xi32, #tpu.memory_space<vmem>> -> memref<64xi32, #tpu.memory_space<vmem>>
        %dma_start3A_467 = arith.constant 0 : i32
        %dma_start3A_468 = arith.constant 0 : i32
        %dma_start3A_469 = tpu.memref_slice %arg2[%dma_start3A_467, %dma_start3A_468] : memref<10000x128xf32, #tpu.memory_space<hbm>> -> memref<10000x128xf32, #tpu.memory_space<hbm>>
        tpu.enqueue_indirect_dma source(%dma_start3A_469 : memref<10000x128xf32, #tpu.memory_space<hbm>>) target(%dma_start3A_463 : memref<64x128xf32, #tpu.memory_space<vmem>>) offsets(%dma_start3A_466 : memref<64xi32, #tpu.memory_space<vmem>>) semaphore(%arg12 : memref<!tpu.dma_semaphore, #tpu.memory_space<semaphore_mem>>)
      } else {
      }
      %dma_wait3A_444 = arith.constant 0 : i32
      %dma_wait3A_445 = arith.constant 0 : i32
      %dma_wait3A_446 = tpu.memref_slice %arg5[%dma_wait3A_444, %dma_wait3A_445] : memref<10240x128xf32, #tpu.memory_space<vmem_shared>> -> memref<128x128xf32, #tpu.memory_space<vmem_shared>>
      %dma_wait3A_447 = arith.constant 0 : i32
      %dma_wait3A_448 = arith.constant 0 : i32
      %dma_wait3A_449 = tpu.memref_slice %arg5[%dma_wait3A_447, %dma_wait3A_448] : memref<10240x128xf32, #tpu.memory_space<vmem_shared>> -> memref<128x128xf32, #tpu.memory_space<vmem_shared>>
      tpu.wait_dma2 semaphore(%arg15 : memref<!tpu.dma_semaphore, #tpu.memory_space<semaphore_mem>>) src(%arg7 : memref<128x128xf32, #tpu.memory_space<vmem>>) dst(%dma_wait3A_449 : memref<128x128xf32, #tpu.memory_space<vmem_shared>>)
    }
    %scan3A_377 = arith.constant 8 : i32
    %barrier3A_378 = arith.constant 0 : index
    tpu.barrier barrier_id(%barrier3A_378)
    %mul3A_379 = arith.constant 640 : i32
    %mul3A_380 = arith.muli %arg1, %mul3A_379 : i32
    %mul3A_381 = arith.constant 640 : i32
    %mul3A_382 = arith.muli %arg1, %mul3A_381 : i32
    "tpu.region"() ({
      %run_scoped3A_383 = tpu.sem_alloc : memref<!tpu.dma_semaphore, #tpu.memory_space<semaphore_mem>>
      %dma_start3A_384 = arith.constant 0 : i32
      %dma_start3A_385 = tpu.memref_slice %arg4[%arg0, %mul3A_382, %dma_start3A_384] : memref<2x10240x128xf32, #tpu.memory_space<hbm>> -> memref<1x640x128xf32, #tpu.memory_space<hbm>>
      %dma_start3A_386 = tpu.memref_squeeze %dma_start3A_385 : memref<1x640x128xf32, #tpu.memory_space<hbm>> -> memref<640x128xf32, #tpu.memory_space<hbm>>
      %dma_start3A_387 = arith.constant 0 : i32
      %dma_start3A_388 = tpu.memref_slice %arg5[%mul3A_380, %dma_start3A_387] : memref<10240x128xf32, #tpu.memory_space<vmem_shared>> -> memref<640x128xf32, #tpu.memory_space<vmem_shared>>
      tpu.enqueue_dma source(%dma_start3A_388 : memref<640x128xf32, #tpu.memory_space<vmem_shared>>) target(%dma_start3A_386 : memref<640x128xf32, #tpu.memory_space<hbm>>) target_semaphore(%run_scoped3A_383 : memref<!tpu.dma_semaphore, #tpu.memory_space<semaphore_mem>>)
      %dma_wait3A_389 = arith.constant 0 : i32
      %dma_wait3A_390 = tpu.memref_slice %arg4[%arg0, %mul3A_382, %dma_wait3A_389] : memref<2x10240x128xf32, #tpu.memory_space<hbm>> -> memref<1x640x128xf32, #tpu.memory_space<hbm>>
      %dma_wait3A_391 = tpu.memref_squeeze %dma_wait3A_390 : memref<1x640x128xf32, #tpu.memory_space<hbm>> -> memref<640x128xf32, #tpu.memory_space<hbm>>
      %dma_wait3A_392 = arith.constant 0 : i32
      %dma_wait3A_393 = tpu.memref_slice %arg5[%mul3A_380, %dma_wait3A_392] : memref<10240x128xf32, #tpu.memory_space<vmem_shared>> -> memref<640x128xf32, #tpu.memory_space<vmem_shared>>
      tpu.wait_dma2 semaphore(%run_scoped3A_383 : memref<!tpu.dma_semaphore, #tpu.memory_space<semaphore_mem>>) src(%dma_wait3A_393 : memref<640x128xf32, #tpu.memory_space<vmem_shared>>) dst(%dma_wait3A_391 : memref<640x128xf32, #tpu.memory_space<hbm>>)
      tpu.yield
    }) : () -> ()
    return
  }
}

#map = affine_map<(d0, d1) -> (0, 0, 0)>
module attributes {stable_mosaic.version = 14 : i64} {
  func.func @_sc_deg_body(%arg0: i32, %arg1: i32, %arg2: memref<2x2560x128xi32, #tpu.memory_space<hbm>>, %arg3: memref<2x10240x128xf32, #tpu.memory_space<hbm>>, %arg4: memref<10240x128xf32, #tpu.memory_space<vmem_shared>>, %arg5: memref<128x128xf32, #tpu.memory_space<vmem>>, %arg6: memref<16x128xi32, #tpu.memory_space<vmem>>, %arg7: memref<!tpu.dma_semaphore, #tpu.memory_space<semaphore_mem>>, %arg8: memref<!tpu.dma_semaphore, #tpu.memory_space<semaphore_mem>>) attributes {dimension_semantics = [#tpu.dimension_semantics<core_parallel>, #tpu.dimension_semantics<subcore_parallel>], iteration_bounds = array<i64: 2, 16>, scalar_prefetch = 0 : i64, scratch_operands = 5 : i64, tpu.core_type = #tpu.core_type<sc_vector_subcore>, window_params = [{transform_indices = #map}, {transform_indices = #map}]} {
    %mul3A = arith.constant 16 : i32
    %mul3A_0 = arith.muli %arg0, %mul3A : i32
    %add3A = arith.addi %mul3A_0, %arg1 : i32
    %scan3A = arith.constant 0 : i32
    %scan3A_1 = arith.constant 128 : i32
    %scan3A_2 = arith.addi %scan3A, %scan3A_1 : i32
    %scan3A_3 = arith.constant 1 : i32
    scf.for %scan3A_26 = %scan3A to %scan3A_2 step %scan3A_3  : i32 {
      %mul3A_27 = arith.constant 1 : i32
      %mul3A_28 = arith.muli %scan3A_26, %mul3A_27 : i32
      %add3A_29 = arith.constant 0 : i32
      %add3A_30 = arith.addi %add3A_29, %mul3A_28 : i32
      %scan3A_31 = arith.constant 0 : i32
      %scan3A_32 = arith.constant 8 : i32
      %scan3A_33 = arith.addi %scan3A_31, %scan3A_32 : i32
      %scan3A_34 = arith.constant 1 : i32
      scf.for %scan3A_36 = %scan3A_31 to %scan3A_33 step %scan3A_34  : i32 {
        %mul3A_37 = arith.constant 1 : i32
        %mul3A_38 = arith.muli %scan3A_36, %mul3A_37 : i32
        %add3A_39 = arith.constant 0 : i32
        %add3A_40 = arith.addi %add3A_39, %mul3A_38 : i32
        %broadcast_in_dim3A = arith.constant 0.000000e+00 : f32
        %broadcast_in_dim3A_41 = vector.broadcast %broadcast_in_dim3A : f32 to vector<16xf32>
        %mul3A_42 = arith.constant 16 : i32
        %mul3A_43 = arith.muli %add3A_40, %mul3A_42 : i32
        %swap3A = arith.index_cast %add3A_30 : i32 to index
        %swap3A_44 = arith.index_cast %mul3A_43 : i32 to index
        %swap3A_45 = tpu.vector_load %arg5[%swap3A, %swap3A_44] {strides = array<i32>} : memref<128x128xf32, #tpu.memory_space<vmem>>, vector<1x16xf32>,
        %swap3A_46 = vector.shape_cast %swap3A_45 : vector<1x16xf32> to vector<16xf32>
        %swap3A_47 = vector.shape_cast %broadcast_in_dim3A_41 : vector<16xf32> to vector<1x16xf32>
        tpu.vector_store %arg5[%swap3A, %swap3A_44], %swap3A_47 {strides = array<i32>} : memref<128x128xf32, #tpu.memory_space<vmem>>, vector<1x16xf32>,
      }
      %scan3A_35 = arith.constant 8 : i32
    }
    %scan3A_4 = arith.constant 128 : i32
    %scan3A_5 = arith.constant 0 : i32
    %scan3A_6 = arith.constant 5 : i32
    %scan3A_7 = arith.addi %scan3A_5, %scan3A_6 : i32
    %scan3A_8 = arith.constant 1 : i32
    scf.for %scan3A_26 = %scan3A_5 to %scan3A_7 step %scan3A_8  : i32 {
      %mul3A_27 = arith.constant 1 : i32
      %mul3A_28 = arith.muli %scan3A_26, %mul3A_27 : i32
      %add3A_29 = arith.constant 0 : i32
      %add3A_30 = arith.addi %add3A_29, %mul3A_28 : i32
      %mul3A_31 = arith.constant 640 : i32
      %mul3A_32 = arith.muli %arg1, %mul3A_31 : i32
      %mul3A_33 = arith.constant 128 : i32
      %mul3A_34 = arith.muli %add3A_30, %mul3A_33 : i32
      %add3A_35 = arith.addi %mul3A_32, %mul3A_34 : i32
      "tpu.region"() ({
        %run_scoped3A = tpu.sem_alloc : memref<!tpu.dma_semaphore, #tpu.memory_space<semaphore_mem>>
        %dma_start3A = arith.constant 0 : i32
        %dma_start3A_36 = tpu.memref_slice %arg4[%add3A_35, %dma_start3A] : memref<10240x128xf32, #tpu.memory_space<vmem_shared>> -> memref<128x128xf32, #tpu.memory_space<vmem_shared>>
        %dma_start3A_37 = arith.constant 0 : i32
        %dma_start3A_38 = tpu.memref_slice %arg4[%add3A_35, %dma_start3A_37] : memref<10240x128xf32, #tpu.memory_space<vmem_shared>> -> memref<128x128xf32, #tpu.memory_space<vmem_shared>>
        tpu.enqueue_dma source(%arg5 : memref<128x128xf32, #tpu.memory_space<vmem>>) target(%dma_start3A_38 : memref<128x128xf32, #tpu.memory_space<vmem_shared>>) target_semaphore(%run_scoped3A : memref<!tpu.dma_semaphore, #tpu.memory_space<semaphore_mem>>)
        %dma_wait3A = arith.constant 0 : i32
        %dma_wait3A_39 = tpu.memref_slice %arg4[%add3A_35, %dma_wait3A] : memref<10240x128xf32, #tpu.memory_space<vmem_shared>> -> memref<128x128xf32, #tpu.memory_space<vmem_shared>>
        %dma_wait3A_40 = arith.constant 0 : i32
        %dma_wait3A_41 = tpu.memref_slice %arg4[%add3A_35, %dma_wait3A_40] : memref<10240x128xf32, #tpu.memory_space<vmem_shared>> -> memref<128x128xf32, #tpu.memory_space<vmem_shared>>
        tpu.wait_dma2 semaphore(%run_scoped3A : memref<!tpu.dma_semaphore, #tpu.memory_space<semaphore_mem>>) src(%arg5 : memref<128x128xf32, #tpu.memory_space<vmem>>) dst(%dma_wait3A_41 : memref<128x128xf32, #tpu.memory_space<vmem_shared>>)
        tpu.yield
      }) : () -> ()
    }
    %scan3A_9 = arith.constant 5 : i32
    %scan3A_10 = arith.constant 0 : i32
    %scan3A_11 = arith.constant 128 : i32
    %scan3A_12 = arith.addi %scan3A_10, %scan3A_11 : i32
    %scan3A_13 = arith.constant 1 : i32
    scf.for %scan3A_26 = %scan3A_10 to %scan3A_12 step %scan3A_13  : i32 {
      %mul3A_27 = arith.constant 1 : i32
      %mul3A_28 = arith.muli %scan3A_26, %mul3A_27 : i32
      %add3A_29 = arith.constant 0 : i32
      %add3A_30 = arith.addi %add3A_29, %mul3A_28 : i32
      %scan3A_31 = arith.constant 0 : i32
      %scan3A_32 = arith.constant 8 : i32
      %scan3A_33 = arith.addi %scan3A_31, %scan3A_32 : i32
      %scan3A_34 = arith.constant 1 : i32
      scf.for %scan3A_36 = %scan3A_31 to %scan3A_33 step %scan3A_34  : i32 {
        %mul3A_37 = arith.constant 1 : i32
        %mul3A_38 = arith.muli %scan3A_36, %mul3A_37 : i32
        %add3A_39 = arith.constant 0 : i32
        %add3A_40 = arith.addi %add3A_39, %mul3A_38 : i32
        %broadcast_in_dim3A = arith.constant 1.000000e+00 : f32
        %broadcast_in_dim3A_41 = vector.broadcast %broadcast_in_dim3A : f32 to vector<16xf32>
        %mul3A_42 = arith.constant 16 : i32
        %mul3A_43 = arith.muli %add3A_40, %mul3A_42 : i32
        %swap3A = arith.index_cast %add3A_30 : i32 to index
        %swap3A_44 = arith.index_cast %mul3A_43 : i32 to index
        %swap3A_45 = tpu.vector_load %arg5[%swap3A, %swap3A_44] {strides = array<i32>} : memref<128x128xf32, #tpu.memory_space<vmem>>, vector<1x16xf32>,
        %swap3A_46 = vector.shape_cast %swap3A_45 : vector<1x16xf32> to vector<16xf32>
        %swap3A_47 = vector.shape_cast %broadcast_in_dim3A_41 : vector<16xf32> to vector<1x16xf32>
        tpu.vector_store %arg5[%swap3A, %swap3A_44], %swap3A_47 {strides = array<i32>} : memref<128x128xf32, #tpu.memory_space<vmem>>, vector<1x16xf32>,
      }
      %scan3A_35 = arith.constant 8 : i32
    }
    %scan3A_14 = arith.constant 128 : i32
    %barrier3A = arith.constant 0 : index
    tpu.barrier barrier_id(%barrier3A)
    %scan3A_15 = arith.constant 1 : i32
    %scan3A_16 = arith.constant 0 : i32
    %scan3A_17 = arith.constant 5 : i32
    %scan3A_18 = arith.addi %scan3A_16, %scan3A_17 : i32
    %scan3A_19 = arith.constant 1 : i32
    scf.for %scan3A_26 = %scan3A_16 to %scan3A_18 step %scan3A_19  : i32 {
      %mul3A_27 = arith.constant 1 : i32
      %mul3A_28 = arith.muli %scan3A_26, %mul3A_27 : i32
      %add3A_29 = arith.constant 0 : i32
      %add3A_30 = arith.addi %add3A_29, %mul3A_28 : i32
      %mul3A_31 = arith.constant 80 : i32
      %mul3A_32 = arith.muli %add3A, %mul3A_31 : i32
      %mul3A_33 = arith.constant 16 : i32
      %mul3A_34 = arith.muli %add3A_30, %mul3A_33 : i32
      %add3A_35 = arith.addi %mul3A_32, %mul3A_34 : i32
      "tpu.region"() ({
        %run_scoped3A = tpu.sem_alloc : memref<!tpu.dma_semaphore, #tpu.memory_space<semaphore_mem>>
        %dma_start3A = arith.constant 0 : i32
        %dma_start3A_41 = arith.constant 0 : i32
        %dma_start3A_42 = tpu.memref_slice %arg2[%scan3A_15, %dma_start3A, %dma_start3A_41] : memref<2x2560x128xi32, #tpu.memory_space<hbm>> -> memref<1x2560x128xi32, #tpu.memory_space<hbm>>
        %dma_start3A_43 = tpu.memref_squeeze %dma_start3A_42 : memref<1x2560x128xi32, #tpu.memory_space<hbm>> -> memref<2560x128xi32, #tpu.memory_space<hbm>>
        %dma_start3A_44 = arith.constant 0 : i32
        %dma_start3A_45 = tpu.memref_slice %dma_start3A_43[%add3A_35, %dma_start3A_44] : memref<2560x128xi32, #tpu.memory_space<hbm>> -> memref<16x128xi32, #tpu.memory_space<hbm>>
        %dma_start3A_46 = arith.constant 0 : i32
        %dma_start3A_47 = arith.constant 0 : i32
        %dma_start3A_48 = tpu.memref_slice %arg2[%scan3A_15, %dma_start3A_46, %dma_start3A_47] : memref<2x2560x128xi32, #tpu.memory_space<hbm>> -> memref<1x2560x128xi32, #tpu.memory_space<hbm>>
        %dma_start3A_49 = tpu.memref_squeeze %dma_start3A_48 : memref<1x2560x128xi32, #tpu.memory_space<hbm>> -> memref<2560x128xi32, #tpu.memory_space<hbm>>
        %dma_start3A_50 = arith.constant 0 : i32
        %dma_start3A_51 = tpu.memref_slice %dma_start3A_49[%add3A_35, %dma_start3A_50] : memref<2560x128xi32, #tpu.memory_space<hbm>> -> memref<16x128xi32, #tpu.memory_space<hbm>>
        tpu.enqueue_dma source(%dma_start3A_51 : memref<16x128xi32, #tpu.memory_space<hbm>>) target(%arg6 : memref<16x128xi32, #tpu.memory_space<vmem>>) target_semaphore(%run_scoped3A : memref<!tpu.dma_semaphore, #tpu.memory_space<semaphore_mem>>)
        %dma_wait3A = arith.constant 0 : i32
        %dma_wait3A_52 = arith.constant 0 : i32
        %dma_wait3A_53 = tpu.memref_slice %arg2[%scan3A_15, %dma_wait3A, %dma_wait3A_52] : memref<2x2560x128xi32, #tpu.memory_space<hbm>> -> memref<1x2560x128xi32, #tpu.memory_space<hbm>>
        %dma_wait3A_54 = tpu.memref_squeeze %dma_wait3A_53 : memref<1x2560x128xi32, #tpu.memory_space<hbm>> -> memref<2560x128xi32, #tpu.memory_space<hbm>>
        %dma_wait3A_55 = arith.constant 0 : i32
        %dma_wait3A_56 = tpu.memref_slice %dma_wait3A_54[%add3A_35, %dma_wait3A_55] : memref<2560x128xi32, #tpu.memory_space<hbm>> -> memref<16x128xi32, #tpu.memory_space<hbm>>
        %dma_wait3A_57 = arith.constant 0 : i32
        %dma_wait3A_58 = arith.constant 0 : i32
        %dma_wait3A_59 = tpu.memref_slice %arg2[%scan3A_15, %dma_wait3A_57, %dma_wait3A_58] : memref<2x2560x128xi32, #tpu.memory_space<hbm>> -> memref<1x2560x128xi32, #tpu.memory_space<hbm>>
        %dma_wait3A_60 = tpu.memref_squeeze %dma_wait3A_59 : memref<1x2560x128xi32, #tpu.memory_space<hbm>> -> memref<2560x128xi32, #tpu.memory_space<hbm>>
        %dma_wait3A_61 = arith.constant 0 : i32
        %dma_wait3A_62 = tpu.memref_slice %dma_wait3A_60[%add3A_35, %dma_wait3A_61] : memref<2560x128xi32, #tpu.memory_space<hbm>> -> memref<16x128xi32, #tpu.memory_space<hbm>>
        tpu.wait_dma2 semaphore(%run_scoped3A : memref<!tpu.dma_semaphore, #tpu.memory_space<semaphore_mem>>) src(%dma_wait3A_62 : memref<16x128xi32, #tpu.memory_space<hbm>>) dst(%arg6 : memref<16x128xi32, #tpu.memory_space<vmem>>)
        tpu.yield
      }) : () -> ()
      %scan3A_36 = arith.constant 0 : i32
      %scan3A_37 = arith.constant 8 : i32
      %scan3A_38 = arith.addi %scan3A_36, %scan3A_37 : i32
      %scan3A_39 = arith.constant 1 : i32
      scf.for %scan3A_41 = %scan3A_36 to %scan3A_38 step %scan3A_39  : i32 {
        %mul3A_42 = arith.constant 1 : i32
        %mul3A_43 = arith.muli %scan3A_41, %mul3A_42 : i32
        %add3A_44 = arith.constant 0 : i32
        %add3A_45 = arith.addi %add3A_44, %mul3A_43 : i32
        %mul3A_46 = arith.constant 2 : i32
        %mul3A_47 = arith.muli %mul3A_46, %add3A_45 : i32
        %dma_start3A = arith.constant 0 : i32
        %dma_start3A_48 = tpu.memref_slice %arg6[%mul3A_47, %dma_start3A] : memref<16x128xi32, #tpu.memory_space<vmem>> -> memref<1x128xi32, #tpu.memory_space<vmem>>
        %dma_start3A_49 = tpu.memref_squeeze %dma_start3A_48 : memref<1x128xi32, #tpu.memory_space<vmem>> -> memref<128xi32, #tpu.memory_space<vmem>>
        %dma_start3A_50 = arith.constant 0 : i32
        %dma_start3A_51 = arith.constant 0 : i32
        %dma_start3A_52 = tpu.memref_slice %arg4[%dma_start3A_50, %dma_start3A_51] : memref<10240x128xf32, #tpu.memory_space<vmem_shared>> -> memref<10240x128xf32, #tpu.memory_space<vmem_shared>>
        tpu.enqueue_indirect_dma source(%arg5 : memref<128x128xf32, #tpu.memory_space<vmem>>) target(%dma_start3A_52 : memref<10240x128xf32, #tpu.memory_space<vmem_shared>>) offsets(%dma_start3A_49 : memref<128xi32, #tpu.memory_space<vmem>>) semaphore(%arg7 : memref<!tpu.dma_semaphore, #tpu.memory_space<semaphore_mem>>) {add = true}
        %add3A_53 = arith.constant 1 : i32
        %add3A_54 = arith.addi %mul3A_47, %add3A_53 : i32
        %dma_start3A_55 = arith.constant 0 : i32
        %dma_start3A_56 = tpu.memref_slice %arg6[%add3A_54, %dma_start3A_55] : memref<16x128xi32, #tpu.memory_space<vmem>> -> memref<1x128xi32, #tpu.memory_space<vmem>>
        %dma_start3A_57 = tpu.memref_squeeze %dma_start3A_56 : memref<1x128xi32, #tpu.memory_space<vmem>> -> memref<128xi32, #tpu.memory_space<vmem>>
        %dma_start3A_58 = arith.constant 0 : i32
        %dma_start3A_59 = arith.constant 0 : i32
        %dma_start3A_60 = tpu.memref_slice %arg4[%dma_start3A_58, %dma_start3A_59] : memref<10240x128xf32, #tpu.memory_space<vmem_shared>> -> memref<10240x128xf32, #tpu.memory_space<vmem_shared>>
        tpu.enqueue_indirect_dma source(%arg5 : memref<128x128xf32, #tpu.memory_space<vmem>>) target(%dma_start3A_60 : memref<10240x128xf32, #tpu.memory_space<vmem_shared>>) offsets(%dma_start3A_57 : memref<128xi32, #tpu.memory_space<vmem>>) semaphore(%arg8 : memref<!tpu.dma_semaphore, #tpu.memory_space<semaphore_mem>>) {add = true}
        %dma_wait3A = arith.constant 0 : i32
        %dma_wait3A_61 = tpu.memref_slice %arg6[%mul3A_47, %dma_wait3A] : memref<16x128xi32, #tpu.memory_space<vmem>> -> memref<1x128xi32, #tpu.memory_space<vmem>>
        %dma_wait3A_62 = tpu.memref_squeeze %dma_wait3A_61 : memref<1x128xi32, #tpu.memory_space<vmem>> -> memref<128xi32, #tpu.memory_space<vmem>>
        %dma_wait3A_63 = arith.constant 0 : i32
        %dma_wait3A_64 = arith.constant 0 : i32
        %dma_wait3A_65 = tpu.memref_slice %arg4[%dma_wait3A_63, %dma_wait3A_64] : memref<10240x128xf32, #tpu.memory_space<vmem_shared>> -> memref<10240x128xf32, #tpu.memory_space<vmem_shared>>
        tpu.wait_indirect_dma semaphore(%arg7 : memref<!tpu.dma_semaphore, #tpu.memory_space<semaphore_mem>>) src(%arg5 : memref<128x128xf32, #tpu.memory_space<vmem>>) dst(%dma_wait3A_65 : memref<10240x128xf32, #tpu.memory_space<vmem_shared>>)
        %dma_wait3A_66 = arith.constant 0 : i32
        %dma_wait3A_67 = tpu.memref_slice %arg6[%add3A_54, %dma_wait3A_66] : memref<16x128xi32, #tpu.memory_space<vmem>> -> memref<1x128xi32, #tpu.memory_space<vmem>>
        %dma_wait3A_68 = tpu.memref_squeeze %dma_wait3A_67 : memref<1x128xi32, #tpu.memory_space<vmem>> -> memref<128xi32, #tpu.memory_space<vmem>>
        %dma_wait3A_69 = arith.constant 0 : i32
        %dma_wait3A_70 = arith.constant 0 : i32
        %dma_wait3A_71 = tpu.memref_slice %arg4[%dma_wait3A_69, %dma_wait3A_70] : memref<10240x128xf32, #tpu.memory_space<vmem_shared>> -> memref<10240x128xf32, #tpu.memory_space<vmem_shared>>
        tpu.wait_indirect_dma semaphore(%arg8 : memref<!tpu.dma_semaphore, #tpu.memory_space<semaphore_mem>>) src(%arg5 : memref<128x128xf32, #tpu.memory_space<vmem>>) dst(%dma_wait3A_71 : memref<10240x128xf32, #tpu.memory_space<vmem_shared>>)
      }
      %scan3A_40 = arith.constant 8 : i32
    }
    %scan3A_20 = arith.constant 5 : i32
    %barrier3A_21 = arith.constant 0 : index
    tpu.barrier barrier_id(%barrier3A_21)
    %mul3A_22 = arith.constant 640 : i32
    %mul3A_23 = arith.muli %arg1, %mul3A_22 : i32
    %mul3A_24 = arith.constant 640 : i32
    %mul3A_25 = arith.muli %arg1, %mul3A_24 : i32
    "tpu.region"() ({
      %run_scoped3A = tpu.sem_alloc : memref<!tpu.dma_semaphore, #tpu.memory_space<semaphore_mem>>
      %dma_start3A = arith.constant 0 : i32
      %dma_start3A_26 = tpu.memref_slice %arg3[%arg0, %mul3A_25, %dma_start3A] : memref<2x10240x128xf32, #tpu.memory_space<hbm>> -> memref<1x640x128xf32, #tpu.memory_space<hbm>>
      %dma_start3A_27 = tpu.memref_squeeze %dma_start3A_26 : memref<1x640x128xf32, #tpu.memory_space<hbm>> -> memref<640x128xf32, #tpu.memory_space<hbm>>
      %dma_start3A_28 = arith.constant 0 : i32
      %dma_start3A_29 = tpu.memref_slice %arg4[%mul3A_23, %dma_start3A_28] : memref<10240x128xf32, #tpu.memory_space<vmem_shared>> -> memref<640x128xf32, #tpu.memory_space<vmem_shared>>
      tpu.enqueue_dma source(%dma_start3A_29 : memref<640x128xf32, #tpu.memory_space<vmem_shared>>) target(%dma_start3A_27 : memref<640x128xf32, #tpu.memory_space<hbm>>) target_semaphore(%run_scoped3A : memref<!tpu.dma_semaphore, #tpu.memory_space<semaphore_mem>>)
      %dma_wait3A = arith.constant 0 : i32
      %dma_wait3A_30 = tpu.memref_slice %arg3[%arg0, %mul3A_25, %dma_wait3A] : memref<2x10240x128xf32, #tpu.memory_space<hbm>> -> memref<1x640x128xf32, #tpu.memory_space<hbm>>
      %dma_wait3A_31 = tpu.memref_squeeze %dma_wait3A_30 : memref<1x640x128xf32, #tpu.memory_space<hbm>> -> memref<640x128xf32, #tpu.memory_space<hbm>>
      %dma_wait3A_32 = arith.constant 0 : i32
      %dma_wait3A_33 = tpu.memref_slice %arg4[%mul3A_23, %dma_wait3A_32] : memref<10240x128xf32, #tpu.memory_space<vmem_shared>> -> memref<640x128xf32, #tpu.memory_space<vmem_shared>>
      tpu.wait_dma2 semaphore(%run_scoped3A : memref<!tpu.dma_semaphore, #tpu.memory_space<semaphore_mem>>) src(%dma_wait3A_33 : memref<640x128xf32, #tpu.memory_space<vmem_shared>>) dst(%dma_wait3A_31 : memref<640x128xf32, #tpu.memory_space<hbm>>)
      tpu.yield
    }) : () -> ()
    return
  }
}

#map = affine_map<(d0, d1) -> (0, 0)>
#map1 = affine_map<(d0, d1) -> (0, 0, 0)>
module attributes {stable_mosaic.version = 14 : i64} {
  func.func @_sc_agg_body(%arg0: i32, %arg1: i32, %arg2: memref<10000x128xf32, #tpu.memory_space<hbm>>, %arg3: memref<2x2560x128xi32, #tpu.memory_space<hbm>>, %arg4: memref<2x10240x128xf32, #tpu.memory_space<hbm>>, %arg5: memref<10240x128xf32, #tpu.memory_space<vmem_shared>>, %arg6: memref<128x128xf32, #tpu.memory_space<vmem>>, %arg7: memref<128x128xf32, #tpu.memory_space<vmem>>, %arg8: memref<16x128xi32, #tpu.memory_space<vmem>>, %arg9: memref<16x128xi32, #tpu.memory_space<vmem>>, %arg10: memref<16x128xi32, #tpu.memory_space<vmem>>, %arg11: memref<16x128xi32, #tpu.memory_space<vmem>>, %arg12: memref<!tpu.dma_semaphore, #tpu.memory_space<semaphore_mem>>, %arg13: memref<!tpu.dma_semaphore, #tpu.memory_space<semaphore_mem>>, %arg14: memref<!tpu.dma_semaphore, #tpu.memory_space<semaphore_mem>>, %arg15: memref<!tpu.dma_semaphore, #tpu.memory_space<semaphore_mem>>, %arg16: memref<!tpu.dma_semaphore, #tpu.memory_space<semaphore_mem>>) attributes {dimension_semantics = [#tpu.dimension_semantics<core_parallel>, #tpu.dimension_semantics<subcore_parallel>], iteration_bounds = array<i64: 2, 16>, scalar_prefetch = 0 : i64, scratch_operands = 12 : i64, tpu.core_type = #tpu.core_type<sc_vector_subcore>, window_params = [{transform_indices = #map}, {transform_indices = #map1}, {transform_indices = #map1}]} {
    %mul3A = arith.constant 16 : i32
    %mul3A_0 = arith.muli %arg0, %mul3A : i32
    %add3A = arith.addi %mul3A_0, %arg1 : i32
    %scan3A = arith.constant 0 : i32
    %scan3A_1 = arith.constant 128 : i32
    %scan3A_2 = arith.addi %scan3A, %scan3A_1 : i32
    %scan3A_3 = arith.constant 1 : i32
    scf.for %scan3A_383 = %scan3A to %scan3A_2 step %scan3A_3  : i32 {
      %mul3A_384 = arith.constant 1 : i32
      %mul3A_385 = arith.muli %scan3A_383, %mul3A_384 : i32
      %add3A_386 = arith.constant 0 : i32
      %add3A_387 = arith.addi %add3A_386, %mul3A_385 : i32
      %scan3A_388 = arith.constant 0 : i32
      %scan3A_389 = arith.constant 8 : i32
      %scan3A_390 = arith.addi %scan3A_388, %scan3A_389 : i32
      %scan3A_391 = arith.constant 1 : i32
      scf.for %scan3A_393 = %scan3A_388 to %scan3A_390 step %scan3A_391  : i32 {
        %mul3A_394 = arith.constant 1 : i32
        %mul3A_395 = arith.muli %scan3A_393, %mul3A_394 : i32
        %add3A_396 = arith.constant 0 : i32
        %add3A_397 = arith.addi %add3A_396, %mul3A_395 : i32
        %broadcast_in_dim3A = arith.constant 0.000000e+00 : f32
        %broadcast_in_dim3A_398 = vector.broadcast %broadcast_in_dim3A : f32 to vector<16xf32>
        %mul3A_399 = arith.constant 16 : i32
        %mul3A_400 = arith.muli %add3A_397, %mul3A_399 : i32
        %swap3A = arith.index_cast %add3A_387 : i32 to index
        %swap3A_401 = arith.index_cast %mul3A_400 : i32 to index
        %swap3A_402 = tpu.vector_load %arg6[%swap3A, %swap3A_401] {strides = array<i32>} : memref<128x128xf32, #tpu.memory_space<vmem>>, vector<1x16xf32>,
        %swap3A_403 = vector.shape_cast %swap3A_402 : vector<1x16xf32> to vector<16xf32>
        %swap3A_404 = vector.shape_cast %broadcast_in_dim3A_398 : vector<16xf32> to vector<1x16xf32>
        tpu.vector_store %arg6[%swap3A, %swap3A_401], %swap3A_404 {strides = array<i32>} : memref<128x128xf32, #tpu.memory_space<vmem>>, vector<1x16xf32>,
      }
      %scan3A_392 = arith.constant 8 : i32
    }
    %scan3A_4 = arith.constant 128 : i32
    %scan3A_5 = arith.constant 0 : i32
    %scan3A_6 = arith.constant 5 : i32
    %scan3A_7 = arith.addi %scan3A_5, %scan3A_6 : i32
    %scan3A_8 = arith.constant 1 : i32
    scf.for %scan3A_383 = %scan3A_5 to %scan3A_7 step %scan3A_8  : i32 {
      %mul3A_384 = arith.constant 1 : i32
      %mul3A_385 = arith.muli %scan3A_383, %mul3A_384 : i32
      %add3A_386 = arith.constant 0 : i32
      %add3A_387 = arith.addi %add3A_386, %mul3A_385 : i32
      %mul3A_388 = arith.constant 640 : i32
      %mul3A_389 = arith.muli %arg1, %mul3A_388 : i32
      %mul3A_390 = arith.constant 128 : i32
      %mul3A_391 = arith.muli %add3A_387, %mul3A_390 : i32
      %add3A_392 = arith.addi %mul3A_389, %mul3A_391 : i32
      "tpu.region"() ({
        %run_scoped3A_393 = tpu.sem_alloc : memref<!tpu.dma_semaphore, #tpu.memory_space<semaphore_mem>>
        %dma_start3A_394 = arith.constant 0 : i32
        %dma_start3A_395 = tpu.memref_slice %arg5[%add3A_392, %dma_start3A_394] : memref<10240x128xf32, #tpu.memory_space<vmem_shared>> -> memref<128x128xf32, #tpu.memory_space<vmem_shared>>
        %dma_start3A_396 = arith.constant 0 : i32
        %dma_start3A_397 = tpu.memref_slice %arg5[%add3A_392, %dma_start3A_396] : memref<10240x128xf32, #tpu.memory_space<vmem_shared>> -> memref<128x128xf32, #tpu.memory_space<vmem_shared>>
        tpu.enqueue_dma source(%arg6 : memref<128x128xf32, #tpu.memory_space<vmem>>) target(%dma_start3A_397 : memref<128x128xf32, #tpu.memory_space<vmem_shared>>) target_semaphore(%run_scoped3A_393 : memref<!tpu.dma_semaphore, #tpu.memory_space<semaphore_mem>>)
        %dma_wait3A_398 = arith.constant 0 : i32
        %dma_wait3A_399 = tpu.memref_slice %arg5[%add3A_392, %dma_wait3A_398] : memref<10240x128xf32, #tpu.memory_space<vmem_shared>> -> memref<128x128xf32, #tpu.memory_space<vmem_shared>>
        %dma_wait3A_400 = arith.constant 0 : i32
        %dma_wait3A_401 = tpu.memref_slice %arg5[%add3A_392, %dma_wait3A_400] : memref<10240x128xf32, #tpu.memory_space<vmem_shared>> -> memref<128x128xf32, #tpu.memory_space<vmem_shared>>
        tpu.wait_dma2 semaphore(%run_scoped3A_393 : memref<!tpu.dma_semaphore, #tpu.memory_space<semaphore_mem>>) src(%arg6 : memref<128x128xf32, #tpu.memory_space<vmem>>) dst(%dma_wait3A_401 : memref<128x128xf32, #tpu.memory_space<vmem_shared>>)
        tpu.yield
      }) : () -> ()
    }
    %scan3A_9 = arith.constant 5 : i32
    %barrier3A = arith.constant 0 : index
    tpu.barrier barrier_id(%barrier3A)
    %mul3A_10 = arith.constant 80 : i32
    %mul3A_11 = arith.muli %add3A, %mul3A_10 : i32
    %run_scoped3A = arith.constant 0 : i32
    "tpu.region"() ({
      %run_scoped3A_383 = tpu.sem_alloc : memref<!tpu.dma_semaphore, #tpu.memory_space<semaphore_mem>>
      %dma_start3A_384 = arith.constant 0 : i32
      %dma_start3A_385 = arith.constant 0 : i32
      %dma_start3A_386 = tpu.memref_slice %arg3[%run_scoped3A, %dma_start3A_384, %dma_start3A_385] : memref<2x2560x128xi32, #tpu.memory_space<hbm>> -> memref<1x2560x128xi32, #tpu.memory_space<hbm>>
      %dma_start3A_387 = tpu.memref_squeeze %dma_start3A_386 : memref<1x2560x128xi32, #tpu.memory_space<hbm>> -> memref<2560x128xi32, #tpu.memory_space<hbm>>
      %dma_start3A_388 = arith.constant 0 : i32
      %dma_start3A_389 = tpu.memref_slice %dma_start3A_387[%mul3A_11, %dma_start3A_388] : memref<2560x128xi32, #tpu.memory_space<hbm>> -> memref<16x128xi32, #tpu.memory_space<hbm>>
      %dma_start3A_390 = arith.constant 0 : i32
      %dma_start3A_391 = arith.constant 0 : i32
      %dma_start3A_392 = tpu.memref_slice %arg3[%run_scoped3A, %dma_start3A_390, %dma_start3A_391] : memref<2x2560x128xi32, #tpu.memory_space<hbm>> -> memref<1x2560x128xi32, #tpu.memory_space<hbm>>
      %dma_start3A_393 = tpu.memref_squeeze %dma_start3A_392 : memref<1x2560x128xi32, #tpu.memory_space<hbm>> -> memref<2560x128xi32, #tpu.memory_space<hbm>>
      %dma_start3A_394 = arith.constant 0 : i32
      %dma_start3A_395 = tpu.memref_slice %dma_start3A_393[%mul3A_11, %dma_start3A_394] : memref<2560x128xi32, #tpu.memory_space<hbm>> -> memref<16x128xi32, #tpu.memory_space<hbm>>
      tpu.enqueue_dma source(%dma_start3A_395 : memref<16x128xi32, #tpu.memory_space<hbm>>) target(%arg8 : memref<16x128xi32, #tpu.memory_space<vmem>>) target_semaphore(%run_scoped3A_383 : memref<!tpu.dma_semaphore, #tpu.memory_space<semaphore_mem>>)
      %dma_wait3A_396 = arith.constant 0 : i32
      %dma_wait3A_397 = arith.constant 0 : i32
      %dma_wait3A_398 = tpu.memref_slice %arg3[%run_scoped3A, %dma_wait3A_396, %dma_wait3A_397] : memref<2x2560x128xi32, #tpu.memory_space<hbm>> -> memref<1x2560x128xi32, #tpu.memory_space<hbm>>
      %dma_wait3A_399 = tpu.memref_squeeze %dma_wait3A_398 : memref<1x2560x128xi32, #tpu.memory_space<hbm>> -> memref<2560x128xi32, #tpu.memory_space<hbm>>
      %dma_wait3A_400 = arith.constant 0 : i32
      %dma_wait3A_401 = tpu.memref_slice %dma_wait3A_399[%mul3A_11, %dma_wait3A_400] : memref<2560x128xi32, #tpu.memory_space<hbm>> -> memref<16x128xi32, #tpu.memory_space<hbm>>
      %dma_wait3A_402 = arith.constant 0 : i32
      %dma_wait3A_403 = arith.constant 0 : i32
      %dma_wait3A_404 = tpu.memref_slice %arg3[%run_scoped3A, %dma_wait3A_402, %dma_wait3A_403] : memref<2x2560x128xi32, #tpu.memory_space<hbm>> -> memref<1x2560x128xi32, #tpu.memory_space<hbm>>
      %dma_wait3A_405 = tpu.memref_squeeze %dma_wait3A_404 : memref<1x2560x128xi32, #tpu.memory_space<hbm>> -> memref<2560x128xi32, #tpu.memory_space<hbm>>
      %dma_wait3A_406 = arith.constant 0 : i32
      %dma_wait3A_407 = tpu.memref_slice %dma_wait3A_405[%mul3A_11, %dma_wait3A_406] : memref<2560x128xi32, #tpu.memory_space<hbm>> -> memref<16x128xi32, #tpu.memory_space<hbm>>
      tpu.wait_dma2 semaphore(%run_scoped3A_383 : memref<!tpu.dma_semaphore, #tpu.memory_space<semaphore_mem>>) src(%dma_wait3A_407 : memref<16x128xi32, #tpu.memory_space<hbm>>) dst(%arg8 : memref<16x128xi32, #tpu.memory_space<vmem>>)
      tpu.yield
    }) : () -> ()
    %mul3A_12 = arith.constant 80 : i32
    %mul3A_13 = arith.muli %add3A, %mul3A_12 : i32
    %run_scoped3A_14 = arith.constant 1 : i32
    "tpu.region"() ({
      %run_scoped3A_383 = tpu.sem_alloc : memref<!tpu.dma_semaphore, #tpu.memory_space<semaphore_mem>>
      %dma_start3A_384 = arith.constant 0 : i32
      %dma_start3A_385 = arith.constant 0 : i32
      %dma_start3A_386 = tpu.memref_slice %arg3[%run_scoped3A_14, %dma_start3A_384, %dma_start3A_385] : memref<2x2560x128xi32, #tpu.memory_space<hbm>> -> memref<1x2560x128xi32, #tpu.memory_space<hbm>>
      %dma_start3A_387 = tpu.memref_squeeze %dma_start3A_386 : memref<1x2560x128xi32, #tpu.memory_space<hbm>> -> memref<2560x128xi32, #tpu.memory_space<hbm>>
      %dma_start3A_388 = arith.constant 0 : i32
      %dma_start3A_389 = tpu.memref_slice %dma_start3A_387[%mul3A_13, %dma_start3A_388] : memref<2560x128xi32, #tpu.memory_space<hbm>> -> memref<16x128xi32, #tpu.memory_space<hbm>>
      %dma_start3A_390 = arith.constant 0 : i32
      %dma_start3A_391 = arith.constant 0 : i32
      %dma_start3A_392 = tpu.memref_slice %arg3[%run_scoped3A_14, %dma_start3A_390, %dma_start3A_391] : memref<2x2560x128xi32, #tpu.memory_space<hbm>> -> memref<1x2560x128xi32, #tpu.memory_space<hbm>>
      %dma_start3A_393 = tpu.memref_squeeze %dma_start3A_392 : memref<1x2560x128xi32, #tpu.memory_space<hbm>> -> memref<2560x128xi32, #tpu.memory_space<hbm>>
      %dma_start3A_394 = arith.constant 0 : i32
      %dma_start3A_395 = tpu.memref_slice %dma_start3A_393[%mul3A_13, %dma_start3A_394] : memref<2560x128xi32, #tpu.memory_space<hbm>> -> memref<16x128xi32, #tpu.memory_space<hbm>>
      tpu.enqueue_dma source(%dma_start3A_395 : memref<16x128xi32, #tpu.memory_space<hbm>>) target(%arg9 : memref<16x128xi32, #tpu.memory_space<vmem>>) target_semaphore(%run_scoped3A_383 : memref<!tpu.dma_semaphore, #tpu.memory_space<semaphore_mem>>)
      %dma_wait3A_396 = arith.constant 0 : i32
      %dma_wait3A_397 = arith.constant 0 : i32
      %dma_wait3A_398 = tpu.memref_slice %arg3[%run_scoped3A_14, %dma_wait3A_396, %dma_wait3A_397] : memref<2x2560x128xi32, #tpu.memory_space<hbm>> -> memref<1x2560x128xi32, #tpu.memory_space<hbm>>
      %dma_wait3A_399 = tpu.memref_squeeze %dma_wait3A_398 : memref<1x2560x128xi32, #tpu.memory_space<hbm>> -> memref<2560x128xi32, #tpu.memory_space<hbm>>
      %dma_wait3A_400 = arith.constant 0 : i32
      %dma_wait3A_401 = tpu.memref_slice %dma_wait3A_399[%mul3A_13, %dma_wait3A_400] : memref<2560x128xi32, #tpu.memory_space<hbm>> -> memref<16x128xi32, #tpu.memory_space<hbm>>
      %dma_wait3A_402 = arith.constant 0 : i32
      %dma_wait3A_403 = arith.constant 0 : i32
      %dma_wait3A_404 = tpu.memref_slice %arg3[%run_scoped3A_14, %dma_wait3A_402, %dma_wait3A_403] : memref<2x2560x128xi32, #tpu.memory_space<hbm>> -> memref<1x2560x128xi32, #tpu.memory_space<hbm>>
      %dma_wait3A_405 = tpu.memref_squeeze %dma_wait3A_404 : memref<1x2560x128xi32, #tpu.memory_space<hbm>> -> memref<2560x128xi32, #tpu.memory_space<hbm>>
      %dma_wait3A_406 = arith.constant 0 : i32
      %dma_wait3A_407 = tpu.memref_slice %dma_wait3A_405[%mul3A_13, %dma_wait3A_406] : memref<2560x128xi32, #tpu.memory_space<hbm>> -> memref<16x128xi32, #tpu.memory_space<hbm>>
      tpu.wait_dma2 semaphore(%run_scoped3A_383 : memref<!tpu.dma_semaphore, #tpu.memory_space<semaphore_mem>>) src(%dma_wait3A_407 : memref<16x128xi32, #tpu.memory_space<hbm>>) dst(%arg9 : memref<16x128xi32, #tpu.memory_space<vmem>>)
      tpu.yield
    }) : () -> ()
    %dma_start3A = arith.constant 0 : i32
    %dma_start3A_15 = arith.constant 0 : i32
    %dma_start3A_16 = arith.constant 0 : i32
    %dma_start3A_17 = tpu.memref_slice %arg6[%dma_start3A_15, %dma_start3A_16] : memref<128x128xf32, #tpu.memory_space<vmem>> -> memref<64x128xf32, #tpu.memory_space<vmem>>
    %dma_start3A_18 = arith.constant 0 : i32
    %dma_start3A_19 = tpu.memref_slice %arg8[%dma_start3A, %dma_start3A_18] : memref<16x128xi32, #tpu.memory_space<vmem>> -> memref<1x64xi32, #tpu.memory_space<vmem>>
    %dma_start3A_20 = tpu.memref_squeeze %dma_start3A_19 : memref<1x64xi32, #tpu.memory_space<vmem>> -> memref<64xi32, #tpu.memory_space<vmem>>
    %dma_start3A_21 = arith.constant 0 : i32
    %dma_start3A_22 = arith.constant 0 : i32
    %dma_start3A_23 = tpu.memref_slice %arg2[%dma_start3A_21, %dma_start3A_22] : memref<10000x128xf32, #tpu.memory_space<hbm>> -> memref<10000x128xf32, #tpu.memory_space<hbm>>
    tpu.enqueue_indirect_dma source(%dma_start3A_23 : memref<10000x128xf32, #tpu.memory_space<hbm>>) target(%dma_start3A_17 : memref<64x128xf32, #tpu.memory_space<vmem>>) offsets(%dma_start3A_20 : memref<64xi32, #tpu.memory_space<vmem>>) semaphore(%arg12 : memref<!tpu.dma_semaphore, #tpu.memory_space<semaphore_mem>>)
    %dma_start3A_24 = arith.constant 0 : i32
    %dma_start3A_25 = arith.constant 64 : i32
    %dma_start3A_26 = arith.constant 0 : i32
    %dma_start3A_27 = tpu.memref_slice %arg6[%dma_start3A_25, %dma_start3A_26] : memref<128x128xf32, #tpu.memory_space<vmem>> -> memref<64x128xf32, #tpu.memory_space<vmem>>
    %dma_start3A_28 = arith.constant 64 : i32
    %dma_start3A_29 = tpu.memref_slice %arg8[%dma_start3A_24, %dma_start3A_28] : memref<16x128xi32, #tpu.memory_space<vmem>> -> memref<1x64xi32, #tpu.memory_space<vmem>>
    %dma_start3A_30 = tpu.memref_squeeze %dma_start3A_29 : memref<1x64xi32, #tpu.memory_space<vmem>> -> memref<64xi32, #tpu.memory_space<vmem>>
    %dma_start3A_31 = arith.constant 0 : i32
    %dma_start3A_32 = arith.constant 0 : i32
    %dma_start3A_33 = tpu.memref_slice %arg2[%dma_start3A_31, %dma_start3A_32] : memref<10000x128xf32, #tpu.memory_space<hbm>> -> memref<10000x128xf32, #tpu.memory_space<hbm>>
    tpu.enqueue_indirect_dma source(%dma_start3A_33 : memref<10000x128xf32, #tpu.memory_space<hbm>>) target(%dma_start3A_27 : memref<64x128xf32, #tpu.memory_space<vmem>>) offsets(%dma_start3A_30 : memref<64xi32, #tpu.memory_space<vmem>>) semaphore(%arg12 : memref<!tpu.dma_semaphore, #tpu.memory_space<semaphore_mem>>)
    %mul3A_34 = arith.constant 80 : i32
    %mul3A_35 = arith.muli %add3A, %mul3A_34 : i32
    %add3A_36 = arith.constant 16 : i32
    %add3A_37 = arith.addi %mul3A_35, %add3A_36 : i32
    %dma_start3A_38 = arith.constant 0 : i32
    %dma_start3A_39 = arith.constant 0 : i32
    %dma_start3A_40 = arith.constant 0 : i32
    %dma_start3A_41 = tpu.memref_slice %arg3[%dma_start3A_38, %dma_start3A_39, %dma_start3A_40] : memref<2x2560x128xi32, #tpu.memory_space<hbm>> -> memref<1x2560x128xi32, #tpu.memory_space<hbm>>
    %dma_start3A_42 = tpu.memref_squeeze %dma_start3A_41 : memref<1x2560x128xi32, #tpu.memory_space<hbm>> -> memref<2560x128xi32, #tpu.memory_space<hbm>>
    %dma_start3A_43 = arith.constant 0 : i32
    %dma_start3A_44 = tpu.memref_slice %dma_start3A_42[%add3A_37, %dma_start3A_43] : memref<2560x128xi32, #tpu.memory_space<hbm>> -> memref<16x128xi32, #tpu.memory_space<hbm>>
    %dma_start3A_45 = arith.constant 0 : i32
    %dma_start3A_46 = arith.constant 0 : i32
    %dma_start3A_47 = tpu.memref_slice %arg3[%dma_start3A_38, %dma_start3A_45, %dma_start3A_46] : memref<2x2560x128xi32, #tpu.memory_space<hbm>> -> memref<1x2560x128xi32, #tpu.memory_space<hbm>>
    %dma_start3A_48 = tpu.memref_squeeze %dma_start3A_47 : memref<1x2560x128xi32, #tpu.memory_space<hbm>> -> memref<2560x128xi32, #tpu.memory_space<hbm>>
    %dma_start3A_49 = arith.constant 0 : i32
    %dma_start3A_50 = tpu.memref_slice %dma_start3A_48[%add3A_37, %dma_start3A_49] : memref<2560x128xi32, #tpu.memory_space<hbm>> -> memref<16x128xi32, #tpu.memory_space<hbm>>
    tpu.enqueue_dma source(%dma_start3A_50 : memref<16x128xi32, #tpu.memory_space<hbm>>) target(%arg10 : memref<16x128xi32, #tpu.memory_space<vmem>>) target_semaphore(%arg16 : memref<!tpu.dma_semaphore, #tpu.memory_space<semaphore_mem>>)
    %dma_start3A_51 = arith.constant 1 : i32
    %dma_start3A_52 = arith.constant 0 : i32
    %dma_start3A_53 = arith.constant 0 : i32
    %dma_start3A_54 = tpu.memref_slice %arg3[%dma_start3A_51, %dma_start3A_52, %dma_start3A_53] : memref<2x2560x128xi32, #tpu.memory_space<hbm>> -> memref<1x2560x128xi32, #tpu.memory_space<hbm>>
    %dma_start3A_55 = tpu.memref_squeeze %dma_start3A_54 : memref<1x2560x128xi32, #tpu.memory_space<hbm>> -> memref<2560x128xi32, #tpu.memory_space<hbm>>
    %dma_start3A_56 = arith.constant 0 : i32
    %dma_start3A_57 = tpu.memref_slice %dma_start3A_55[%add3A_37, %dma_start3A_56] : memref<2560x128xi32, #tpu.memory_space<hbm>> -> memref<16x128xi32, #tpu.memory_space<hbm>>
    %dma_start3A_58 = arith.constant 0 : i32
    %dma_start3A_59 = arith.constant 0 : i32
    %dma_start3A_60 = tpu.memref_slice %arg3[%dma_start3A_51, %dma_start3A_58, %dma_start3A_59] : memref<2x2560x128xi32, #tpu.memory_space<hbm>> -> memref<1x2560x128xi32, #tpu.memory_space<hbm>>
    %dma_start3A_61 = tpu.memref_squeeze %dma_start3A_60 : memref<1x2560x128xi32, #tpu.memory_space<hbm>> -> memref<2560x128xi32, #tpu.memory_space<hbm>>
    %dma_start3A_62 = arith.constant 0 : i32
    %dma_start3A_63 = tpu.memref_slice %dma_start3A_61[%add3A_37, %dma_start3A_62] : memref<2560x128xi32, #tpu.memory_space<hbm>> -> memref<16x128xi32, #tpu.memory_space<hbm>>
    tpu.enqueue_dma source(%dma_start3A_63 : memref<16x128xi32, #tpu.memory_space<hbm>>) target(%arg11 : memref<16x128xi32, #tpu.memory_space<vmem>>) target_semaphore(%arg16 : memref<!tpu.dma_semaphore, #tpu.memory_space<semaphore_mem>>)
    %scan3A_64 = arith.constant 0 : i32
    %scan3A_65 = arith.constant 8 : i32
    %scan3A_66 = arith.addi %scan3A_64, %scan3A_65 : i32
    %scan3A_67 = arith.constant 1 : i32
    scf.for %scan3A_383 = %scan3A_64 to %scan3A_66 step %scan3A_67  : i32 {
      %mul3A_384 = arith.constant 1 : i32
      %mul3A_385 = arith.muli %scan3A_383, %mul3A_384 : i32
      %add3A_386 = arith.constant 0 : i32
      %add3A_387 = arith.addi %add3A_386, %mul3A_385 : i32
      %mul3A_388 = arith.constant 2 : i32
      %mul3A_389 = arith.muli %mul3A_388, %add3A_387 : i32
      %add3A_390 = arith.constant 1 : i32
      %add3A_391 = arith.addi %mul3A_389, %add3A_390 : i32
      %dma_start3A_392 = arith.constant 0 : i32
      %dma_start3A_393 = arith.constant 0 : i32
      %dma_start3A_394 = tpu.memref_slice %arg7[%dma_start3A_392, %dma_start3A_393] : memref<128x128xf32, #tpu.memory_space<vmem>> -> memref<64x128xf32, #tpu.memory_space<vmem>>
      %dma_start3A_395 = arith.constant 0 : i32
      %dma_start3A_396 = tpu.memref_slice %arg8[%add3A_391, %dma_start3A_395] : memref<16x128xi32, #tpu.memory_space<vmem>> -> memref<1x64xi32, #tpu.memory_space<vmem>>
      %dma_start3A_397 = tpu.memref_squeeze %dma_start3A_396 : memref<1x64xi32, #tpu.memory_space<vmem>> -> memref<64xi32, #tpu.memory_space<vmem>>
      %dma_start3A_398 = arith.constant 0 : i32
      %dma_start3A_399 = arith.constant 0 : i32
      %dma_start3A_400 = tpu.memref_slice %arg2[%dma_start3A_398, %dma_start3A_399] : memref<10000x128xf32, #tpu.memory_space<hbm>> -> memref<10000x128xf32, #tpu.memory_space<hbm>>
      tpu.enqueue_indirect_dma source(%dma_start3A_400 : memref<10000x128xf32, #tpu.memory_space<hbm>>) target(%dma_start3A_394 : memref<64x128xf32, #tpu.memory_space<vmem>>) offsets(%dma_start3A_397 : memref<64xi32, #tpu.memory_space<vmem>>) semaphore(%arg13 : memref<!tpu.dma_semaphore, #tpu.memory_space<semaphore_mem>>)
      %dma_start3A_401 = arith.constant 64 : i32
      %dma_start3A_402 = arith.constant 0 : i32
      %dma_start3A_403 = tpu.memref_slice %arg7[%dma_start3A_401, %dma_start3A_402] : memref<128x128xf32, #tpu.memory_space<vmem>> -> memref<64x128xf32, #tpu.memory_space<vmem>>
      %dma_start3A_404 = arith.constant 64 : i32
      %dma_start3A_405 = tpu.memref_slice %arg8[%add3A_391, %dma_start3A_404] : memref<16x128xi32, #tpu.memory_space<vmem>> -> memref<1x64xi32, #tpu.memory_space<vmem>>
      %dma_start3A_406 = tpu.memref_squeeze %dma_start3A_405 : memref<1x64xi32, #tpu.memory_space<vmem>> -> memref<64xi32, #tpu.memory_space<vmem>>
      %dma_start3A_407 = arith.constant 0 : i32
      %dma_start3A_408 = arith.constant 0 : i32
      %dma_start3A_409 = tpu.memref_slice %arg2[%dma_start3A_407, %dma_start3A_408] : memref<10000x128xf32, #tpu.memory_space<hbm>> -> memref<10000x128xf32, #tpu.memory_space<hbm>>
      tpu.enqueue_indirect_dma source(%dma_start3A_409 : memref<10000x128xf32, #tpu.memory_space<hbm>>) target(%dma_start3A_403 : memref<64x128xf32, #tpu.memory_space<vmem>>) offsets(%dma_start3A_406 : memref<64xi32, #tpu.memory_space<vmem>>) semaphore(%arg13 : memref<!tpu.dma_semaphore, #tpu.memory_space<semaphore_mem>>)
      %dma_wait3A_410 = arith.constant 0 : i32
      %dma_wait3A_411 = arith.constant 0 : i32
      %dma_wait3A_412 = tpu.memref_slice %arg2[%dma_wait3A_410, %dma_wait3A_411] : memref<10000x128xf32, #tpu.memory_space<hbm>> -> memref<128x128xf32, #tpu.memory_space<hbm>>
      %dma_wait3A_413 = arith.constant 0 : i32
      %dma_wait3A_414 = arith.constant 0 : i32
      %dma_wait3A_415 = tpu.memref_slice %arg2[%dma_wait3A_413, %dma_wait3A_414] : memref<10000x128xf32, #tpu.memory_space<hbm>> -> memref<128x128xf32, #tpu.memory_space<hbm>>
      tpu.wait_dma2 semaphore(%arg12 : memref<!tpu.dma_semaphore, #tpu.memory_space<semaphore_mem>>) src(%dma_wait3A_415 : memref<128x128xf32, #tpu.memory_space<hbm>>) dst(%arg6 : memref<128x128xf32, #tpu.memory_space<vmem>>)
      %dma_start3A_416 = arith.constant 0 : i32
      %dma_start3A_417 = tpu.memref_slice %arg9[%mul3A_389, %dma_start3A_416] : memref<16x128xi32, #tpu.memory_space<vmem>> -> memref<1x128xi32, #tpu.memory_space<vmem>>
      %dma_start3A_418 = tpu.memref_squeeze %dma_start3A_417 : memref<1x128xi32, #tpu.memory_space<vmem>> -> memref<128xi32, #tpu.memory_space<vmem>>
      %dma_start3A_419 = arith.constant 0 : i32
      %dma_start3A_420 = arith.constant 0 : i32
      %dma_start3A_421 = tpu.memref_slice %arg5[%dma_start3A_419, %dma_start3A_420] : memref<10240x128xf32, #tpu.memory_space<vmem_shared>> -> memref<10240x128xf32, #tpu.memory_space<vmem_shared>>
      tpu.enqueue_indirect_dma source(%arg6 : memref<128x128xf32, #tpu.memory_space<vmem>>) target(%dma_start3A_421 : memref<10240x128xf32, #tpu.memory_space<vmem_shared>>) offsets(%dma_start3A_418 : memref<128xi32, #tpu.memory_space<vmem>>) semaphore(%arg14 : memref<!tpu.dma_semaphore, #tpu.memory_space<semaphore_mem>>) {add = true}
      %dma_wait3A_422 = arith.constant 0 : i32
      %dma_wait3A_423 = arith.constant 0 : i32
      %dma_wait3A_424 = tpu.memref_slice %arg2[%dma_wait3A_422, %dma_wait3A_423] : memref<10000x128xf32, #tpu.memory_space<hbm>> -> memref<128x128xf32, #tpu.memory_space<hbm>>
      %dma_wait3A_425 = arith.constant 0 : i32
      %dma_wait3A_426 = arith.constant 0 : i32
      %dma_wait3A_427 = tpu.memref_slice %arg2[%dma_wait3A_425, %dma_wait3A_426] : memref<10000x128xf32, #tpu.memory_space<hbm>> -> memref<128x128xf32, #tpu.memory_space<hbm>>
      tpu.wait_dma2 semaphore(%arg13 : memref<!tpu.dma_semaphore, #tpu.memory_space<semaphore_mem>>) src(%dma_wait3A_427 : memref<128x128xf32, #tpu.memory_space<hbm>>) dst(%arg7 : memref<128x128xf32, #tpu.memory_space<vmem>>)
      %add3A_428 = arith.constant 1 : i32
      %add3A_429 = arith.addi %mul3A_389, %add3A_428 : i32
      %dma_start3A_430 = arith.constant 0 : i32
      %dma_start3A_431 = tpu.memref_slice %arg9[%add3A_429, %dma_start3A_430] : memref<16x128xi32, #tpu.memory_space<vmem>> -> memref<1x128xi32, #tpu.memory_space<vmem>>
      %dma_start3A_432 = tpu.memref_squeeze %dma_start3A_431 : memref<1x128xi32, #tpu.memory_space<vmem>> -> memref<128xi32, #tpu.memory_space<vmem>>
      %dma_start3A_433 = arith.constant 0 : i32
      %dma_start3A_434 = arith.constant 0 : i32
      %dma_start3A_435 = tpu.memref_slice %arg5[%dma_start3A_433, %dma_start3A_434] : memref<10240x128xf32, #tpu.memory_space<vmem_shared>> -> memref<10240x128xf32, #tpu.memory_space<vmem_shared>>
      tpu.enqueue_indirect_dma source(%arg7 : memref<128x128xf32, #tpu.memory_space<vmem>>) target(%dma_start3A_435 : memref<10240x128xf32, #tpu.memory_space<vmem_shared>>) offsets(%dma_start3A_432 : memref<128xi32, #tpu.memory_space<vmem>>) semaphore(%arg15 : memref<!tpu.dma_semaphore, #tpu.memory_space<semaphore_mem>>) {add = true}
      %dma_wait3A_436 = arith.constant 0 : i32
      %dma_wait3A_437 = arith.constant 0 : i32
      %dma_wait3A_438 = tpu.memref_slice %arg5[%dma_wait3A_436, %dma_wait3A_437] : memref<10240x128xf32, #tpu.memory_space<vmem_shared>> -> memref<128x128xf32, #tpu.memory_space<vmem_shared>>
      %dma_wait3A_439 = arith.constant 0 : i32
      %dma_wait3A_440 = arith.constant 0 : i32
      %dma_wait3A_441 = tpu.memref_slice %arg5[%dma_wait3A_439, %dma_wait3A_440] : memref<10240x128xf32, #tpu.memory_space<vmem_shared>> -> memref<128x128xf32, #tpu.memory_space<vmem_shared>>
      tpu.wait_dma2 semaphore(%arg14 : memref<!tpu.dma_semaphore, #tpu.memory_space<semaphore_mem>>) src(%arg6 : memref<128x128xf32, #tpu.memory_space<vmem>>) dst(%dma_wait3A_441 : memref<128x128xf32, #tpu.memory_space<vmem_shared>>)
      %lt3A = arith.constant 7 : i32
      %lt3A_442 = arith.cmpi slt, %add3A_387, %lt3A : i32
      %convert_element_type3A = arith.extui %lt3A_442 : i1 to i32
      %cond3A = arith.constant 0 : i32
      %cond3A_443 = arith.cmpi ne, %convert_element_type3A, %cond3A : i32
      scf.if %cond3A_443 {
        %add3A_450 = arith.constant 2 : i32
        %add3A_451 = arith.addi %mul3A_389, %add3A_450 : i32
        %dma_start3A_452 = arith.constant 0 : i32
        %dma_start3A_453 = arith.constant 0 : i32
        %dma_start3A_454 = tpu.memref_slice %arg6[%dma_start3A_452, %dma_start3A_453] : memref<128x128xf32, #tpu.memory_space<vmem>> -> memref<64x128xf32, #tpu.memory_space<vmem>>
        %dma_start3A_455 = arith.constant 0 : i32
        %dma_start3A_456 = tpu.memref_slice %arg8[%add3A_451, %dma_start3A_455] : memref<16x128xi32, #tpu.memory_space<vmem>> -> memref<1x64xi32, #tpu.memory_space<vmem>>
        %dma_start3A_457 = tpu.memref_squeeze %dma_start3A_456 : memref<1x64xi32, #tpu.memory_space<vmem>> -> memref<64xi32, #tpu.memory_space<vmem>>
        %dma_start3A_458 = arith.constant 0 : i32
        %dma_start3A_459 = arith.constant 0 : i32
        %dma_start3A_460 = tpu.memref_slice %arg2[%dma_start3A_458, %dma_start3A_459] : memref<10000x128xf32, #tpu.memory_space<hbm>> -> memref<10000x128xf32, #tpu.memory_space<hbm>>
        tpu.enqueue_indirect_dma source(%dma_start3A_460 : memref<10000x128xf32, #tpu.memory_space<hbm>>) target(%dma_start3A_454 : memref<64x128xf32, #tpu.memory_space<vmem>>) offsets(%dma_start3A_457 : memref<64xi32, #tpu.memory_space<vmem>>) semaphore(%arg12 : memref<!tpu.dma_semaphore, #tpu.memory_space<semaphore_mem>>)
        %dma_start3A_461 = arith.constant 64 : i32
        %dma_start3A_462 = arith.constant 0 : i32
        %dma_start3A_463 = tpu.memref_slice %arg6[%dma_start3A_461, %dma_start3A_462] : memref<128x128xf32, #tpu.memory_space<vmem>> -> memref<64x128xf32, #tpu.memory_space<vmem>>
        %dma_start3A_464 = arith.constant 64 : i32
        %dma_start3A_465 = tpu.memref_slice %arg8[%add3A_451, %dma_start3A_464] : memref<16x128xi32, #tpu.memory_space<vmem>> -> memref<1x64xi32, #tpu.memory_space<vmem>>
        %dma_start3A_466 = tpu.memref_squeeze %dma_start3A_465 : memref<1x64xi32, #tpu.memory_space<vmem>> -> memref<64xi32, #tpu.memory_space<vmem>>
        %dma_start3A_467 = arith.constant 0 : i32
        %dma_start3A_468 = arith.constant 0 : i32
        %dma_start3A_469 = tpu.memref_slice %arg2[%dma_start3A_467, %dma_start3A_468] : memref<10000x128xf32, #tpu.memory_space<hbm>> -> memref<10000x128xf32, #tpu.memory_space<hbm>>
        tpu.enqueue_indirect_dma source(%dma_start3A_469 : memref<10000x128xf32, #tpu.memory_space<hbm>>) target(%dma_start3A_463 : memref<64x128xf32, #tpu.memory_space<vmem>>) offsets(%dma_start3A_466 : memref<64xi32, #tpu.memory_space<vmem>>) semaphore(%arg12 : memref<!tpu.dma_semaphore, #tpu.memory_space<semaphore_mem>>)
      } else {
      }
      %dma_wait3A_444 = arith.constant 0 : i32
      %dma_wait3A_445 = arith.constant 0 : i32
      %dma_wait3A_446 = tpu.memref_slice %arg5[%dma_wait3A_444, %dma_wait3A_445] : memref<10240x128xf32, #tpu.memory_space<vmem_shared>> -> memref<128x128xf32, #tpu.memory_space<vmem_shared>>
      %dma_wait3A_447 = arith.constant 0 : i32
      %dma_wait3A_448 = arith.constant 0 : i32
      %dma_wait3A_449 = tpu.memref_slice %arg5[%dma_wait3A_447, %dma_wait3A_448] : memref<10240x128xf32, #tpu.memory_space<vmem_shared>> -> memref<128x128xf32, #tpu.memory_space<vmem_shared>>
      tpu.wait_dma2 semaphore(%arg15 : memref<!tpu.dma_semaphore, #tpu.memory_space<semaphore_mem>>) src(%arg7 : memref<128x128xf32, #tpu.memory_space<vmem>>) dst(%dma_wait3A_449 : memref<128x128xf32, #tpu.memory_space<vmem_shared>>)
    }
    %scan3A_68 = arith.constant 8 : i32
    %mul3A_69 = arith.constant 80 : i32
    %mul3A_70 = arith.muli %add3A, %mul3A_69 : i32
    %dma_wait3A = arith.constant 0 : i32
    %dma_wait3A_71 = arith.constant 0 : i32
    %dma_wait3A_72 = arith.constant 0 : i32
    %dma_wait3A_73 = tpu.memref_slice %arg3[%dma_wait3A, %dma_wait3A_71, %dma_wait3A_72] : memref<2x2560x128xi32, #tpu.memory_space<hbm>> -> memref<1x2560x128xi32, #tpu.memory_space<hbm>>
    %dma_wait3A_74 = tpu.memref_squeeze %dma_wait3A_73 : memref<1x2560x128xi32, #tpu.memory_space<hbm>> -> memref<2560x128xi32, #tpu.memory_space<hbm>>
    %dma_wait3A_75 = arith.constant 0 : i32
    %dma_wait3A_76 = tpu.memref_slice %dma_wait3A_74[%mul3A_70, %dma_wait3A_75] : memref<2560x128xi32, #tpu.memory_space<hbm>> -> memref<16x128xi32, #tpu.memory_space<hbm>>
    %dma_wait3A_77 = arith.constant 0 : i32
    %dma_wait3A_78 = arith.constant 0 : i32
    %dma_wait3A_79 = tpu.memref_slice %arg3[%dma_wait3A, %dma_wait3A_77, %dma_wait3A_78] : memref<2x2560x128xi32, #tpu.memory_space<hbm>> -> memref<1x2560x128xi32, #tpu.memory_space<hbm>>
    %dma_wait3A_80 = tpu.memref_squeeze %dma_wait3A_79 : memref<1x2560x128xi32, #tpu.memory_space<hbm>> -> memref<2560x128xi32, #tpu.memory_space<hbm>>
    %dma_wait3A_81 = arith.constant 0 : i32
    %dma_wait3A_82 = tpu.memref_slice %dma_wait3A_80[%mul3A_70, %dma_wait3A_81] : memref<2560x128xi32, #tpu.memory_space<hbm>> -> memref<16x128xi32, #tpu.memory_space<hbm>>
    tpu.wait_dma2 semaphore(%arg16 : memref<!tpu.dma_semaphore, #tpu.memory_space<semaphore_mem>>) src(%dma_wait3A_82 : memref<16x128xi32, #tpu.memory_space<hbm>>) dst(%arg10 : memref<16x128xi32, #tpu.memory_space<vmem>>)
    %mul3A_83 = arith.constant 80 : i32
    %mul3A_84 = arith.muli %add3A, %mul3A_83 : i32
    %dma_wait3A_85 = arith.constant 1 : i32
    %dma_wait3A_86 = arith.constant 0 : i32
    %dma_wait3A_87 = arith.constant 0 : i32
    %dma_wait3A_88 = tpu.memref_slice %arg3[%dma_wait3A_85, %dma_wait3A_86, %dma_wait3A_87] : memref<2x2560x128xi32, #tpu.memory_space<hbm>> -> memref<1x2560x128xi32, #tpu.memory_space<hbm>>
    %dma_wait3A_89 = tpu.memref_squeeze %dma_wait3A_88 : memref<1x2560x128xi32, #tpu.memory_space<hbm>> -> memref<2560x128xi32, #tpu.memory_space<hbm>>
    %dma_wait3A_90 = arith.constant 0 : i32
    %dma_wait3A_91 = tpu.memref_slice %dma_wait3A_89[%mul3A_84, %dma_wait3A_90] : memref<2560x128xi32, #tpu.memory_space<hbm>> -> memref<16x128xi32, #tpu.memory_space<hbm>>
    %dma_wait3A_92 = arith.constant 0 : i32
    %dma_wait3A_93 = arith.constant 0 : i32
    %dma_wait3A_94 = tpu.memref_slice %arg3[%dma_wait3A_85, %dma_wait3A_92, %dma_wait3A_93] : memref<2x2560x128xi32, #tpu.memory_space<hbm>> -> memref<1x2560x128xi32, #tpu.memory_space<hbm>>
    %dma_wait3A_95 = tpu.memref_squeeze %dma_wait3A_94 : memref<1x2560x128xi32, #tpu.memory_space<hbm>> -> memref<2560x128xi32, #tpu.memory_space<hbm>>
    %dma_wait3A_96 = arith.constant 0 : i32
    %dma_wait3A_97 = tpu.memref_slice %dma_wait3A_95[%mul3A_84, %dma_wait3A_96] : memref<2560x128xi32, #tpu.memory_space<hbm>> -> memref<16x128xi32, #tpu.memory_space<hbm>>
    tpu.wait_dma2 semaphore(%arg16 : memref<!tpu.dma_semaphore, #tpu.memory_space<semaphore_mem>>) src(%dma_wait3A_97 : memref<16x128xi32, #tpu.memory_space<hbm>>) dst(%arg11 : memref<16x128xi32, #tpu.memory_space<vmem>>)
    %dma_start3A_98 = arith.constant 0 : i32
    %dma_start3A_99 = arith.constant 0 : i32
    %dma_start3A_100 = arith.constant 0 : i32
    %dma_start3A_101 = tpu.memref_slice %arg6[%dma_start3A_99, %dma_start3A_100] : memref<128x128xf32, #tpu.memory_space<vmem>> -> memref<64x128xf32, #tpu.memory_space<vmem>>
    %dma_start3A_102 = arith.constant 0 : i32
    %dma_start3A_103 = tpu.memref_slice %arg10[%dma_start3A_98, %dma_start3A_102] : memref<16x128xi32, #tpu.memory_space<vmem>> -> memref<1x64xi32, #tpu.memory_space<vmem>>
    %dma_start3A_104 = tpu.memref_squeeze %dma_start3A_103 : memref<1x64xi32, #tpu.memory_space<vmem>> -> memref<64xi32, #tpu.memory_space<vmem>>
    %dma_start3A_105 = arith.constant 0 : i32
    %dma_start3A_106 = arith.constant 0 : i32
    %dma_start3A_107 = tpu.memref_slice %arg2[%dma_start3A_105, %dma_start3A_106] : memref<10000x128xf32, #tpu.memory_space<hbm>> -> memref<10000x128xf32, #tpu.memory_space<hbm>>
    tpu.enqueue_indirect_dma source(%dma_start3A_107 : memref<10000x128xf32, #tpu.memory_space<hbm>>) target(%dma_start3A_101 : memref<64x128xf32, #tpu.memory_space<vmem>>) offsets(%dma_start3A_104 : memref<64xi32, #tpu.memory_space<vmem>>) semaphore(%arg12 : memref<!tpu.dma_semaphore, #tpu.memory_space<semaphore_mem>>)
    %dma_start3A_108 = arith.constant 0 : i32
    %dma_start3A_109 = arith.constant 64 : i32
    %dma_start3A_110 = arith.constant 0 : i32
    %dma_start3A_111 = tpu.memref_slice %arg6[%dma_start3A_109, %dma_start3A_110] : memref<128x128xf32, #tpu.memory_space<vmem>> -> memref<64x128xf32, #tpu.memory_space<vmem>>
    %dma_start3A_112 = arith.constant 64 : i32
    %dma_start3A_113 = tpu.memref_slice %arg10[%dma_start3A_108, %dma_start3A_112] : memref<16x128xi32, #tpu.memory_space<vmem>> -> memref<1x64xi32, #tpu.memory_space<vmem>>
    %dma_start3A_114 = tpu.memref_squeeze %dma_start3A_113 : memref<1x64xi32, #tpu.memory_space<vmem>> -> memref<64xi32, #tpu.memory_space<vmem>>
    %dma_start3A_115 = arith.constant 0 : i32
    %dma_start3A_116 = arith.constant 0 : i32
    %dma_start3A_117 = tpu.memref_slice %arg2[%dma_start3A_115, %dma_start3A_116] : memref<10000x128xf32, #tpu.memory_space<hbm>> -> memref<10000x128xf32, #tpu.memory_space<hbm>>
    tpu.enqueue_indirect_dma source(%dma_start3A_117 : memref<10000x128xf32, #tpu.memory_space<hbm>>) target(%dma_start3A_111 : memref<64x128xf32, #tpu.memory_space<vmem>>) offsets(%dma_start3A_114 : memref<64xi32, #tpu.memory_space<vmem>>) semaphore(%arg12 : memref<!tpu.dma_semaphore, #tpu.memory_space<semaphore_mem>>)
    %mul3A_118 = arith.constant 80 : i32
    %mul3A_119 = arith.muli %add3A, %mul3A_118 : i32
    %add3A_120 = arith.constant 32 : i32
    %add3A_121 = arith.addi %mul3A_119, %add3A_120 : i32
    %dma_start3A_122 = arith.constant 0 : i32
    %dma_start3A_123 = arith.constant 0 : i32
    %dma_start3A_124 = arith.constant 0 : i32
    %dma_start3A_125 = tpu.memref_slice %arg3[%dma_start3A_122, %dma_start3A_123, %dma_start3A_124] : memref<2x2560x128xi32, #tpu.memory_space<hbm>> -> memref<1x2560x128xi32, #tpu.memory_space<hbm>>
    %dma_start3A_126 = tpu.memref_squeeze %dma_start3A_125 : memref<1x2560x128xi32, #tpu.memory_space<hbm>> -> memref<2560x128xi32, #tpu.memory_space<hbm>>
    %dma_start3A_127 = arith.constant 0 : i32
    %dma_start3A_128 = tpu.memref_slice %dma_start3A_126[%add3A_121, %dma_start3A_127] : memref<2560x128xi32, #tpu.memory_space<hbm>> -> memref<16x128xi32, #tpu.memory_space<hbm>>
    %dma_start3A_129 = arith.constant 0 : i32
    %dma_start3A_130 = arith.constant 0 : i32
    %dma_start3A_131 = tpu.memref_slice %arg3[%dma_start3A_122, %dma_start3A_129, %dma_start3A_130] : memref<2x2560x128xi32, #tpu.memory_space<hbm>> -> memref<1x2560x128xi32, #tpu.memory_space<hbm>>
    %dma_start3A_132 = tpu.memref_squeeze %dma_start3A_131 : memref<1x2560x128xi32, #tpu.memory_space<hbm>> -> memref<2560x128xi32, #tpu.memory_space<hbm>>
    %dma_start3A_133 = arith.constant 0 : i32
    %dma_start3A_134 = tpu.memref_slice %dma_start3A_132[%add3A_121, %dma_start3A_133] : memref<2560x128xi32, #tpu.memory_space<hbm>> -> memref<16x128xi32, #tpu.memory_space<hbm>>
    tpu.enqueue_dma source(%dma_start3A_134 : memref<16x128xi32, #tpu.memory_space<hbm>>) target(%arg8 : memref<16x128xi32, #tpu.memory_space<vmem>>) target_semaphore(%arg16 : memref<!tpu.dma_semaphore, #tpu.memory_space<semaphore_mem>>)
    %dma_start3A_135 = arith.constant 1 : i32
    %dma_start3A_136 = arith.constant 0 : i32
    %dma_start3A_137 = arith.constant 0 : i32
    %dma_start3A_138 = tpu.memref_slice %arg3[%dma_start3A_135, %dma_start3A_136, %dma_start3A_137] : memref<2x2560x128xi32, #tpu.memory_space<hbm>> -> memref<1x2560x128xi32, #tpu.memory_space<hbm>>
    %dma_start3A_139 = tpu.memref_squeeze %dma_start3A_138 : memref<1x2560x128xi32, #tpu.memory_space<hbm>> -> memref<2560x128xi32, #tpu.memory_space<hbm>>
    %dma_start3A_140 = arith.constant 0 : i32
    %dma_start3A_141 = tpu.memref_slice %dma_start3A_139[%add3A_121, %dma_start3A_140] : memref<2560x128xi32, #tpu.memory_space<hbm>> -> memref<16x128xi32, #tpu.memory_space<hbm>>
    %dma_start3A_142 = arith.constant 0 : i32
    %dma_start3A_143 = arith.constant 0 : i32
    %dma_start3A_144 = tpu.memref_slice %arg3[%dma_start3A_135, %dma_start3A_142, %dma_start3A_143] : memref<2x2560x128xi32, #tpu.memory_space<hbm>> -> memref<1x2560x128xi32, #tpu.memory_space<hbm>>
    %dma_start3A_145 = tpu.memref_squeeze %dma_start3A_144 : memref<1x2560x128xi32, #tpu.memory_space<hbm>> -> memref<2560x128xi32, #tpu.memory_space<hbm>>
    %dma_start3A_146 = arith.constant 0 : i32
    %dma_start3A_147 = tpu.memref_slice %dma_start3A_145[%add3A_121, %dma_start3A_146] : memref<2560x128xi32, #tpu.memory_space<hbm>> -> memref<16x128xi32, #tpu.memory_space<hbm>>
    tpu.enqueue_dma source(%dma_start3A_147 : memref<16x128xi32, #tpu.memory_space<hbm>>) target(%arg9 : memref<16x128xi32, #tpu.memory_space<vmem>>) target_semaphore(%arg16 : memref<!tpu.dma_semaphore, #tpu.memory_space<semaphore_mem>>)
    %scan3A_148 = arith.constant 0 : i32
    %scan3A_149 = arith.constant 8 : i32
    %scan3A_150 = arith.addi %scan3A_148, %scan3A_149 : i32
    %scan3A_151 = arith.constant 1 : i32
    scf.for %scan3A_383 = %scan3A_148 to %scan3A_150 step %scan3A_151  : i32 {
      %mul3A_384 = arith.constant 1 : i32
      %mul3A_385 = arith.muli %scan3A_383, %mul3A_384 : i32
      %add3A_386 = arith.constant 0 : i32
      %add3A_387 = arith.addi %add3A_386, %mul3A_385 : i32
      %mul3A_388 = arith.constant 2 : i32
      %mul3A_389 = arith.muli %mul3A_388, %add3A_387 : i32
      %add3A_390 = arith.constant 1 : i32
      %add3A_391 = arith.addi %mul3A_389, %add3A_390 : i32
      %dma_start3A_392 = arith.constant 0 : i32
      %dma_start3A_393 = arith.constant 0 : i32
      %dma_start3A_394 = tpu.memref_slice %arg7[%dma_start3A_392, %dma_start3A_393] : memref<128x128xf32, #tpu.memory_space<vmem>> -> memref<64x128xf32, #tpu.memory_space<vmem>>
      %dma_start3A_395 = arith.constant 0 : i32
      %dma_start3A_396 = tpu.memref_slice %arg10[%add3A_391, %dma_start3A_395] : memref<16x128xi32, #tpu.memory_space<vmem>> -> memref<1x64xi32, #tpu.memory_space<vmem>>
      %dma_start3A_397 = tpu.memref_squeeze %dma_start3A_396 : memref<1x64xi32, #tpu.memory_space<vmem>> -> memref<64xi32, #tpu.memory_space<vmem>>
      %dma_start3A_398 = arith.constant 0 : i32
      %dma_start3A_399 = arith.constant 0 : i32
      %dma_start3A_400 = tpu.memref_slice %arg2[%dma_start3A_398, %dma_start3A_399] : memref<10000x128xf32, #tpu.memory_space<hbm>> -> memref<10000x128xf32, #tpu.memory_space<hbm>>
      tpu.enqueue_indirect_dma source(%dma_start3A_400 : memref<10000x128xf32, #tpu.memory_space<hbm>>) target(%dma_start3A_394 : memref<64x128xf32, #tpu.memory_space<vmem>>) offsets(%dma_start3A_397 : memref<64xi32, #tpu.memory_space<vmem>>) semaphore(%arg13 : memref<!tpu.dma_semaphore, #tpu.memory_space<semaphore_mem>>)
      %dma_start3A_401 = arith.constant 64 : i32
      %dma_start3A_402 = arith.constant 0 : i32
      %dma_start3A_403 = tpu.memref_slice %arg7[%dma_start3A_401, %dma_start3A_402] : memref<128x128xf32, #tpu.memory_space<vmem>> -> memref<64x128xf32, #tpu.memory_space<vmem>>
      %dma_start3A_404 = arith.constant 64 : i32
      %dma_start3A_405 = tpu.memref_slice %arg10[%add3A_391, %dma_start3A_404] : memref<16x128xi32, #tpu.memory_space<vmem>> -> memref<1x64xi32, #tpu.memory_space<vmem>>
      %dma_start3A_406 = tpu.memref_squeeze %dma_start3A_405 : memref<1x64xi32, #tpu.memory_space<vmem>> -> memref<64xi32, #tpu.memory_space<vmem>>
      %dma_start3A_407 = arith.constant 0 : i32
      %dma_start3A_408 = arith.constant 0 : i32
      %dma_start3A_409 = tpu.memref_slice %arg2[%dma_start3A_407, %dma_start3A_408] : memref<10000x128xf32, #tpu.memory_space<hbm>> -> memref<10000x128xf32, #tpu.memory_space<hbm>>
      tpu.enqueue_indirect_dma source(%dma_start3A_409 : memref<10000x128xf32, #tpu.memory_space<hbm>>) target(%dma_start3A_403 : memref<64x128xf32, #tpu.memory_space<vmem>>) offsets(%dma_start3A_406 : memref<64xi32, #tpu.memory_space<vmem>>) semaphore(%arg13 : memref<!tpu.dma_semaphore, #tpu.memory_space<semaphore_mem>>)
      %dma_wait3A_410 = arith.constant 0 : i32
      %dma_wait3A_411 = arith.constant 0 : i32
      %dma_wait3A_412 = tpu.memref_slice %arg2[%dma_wait3A_410, %dma_wait3A_411] : memref<10000x128xf32, #tpu.memory_space<hbm>> -> memref<128x128xf32, #tpu.memory_space<hbm>>
      %dma_wait3A_413 = arith.constant 0 : i32
      %dma_wait3A_414 = arith.constant 0 : i32
      %dma_wait3A_415 = tpu.memref_slice %arg2[%dma_wait3A_413, %dma_wait3A_414] : memref<10000x128xf32, #tpu.memory_space<hbm>> -> memref<128x128xf32, #tpu.memory_space<hbm>>
      tpu.wait_dma2 semaphore(%arg12 : memref<!tpu.dma_semaphore, #tpu.memory_space<semaphore_mem>>) src(%dma_wait3A_415 : memref<128x128xf32, #tpu.memory_space<hbm>>) dst(%arg6 : memref<128x128xf32, #tpu.memory_space<vmem>>)
      %dma_start3A_416 = arith.constant 0 : i32
      %dma_start3A_417 = tpu.memref_slice %arg11[%mul3A_389, %dma_start3A_416] : memref<16x128xi32, #tpu.memory_space<vmem>> -> memref<1x128xi32, #tpu.memory_space<vmem>>
      %dma_start3A_418 = tpu.memref_squeeze %dma_start3A_417 : memref<1x128xi32, #tpu.memory_space<vmem>> -> memref<128xi32, #tpu.memory_space<vmem>>
      %dma_start3A_419 = arith.constant 0 : i32
      %dma_start3A_420 = arith.constant 0 : i32
      %dma_start3A_421 = tpu.memref_slice %arg5[%dma_start3A_419, %dma_start3A_420] : memref<10240x128xf32, #tpu.memory_space<vmem_shared>> -> memref<10240x128xf32, #tpu.memory_space<vmem_shared>>
      tpu.enqueue_indirect_dma source(%arg6 : memref<128x128xf32, #tpu.memory_space<vmem>>) target(%dma_start3A_421 : memref<10240x128xf32, #tpu.memory_space<vmem_shared>>) offsets(%dma_start3A_418 : memref<128xi32, #tpu.memory_space<vmem>>) semaphore(%arg14 : memref<!tpu.dma_semaphore, #tpu.memory_space<semaphore_mem>>) {add = true}
      %dma_wait3A_422 = arith.constant 0 : i32
      %dma_wait3A_423 = arith.constant 0 : i32
      %dma_wait3A_424 = tpu.memref_slice %arg2[%dma_wait3A_422, %dma_wait3A_423] : memref<10000x128xf32, #tpu.memory_space<hbm>> -> memref<128x128xf32, #tpu.memory_space<hbm>>
      %dma_wait3A_425 = arith.constant 0 : i32
      %dma_wait3A_426 = arith.constant 0 : i32
      %dma_wait3A_427 = tpu.memref_slice %arg2[%dma_wait3A_425, %dma_wait3A_426] : memref<10000x128xf32, #tpu.memory_space<hbm>> -> memref<128x128xf32, #tpu.memory_space<hbm>>
      tpu.wait_dma2 semaphore(%arg13 : memref<!tpu.dma_semaphore, #tpu.memory_space<semaphore_mem>>) src(%dma_wait3A_427 : memref<128x128xf32, #tpu.memory_space<hbm>>) dst(%arg7 : memref<128x128xf32, #tpu.memory_space<vmem>>)
      %add3A_428 = arith.constant 1 : i32
      %add3A_429 = arith.addi %mul3A_389, %add3A_428 : i32
      %dma_start3A_430 = arith.constant 0 : i32
      %dma_start3A_431 = tpu.memref_slice %arg11[%add3A_429, %dma_start3A_430] : memref<16x128xi32, #tpu.memory_space<vmem>> -> memref<1x128xi32, #tpu.memory_space<vmem>>
      %dma_start3A_432 = tpu.memref_squeeze %dma_start3A_431 : memref<1x128xi32, #tpu.memory_space<vmem>> -> memref<128xi32, #tpu.memory_space<vmem>>
      %dma_start3A_433 = arith.constant 0 : i32
      %dma_start3A_434 = arith.constant 0 : i32
      %dma_start3A_435 = tpu.memref_slice %arg5[%dma_start3A_433, %dma_start3A_434] : memref<10240x128xf32, #tpu.memory_space<vmem_shared>> -> memref<10240x128xf32, #tpu.memory_space<vmem_shared>>
      tpu.enqueue_indirect_dma source(%arg7 : memref<128x128xf32, #tpu.memory_space<vmem>>) target(%dma_start3A_435 : memref<10240x128xf32, #tpu.memory_space<vmem_shared>>) offsets(%dma_start3A_432 : memref<128xi32, #tpu.memory_space<vmem>>) semaphore(%arg15 : memref<!tpu.dma_semaphore, #tpu.memory_space<semaphore_mem>>) {add = true}
      %dma_wait3A_436 = arith.constant 0 : i32
      %dma_wait3A_437 = arith.constant 0 : i32
      %dma_wait3A_438 = tpu.memref_slice %arg5[%dma_wait3A_436, %dma_wait3A_437] : memref<10240x128xf32, #tpu.memory_space<vmem_shared>> -> memref<128x128xf32, #tpu.memory_space<vmem_shared>>
      %dma_wait3A_439 = arith.constant 0 : i32
      %dma_wait3A_440 = arith.constant 0 : i32
      %dma_wait3A_441 = tpu.memref_slice %arg5[%dma_wait3A_439, %dma_wait3A_440] : memref<10240x128xf32, #tpu.memory_space<vmem_shared>> -> memref<128x128xf32, #tpu.memory_space<vmem_shared>>
      tpu.wait_dma2 semaphore(%arg14 : memref<!tpu.dma_semaphore, #tpu.memory_space<semaphore_mem>>) src(%arg6 : memref<128x128xf32, #tpu.memory_space<vmem>>) dst(%dma_wait3A_441 : memref<128x128xf32, #tpu.memory_space<vmem_shared>>)
      %lt3A = arith.constant 7 : i32
      %lt3A_442 = arith.cmpi slt, %add3A_387, %lt3A : i32
      %convert_element_type3A = arith.extui %lt3A_442 : i1 to i32
      %cond3A = arith.constant 0 : i32
      %cond3A_443 = arith.cmpi ne, %convert_element_type3A, %cond3A : i32
      scf.if %cond3A_443 {
        %add3A_450 = arith.constant 2 : i32
        %add3A_451 = arith.addi %mul3A_389, %add3A_450 : i32
        %dma_start3A_452 = arith.constant 0 : i32
        %dma_start3A_453 = arith.constant 0 : i32
        %dma_start3A_454 = tpu.memref_slice %arg6[%dma_start3A_452, %dma_start3A_453] : memref<128x128xf32, #tpu.memory_space<vmem>> -> memref<64x128xf32, #tpu.memory_space<vmem>>
        %dma_start3A_455 = arith.constant 0 : i32
        %dma_start3A_456 = tpu.memref_slice %arg10[%add3A_451, %dma_start3A_455] : memref<16x128xi32, #tpu.memory_space<vmem>> -> memref<1x64xi32, #tpu.memory_space<vmem>>
        %dma_start3A_457 = tpu.memref_squeeze %dma_start3A_456 : memref<1x64xi32, #tpu.memory_space<vmem>> -> memref<64xi32, #tpu.memory_space<vmem>>
        %dma_start3A_458 = arith.constant 0 : i32
        %dma_start3A_459 = arith.constant 0 : i32
        %dma_start3A_460 = tpu.memref_slice %arg2[%dma_start3A_458, %dma_start3A_459] : memref<10000x128xf32, #tpu.memory_space<hbm>> -> memref<10000x128xf32, #tpu.memory_space<hbm>>
        tpu.enqueue_indirect_dma source(%dma_start3A_460 : memref<10000x128xf32, #tpu.memory_space<hbm>>) target(%dma_start3A_454 : memref<64x128xf32, #tpu.memory_space<vmem>>) offsets(%dma_start3A_457 : memref<64xi32, #tpu.memory_space<vmem>>) semaphore(%arg12 : memref<!tpu.dma_semaphore, #tpu.memory_space<semaphore_mem>>)
        %dma_start3A_461 = arith.constant 64 : i32
        %dma_start3A_462 = arith.constant 0 : i32
        %dma_start3A_463 = tpu.memref_slice %arg6[%dma_start3A_461, %dma_start3A_462] : memref<128x128xf32, #tpu.memory_space<vmem>> -> memref<64x128xf32, #tpu.memory_space<vmem>>
        %dma_start3A_464 = arith.constant 64 : i32
        %dma_start3A_465 = tpu.memref_slice %arg10[%add3A_451, %dma_start3A_464] : memref<16x128xi32, #tpu.memory_space<vmem>> -> memref<1x64xi32, #tpu.memory_space<vmem>>
        %dma_start3A_466 = tpu.memref_squeeze %dma_start3A_465 : memref<1x64xi32, #tpu.memory_space<vmem>> -> memref<64xi32, #tpu.memory_space<vmem>>
        %dma_start3A_467 = arith.constant 0 : i32
        %dma_start3A_468 = arith.constant 0 : i32
        %dma_start3A_469 = tpu.memref_slice %arg2[%dma_start3A_467, %dma_start3A_468] : memref<10000x128xf32, #tpu.memory_space<hbm>> -> memref<10000x128xf32, #tpu.memory_space<hbm>>
        tpu.enqueue_indirect_dma source(%dma_start3A_469 : memref<10000x128xf32, #tpu.memory_space<hbm>>) target(%dma_start3A_463 : memref<64x128xf32, #tpu.memory_space<vmem>>) offsets(%dma_start3A_466 : memref<64xi32, #tpu.memory_space<vmem>>) semaphore(%arg12 : memref<!tpu.dma_semaphore, #tpu.memory_space<semaphore_mem>>)
      } else {
      }
      %dma_wait3A_444 = arith.constant 0 : i32
      %dma_wait3A_445 = arith.constant 0 : i32
      %dma_wait3A_446 = tpu.memref_slice %arg5[%dma_wait3A_444, %dma_wait3A_445] : memref<10240x128xf32, #tpu.memory_space<vmem_shared>> -> memref<128x128xf32, #tpu.memory_space<vmem_shared>>
      %dma_wait3A_447 = arith.constant 0 : i32
      %dma_wait3A_448 = arith.constant 0 : i32
      %dma_wait3A_449 = tpu.memref_slice %arg5[%dma_wait3A_447, %dma_wait3A_448] : memref<10240x128xf32, #tpu.memory_space<vmem_shared>> -> memref<128x128xf32, #tpu.memory_space<vmem_shared>>
      tpu.wait_dma2 semaphore(%arg15 : memref<!tpu.dma_semaphore, #tpu.memory_space<semaphore_mem>>) src(%arg7 : memref<128x128xf32, #tpu.memory_space<vmem>>) dst(%dma_wait3A_449 : memref<128x128xf32, #tpu.memory_space<vmem_shared>>)
    }
    %scan3A_152 = arith.constant 8 : i32
    %mul3A_153 = arith.constant 80 : i32
    %mul3A_154 = arith.muli %add3A, %mul3A_153 : i32
    %dma_wait3A_155 = arith.constant 0 : i32
    %dma_wait3A_156 = arith.constant 0 : i32
    %dma_wait3A_157 = arith.constant 0 : i32
    %dma_wait3A_158 = tpu.memref_slice %arg3[%dma_wait3A_155, %dma_wait3A_156, %dma_wait3A_157] : memref<2x2560x128xi32, #tpu.memory_space<hbm>> -> memref<1x2560x128xi32, #tpu.memory_space<hbm>>
    %dma_wait3A_159 = tpu.memref_squeeze %dma_wait3A_158 : memref<1x2560x128xi32, #tpu.memory_space<hbm>> -> memref<2560x128xi32, #tpu.memory_space<hbm>>
    %dma_wait3A_160 = arith.constant 0 : i32
    %dma_wait3A_161 = tpu.memref_slice %dma_wait3A_159[%mul3A_154, %dma_wait3A_160] : memref<2560x128xi32, #tpu.memory_space<hbm>> -> memref<16x128xi32, #tpu.memory_space<hbm>>
    %dma_wait3A_162 = arith.constant 0 : i32
    %dma_wait3A_163 = arith.constant 0 : i32
    %dma_wait3A_164 = tpu.memref_slice %arg3[%dma_wait3A_155, %dma_wait3A_162, %dma_wait3A_163] : memref<2x2560x128xi32, #tpu.memory_space<hbm>> -> memref<1x2560x128xi32, #tpu.memory_space<hbm>>
    %dma_wait3A_165 = tpu.memref_squeeze %dma_wait3A_164 : memref<1x2560x128xi32, #tpu.memory_space<hbm>> -> memref<2560x128xi32, #tpu.memory_space<hbm>>
    %dma_wait3A_166 = arith.constant 0 : i32
    %dma_wait3A_167 = tpu.memref_slice %dma_wait3A_165[%mul3A_154, %dma_wait3A_166] : memref<2560x128xi32, #tpu.memory_space<hbm>> -> memref<16x128xi32, #tpu.memory_space<hbm>>
    tpu.wait_dma2 semaphore(%arg16 : memref<!tpu.dma_semaphore, #tpu.memory_space<semaphore_mem>>) src(%dma_wait3A_167 : memref<16x128xi32, #tpu.memory_space<hbm>>) dst(%arg8 : memref<16x128xi32, #tpu.memory_space<vmem>>)
    %mul3A_168 = arith.constant 80 : i32
    %mul3A_169 = arith.muli %add3A, %mul3A_168 : i32
    %dma_wait3A_170 = arith.constant 1 : i32
    %dma_wait3A_171 = arith.constant 0 : i32
    %dma_wait3A_172 = arith.constant 0 : i32
    %dma_wait3A_173 = tpu.memref_slice %arg3[%dma_wait3A_170, %dma_wait3A_171, %dma_wait3A_172] : memref<2x2560x128xi32, #tpu.memory_space<hbm>> -> memref<1x2560x128xi32, #tpu.memory_space<hbm>>
    %dma_wait3A_174 = tpu.memref_squeeze %dma_wait3A_173 : memref<1x2560x128xi32, #tpu.memory_space<hbm>> -> memref<2560x128xi32, #tpu.memory_space<hbm>>
    %dma_wait3A_175 = arith.constant 0 : i32
    %dma_wait3A_176 = tpu.memref_slice %dma_wait3A_174[%mul3A_169, %dma_wait3A_175] : memref<2560x128xi32, #tpu.memory_space<hbm>> -> memref<16x128xi32, #tpu.memory_space<hbm>>
    %dma_wait3A_177 = arith.constant 0 : i32
    %dma_wait3A_178 = arith.constant 0 : i32
    %dma_wait3A_179 = tpu.memref_slice %arg3[%dma_wait3A_170, %dma_wait3A_177, %dma_wait3A_178] : memref<2x2560x128xi32, #tpu.memory_space<hbm>> -> memref<1x2560x128xi32, #tpu.memory_space<hbm>>
    %dma_wait3A_180 = tpu.memref_squeeze %dma_wait3A_179 : memref<1x2560x128xi32, #tpu.memory_space<hbm>> -> memref<2560x128xi32, #tpu.memory_space<hbm>>
    %dma_wait3A_181 = arith.constant 0 : i32
    %dma_wait3A_182 = tpu.memref_slice %dma_wait3A_180[%mul3A_169, %dma_wait3A_181] : memref<2560x128xi32, #tpu.memory_space<hbm>> -> memref<16x128xi32, #tpu.memory_space<hbm>>
    tpu.wait_dma2 semaphore(%arg16 : memref<!tpu.dma_semaphore, #tpu.memory_space<semaphore_mem>>) src(%dma_wait3A_182 : memref<16x128xi32, #tpu.memory_space<hbm>>) dst(%arg9 : memref<16x128xi32, #tpu.memory_space<vmem>>)
    %dma_start3A_183 = arith.constant 0 : i32
    %dma_start3A_184 = arith.constant 0 : i32
    %dma_start3A_185 = arith.constant 0 : i32
    %dma_start3A_186 = tpu.memref_slice %arg6[%dma_start3A_184, %dma_start3A_185] : memref<128x128xf32, #tpu.memory_space<vmem>> -> memref<64x128xf32, #tpu.memory_space<vmem>>
    %dma_start3A_187 = arith.constant 0 : i32
    %dma_start3A_188 = tpu.memref_slice %arg8[%dma_start3A_183, %dma_start3A_187] : memref<16x128xi32, #tpu.memory_space<vmem>> -> memref<1x64xi32, #tpu.memory_space<vmem>>
    %dma_start3A_189 = tpu.memref_squeeze %dma_start3A_188 : memref<1x64xi32, #tpu.memory_space<vmem>> -> memref<64xi32, #tpu.memory_space<vmem>>
    %dma_start3A_190 = arith.constant 0 : i32
    %dma_start3A_191 = arith.constant 0 : i32
    %dma_start3A_192 = tpu.memref_slice %arg2[%dma_start3A_190, %dma_start3A_191] : memref<10000x128xf32, #tpu.memory_space<hbm>> -> memref<10000x128xf32, #tpu.memory_space<hbm>>
    tpu.enqueue_indirect_dma source(%dma_start3A_192 : memref<10000x128xf32, #tpu.memory_space<hbm>>) target(%dma_start3A_186 : memref<64x128xf32, #tpu.memory_space<vmem>>) offsets(%dma_start3A_189 : memref<64xi32, #tpu.memory_space<vmem>>) semaphore(%arg12 : memref<!tpu.dma_semaphore, #tpu.memory_space<semaphore_mem>>)
    %dma_start3A_193 = arith.constant 0 : i32
    %dma_start3A_194 = arith.constant 64 : i32
    %dma_start3A_195 = arith.constant 0 : i32
    %dma_start3A_196 = tpu.memref_slice %arg6[%dma_start3A_194, %dma_start3A_195] : memref<128x128xf32, #tpu.memory_space<vmem>> -> memref<64x128xf32, #tpu.memory_space<vmem>>
    %dma_start3A_197 = arith.constant 64 : i32
    %dma_start3A_198 = tpu.memref_slice %arg8[%dma_start3A_193, %dma_start3A_197] : memref<16x128xi32, #tpu.memory_space<vmem>> -> memref<1x64xi32, #tpu.memory_space<vmem>>
    %dma_start3A_199 = tpu.memref_squeeze %dma_start3A_198 : memref<1x64xi32, #tpu.memory_space<vmem>> -> memref<64xi32, #tpu.memory_space<vmem>>
    %dma_start3A_200 = arith.constant 0 : i32
    %dma_start3A_201 = arith.constant 0 : i32
    %dma_start3A_202 = tpu.memref_slice %arg2[%dma_start3A_200, %dma_start3A_201] : memref<10000x128xf32, #tpu.memory_space<hbm>> -> memref<10000x128xf32, #tpu.memory_space<hbm>>
    tpu.enqueue_indirect_dma source(%dma_start3A_202 : memref<10000x128xf32, #tpu.memory_space<hbm>>) target(%dma_start3A_196 : memref<64x128xf32, #tpu.memory_space<vmem>>) offsets(%dma_start3A_199 : memref<64xi32, #tpu.memory_space<vmem>>) semaphore(%arg12 : memref<!tpu.dma_semaphore, #tpu.memory_space<semaphore_mem>>)
    %mul3A_203 = arith.constant 80 : i32
    %mul3A_204 = arith.muli %add3A, %mul3A_203 : i32
    %add3A_205 = arith.constant 48 : i32
    %add3A_206 = arith.addi %mul3A_204, %add3A_205 : i32
    %dma_start3A_207 = arith.constant 0 : i32
    %dma_start3A_208 = arith.constant 0 : i32
    %dma_start3A_209 = arith.constant 0 : i32
    %dma_start3A_210 = tpu.memref_slice %arg3[%dma_start3A_207, %dma_start3A_208, %dma_start3A_209] : memref<2x2560x128xi32, #tpu.memory_space<hbm>> -> memref<1x2560x128xi32, #tpu.memory_space<hbm>>
    %dma_start3A_211 = tpu.memref_squeeze %dma_start3A_210 : memref<1x2560x128xi32, #tpu.memory_space<hbm>> -> memref<2560x128xi32, #tpu.memory_space<hbm>>
    %dma_start3A_212 = arith.constant 0 : i32
    %dma_start3A_213 = tpu.memref_slice %dma_start3A_211[%add3A_206, %dma_start3A_212] : memref<2560x128xi32, #tpu.memory_space<hbm>> -> memref<16x128xi32, #tpu.memory_space<hbm>>
    %dma_start3A_214 = arith.constant 0 : i32
    %dma_start3A_215 = arith.constant 0 : i32
    %dma_start3A_216 = tpu.memref_slice %arg3[%dma_start3A_207, %dma_start3A_214, %dma_start3A_215] : memref<2x2560x128xi32, #tpu.memory_space<hbm>> -> memref<1x2560x128xi32, #tpu.memory_space<hbm>>
    %dma_start3A_217 = tpu.memref_squeeze %dma_start3A_216 : memref<1x2560x128xi32, #tpu.memory_space<hbm>> -> memref<2560x128xi32, #tpu.memory_space<hbm>>
    %dma_start3A_218 = arith.constant 0 : i32
    %dma_start3A_219 = tpu.memref_slice %dma_start3A_217[%add3A_206, %dma_start3A_218] : memref<2560x128xi32, #tpu.memory_space<hbm>> -> memref<16x128xi32, #tpu.memory_space<hbm>>
    tpu.enqueue_dma source(%dma_start3A_219 : memref<16x128xi32, #tpu.memory_space<hbm>>) target(%arg10 : memref<16x128xi32, #tpu.memory_space<vmem>>) target_semaphore(%arg16 : memref<!tpu.dma_semaphore, #tpu.memory_space<semaphore_mem>>)
    %dma_start3A_220 = arith.constant 1 : i32
    %dma_start3A_221 = arith.constant 0 : i32
    %dma_start3A_222 = arith.constant 0 : i32
    %dma_start3A_223 = tpu.memref_slice %arg3[%dma_start3A_220, %dma_start3A_221, %dma_start3A_222] : memref<2x2560x128xi32, #tpu.memory_space<hbm>> -> memref<1x2560x128xi32, #tpu.memory_space<hbm>>
    %dma_start3A_224 = tpu.memref_squeeze %dma_start3A_223 : memref<1x2560x128xi32, #tpu.memory_space<hbm>> -> memref<2560x128xi32, #tpu.memory_space<hbm>>
    %dma_start3A_225 = arith.constant 0 : i32
    %dma_start3A_226 = tpu.memref_slice %dma_start3A_224[%add3A_206, %dma_start3A_225] : memref<2560x128xi32, #tpu.memory_space<hbm>> -> memref<16x128xi32, #tpu.memory_space<hbm>>
    %dma_start3A_227 = arith.constant 0 : i32
    %dma_start3A_228 = arith.constant 0 : i32
    %dma_start3A_229 = tpu.memref_slice %arg3[%dma_start3A_220, %dma_start3A_227, %dma_start3A_228] : memref<2x2560x128xi32, #tpu.memory_space<hbm>> -> memref<1x2560x128xi32, #tpu.memory_space<hbm>>
    %dma_start3A_230 = tpu.memref_squeeze %dma_start3A_229 : memref<1x2560x128xi32, #tpu.memory_space<hbm>> -> memref<2560x128xi32, #tpu.memory_space<hbm>>
    %dma_start3A_231 = arith.constant 0 : i32
    %dma_start3A_232 = tpu.memref_slice %dma_start3A_230[%add3A_206, %dma_start3A_231] : memref<2560x128xi32, #tpu.memory_space<hbm>> -> memref<16x128xi32, #tpu.memory_space<hbm>>
    tpu.enqueue_dma source(%dma_start3A_232 : memref<16x128xi32, #tpu.memory_space<hbm>>) target(%arg11 : memref<16x128xi32, #tpu.memory_space<vmem>>) target_semaphore(%arg16 : memref<!tpu.dma_semaphore, #tpu.memory_space<semaphore_mem>>)
    %scan3A_233 = arith.constant 0 : i32
    %scan3A_234 = arith.constant 8 : i32
    %scan3A_235 = arith.addi %scan3A_233, %scan3A_234 : i32
    %scan3A_236 = arith.constant 1 : i32
    scf.for %scan3A_383 = %scan3A_233 to %scan3A_235 step %scan3A_236  : i32 {
      %mul3A_384 = arith.constant 1 : i32
      %mul3A_385 = arith.muli %scan3A_383, %mul3A_384 : i32
      %add3A_386 = arith.constant 0 : i32
      %add3A_387 = arith.addi %add3A_386, %mul3A_385 : i32
      %mul3A_388 = arith.constant 2 : i32
      %mul3A_389 = arith.muli %mul3A_388, %add3A_387 : i32
      %add3A_390 = arith.constant 1 : i32
      %add3A_391 = arith.addi %mul3A_389, %add3A_390 : i32
      %dma_start3A_392 = arith.constant 0 : i32
      %dma_start3A_393 = arith.constant 0 : i32
      %dma_start3A_394 = tpu.memref_slice %arg7[%dma_start3A_392, %dma_start3A_393] : memref<128x128xf32, #tpu.memory_space<vmem>> -> memref<64x128xf32, #tpu.memory_space<vmem>>
      %dma_start3A_395 = arith.constant 0 : i32
      %dma_start3A_396 = tpu.memref_slice %arg8[%add3A_391, %dma_start3A_395] : memref<16x128xi32, #tpu.memory_space<vmem>> -> memref<1x64xi32, #tpu.memory_space<vmem>>
      %dma_start3A_397 = tpu.memref_squeeze %dma_start3A_396 : memref<1x64xi32, #tpu.memory_space<vmem>> -> memref<64xi32, #tpu.memory_space<vmem>>
      %dma_start3A_398 = arith.constant 0 : i32
      %dma_start3A_399 = arith.constant 0 : i32
      %dma_start3A_400 = tpu.memref_slice %arg2[%dma_start3A_398, %dma_start3A_399] : memref<10000x128xf32, #tpu.memory_space<hbm>> -> memref<10000x128xf32, #tpu.memory_space<hbm>>
      tpu.enqueue_indirect_dma source(%dma_start3A_400 : memref<10000x128xf32, #tpu.memory_space<hbm>>) target(%dma_start3A_394 : memref<64x128xf32, #tpu.memory_space<vmem>>) offsets(%dma_start3A_397 : memref<64xi32, #tpu.memory_space<vmem>>) semaphore(%arg13 : memref<!tpu.dma_semaphore, #tpu.memory_space<semaphore_mem>>)
      %dma_start3A_401 = arith.constant 64 : i32
      %dma_start3A_402 = arith.constant 0 : i32
      %dma_start3A_403 = tpu.memref_slice %arg7[%dma_start3A_401, %dma_start3A_402] : memref<128x128xf32, #tpu.memory_space<vmem>> -> memref<64x128xf32, #tpu.memory_space<vmem>>
      %dma_start3A_404 = arith.constant 64 : i32
      %dma_start3A_405 = tpu.memref_slice %arg8[%add3A_391, %dma_start3A_404] : memref<16x128xi32, #tpu.memory_space<vmem>> -> memref<1x64xi32, #tpu.memory_space<vmem>>
      %dma_start3A_406 = tpu.memref_squeeze %dma_start3A_405 : memref<1x64xi32, #tpu.memory_space<vmem>> -> memref<64xi32, #tpu.memory_space<vmem>>
      %dma_start3A_407 = arith.constant 0 : i32
      %dma_start3A_408 = arith.constant 0 : i32
      %dma_start3A_409 = tpu.memref_slice %arg2[%dma_start3A_407, %dma_start3A_408] : memref<10000x128xf32, #tpu.memory_space<hbm>> -> memref<10000x128xf32, #tpu.memory_space<hbm>>
      tpu.enqueue_indirect_dma source(%dma_start3A_409 : memref<10000x128xf32, #tpu.memory_space<hbm>>) target(%dma_start3A_403 : memref<64x128xf32, #tpu.memory_space<vmem>>) offsets(%dma_start3A_406 : memref<64xi32, #tpu.memory_space<vmem>>) semaphore(%arg13 : memref<!tpu.dma_semaphore, #tpu.memory_space<semaphore_mem>>)
      %dma_wait3A_410 = arith.constant 0 : i32
      %dma_wait3A_411 = arith.constant 0 : i32
      %dma_wait3A_412 = tpu.memref_slice %arg2[%dma_wait3A_410, %dma_wait3A_411] : memref<10000x128xf32, #tpu.memory_space<hbm>> -> memref<128x128xf32, #tpu.memory_space<hbm>>
      %dma_wait3A_413 = arith.constant 0 : i32
      %dma_wait3A_414 = arith.constant 0 : i32
      %dma_wait3A_415 = tpu.memref_slice %arg2[%dma_wait3A_413, %dma_wait3A_414] : memref<10000x128xf32, #tpu.memory_space<hbm>> -> memref<128x128xf32, #tpu.memory_space<hbm>>
      tpu.wait_dma2 semaphore(%arg12 : memref<!tpu.dma_semaphore, #tpu.memory_space<semaphore_mem>>) src(%dma_wait3A_415 : memref<128x128xf32, #tpu.memory_space<hbm>>) dst(%arg6 : memref<128x128xf32, #tpu.memory_space<vmem>>)
      %dma_start3A_416 = arith.constant 0 : i32
      %dma_start3A_417 = tpu.memref_slice %arg9[%mul3A_389, %dma_start3A_416] : memref<16x128xi32, #tpu.memory_space<vmem>> -> memref<1x128xi32, #tpu.memory_space<vmem>>
      %dma_start3A_418 = tpu.memref_squeeze %dma_start3A_417 : memref<1x128xi32, #tpu.memory_space<vmem>> -> memref<128xi32, #tpu.memory_space<vmem>>
      %dma_start3A_419 = arith.constant 0 : i32
      %dma_start3A_420 = arith.constant 0 : i32
      %dma_start3A_421 = tpu.memref_slice %arg5[%dma_start3A_419, %dma_start3A_420] : memref<10240x128xf32, #tpu.memory_space<vmem_shared>> -> memref<10240x128xf32, #tpu.memory_space<vmem_shared>>
      tpu.enqueue_indirect_dma source(%arg6 : memref<128x128xf32, #tpu.memory_space<vmem>>) target(%dma_start3A_421 : memref<10240x128xf32, #tpu.memory_space<vmem_shared>>) offsets(%dma_start3A_418 : memref<128xi32, #tpu.memory_space<vmem>>) semaphore(%arg14 : memref<!tpu.dma_semaphore, #tpu.memory_space<semaphore_mem>>) {add = true}
      %dma_wait3A_422 = arith.constant 0 : i32
      %dma_wait3A_423 = arith.constant 0 : i32
      %dma_wait3A_424 = tpu.memref_slice %arg2[%dma_wait3A_422, %dma_wait3A_423] : memref<10000x128xf32, #tpu.memory_space<hbm>> -> memref<128x128xf32, #tpu.memory_space<hbm>>
      %dma_wait3A_425 = arith.constant 0 : i32
      %dma_wait3A_426 = arith.constant 0 : i32
      %dma_wait3A_427 = tpu.memref_slice %arg2[%dma_wait3A_425, %dma_wait3A_426] : memref<10000x128xf32, #tpu.memory_space<hbm>> -> memref<128x128xf32, #tpu.memory_space<hbm>>
      tpu.wait_dma2 semaphore(%arg13 : memref<!tpu.dma_semaphore, #tpu.memory_space<semaphore_mem>>) src(%dma_wait3A_427 : memref<128x128xf32, #tpu.memory_space<hbm>>) dst(%arg7 : memref<128x128xf32, #tpu.memory_space<vmem>>)
      %add3A_428 = arith.constant 1 : i32
      %add3A_429 = arith.addi %mul3A_389, %add3A_428 : i32
      %dma_start3A_430 = arith.constant 0 : i32
      %dma_start3A_431 = tpu.memref_slice %arg9[%add3A_429, %dma_start3A_430] : memref<16x128xi32, #tpu.memory_space<vmem>> -> memref<1x128xi32, #tpu.memory_space<vmem>>
      %dma_start3A_432 = tpu.memref_squeeze %dma_start3A_431 : memref<1x128xi32, #tpu.memory_space<vmem>> -> memref<128xi32, #tpu.memory_space<vmem>>
      %dma_start3A_433 = arith.constant 0 : i32
      %dma_start3A_434 = arith.constant 0 : i32
      %dma_start3A_435 = tpu.memref_slice %arg5[%dma_start3A_433, %dma_start3A_434] : memref<10240x128xf32, #tpu.memory_space<vmem_shared>> -> memref<10240x128xf32, #tpu.memory_space<vmem_shared>>
      tpu.enqueue_indirect_dma source(%arg7 : memref<128x128xf32, #tpu.memory_space<vmem>>) target(%dma_start3A_435 : memref<10240x128xf32, #tpu.memory_space<vmem_shared>>) offsets(%dma_start3A_432 : memref<128xi32, #tpu.memory_space<vmem>>) semaphore(%arg15 : memref<!tpu.dma_semaphore, #tpu.memory_space<semaphore_mem>>) {add = true}
      %dma_wait3A_436 = arith.constant 0 : i32
      %dma_wait3A_437 = arith.constant 0 : i32
      %dma_wait3A_438 = tpu.memref_slice %arg5[%dma_wait3A_436, %dma_wait3A_437] : memref<10240x128xf32, #tpu.memory_space<vmem_shared>> -> memref<128x128xf32, #tpu.memory_space<vmem_shared>>
      %dma_wait3A_439 = arith.constant 0 : i32
      %dma_wait3A_440 = arith.constant 0 : i32
      %dma_wait3A_441 = tpu.memref_slice %arg5[%dma_wait3A_439, %dma_wait3A_440] : memref<10240x128xf32, #tpu.memory_space<vmem_shared>> -> memref<128x128xf32, #tpu.memory_space<vmem_shared>>
      tpu.wait_dma2 semaphore(%arg14 : memref<!tpu.dma_semaphore, #tpu.memory_space<semaphore_mem>>) src(%arg6 : memref<128x128xf32, #tpu.memory_space<vmem>>) dst(%dma_wait3A_441 : memref<128x128xf32, #tpu.memory_space<vmem_shared>>)
      %lt3A = arith.constant 7 : i32
      %lt3A_442 = arith.cmpi slt, %add3A_387, %lt3A : i32
      %convert_element_type3A = arith.extui %lt3A_442 : i1 to i32
      %cond3A = arith.constant 0 : i32
      %cond3A_443 = arith.cmpi ne, %convert_element_type3A, %cond3A : i32
      scf.if %cond3A_443 {
        %add3A_450 = arith.constant 2 : i32
        %add3A_451 = arith.addi %mul3A_389, %add3A_450 : i32
        %dma_start3A_452 = arith.constant 0 : i32
        %dma_start3A_453 = arith.constant 0 : i32
        %dma_start3A_454 = tpu.memref_slice %arg6[%dma_start3A_452, %dma_start3A_453] : memref<128x128xf32, #tpu.memory_space<vmem>> -> memref<64x128xf32, #tpu.memory_space<vmem>>
        %dma_start3A_455 = arith.constant 0 : i32
        %dma_start3A_456 = tpu.memref_slice %arg8[%add3A_451, %dma_start3A_455] : memref<16x128xi32, #tpu.memory_space<vmem>> -> memref<1x64xi32, #tpu.memory_space<vmem>>
        %dma_start3A_457 = tpu.memref_squeeze %dma_start3A_456 : memref<1x64xi32, #tpu.memory_space<vmem>> -> memref<64xi32, #tpu.memory_space<vmem>>
        %dma_start3A_458 = arith.constant 0 : i32
        %dma_start3A_459 = arith.constant 0 : i32
        %dma_start3A_460 = tpu.memref_slice %arg2[%dma_start3A_458, %dma_start3A_459] : memref<10000x128xf32, #tpu.memory_space<hbm>> -> memref<10000x128xf32, #tpu.memory_space<hbm>>
        tpu.enqueue_indirect_dma source(%dma_start3A_460 : memref<10000x128xf32, #tpu.memory_space<hbm>>) target(%dma_start3A_454 : memref<64x128xf32, #tpu.memory_space<vmem>>) offsets(%dma_start3A_457 : memref<64xi32, #tpu.memory_space<vmem>>) semaphore(%arg12 : memref<!tpu.dma_semaphore, #tpu.memory_space<semaphore_mem>>)
        %dma_start3A_461 = arith.constant 64 : i32
        %dma_start3A_462 = arith.constant 0 : i32
        %dma_start3A_463 = tpu.memref_slice %arg6[%dma_start3A_461, %dma_start3A_462] : memref<128x128xf32, #tpu.memory_space<vmem>> -> memref<64x128xf32, #tpu.memory_space<vmem>>
        %dma_start3A_464 = arith.constant 64 : i32
        %dma_start3A_465 = tpu.memref_slice %arg8[%add3A_451, %dma_start3A_464] : memref<16x128xi32, #tpu.memory_space<vmem>> -> memref<1x64xi32, #tpu.memory_space<vmem>>
        %dma_start3A_466 = tpu.memref_squeeze %dma_start3A_465 : memref<1x64xi32, #tpu.memory_space<vmem>> -> memref<64xi32, #tpu.memory_space<vmem>>
        %dma_start3A_467 = arith.constant 0 : i32
        %dma_start3A_468 = arith.constant 0 : i32
        %dma_start3A_469 = tpu.memref_slice %arg2[%dma_start3A_467, %dma_start3A_468] : memref<10000x128xf32, #tpu.memory_space<hbm>> -> memref<10000x128xf32, #tpu.memory_space<hbm>>
        tpu.enqueue_indirect_dma source(%dma_start3A_469 : memref<10000x128xf32, #tpu.memory_space<hbm>>) target(%dma_start3A_463 : memref<64x128xf32, #tpu.memory_space<vmem>>) offsets(%dma_start3A_466 : memref<64xi32, #tpu.memory_space<vmem>>) semaphore(%arg12 : memref<!tpu.dma_semaphore, #tpu.memory_space<semaphore_mem>>)
      } else {
      }
      %dma_wait3A_444 = arith.constant 0 : i32
      %dma_wait3A_445 = arith.constant 0 : i32
      %dma_wait3A_446 = tpu.memref_slice %arg5[%dma_wait3A_444, %dma_wait3A_445] : memref<10240x128xf32, #tpu.memory_space<vmem_shared>> -> memref<128x128xf32, #tpu.memory_space<vmem_shared>>
      %dma_wait3A_447 = arith.constant 0 : i32
      %dma_wait3A_448 = arith.constant 0 : i32
      %dma_wait3A_449 = tpu.memref_slice %arg5[%dma_wait3A_447, %dma_wait3A_448] : memref<10240x128xf32, #tpu.memory_space<vmem_shared>> -> memref<128x128xf32, #tpu.memory_space<vmem_shared>>
      tpu.wait_dma2 semaphore(%arg15 : memref<!tpu.dma_semaphore, #tpu.memory_space<semaphore_mem>>) src(%arg7 : memref<128x128xf32, #tpu.memory_space<vmem>>) dst(%dma_wait3A_449 : memref<128x128xf32, #tpu.memory_space<vmem_shared>>)
    }
    %scan3A_237 = arith.constant 8 : i32
    %mul3A_238 = arith.constant 80 : i32
    %mul3A_239 = arith.muli %add3A, %mul3A_238 : i32
    %dma_wait3A_240 = arith.constant 0 : i32
    %dma_wait3A_241 = arith.constant 0 : i32
    %dma_wait3A_242 = arith.constant 0 : i32
    %dma_wait3A_243 = tpu.memref_slice %arg3[%dma_wait3A_240, %dma_wait3A_241, %dma_wait3A_242] : memref<2x2560x128xi32, #tpu.memory_space<hbm>> -> memref<1x2560x128xi32, #tpu.memory_space<hbm>>
    %dma_wait3A_244 = tpu.memref_squeeze %dma_wait3A_243 : memref<1x2560x128xi32, #tpu.memory_space<hbm>> -> memref<2560x128xi32, #tpu.memory_space<hbm>>
    %dma_wait3A_245 = arith.constant 0 : i32
    %dma_wait3A_246 = tpu.memref_slice %dma_wait3A_244[%mul3A_239, %dma_wait3A_245] : memref<2560x128xi32, #tpu.memory_space<hbm>> -> memref<16x128xi32, #tpu.memory_space<hbm>>
    %dma_wait3A_247 = arith.constant 0 : i32
    %dma_wait3A_248 = arith.constant 0 : i32
    %dma_wait3A_249 = tpu.memref_slice %arg3[%dma_wait3A_240, %dma_wait3A_247, %dma_wait3A_248] : memref<2x2560x128xi32, #tpu.memory_space<hbm>> -> memref<1x2560x128xi32, #tpu.memory_space<hbm>>
    %dma_wait3A_250 = tpu.memref_squeeze %dma_wait3A_249 : memref<1x2560x128xi32, #tpu.memory_space<hbm>> -> memref<2560x128xi32, #tpu.memory_space<hbm>>
    %dma_wait3A_251 = arith.constant 0 : i32
    %dma_wait3A_252 = tpu.memref_slice %dma_wait3A_250[%mul3A_239, %dma_wait3A_251] : memref<2560x128xi32, #tpu.memory_space<hbm>> -> memref<16x128xi32, #tpu.memory_space<hbm>>
    tpu.wait_dma2 semaphore(%arg16 : memref<!tpu.dma_semaphore, #tpu.memory_space<semaphore_mem>>) src(%dma_wait3A_252 : memref<16x128xi32, #tpu.memory_space<hbm>>) dst(%arg10 : memref<16x128xi32, #tpu.memory_space<vmem>>)
    %mul3A_253 = arith.constant 80 : i32
    %mul3A_254 = arith.muli %add3A, %mul3A_253 : i32
    %dma_wait3A_255 = arith.constant 1 : i32
    %dma_wait3A_256 = arith.constant 0 : i32
    %dma_wait3A_257 = arith.constant 0 : i32
    %dma_wait3A_258 = tpu.memref_slice %arg3[%dma_wait3A_255, %dma_wait3A_256, %dma_wait3A_257] : memref<2x2560x128xi32, #tpu.memory_space<hbm>> -> memref<1x2560x128xi32, #tpu.memory_space<hbm>>
    %dma_wait3A_259 = tpu.memref_squeeze %dma_wait3A_258 : memref<1x2560x128xi32, #tpu.memory_space<hbm>> -> memref<2560x128xi32, #tpu.memory_space<hbm>>
    %dma_wait3A_260 = arith.constant 0 : i32
    %dma_wait3A_261 = tpu.memref_slice %dma_wait3A_259[%mul3A_254, %dma_wait3A_260] : memref<2560x128xi32, #tpu.memory_space<hbm>> -> memref<16x128xi32, #tpu.memory_space<hbm>>
    %dma_wait3A_262 = arith.constant 0 : i32
    %dma_wait3A_263 = arith.constant 0 : i32
    %dma_wait3A_264 = tpu.memref_slice %arg3[%dma_wait3A_255, %dma_wait3A_262, %dma_wait3A_263] : memref<2x2560x128xi32, #tpu.memory_space<hbm>> -> memref<1x2560x128xi32, #tpu.memory_space<hbm>>
    %dma_wait3A_265 = tpu.memref_squeeze %dma_wait3A_264 : memref<1x2560x128xi32, #tpu.memory_space<hbm>> -> memref<2560x128xi32, #tpu.memory_space<hbm>>
    %dma_wait3A_266 = arith.constant 0 : i32
    %dma_wait3A_267 = tpu.memref_slice %dma_wait3A_265[%mul3A_254, %dma_wait3A_266] : memref<2560x128xi32, #tpu.memory_space<hbm>> -> memref<16x128xi32, #tpu.memory_space<hbm>>
    tpu.wait_dma2 semaphore(%arg16 : memref<!tpu.dma_semaphore, #tpu.memory_space<semaphore_mem>>) src(%dma_wait3A_267 : memref<16x128xi32, #tpu.memory_space<hbm>>) dst(%arg11 : memref<16x128xi32, #tpu.memory_space<vmem>>)
    %dma_start3A_268 = arith.constant 0 : i32
    %dma_start3A_269 = arith.constant 0 : i32
    %dma_start3A_270 = arith.constant 0 : i32
    %dma_start3A_271 = tpu.memref_slice %arg6[%dma_start3A_269, %dma_start3A_270] : memref<128x128xf32, #tpu.memory_space<vmem>> -> memref<64x128xf32, #tpu.memory_space<vmem>>
    %dma_start3A_272 = arith.constant 0 : i32
    %dma_start3A_273 = tpu.memref_slice %arg10[%dma_start3A_268, %dma_start3A_272] : memref<16x128xi32, #tpu.memory_space<vmem>> -> memref<1x64xi32, #tpu.memory_space<vmem>>
    %dma_start3A_274 = tpu.memref_squeeze %dma_start3A_273 : memref<1x64xi32, #tpu.memory_space<vmem>> -> memref<64xi32, #tpu.memory_space<vmem>>
    %dma_start3A_275 = arith.constant 0 : i32
    %dma_start3A_276 = arith.constant 0 : i32
    %dma_start3A_277 = tpu.memref_slice %arg2[%dma_start3A_275, %dma_start3A_276] : memref<10000x128xf32, #tpu.memory_space<hbm>> -> memref<10000x128xf32, #tpu.memory_space<hbm>>
    tpu.enqueue_indirect_dma source(%dma_start3A_277 : memref<10000x128xf32, #tpu.memory_space<hbm>>) target(%dma_start3A_271 : memref<64x128xf32, #tpu.memory_space<vmem>>) offsets(%dma_start3A_274 : memref<64xi32, #tpu.memory_space<vmem>>) semaphore(%arg12 : memref<!tpu.dma_semaphore, #tpu.memory_space<semaphore_mem>>)
    %dma_start3A_278 = arith.constant 0 : i32
    %dma_start3A_279 = arith.constant 64 : i32
    %dma_start3A_280 = arith.constant 0 : i32
    %dma_start3A_281 = tpu.memref_slice %arg6[%dma_start3A_279, %dma_start3A_280] : memref<128x128xf32, #tpu.memory_space<vmem>> -> memref<64x128xf32, #tpu.memory_space<vmem>>
    %dma_start3A_282 = arith.constant 64 : i32
    %dma_start3A_283 = tpu.memref_slice %arg10[%dma_start3A_278, %dma_start3A_282] : memref<16x128xi32, #tpu.memory_space<vmem>> -> memref<1x64xi32, #tpu.memory_space<vmem>>
    %dma_start3A_284 = tpu.memref_squeeze %dma_start3A_283 : memref<1x64xi32, #tpu.memory_space<vmem>> -> memref<64xi32, #tpu.memory_space<vmem>>
    %dma_start3A_285 = arith.constant 0 : i32
    %dma_start3A_286 = arith.constant 0 : i32
    %dma_start3A_287 = tpu.memref_slice %arg2[%dma_start3A_285, %dma_start3A_286] : memref<10000x128xf32, #tpu.memory_space<hbm>> -> memref<10000x128xf32, #tpu.memory_space<hbm>>
    tpu.enqueue_indirect_dma source(%dma_start3A_287 : memref<10000x128xf32, #tpu.memory_space<hbm>>) target(%dma_start3A_281 : memref<64x128xf32, #tpu.memory_space<vmem>>) offsets(%dma_start3A_284 : memref<64xi32, #tpu.memory_space<vmem>>) semaphore(%arg12 : memref<!tpu.dma_semaphore, #tpu.memory_space<semaphore_mem>>)
    %mul3A_288 = arith.constant 80 : i32
    %mul3A_289 = arith.muli %add3A, %mul3A_288 : i32
    %add3A_290 = arith.constant 64 : i32
    %add3A_291 = arith.addi %mul3A_289, %add3A_290 : i32
    %dma_start3A_292 = arith.constant 0 : i32
    %dma_start3A_293 = arith.constant 0 : i32
    %dma_start3A_294 = arith.constant 0 : i32
    %dma_start3A_295 = tpu.memref_slice %arg3[%dma_start3A_292, %dma_start3A_293, %dma_start3A_294] : memref<2x2560x128xi32, #tpu.memory_space<hbm>> -> memref<1x2560x128xi32, #tpu.memory_space<hbm>>
    %dma_start3A_296 = tpu.memref_squeeze %dma_start3A_295 : memref<1x2560x128xi32, #tpu.memory_space<hbm>> -> memref<2560x128xi32, #tpu.memory_space<hbm>>
    %dma_start3A_297 = arith.constant 0 : i32
    %dma_start3A_298 = tpu.memref_slice %dma_start3A_296[%add3A_291, %dma_start3A_297] : memref<2560x128xi32, #tpu.memory_space<hbm>> -> memref<16x128xi32, #tpu.memory_space<hbm>>
    %dma_start3A_299 = arith.constant 0 : i32
    %dma_start3A_300 = arith.constant 0 : i32
    %dma_start3A_301 = tpu.memref_slice %arg3[%dma_start3A_292, %dma_start3A_299, %dma_start3A_300] : memref<2x2560x128xi32, #tpu.memory_space<hbm>> -> memref<1x2560x128xi32, #tpu.memory_space<hbm>>
    %dma_start3A_302 = tpu.memref_squeeze %dma_start3A_301 : memref<1x2560x128xi32, #tpu.memory_space<hbm>> -> memref<2560x128xi32, #tpu.memory_space<hbm>>
    %dma_start3A_303 = arith.constant 0 : i32
    %dma_start3A_304 = tpu.memref_slice %dma_start3A_302[%add3A_291, %dma_start3A_303] : memref<2560x128xi32, #tpu.memory_space<hbm>> -> memref<16x128xi32, #tpu.memory_space<hbm>>
    tpu.enqueue_dma source(%dma_start3A_304 : memref<16x128xi32, #tpu.memory_space<hbm>>) target(%arg8 : memref<16x128xi32, #tpu.memory_space<vmem>>) target_semaphore(%arg16 : memref<!tpu.dma_semaphore, #tpu.memory_space<semaphore_mem>>)
    %dma_start3A_305 = arith.constant 1 : i32
    %dma_start3A_306 = arith.constant 0 : i32
    %dma_start3A_307 = arith.constant 0 : i32
    %dma_start3A_308 = tpu.memref_slice %arg3[%dma_start3A_305, %dma_start3A_306, %dma_start3A_307] : memref<2x2560x128xi32, #tpu.memory_space<hbm>> -> memref<1x2560x128xi32, #tpu.memory_space<hbm>>
    %dma_start3A_309 = tpu.memref_squeeze %dma_start3A_308 : memref<1x2560x128xi32, #tpu.memory_space<hbm>> -> memref<2560x128xi32, #tpu.memory_space<hbm>>
    %dma_start3A_310 = arith.constant 0 : i32
    %dma_start3A_311 = tpu.memref_slice %dma_start3A_309[%add3A_291, %dma_start3A_310] : memref<2560x128xi32, #tpu.memory_space<hbm>> -> memref<16x128xi32, #tpu.memory_space<hbm>>
    %dma_start3A_312 = arith.constant 0 : i32
    %dma_start3A_313 = arith.constant 0 : i32
    %dma_start3A_314 = tpu.memref_slice %arg3[%dma_start3A_305, %dma_start3A_312, %dma_start3A_313] : memref<2x2560x128xi32, #tpu.memory_space<hbm>> -> memref<1x2560x128xi32, #tpu.memory_space<hbm>>
    %dma_start3A_315 = tpu.memref_squeeze %dma_start3A_314 : memref<1x2560x128xi32, #tpu.memory_space<hbm>> -> memref<2560x128xi32, #tpu.memory_space<hbm>>
    %dma_start3A_316 = arith.constant 0 : i32
    %dma_start3A_317 = tpu.memref_slice %dma_start3A_315[%add3A_291, %dma_start3A_316] : memref<2560x128xi32, #tpu.memory_space<hbm>> -> memref<16x128xi32, #tpu.memory_space<hbm>>
    tpu.enqueue_dma source(%dma_start3A_317 : memref<16x128xi32, #tpu.memory_space<hbm>>) target(%arg9 : memref<16x128xi32, #tpu.memory_space<vmem>>) target_semaphore(%arg16 : memref<!tpu.dma_semaphore, #tpu.memory_space<semaphore_mem>>)
    %scan3A_318 = arith.constant 0 : i32
    %scan3A_319 = arith.constant 8 : i32
    %scan3A_320 = arith.addi %scan3A_318, %scan3A_319 : i32
    %scan3A_321 = arith.constant 1 : i32
    scf.for %scan3A_383 = %scan3A_318 to %scan3A_320 step %scan3A_321  : i32 {
      %mul3A_384 = arith.constant 1 : i32
      %mul3A_385 = arith.muli %scan3A_383, %mul3A_384 : i32
      %add3A_386 = arith.constant 0 : i32
      %add3A_387 = arith.addi %add3A_386, %mul3A_385 : i32
      %mul3A_388 = arith.constant 2 : i32
      %mul3A_389 = arith.muli %mul3A_388, %add3A_387 : i32
      %add3A_390 = arith.constant 1 : i32
      %add3A_391 = arith.addi %mul3A_389, %add3A_390 : i32
      %dma_start3A_392 = arith.constant 0 : i32
      %dma_start3A_393 = arith.constant 0 : i32
      %dma_start3A_394 = tpu.memref_slice %arg7[%dma_start3A_392, %dma_start3A_393] : memref<128x128xf32, #tpu.memory_space<vmem>> -> memref<64x128xf32, #tpu.memory_space<vmem>>
      %dma_start3A_395 = arith.constant 0 : i32
      %dma_start3A_396 = tpu.memref_slice %arg10[%add3A_391, %dma_start3A_395] : memref<16x128xi32, #tpu.memory_space<vmem>> -> memref<1x64xi32, #tpu.memory_space<vmem>>
      %dma_start3A_397 = tpu.memref_squeeze %dma_start3A_396 : memref<1x64xi32, #tpu.memory_space<vmem>> -> memref<64xi32, #tpu.memory_space<vmem>>
      %dma_start3A_398 = arith.constant 0 : i32
      %dma_start3A_399 = arith.constant 0 : i32
      %dma_start3A_400 = tpu.memref_slice %arg2[%dma_start3A_398, %dma_start3A_399] : memref<10000x128xf32, #tpu.memory_space<hbm>> -> memref<10000x128xf32, #tpu.memory_space<hbm>>
      tpu.enqueue_indirect_dma source(%dma_start3A_400 : memref<10000x128xf32, #tpu.memory_space<hbm>>) target(%dma_start3A_394 : memref<64x128xf32, #tpu.memory_space<vmem>>) offsets(%dma_start3A_397 : memref<64xi32, #tpu.memory_space<vmem>>) semaphore(%arg13 : memref<!tpu.dma_semaphore, #tpu.memory_space<semaphore_mem>>)
      %dma_start3A_401 = arith.constant 64 : i32
      %dma_start3A_402 = arith.constant 0 : i32
      %dma_start3A_403 = tpu.memref_slice %arg7[%dma_start3A_401, %dma_start3A_402] : memref<128x128xf32, #tpu.memory_space<vmem>> -> memref<64x128xf32, #tpu.memory_space<vmem>>
      %dma_start3A_404 = arith.constant 64 : i32
      %dma_start3A_405 = tpu.memref_slice %arg10[%add3A_391, %dma_start3A_404] : memref<16x128xi32, #tpu.memory_space<vmem>> -> memref<1x64xi32, #tpu.memory_space<vmem>>
      %dma_start3A_406 = tpu.memref_squeeze %dma_start3A_405 : memref<1x64xi32, #tpu.memory_space<vmem>> -> memref<64xi32, #tpu.memory_space<vmem>>
      %dma_start3A_407 = arith.constant 0 : i32
      %dma_start3A_408 = arith.constant 0 : i32
      %dma_start3A_409 = tpu.memref_slice %arg2[%dma_start3A_407, %dma_start3A_408] : memref<10000x128xf32, #tpu.memory_space<hbm>> -> memref<10000x128xf32, #tpu.memory_space<hbm>>
      tpu.enqueue_indirect_dma source(%dma_start3A_409 : memref<10000x128xf32, #tpu.memory_space<hbm>>) target(%dma_start3A_403 : memref<64x128xf32, #tpu.memory_space<vmem>>) offsets(%dma_start3A_406 : memref<64xi32, #tpu.memory_space<vmem>>) semaphore(%arg13 : memref<!tpu.dma_semaphore, #tpu.memory_space<semaphore_mem>>)
      %dma_wait3A_410 = arith.constant 0 : i32
      %dma_wait3A_411 = arith.constant 0 : i32
      %dma_wait3A_412 = tpu.memref_slice %arg2[%dma_wait3A_410, %dma_wait3A_411] : memref<10000x128xf32, #tpu.memory_space<hbm>> -> memref<128x128xf32, #tpu.memory_space<hbm>>
      %dma_wait3A_413 = arith.constant 0 : i32
      %dma_wait3A_414 = arith.constant 0 : i32
      %dma_wait3A_415 = tpu.memref_slice %arg2[%dma_wait3A_413, %dma_wait3A_414] : memref<10000x128xf32, #tpu.memory_space<hbm>> -> memref<128x128xf32, #tpu.memory_space<hbm>>
      tpu.wait_dma2 semaphore(%arg12 : memref<!tpu.dma_semaphore, #tpu.memory_space<semaphore_mem>>) src(%dma_wait3A_415 : memref<128x128xf32, #tpu.memory_space<hbm>>) dst(%arg6 : memref<128x128xf32, #tpu.memory_space<vmem>>)
      %dma_start3A_416 = arith.constant 0 : i32
      %dma_start3A_417 = tpu.memref_slice %arg11[%mul3A_389, %dma_start3A_416] : memref<16x128xi32, #tpu.memory_space<vmem>> -> memref<1x128xi32, #tpu.memory_space<vmem>>
      %dma_start3A_418 = tpu.memref_squeeze %dma_start3A_417 : memref<1x128xi32, #tpu.memory_space<vmem>> -> memref<128xi32, #tpu.memory_space<vmem>>
      %dma_start3A_419 = arith.constant 0 : i32
      %dma_start3A_420 = arith.constant 0 : i32
      %dma_start3A_421 = tpu.memref_slice %arg5[%dma_start3A_419, %dma_start3A_420] : memref<10240x128xf32, #tpu.memory_space<vmem_shared>> -> memref<10240x128xf32, #tpu.memory_space<vmem_shared>>
      tpu.enqueue_indirect_dma source(%arg6 : memref<128x128xf32, #tpu.memory_space<vmem>>) target(%dma_start3A_421 : memref<10240x128xf32, #tpu.memory_space<vmem_shared>>) offsets(%dma_start3A_418 : memref<128xi32, #tpu.memory_space<vmem>>) semaphore(%arg14 : memref<!tpu.dma_semaphore, #tpu.memory_space<semaphore_mem>>) {add = true}
      %dma_wait3A_422 = arith.constant 0 : i32
      %dma_wait3A_423 = arith.constant 0 : i32
      %dma_wait3A_424 = tpu.memref_slice %arg2[%dma_wait3A_422, %dma_wait3A_423] : memref<10000x128xf32, #tpu.memory_space<hbm>> -> memref<128x128xf32, #tpu.memory_space<hbm>>
      %dma_wait3A_425 = arith.constant 0 : i32
      %dma_wait3A_426 = arith.constant 0 : i32
      %dma_wait3A_427 = tpu.memref_slice %arg2[%dma_wait3A_425, %dma_wait3A_426] : memref<10000x128xf32, #tpu.memory_space<hbm>> -> memref<128x128xf32, #tpu.memory_space<hbm>>
      tpu.wait_dma2 semaphore(%arg13 : memref<!tpu.dma_semaphore, #tpu.memory_space<semaphore_mem>>) src(%dma_wait3A_427 : memref<128x128xf32, #tpu.memory_space<hbm>>) dst(%arg7 : memref<128x128xf32, #tpu.memory_space<vmem>>)
      %add3A_428 = arith.constant 1 : i32
      %add3A_429 = arith.addi %mul3A_389, %add3A_428 : i32
      %dma_start3A_430 = arith.constant 0 : i32
      %dma_start3A_431 = tpu.memref_slice %arg11[%add3A_429, %dma_start3A_430] : memref<16x128xi32, #tpu.memory_space<vmem>> -> memref<1x128xi32, #tpu.memory_space<vmem>>
      %dma_start3A_432 = tpu.memref_squeeze %dma_start3A_431 : memref<1x128xi32, #tpu.memory_space<vmem>> -> memref<128xi32, #tpu.memory_space<vmem>>
      %dma_start3A_433 = arith.constant 0 : i32
      %dma_start3A_434 = arith.constant 0 : i32
      %dma_start3A_435 = tpu.memref_slice %arg5[%dma_start3A_433, %dma_start3A_434] : memref<10240x128xf32, #tpu.memory_space<vmem_shared>> -> memref<10240x128xf32, #tpu.memory_space<vmem_shared>>
      tpu.enqueue_indirect_dma source(%arg7 : memref<128x128xf32, #tpu.memory_space<vmem>>) target(%dma_start3A_435 : memref<10240x128xf32, #tpu.memory_space<vmem_shared>>) offsets(%dma_start3A_432 : memref<128xi32, #tpu.memory_space<vmem>>) semaphore(%arg15 : memref<!tpu.dma_semaphore, #tpu.memory_space<semaphore_mem>>) {add = true}
      %dma_wait3A_436 = arith.constant 0 : i32
      %dma_wait3A_437 = arith.constant 0 : i32
      %dma_wait3A_438 = tpu.memref_slice %arg5[%dma_wait3A_436, %dma_wait3A_437] : memref<10240x128xf32, #tpu.memory_space<vmem_shared>> -> memref<128x128xf32, #tpu.memory_space<vmem_shared>>
      %dma_wait3A_439 = arith.constant 0 : i32
      %dma_wait3A_440 = arith.constant 0 : i32
      %dma_wait3A_441 = tpu.memref_slice %arg5[%dma_wait3A_439, %dma_wait3A_440] : memref<10240x128xf32, #tpu.memory_space<vmem_shared>> -> memref<128x128xf32, #tpu.memory_space<vmem_shared>>
      tpu.wait_dma2 semaphore(%arg14 : memref<!tpu.dma_semaphore, #tpu.memory_space<semaphore_mem>>) src(%arg6 : memref<128x128xf32, #tpu.memory_space<vmem>>) dst(%dma_wait3A_441 : memref<128x128xf32, #tpu.memory_space<vmem_shared>>)
      %lt3A = arith.constant 7 : i32
      %lt3A_442 = arith.cmpi slt, %add3A_387, %lt3A : i32
      %convert_element_type3A = arith.extui %lt3A_442 : i1 to i32
      %cond3A = arith.constant 0 : i32
      %cond3A_443 = arith.cmpi ne, %convert_element_type3A, %cond3A : i32
      scf.if %cond3A_443 {
        %add3A_450 = arith.constant 2 : i32
        %add3A_451 = arith.addi %mul3A_389, %add3A_450 : i32
        %dma_start3A_452 = arith.constant 0 : i32
        %dma_start3A_453 = arith.constant 0 : i32
        %dma_start3A_454 = tpu.memref_slice %arg6[%dma_start3A_452, %dma_start3A_453] : memref<128x128xf32, #tpu.memory_space<vmem>> -> memref<64x128xf32, #tpu.memory_space<vmem>>
        %dma_start3A_455 = arith.constant 0 : i32
        %dma_start3A_456 = tpu.memref_slice %arg10[%add3A_451, %dma_start3A_455] : memref<16x128xi32, #tpu.memory_space<vmem>> -> memref<1x64xi32, #tpu.memory_space<vmem>>
        %dma_start3A_457 = tpu.memref_squeeze %dma_start3A_456 : memref<1x64xi32, #tpu.memory_space<vmem>> -> memref<64xi32, #tpu.memory_space<vmem>>
        %dma_start3A_458 = arith.constant 0 : i32
        %dma_start3A_459 = arith.constant 0 : i32
        %dma_start3A_460 = tpu.memref_slice %arg2[%dma_start3A_458, %dma_start3A_459] : memref<10000x128xf32, #tpu.memory_space<hbm>> -> memref<10000x128xf32, #tpu.memory_space<hbm>>
        tpu.enqueue_indirect_dma source(%dma_start3A_460 : memref<10000x128xf32, #tpu.memory_space<hbm>>) target(%dma_start3A_454 : memref<64x128xf32, #tpu.memory_space<vmem>>) offsets(%dma_start3A_457 : memref<64xi32, #tpu.memory_space<vmem>>) semaphore(%arg12 : memref<!tpu.dma_semaphore, #tpu.memory_space<semaphore_mem>>)
        %dma_start3A_461 = arith.constant 64 : i32
        %dma_start3A_462 = arith.constant 0 : i32
        %dma_start3A_463 = tpu.memref_slice %arg6[%dma_start3A_461, %dma_start3A_462] : memref<128x128xf32, #tpu.memory_space<vmem>> -> memref<64x128xf32, #tpu.memory_space<vmem>>
        %dma_start3A_464 = arith.constant 64 : i32
        %dma_start3A_465 = tpu.memref_slice %arg10[%add3A_451, %dma_start3A_464] : memref<16x128xi32, #tpu.memory_space<vmem>> -> memref<1x64xi32, #tpu.memory_space<vmem>>
        %dma_start3A_466 = tpu.memref_squeeze %dma_start3A_465 : memref<1x64xi32, #tpu.memory_space<vmem>> -> memref<64xi32, #tpu.memory_space<vmem>>
        %dma_start3A_467 = arith.constant 0 : i32
        %dma_start3A_468 = arith.constant 0 : i32
        %dma_start3A_469 = tpu.memref_slice %arg2[%dma_start3A_467, %dma_start3A_468] : memref<10000x128xf32, #tpu.memory_space<hbm>> -> memref<10000x128xf32, #tpu.memory_space<hbm>>
        tpu.enqueue_indirect_dma source(%dma_start3A_469 : memref<10000x128xf32, #tpu.memory_space<hbm>>) target(%dma_start3A_463 : memref<64x128xf32, #tpu.memory_space<vmem>>) offsets(%dma_start3A_466 : memref<64xi32, #tpu.memory_space<vmem>>) semaphore(%arg12 : memref<!tpu.dma_semaphore, #tpu.memory_space<semaphore_mem>>)
      } else {
      }
      %dma_wait3A_444 = arith.constant 0 : i32
      %dma_wait3A_445 = arith.constant 0 : i32
      %dma_wait3A_446 = tpu.memref_slice %arg5[%dma_wait3A_444, %dma_wait3A_445] : memref<10240x128xf32, #tpu.memory_space<vmem_shared>> -> memref<128x128xf32, #tpu.memory_space<vmem_shared>>
      %dma_wait3A_447 = arith.constant 0 : i32
      %dma_wait3A_448 = arith.constant 0 : i32
      %dma_wait3A_449 = tpu.memref_slice %arg5[%dma_wait3A_447, %dma_wait3A_448] : memref<10240x128xf32, #tpu.memory_space<vmem_shared>> -> memref<128x128xf32, #tpu.memory_space<vmem_shared>>
      tpu.wait_dma2 semaphore(%arg15 : memref<!tpu.dma_semaphore, #tpu.memory_space<semaphore_mem>>) src(%arg7 : memref<128x128xf32, #tpu.memory_space<vmem>>) dst(%dma_wait3A_449 : memref<128x128xf32, #tpu.memory_space<vmem_shared>>)
    }
    %scan3A_322 = arith.constant 8 : i32
    %mul3A_323 = arith.constant 80 : i32
    %mul3A_324 = arith.muli %add3A, %mul3A_323 : i32
    %dma_wait3A_325 = arith.constant 0 : i32
    %dma_wait3A_326 = arith.constant 0 : i32
    %dma_wait3A_327 = arith.constant 0 : i32
    %dma_wait3A_328 = tpu.memref_slice %arg3[%dma_wait3A_325, %dma_wait3A_326, %dma_wait3A_327] : memref<2x2560x128xi32, #tpu.memory_space<hbm>> -> memref<1x2560x128xi32, #tpu.memory_space<hbm>>
    %dma_wait3A_329 = tpu.memref_squeeze %dma_wait3A_328 : memref<1x2560x128xi32, #tpu.memory_space<hbm>> -> memref<2560x128xi32, #tpu.memory_space<hbm>>
    %dma_wait3A_330 = arith.constant 0 : i32
    %dma_wait3A_331 = tpu.memref_slice %dma_wait3A_329[%mul3A_324, %dma_wait3A_330] : memref<2560x128xi32, #tpu.memory_space<hbm>> -> memref<16x128xi32, #tpu.memory_space<hbm>>
    %dma_wait3A_332 = arith.constant 0 : i32
    %dma_wait3A_333 = arith.constant 0 : i32
    %dma_wait3A_334 = tpu.memref_slice %arg3[%dma_wait3A_325, %dma_wait3A_332, %dma_wait3A_333] : memref<2x2560x128xi32, #tpu.memory_space<hbm>> -> memref<1x2560x128xi32, #tpu.memory_space<hbm>>
    %dma_wait3A_335 = tpu.memref_squeeze %dma_wait3A_334 : memref<1x2560x128xi32, #tpu.memory_space<hbm>> -> memref<2560x128xi32, #tpu.memory_space<hbm>>
    %dma_wait3A_336 = arith.constant 0 : i32
    %dma_wait3A_337 = tpu.memref_slice %dma_wait3A_335[%mul3A_324, %dma_wait3A_336] : memref<2560x128xi32, #tpu.memory_space<hbm>> -> memref<16x128xi32, #tpu.memory_space<hbm>>
    tpu.wait_dma2 semaphore(%arg16 : memref<!tpu.dma_semaphore, #tpu.memory_space<semaphore_mem>>) src(%dma_wait3A_337 : memref<16x128xi32, #tpu.memory_space<hbm>>) dst(%arg8 : memref<16x128xi32, #tpu.memory_space<vmem>>)
    %mul3A_338 = arith.constant 80 : i32
    %mul3A_339 = arith.muli %add3A, %mul3A_338 : i32
    %dma_wait3A_340 = arith.constant 1 : i32
    %dma_wait3A_341 = arith.constant 0 : i32
    %dma_wait3A_342 = arith.constant 0 : i32
    %dma_wait3A_343 = tpu.memref_slice %arg3[%dma_wait3A_340, %dma_wait3A_341, %dma_wait3A_342] : memref<2x2560x128xi32, #tpu.memory_space<hbm>> -> memref<1x2560x128xi32, #tpu.memory_space<hbm>>
    %dma_wait3A_344 = tpu.memref_squeeze %dma_wait3A_343 : memref<1x2560x128xi32, #tpu.memory_space<hbm>> -> memref<2560x128xi32, #tpu.memory_space<hbm>>
    %dma_wait3A_345 = arith.constant 0 : i32
    %dma_wait3A_346 = tpu.memref_slice %dma_wait3A_344[%mul3A_339, %dma_wait3A_345] : memref<2560x128xi32, #tpu.memory_space<hbm>> -> memref<16x128xi32, #tpu.memory_space<hbm>>
    %dma_wait3A_347 = arith.constant 0 : i32
    %dma_wait3A_348 = arith.constant 0 : i32
    %dma_wait3A_349 = tpu.memref_slice %arg3[%dma_wait3A_340, %dma_wait3A_347, %dma_wait3A_348] : memref<2x2560x128xi32, #tpu.memory_space<hbm>> -> memref<1x2560x128xi32, #tpu.memory_space<hbm>>
    %dma_wait3A_350 = tpu.memref_squeeze %dma_wait3A_349 : memref<1x2560x128xi32, #tpu.memory_space<hbm>> -> memref<2560x128xi32, #tpu.memory_space<hbm>>
    %dma_wait3A_351 = arith.constant 0 : i32
    %dma_wait3A_352 = tpu.memref_slice %dma_wait3A_350[%mul3A_339, %dma_wait3A_351] : memref<2560x128xi32, #tpu.memory_space<hbm>> -> memref<16x128xi32, #tpu.memory_space<hbm>>
    tpu.wait_dma2 semaphore(%arg16 : memref<!tpu.dma_semaphore, #tpu.memory_space<semaphore_mem>>) src(%dma_wait3A_352 : memref<16x128xi32, #tpu.memory_space<hbm>>) dst(%arg9 : memref<16x128xi32, #tpu.memory_space<vmem>>)
    %dma_start3A_353 = arith.constant 0 : i32
    %dma_start3A_354 = arith.constant 0 : i32
    %dma_start3A_355 = arith.constant 0 : i32
    %dma_start3A_356 = tpu.memref_slice %arg6[%dma_start3A_354, %dma_start3A_355] : memref<128x128xf32, #tpu.memory_space<vmem>> -> memref<64x128xf32, #tpu.memory_space<vmem>>
    %dma_start3A_357 = arith.constant 0 : i32
    %dma_start3A_358 = tpu.memref_slice %arg8[%dma_start3A_353, %dma_start3A_357] : memref<16x128xi32, #tpu.memory_space<vmem>> -> memref<1x64xi32, #tpu.memory_space<vmem>>
    %dma_start3A_359 = tpu.memref_squeeze %dma_start3A_358 : memref<1x64xi32, #tpu.memory_space<vmem>> -> memref<64xi32, #tpu.memory_space<vmem>>
    %dma_start3A_360 = arith.constant 0 : i32
    %dma_start3A_361 = arith.constant 0 : i32
    %dma_start3A_362 = tpu.memref_slice %arg2[%dma_start3A_360, %dma_start3A_361] : memref<10000x128xf32, #tpu.memory_space<hbm>> -> memref<10000x128xf32, #tpu.memory_space<hbm>>
    tpu.enqueue_indirect_dma source(%dma_start3A_362 : memref<10000x128xf32, #tpu.memory_space<hbm>>) target(%dma_start3A_356 : memref<64x128xf32, #tpu.memory_space<vmem>>) offsets(%dma_start3A_359 : memref<64xi32, #tpu.memory_space<vmem>>) semaphore(%arg12 : memref<!tpu.dma_semaphore, #tpu.memory_space<semaphore_mem>>)
    %dma_start3A_363 = arith.constant 0 : i32
    %dma_start3A_364 = arith.constant 64 : i32
    %dma_start3A_365 = arith.constant 0 : i32
    %dma_start3A_366 = tpu.memref_slice %arg6[%dma_start3A_364, %dma_start3A_365] : memref<128x128xf32, #tpu.memory_space<vmem>> -> memref<64x128xf32, #tpu.memory_space<vmem>>
    %dma_start3A_367 = arith.constant 64 : i32
    %dma_start3A_368 = tpu.memref_slice %arg8[%dma_start3A_363, %dma_start3A_367] : memref<16x128xi32, #tpu.memory_space<vmem>> -> memref<1x64xi32, #tpu.memory_space<vmem>>
    %dma_start3A_369 = tpu.memref_squeeze %dma_start3A_368 : memref<1x64xi32, #tpu.memory_space<vmem>> -> memref<64xi32, #tpu.memory_space<vmem>>
    %dma_start3A_370 = arith.constant 0 : i32
    %dma_start3A_371 = arith.constant 0 : i32
    %dma_start3A_372 = tpu.memref_slice %arg2[%dma_start3A_370, %dma_start3A_371] : memref<10000x128xf32, #tpu.memory_space<hbm>> -> memref<10000x128xf32, #tpu.memory_space<hbm>>
    tpu.enqueue_indirect_dma source(%dma_start3A_372 : memref<10000x128xf32, #tpu.memory_space<hbm>>) target(%dma_start3A_366 : memref<64x128xf32, #tpu.memory_space<vmem>>) offsets(%dma_start3A_369 : memref<64xi32, #tpu.memory_space<vmem>>) semaphore(%arg12 : memref<!tpu.dma_semaphore, #tpu.memory_space<semaphore_mem>>)
    %scan3A_373 = arith.constant 0 : i32
    %scan3A_374 = arith.constant 8 : i32
    %scan3A_375 = arith.addi %scan3A_373, %scan3A_374 : i32
    %scan3A_376 = arith.constant 1 : i32
    scf.for %scan3A_383 = %scan3A_373 to %scan3A_375 step %scan3A_376  : i32 {
      %mul3A_384 = arith.constant 1 : i32
      %mul3A_385 = arith.muli %scan3A_383, %mul3A_384 : i32
      %add3A_386 = arith.constant 0 : i32
      %add3A_387 = arith.addi %add3A_386, %mul3A_385 : i32
      %mul3A_388 = arith.constant 2 : i32
      %mul3A_389 = arith.muli %mul3A_388, %add3A_387 : i32
      %add3A_390 = arith.constant 1 : i32
      %add3A_391 = arith.addi %mul3A_389, %add3A_390 : i32
      %dma_start3A_392 = arith.constant 0 : i32
      %dma_start3A_393 = arith.constant 0 : i32
      %dma_start3A_394 = tpu.memref_slice %arg7[%dma_start3A_392, %dma_start3A_393] : memref<128x128xf32, #tpu.memory_space<vmem>> -> memref<64x128xf32, #tpu.memory_space<vmem>>
      %dma_start3A_395 = arith.constant 0 : i32
      %dma_start3A_396 = tpu.memref_slice %arg8[%add3A_391, %dma_start3A_395] : memref<16x128xi32, #tpu.memory_space<vmem>> -> memref<1x64xi32, #tpu.memory_space<vmem>>
      %dma_start3A_397 = tpu.memref_squeeze %dma_start3A_396 : memref<1x64xi32, #tpu.memory_space<vmem>> -> memref<64xi32, #tpu.memory_space<vmem>>
      %dma_start3A_398 = arith.constant 0 : i32
      %dma_start3A_399 = arith.constant 0 : i32
      %dma_start3A_400 = tpu.memref_slice %arg2[%dma_start3A_398, %dma_start3A_399] : memref<10000x128xf32, #tpu.memory_space<hbm>> -> memref<10000x128xf32, #tpu.memory_space<hbm>>
      tpu.enqueue_indirect_dma source(%dma_start3A_400 : memref<10000x128xf32, #tpu.memory_space<hbm>>) target(%dma_start3A_394 : memref<64x128xf32, #tpu.memory_space<vmem>>) offsets(%dma_start3A_397 : memref<64xi32, #tpu.memory_space<vmem>>) semaphore(%arg13 : memref<!tpu.dma_semaphore, #tpu.memory_space<semaphore_mem>>)
      %dma_start3A_401 = arith.constant 64 : i32
      %dma_start3A_402 = arith.constant 0 : i32
      %dma_start3A_403 = tpu.memref_slice %arg7[%dma_start3A_401, %dma_start3A_402] : memref<128x128xf32, #tpu.memory_space<vmem>> -> memref<64x128xf32, #tpu.memory_space<vmem>>
      %dma_start3A_404 = arith.constant 64 : i32
      %dma_start3A_405 = tpu.memref_slice %arg8[%add3A_391, %dma_start3A_404] : memref<16x128xi32, #tpu.memory_space<vmem>> -> memref<1x64xi32, #tpu.memory_space<vmem>>
      %dma_start3A_406 = tpu.memref_squeeze %dma_start3A_405 : memref<1x64xi32, #tpu.memory_space<vmem>> -> memref<64xi32, #tpu.memory_space<vmem>>
      %dma_start3A_407 = arith.constant 0 : i32
      %dma_start3A_408 = arith.constant 0 : i32
      %dma_start3A_409 = tpu.memref_slice %arg2[%dma_start3A_407, %dma_start3A_408] : memref<10000x128xf32, #tpu.memory_space<hbm>> -> memref<10000x128xf32, #tpu.memory_space<hbm>>
      tpu.enqueue_indirect_dma source(%dma_start3A_409 : memref<10000x128xf32, #tpu.memory_space<hbm>>) target(%dma_start3A_403 : memref<64x128xf32, #tpu.memory_space<vmem>>) offsets(%dma_start3A_406 : memref<64xi32, #tpu.memory_space<vmem>>) semaphore(%arg13 : memref<!tpu.dma_semaphore, #tpu.memory_space<semaphore_mem>>)
      %dma_wait3A_410 = arith.constant 0 : i32
      %dma_wait3A_411 = arith.constant 0 : i32
      %dma_wait3A_412 = tpu.memref_slice %arg2[%dma_wait3A_410, %dma_wait3A_411] : memref<10000x128xf32, #tpu.memory_space<hbm>> -> memref<128x128xf32, #tpu.memory_space<hbm>>
      %dma_wait3A_413 = arith.constant 0 : i32
      %dma_wait3A_414 = arith.constant 0 : i32
      %dma_wait3A_415 = tpu.memref_slice %arg2[%dma_wait3A_413, %dma_wait3A_414] : memref<10000x128xf32, #tpu.memory_space<hbm>> -> memref<128x128xf32, #tpu.memory_space<hbm>>
      tpu.wait_dma2 semaphore(%arg12 : memref<!tpu.dma_semaphore, #tpu.memory_space<semaphore_mem>>) src(%dma_wait3A_415 : memref<128x128xf32, #tpu.memory_space<hbm>>) dst(%arg6 : memref<128x128xf32, #tpu.memory_space<vmem>>)
      %dma_start3A_416 = arith.constant 0 : i32
      %dma_start3A_417 = tpu.memref_slice %arg9[%mul3A_389, %dma_start3A_416] : memref<16x128xi32, #tpu.memory_space<vmem>> -> memref<1x128xi32, #tpu.memory_space<vmem>>
      %dma_start3A_418 = tpu.memref_squeeze %dma_start3A_417 : memref<1x128xi32, #tpu.memory_space<vmem>> -> memref<128xi32, #tpu.memory_space<vmem>>
      %dma_start3A_419 = arith.constant 0 : i32
      %dma_start3A_420 = arith.constant 0 : i32
      %dma_start3A_421 = tpu.memref_slice %arg5[%dma_start3A_419, %dma_start3A_420] : memref<10240x128xf32, #tpu.memory_space<vmem_shared>> -> memref<10240x128xf32, #tpu.memory_space<vmem_shared>>
      tpu.enqueue_indirect_dma source(%arg6 : memref<128x128xf32, #tpu.memory_space<vmem>>) target(%dma_start3A_421 : memref<10240x128xf32, #tpu.memory_space<vmem_shared>>) offsets(%dma_start3A_418 : memref<128xi32, #tpu.memory_space<vmem>>) semaphore(%arg14 : memref<!tpu.dma_semaphore, #tpu.memory_space<semaphore_mem>>) {add = true}
      %dma_wait3A_422 = arith.constant 0 : i32
      %dma_wait3A_423 = arith.constant 0 : i32
      %dma_wait3A_424 = tpu.memref_slice %arg2[%dma_wait3A_422, %dma_wait3A_423] : memref<10000x128xf32, #tpu.memory_space<hbm>> -> memref<128x128xf32, #tpu.memory_space<hbm>>
      %dma_wait3A_425 = arith.constant 0 : i32
      %dma_wait3A_426 = arith.constant 0 : i32
      %dma_wait3A_427 = tpu.memref_slice %arg2[%dma_wait3A_425, %dma_wait3A_426] : memref<10000x128xf32, #tpu.memory_space<hbm>> -> memref<128x128xf32, #tpu.memory_space<hbm>>
      tpu.wait_dma2 semaphore(%arg13 : memref<!tpu.dma_semaphore, #tpu.memory_space<semaphore_mem>>) src(%dma_wait3A_427 : memref<128x128xf32, #tpu.memory_space<hbm>>) dst(%arg7 : memref<128x128xf32, #tpu.memory_space<vmem>>)
      %add3A_428 = arith.constant 1 : i32
      %add3A_429 = arith.addi %mul3A_389, %add3A_428 : i32
      %dma_start3A_430 = arith.constant 0 : i32
      %dma_start3A_431 = tpu.memref_slice %arg9[%add3A_429, %dma_start3A_430] : memref<16x128xi32, #tpu.memory_space<vmem>> -> memref<1x128xi32, #tpu.memory_space<vmem>>
      %dma_start3A_432 = tpu.memref_squeeze %dma_start3A_431 : memref<1x128xi32, #tpu.memory_space<vmem>> -> memref<128xi32, #tpu.memory_space<vmem>>
      %dma_start3A_433 = arith.constant 0 : i32
      %dma_start3A_434 = arith.constant 0 : i32
      %dma_start3A_435 = tpu.memref_slice %arg5[%dma_start3A_433, %dma_start3A_434] : memref<10240x128xf32, #tpu.memory_space<vmem_shared>> -> memref<10240x128xf32, #tpu.memory_space<vmem_shared>>
      tpu.enqueue_indirect_dma source(%arg7 : memref<128x128xf32, #tpu.memory_space<vmem>>) target(%dma_start3A_435 : memref<10240x128xf32, #tpu.memory_space<vmem_shared>>) offsets(%dma_start3A_432 : memref<128xi32, #tpu.memory_space<vmem>>) semaphore(%arg15 : memref<!tpu.dma_semaphore, #tpu.memory_space<semaphore_mem>>) {add = true}
      %dma_wait3A_436 = arith.constant 0 : i32
      %dma_wait3A_437 = arith.constant 0 : i32
      %dma_wait3A_438 = tpu.memref_slice %arg5[%dma_wait3A_436, %dma_wait3A_437] : memref<10240x128xf32, #tpu.memory_space<vmem_shared>> -> memref<128x128xf32, #tpu.memory_space<vmem_shared>>
      %dma_wait3A_439 = arith.constant 0 : i32
      %dma_wait3A_440 = arith.constant 0 : i32
      %dma_wait3A_441 = tpu.memref_slice %arg5[%dma_wait3A_439, %dma_wait3A_440] : memref<10240x128xf32, #tpu.memory_space<vmem_shared>> -> memref<128x128xf32, #tpu.memory_space<vmem_shared>>
      tpu.wait_dma2 semaphore(%arg14 : memref<!tpu.dma_semaphore, #tpu.memory_space<semaphore_mem>>) src(%arg6 : memref<128x128xf32, #tpu.memory_space<vmem>>) dst(%dma_wait3A_441 : memref<128x128xf32, #tpu.memory_space<vmem_shared>>)
      %lt3A = arith.constant 7 : i32
      %lt3A_442 = arith.cmpi slt, %add3A_387, %lt3A : i32
      %convert_element_type3A = arith.extui %lt3A_442 : i1 to i32
      %cond3A = arith.constant 0 : i32
      %cond3A_443 = arith.cmpi ne, %convert_element_type3A, %cond3A : i32
      scf.if %cond3A_443 {
        %add3A_450 = arith.constant 2 : i32
        %add3A_451 = arith.addi %mul3A_389, %add3A_450 : i32
        %dma_start3A_452 = arith.constant 0 : i32
        %dma_start3A_453 = arith.constant 0 : i32
        %dma_start3A_454 = tpu.memref_slice %arg6[%dma_start3A_452, %dma_start3A_453] : memref<128x128xf32, #tpu.memory_space<vmem>> -> memref<64x128xf32, #tpu.memory_space<vmem>>
        %dma_start3A_455 = arith.constant 0 : i32
        %dma_start3A_456 = tpu.memref_slice %arg8[%add3A_451, %dma_start3A_455] : memref<16x128xi32, #tpu.memory_space<vmem>> -> memref<1x64xi32, #tpu.memory_space<vmem>>
        %dma_start3A_457 = tpu.memref_squeeze %dma_start3A_456 : memref<1x64xi32, #tpu.memory_space<vmem>> -> memref<64xi32, #tpu.memory_space<vmem>>
        %dma_start3A_458 = arith.constant 0 : i32
        %dma_start3A_459 = arith.constant 0 : i32
        %dma_start3A_460 = tpu.memref_slice %arg2[%dma_start3A_458, %dma_start3A_459] : memref<10000x128xf32, #tpu.memory_space<hbm>> -> memref<10000x128xf32, #tpu.memory_space<hbm>>
        tpu.enqueue_indirect_dma source(%dma_start3A_460 : memref<10000x128xf32, #tpu.memory_space<hbm>>) target(%dma_start3A_454 : memref<64x128xf32, #tpu.memory_space<vmem>>) offsets(%dma_start3A_457 : memref<64xi32, #tpu.memory_space<vmem>>) semaphore(%arg12 : memref<!tpu.dma_semaphore, #tpu.memory_space<semaphore_mem>>)
        %dma_start3A_461 = arith.constant 64 : i32
        %dma_start3A_462 = arith.constant 0 : i32
        %dma_start3A_463 = tpu.memref_slice %arg6[%dma_start3A_461, %dma_start3A_462] : memref<128x128xf32, #tpu.memory_space<vmem>> -> memref<64x128xf32, #tpu.memory_space<vmem>>
        %dma_start3A_464 = arith.constant 64 : i32
        %dma_start3A_465 = tpu.memref_slice %arg8[%add3A_451, %dma_start3A_464] : memref<16x128xi32, #tpu.memory_space<vmem>> -> memref<1x64xi32, #tpu.memory_space<vmem>>
        %dma_start3A_466 = tpu.memref_squeeze %dma_start3A_465 : memref<1x64xi32, #tpu.memory_space<vmem>> -> memref<64xi32, #tpu.memory_space<vmem>>
        %dma_start3A_467 = arith.constant 0 : i32
        %dma_start3A_468 = arith.constant 0 : i32
        %dma_start3A_469 = tpu.memref_slice %arg2[%dma_start3A_467, %dma_start3A_468] : memref<10000x128xf32, #tpu.memory_space<hbm>> -> memref<10000x128xf32, #tpu.memory_space<hbm>>
        tpu.enqueue_indirect_dma source(%dma_start3A_469 : memref<10000x128xf32, #tpu.memory_space<hbm>>) target(%dma_start3A_463 : memref<64x128xf32, #tpu.memory_space<vmem>>) offsets(%dma_start3A_466 : memref<64xi32, #tpu.memory_space<vmem>>) semaphore(%arg12 : memref<!tpu.dma_semaphore, #tpu.memory_space<semaphore_mem>>)
      } else {
      }
      %dma_wait3A_444 = arith.constant 0 : i32
      %dma_wait3A_445 = arith.constant 0 : i32
      %dma_wait3A_446 = tpu.memref_slice %arg5[%dma_wait3A_444, %dma_wait3A_445] : memref<10240x128xf32, #tpu.memory_space<vmem_shared>> -> memref<128x128xf32, #tpu.memory_space<vmem_shared>>
      %dma_wait3A_447 = arith.constant 0 : i32
      %dma_wait3A_448 = arith.constant 0 : i32
      %dma_wait3A_449 = tpu.memref_slice %arg5[%dma_wait3A_447, %dma_wait3A_448] : memref<10240x128xf32, #tpu.memory_space<vmem_shared>> -> memref<128x128xf32, #tpu.memory_space<vmem_shared>>
      tpu.wait_dma2 semaphore(%arg15 : memref<!tpu.dma_semaphore, #tpu.memory_space<semaphore_mem>>) src(%arg7 : memref<128x128xf32, #tpu.memory_space<vmem>>) dst(%dma_wait3A_449 : memref<128x128xf32, #tpu.memory_space<vmem_shared>>)
    }
    %scan3A_377 = arith.constant 8 : i32
    %barrier3A_378 = arith.constant 0 : index
    tpu.barrier barrier_id(%barrier3A_378)
    %mul3A_379 = arith.constant 640 : i32
    %mul3A_380 = arith.muli %arg1, %mul3A_379 : i32
    %mul3A_381 = arith.constant 640 : i32
    %mul3A_382 = arith.muli %arg1, %mul3A_381 : i32
    "tpu.region"() ({
      %run_scoped3A_383 = tpu.sem_alloc : memref<!tpu.dma_semaphore, #tpu.memory_space<semaphore_mem>>
      %dma_start3A_384 = arith.constant 0 : i32
      %dma_start3A_385 = tpu.memref_slice %arg4[%arg0, %mul3A_382, %dma_start3A_384] : memref<2x10240x128xf32, #tpu.memory_space<hbm>> -> memref<1x640x128xf32, #tpu.memory_space<hbm>>
      %dma_start3A_386 = tpu.memref_squeeze %dma_start3A_385 : memref<1x640x128xf32, #tpu.memory_space<hbm>> -> memref<640x128xf32, #tpu.memory_space<hbm>>
      %dma_start3A_387 = arith.constant 0 : i32
      %dma_start3A_388 = tpu.memref_slice %arg5[%mul3A_380, %dma_start3A_387] : memref<10240x128xf32, #tpu.memory_space<vmem_shared>> -> memref<640x128xf32, #tpu.memory_space<vmem_shared>>
      tpu.enqueue_dma source(%dma_start3A_388 : memref<640x128xf32, #tpu.memory_space<vmem_shared>>) target(%dma_start3A_386 : memref<640x128xf32, #tpu.memory_space<hbm>>) target_semaphore(%run_scoped3A_383 : memref<!tpu.dma_semaphore, #tpu.memory_space<semaphore_mem>>)
      %dma_wait3A_389 = arith.constant 0 : i32
      %dma_wait3A_390 = tpu.memref_slice %arg4[%arg0, %mul3A_382, %dma_wait3A_389] : memref<2x10240x128xf32, #tpu.memory_space<hbm>> -> memref<1x640x128xf32, #tpu.memory_space<hbm>>
      %dma_wait3A_391 = tpu.memref_squeeze %dma_wait3A_390 : memref<1x640x128xf32, #tpu.memory_space<hbm>> -> memref<640x128xf32, #tpu.memory_space<hbm>>
      %dma_wait3A_392 = arith.constant 0 : i32
      %dma_wait3A_393 = tpu.memref_slice %arg5[%mul3A_380, %dma_wait3A_392] : memref<10240x128xf32, #tpu.memory_space<vmem_shared>> -> memref<640x128xf32, #tpu.memory_space<vmem_shared>>
      tpu.wait_dma2 semaphore(%run_scoped3A_383 : memref<!tpu.dma_semaphore, #tpu.memory_space<semaphore_mem>>) src(%dma_wait3A_393 : memref<640x128xf32, #tpu.memory_space<vmem_shared>>) dst(%dma_wait3A_391 : memref<640x128xf32, #tpu.memory_space<hbm>>)
      tpu.yield
    }) : () -> ()
    return
  }
}

module attributes {stable_mosaic.version = 14 : i64} {
  func.func @_tc_sage_body(%arg0: i32, %arg1: memref<2x1000x128xf32, #tpu.memory_space<vmem>>, %arg2: memref<2x1000x128xf32, #tpu.memory_space<vmem>>, %arg3: memref<1000x128xf32, #tpu.memory_space<vmem>>, %arg4: memref<128x128xf32, #tpu.memory_space<vmem>>, %arg5: memref<128x128xf32, #tpu.memory_space<vmem>>, %arg6: memref<1x128xf32, #tpu.memory_space<vmem>>, %arg7: memref<1000x128xf32, #tpu.memory_space<vmem>>) attributes {dimension_semantics = [#tpu.dimension_semantics<arbitrary>], iteration_bounds = array<i64: 10>, scalar_prefetch = 0 : i64, scratch_operands = 0 : i64, tpu.core_type = #tpu.core_type<tc>, window_params = [{transform_indices = @transform_0, window_bounds = array<i64: 2, 1000, 128>}, {transform_indices = @transform_1, window_bounds = array<i64: 2, 1000, 128>}, {transform_indices = @transform_2, window_bounds = array<i64: 1000, 128>}, {pipeline_mode = #tpu.pipeline_mode<synchronous>, transform_indices = @transform_3, window_bounds = array<i64: 128, 128>}, {pipeline_mode = #tpu.pipeline_mode<synchronous>, transform_indices = @transform_4, window_bounds = array<i64: 128, 128>}, {pipeline_mode = #tpu.pipeline_mode<synchronous>, transform_indices = @transform_5, window_bounds = array<i64: 1, 128>}, {transform_indices = @transform_6, window_bounds = array<i64: 1000, 128>}]} {
    %get3A = arith.constant 0 : index
    %get3A_0 = arith.constant 0 : index
    %get3A_1 = arith.constant 0 : index
    %get3A_2 = vector.load %arg1[%get3A, %get3A_0, %get3A_1] : memref<2x1000x128xf32, #tpu.memory_space<vmem>>, vector<1x1000x128xf32>
    %get3A_3 = vector.shape_cast %get3A_2 : vector<1x1000x128xf32> to vector<1000x128xf32>
    %get3A_4 = arith.constant 1 : index
    %get3A_5 = arith.constant 0 : index
    %get3A_6 = arith.constant 0 : index
    %get3A_7 = vector.load %arg1[%get3A_4, %get3A_5, %get3A_6] : memref<2x1000x128xf32, #tpu.memory_space<vmem>>, vector<1x1000x128xf32>
    %get3A_8 = vector.shape_cast %get3A_7 : vector<1x1000x128xf32> to vector<1000x128xf32>
    %add3A = arith.addf %get3A_3, %get3A_8 : vector<1000x128xf32>
    %get3A_9 = arith.constant 0 : index
    %get3A_10 = arith.constant 0 : index
    %get3A_11 = arith.constant 0 : index
    %get3A_12 = vector.load %arg2[%get3A_9, %get3A_10, %get3A_11] : memref<2x1000x128xf32, #tpu.memory_space<vmem>>, vector<1x1000x1xf32>
    %get3A_13 = vector.shape_cast %get3A_12 : vector<1x1000x1xf32> to vector<1000x1xf32>
    %get3A_14 = arith.constant 1 : index
    %get3A_15 = arith.constant 0 : index
    %get3A_16 = arith.constant 0 : index
    %get3A_17 = vector.load %arg2[%get3A_14, %get3A_15, %get3A_16] : memref<2x1000x128xf32, #tpu.memory_space<vmem>>, vector<1x1000x1xf32>
    %get3A_18 = vector.shape_cast %get3A_17 : vector<1x1000x1xf32> to vector<1000x1xf32>
    %add3A_19 = arith.addf %get3A_13, %get3A_18 : vector<1000x1xf32>
    %max3A = arith.constant 1.000000e+00 : f32
    %max3A_20 = vector.broadcast %max3A : f32 to vector<1000x1xf32>
    %max3A_21 = arith.maximumf %add3A_19, %max3A_20 : vector<1000x1xf32>
    %div3A = vector.broadcast %max3A_21 : vector<1000x1xf32> to vector<1000x128xf32>
    %div3A_22 = arith.divf %add3A, %div3A : vector<1000x128xf32>
    %get3A_23 = arith.constant 0 : index
    %get3A_24 = arith.constant 0 : index
    %get3A_25 = vector.load %arg4[%get3A_23, %get3A_24] : memref<128x128xf32, #tpu.memory_space<vmem>>, vector<128x128xf32>
    %dot_general3A = arith.constant dense<0.000000e+00> : vector<1000x128xf32>
    %dot_general3A_26 = tpu.matmul %div3A_22, %get3A_25, %dot_general3A {dimension_numbers = #tpu.dot_dimension_numbers<[1], [0], [0], [1], [0, 0, 1, 1], [], []>, transpose_lhs_hint = false} : vector<1000x128xf32>, vector<128x128xf32>, vector<1000x128xf32> -> vector<1000x128xf32>
    %get3A_27 = arith.constant 0 : index
    %get3A_28 = arith.constant 0 : index
    %get3A_29 = vector.load %arg3[%get3A_27, %get3A_28] : memref<1000x128xf32, #tpu.memory_space<vmem>>, vector<1000x128xf32>
    %get3A_30 = arith.constant 0 : index
    %get3A_31 = arith.constant 0 : index
    %get3A_32 = vector.load %arg5[%get3A_30, %get3A_31] : memref<128x128xf32, #tpu.memory_space<vmem>>, vector<128x128xf32>
    %dot_general3A_33 = arith.constant dense<0.000000e+00> : vector<1000x128xf32>
    %dot_general3A_34 = tpu.matmul %get3A_29, %get3A_32, %dot_general3A_33 {dimension_numbers = #tpu.dot_dimension_numbers<[1], [0], [0], [1], [0, 0, 1, 1], [], []>, transpose_lhs_hint = false} : vector<1000x128xf32>, vector<128x128xf32>, vector<1000x128xf32> -> vector<1000x128xf32>
    %add3A_35 = arith.addf %dot_general3A_26, %dot_general3A_34 : vector<1000x128xf32>
    %get3A_36 = arith.constant 0 : index
    %get3A_37 = arith.constant 0 : index
    %get3A_38 = vector.load %arg6[%get3A_36, %get3A_37] : memref<1x128xf32, #tpu.memory_space<vmem>>, vector<1x128xf32>
    %add3A_39 = vector.broadcast %get3A_38 : vector<1x128xf32> to vector<1000x128xf32>
    %add3A_40 = arith.addf %add3A_35, %add3A_39 : vector<1000x128xf32>
    %max3A_41 = arith.constant 0.000000e+00 : f32
    %max3A_42 = vector.broadcast %max3A_41 : f32 to vector<1000x128xf32>
    %max3A_43 = arith.maximumf %add3A_40, %max3A_42 : vector<1000x128xf32>
    %swap3A = arith.constant 0 : index
    %swap3A_44 = arith.constant 0 : index
    %swap3A_45 = vector.load %arg7[%swap3A, %swap3A_44] : memref<1000x128xf32, #tpu.memory_space<vmem>>, vector<1000x128xf32>
    tpu.vector_store %arg7[%swap3A, %swap3A_44], %max3A_43 {strides = array<i32>} : memref<1000x128xf32, #tpu.memory_space<vmem>>, vector<1000x128xf32>,
    return
  }
  func.func @transform_0(%arg0: i32) -> (i32, i32, i32) {
    %c0_i32 = arith.constant 0 : i32
    %c0_i32_0 = arith.constant 0 : i32
    %c0_i32_1 = arith.constant 0 : i32
    return %c0_i32, %arg0, %c0_i32_0 : i32, i32, i32
  }
  func.func @transform_1(%arg0: i32) -> (i32, i32, i32) {
    %c0_i32 = arith.constant 0 : i32
    %c0_i32_0 = arith.constant 0 : i32
    %c0_i32_1 = arith.constant 0 : i32
    return %c0_i32, %arg0, %c0_i32_0 : i32, i32, i32
  }
  func.func @transform_2(%arg0: i32) -> (i32, i32) {
    %c0_i32 = arith.constant 0 : i32
    %c0_i32_0 = arith.constant 0 : i32
    return %arg0, %c0_i32 : i32, i32
  }
  func.func @transform_3(%arg0: i32) -> (i32, i32) {
    %c0_i32 = arith.constant 0 : i32
    %c0_i32_0 = arith.constant 0 : i32
    %c0_i32_1 = arith.constant 0 : i32
    return %c0_i32, %c0_i32_0 : i32, i32
  }
  func.func @transform_4(%arg0: i32) -> (i32, i32) {
    %c0_i32 = arith.constant 0 : i32
    %c0_i32_0 = arith.constant 0 : i32
    %c0_i32_1 = arith.constant 0 : i32
    return %c0_i32, %c0_i32_0 : i32, i32
  }
  func.func @transform_5(%arg0: i32) -> (i32, i32) {
    %c0_i32 = arith.constant 0 : i32
    %c0_i32_0 = arith.constant 0 : i32
    %c0_i32_1 = arith.constant 0 : i32
    return %c0_i32, %c0_i32_0 : i32, i32
  }
  func.func @transform_6(%arg0: i32) -> (i32, i32) {
    %c0_i32 = arith.constant 0 : i32
    %c0_i32_0 = arith.constant 0 : i32
    return %arg0, %c0_i32 : i32, i32
  }
}

module attributes {stable_mosaic.version = 14 : i64} {
  func.func @_tc_final_body(%arg0: i32, %arg1: memref<2x1000x128xf32, #tpu.memory_space<vmem>>, %arg2: memref<2x1000x128xf32, #tpu.memory_space<vmem>>, %arg3: memref<1000x128xf32, #tpu.memory_space<vmem>>, %arg4: memref<1x1x1000xi32, #tpu.memory_space<vmem>>, %arg5: memref<128x128xf32, #tpu.memory_space<vmem>>, %arg6: memref<128x128xf32, #tpu.memory_space<vmem>>, %arg7: memref<1x128xf32, #tpu.memory_space<vmem>>, %arg8: memref<128x128xf32, #tpu.memory_space<vmem>>, %arg9: memref<1x128xf32, #tpu.memory_space<vmem>>, %arg10: memref<1x128xf32, #tpu.memory_space<vmem>>, %arg11: memref<1x1xf32, #tpu.memory_space<vmem>>, %arg12: memref<1x64xf32, #tpu.memory_space<vmem>>, %arg13: memref<64x128xf32, #tpu.memory_space<vmem>>, %arg14: memref<64x128xf32, #tpu.memory_space<vmem>>) attributes {dimension_semantics = [#tpu.dimension_semantics<arbitrary>], iteration_bounds = array<i64: 10>, scalar_prefetch = 0 : i64, scratch_operands = 2 : i64, tpu.core_type = #tpu.core_type<tc>, window_params = [{transform_indices = @transform_0, window_bounds = array<i64: 2, 1000, 128>}, {transform_indices = @transform_1, window_bounds = array<i64: 2, 1000, 128>}, {transform_indices = @transform_2, window_bounds = array<i64: 1000, 128>}, {transform_indices = @transform_3, window_bounds = array<i64: 1, 1, 1000>}, {pipeline_mode = #tpu.pipeline_mode<synchronous>, transform_indices = @transform_4, window_bounds = array<i64: 128, 128>}, {pipeline_mode = #tpu.pipeline_mode<synchronous>, transform_indices = @transform_5, window_bounds = array<i64: 128, 128>}, {pipeline_mode = #tpu.pipeline_mode<synchronous>, transform_indices = @transform_6, window_bounds = array<i64: 1, 128>}, {pipeline_mode = #tpu.pipeline_mode<synchronous>, transform_indices = @transform_7, window_bounds = array<i64: 128, 128>}, {pipeline_mode = #tpu.pipeline_mode<synchronous>, transform_indices = @transform_8, window_bounds = array<i64: 1, 128>}, {pipeline_mode = #tpu.pipeline_mode<synchronous>, transform_indices = @transform_9, window_bounds = array<i64: 1, 128>}, {pipeline_mode = #tpu.pipeline_mode<synchronous>, transform_indices = @transform_10, window_bounds = array<i64: 1, 1>}, {pipeline_mode = #tpu.pipeline_mode<synchronous>, transform_indices = @transform_11, window_bounds = array<i64: 1, 64>}]} {
    %eq3A = arith.constant 0 : i32
    %eq3A_0 = arith.cmpi eq, %arg0, %eq3A : i32
    %convert_element_type3A = arith.extui %eq3A_0 : i1 to i32
    %cond3A = arith.constant 0 : i32
    %cond3A_1 = arith.cmpi ne, %convert_element_type3A, %cond3A : i32
    scf.if %cond3A_1 {
      %broadcast_in_dim3A_79 = arith.constant 0.000000e+00 : f32
      %broadcast_in_dim3A_80 = vector.broadcast %broadcast_in_dim3A_79 : f32 to vector<64x128xf32>
      %swap3A_81 = arith.constant 0 : index
      %swap3A_82 = arith.constant 0 : index
      %swap3A_83 = vector.load %arg13[%swap3A_81, %swap3A_82] : memref<64x128xf32, #tpu.memory_space<vmem>>, vector<64x128xf32>
      tpu.vector_store %arg13[%swap3A_81, %swap3A_82], %broadcast_in_dim3A_80 {strides = array<i32>} : memref<64x128xf32, #tpu.memory_space<vmem>>, vector<64x128xf32>,
      %broadcast_in_dim3A_84 = arith.constant 0.000000e+00 : f32
      %broadcast_in_dim3A_85 = vector.broadcast %broadcast_in_dim3A_84 : f32 to vector<64x128xf32>
      %swap3A_86 = arith.constant 0 : index
      %swap3A_87 = arith.constant 0 : index
      %swap3A_88 = vector.load %arg14[%swap3A_86, %swap3A_87] : memref<64x128xf32, #tpu.memory_space<vmem>>, vector<64x128xf32>
      tpu.vector_store %arg14[%swap3A_86, %swap3A_87], %broadcast_in_dim3A_85 {strides = array<i32>} : memref<64x128xf32, #tpu.memory_space<vmem>>, vector<64x128xf32>,
    } else {
    }
    %get3A = arith.constant 0 : index
    %get3A_2 = arith.constant 0 : index
    %get3A_3 = arith.constant 0 : index
    %get3A_4 = vector.load %arg1[%get3A, %get3A_2, %get3A_3] : memref<2x1000x128xf32, #tpu.memory_space<vmem>>, vector<1x1000x128xf32>
    %get3A_5 = vector.shape_cast %get3A_4 : vector<1x1000x128xf32> to vector<1000x128xf32>
    %get3A_6 = arith.constant 1 : index
    %get3A_7 = arith.constant 0 : index
    %get3A_8 = arith.constant 0 : index
    %get3A_9 = vector.load %arg1[%get3A_6, %get3A_7, %get3A_8] : memref<2x1000x128xf32, #tpu.memory_space<vmem>>, vector<1x1000x128xf32>
    %get3A_10 = vector.shape_cast %get3A_9 : vector<1x1000x128xf32> to vector<1000x128xf32>
    %add3A = arith.addf %get3A_5, %get3A_10 : vector<1000x128xf32>
    %get3A_11 = arith.constant 0 : index
    %get3A_12 = arith.constant 0 : index
    %get3A_13 = arith.constant 0 : index
    %get3A_14 = vector.load %arg2[%get3A_11, %get3A_12, %get3A_13] : memref<2x1000x128xf32, #tpu.memory_space<vmem>>, vector<1x1000x1xf32>
    %get3A_15 = vector.shape_cast %get3A_14 : vector<1x1000x1xf32> to vector<1000x1xf32>
    %get3A_16 = arith.constant 1 : index
    %get3A_17 = arith.constant 0 : index
    %get3A_18 = arith.constant 0 : index
    %get3A_19 = vector.load %arg2[%get3A_16, %get3A_17, %get3A_18] : memref<2x1000x128xf32, #tpu.memory_space<vmem>>, vector<1x1000x1xf32>
    %get3A_20 = vector.shape_cast %get3A_19 : vector<1x1000x1xf32> to vector<1000x1xf32>
    %add3A_21 = arith.addf %get3A_15, %get3A_20 : vector<1000x1xf32>
    %max3A = arith.constant 1.000000e+00 : f32
    %max3A_22 = vector.broadcast %max3A : f32 to vector<1000x1xf32>
    %max3A_23 = arith.maximumf %add3A_21, %max3A_22 : vector<1000x1xf32>
    %div3A = vector.broadcast %max3A_23 : vector<1000x1xf32> to vector<1000x128xf32>
    %div3A_24 = arith.divf %add3A, %div3A : vector<1000x128xf32>
    %get3A_25 = arith.constant 0 : index
    %get3A_26 = arith.constant 0 : index
    %get3A_27 = vector.load %arg5[%get3A_25, %get3A_26] : memref<128x128xf32, #tpu.memory_space<vmem>>, vector<128x128xf32>
    %dot_general3A = arith.constant dense<0.000000e+00> : vector<1000x128xf32>
    %dot_general3A_28 = tpu.matmul %div3A_24, %get3A_27, %dot_general3A {dimension_numbers = #tpu.dot_dimension_numbers<[1], [0], [0], [1], [0, 0, 1, 1], [], []>, transpose_lhs_hint = false} : vector<1000x128xf32>, vector<128x128xf32>, vector<1000x128xf32> -> vector<1000x128xf32>
    %get3A_29 = arith.constant 0 : index
    %get3A_30 = arith.constant 0 : index
    %get3A_31 = vector.load %arg3[%get3A_29, %get3A_30] : memref<1000x128xf32, #tpu.memory_space<vmem>>, vector<1000x128xf32>
    %get3A_32 = arith.constant 0 : index
    %get3A_33 = arith.constant 0 : index
    %get3A_34 = vector.load %arg6[%get3A_32, %get3A_33] : memref<128x128xf32, #tpu.memory_space<vmem>>, vector<128x128xf32>
    %dot_general3A_35 = arith.constant dense<0.000000e+00> : vector<1000x128xf32>
    %dot_general3A_36 = tpu.matmul %get3A_31, %get3A_34, %dot_general3A_35 {dimension_numbers = #tpu.dot_dimension_numbers<[1], [0], [0], [1], [0, 0, 1, 1], [], []>, transpose_lhs_hint = false} : vector<1000x128xf32>, vector<128x128xf32>, vector<1000x128xf32> -> vector<1000x128xf32>
    %add3A_37 = arith.addf %dot_general3A_28, %dot_general3A_36 : vector<1000x128xf32>
    %get3A_38 = arith.constant 0 : index
    %get3A_39 = arith.constant 0 : index
    %get3A_40 = vector.load %arg7[%get3A_38, %get3A_39] : memref<1x128xf32, #tpu.memory_space<vmem>>, vector<1x128xf32>
    %add3A_41 = vector.broadcast %get3A_40 : vector<1x128xf32> to vector<1000x128xf32>
    %add3A_42 = arith.addf %add3A_37, %add3A_41 : vector<1000x128xf32>
    %max3A_43 = arith.constant 0.000000e+00 : f32
    %max3A_44 = vector.broadcast %max3A_43 : f32 to vector<1000x128xf32>
    %max3A_45 = arith.maximumf %add3A_42, %max3A_44 : vector<1000x128xf32>
    %get3A_46 = arith.constant 0 : index
    %get3A_47 = arith.constant 0 : index
    %get3A_48 = arith.constant 0 : index
    %get3A_49 = vector.load %arg4[%get3A_46, %get3A_47, %get3A_48] : memref<1x1x1000xi32, #tpu.memory_space<vmem>>, vector<1x1x1000xi32>
    %get3A_50 = vector.shape_cast %get3A_49 : vector<1x1x1000xi32> to vector<1000xi32>
    %broadcast_in_dim3A = vector.shape_cast %get3A_50 : vector<1000xi32> to vector<1x1000xi32>
    %iota3A = tpu.iota {dimensions = array<i32: 0>} : vector<64x1000xi32>
    %eq3A_51 = vector.broadcast %broadcast_in_dim3A : vector<1x1000xi32> to vector<64x1000xi32>
    %eq3A_52 = arith.cmpi eq, %eq3A_51, %iota3A : vector<64x1000xi32>
    %convert_element_type3A_53 = arith.extui %eq3A_52 : vector<64x1000xi1> to vector<64x1000xi32>
    %convert_element_type3A_54 = arith.sitofp %convert_element_type3A_53 : vector<64x1000xi32> to vector<64x1000xf32>
    %get3A_55 = arith.constant 0 : index
    %get3A_56 = arith.constant 0 : index
    %get3A_57 = vector.load %arg13[%get3A_55, %get3A_56] : memref<64x128xf32, #tpu.memory_space<vmem>>, vector<64x128xf32>
    %dot_general3A_58 = arith.constant dense<0.000000e+00> : vector<64x128xf32>
    %dot_general3A_59 = tpu.matmul %convert_element_type3A_54, %max3A_45, %dot_general3A_58 {dimension_numbers = #tpu.dot_dimension_numbers<[1], [0], [0], [1], [0, 0, 1, 1], [], []>, precision = #tpu.contract_precision<fp32>, transpose_lhs_hint = false} : vector<64x1000xf32>, vector<1000x128xf32>, vector<64x128xf32> -> vector<64x128xf32>
    %add3A_60 = arith.addf %get3A_57, %dot_general3A_59 : vector<64x128xf32>
    %swap3A = arith.constant 0 : index
    %swap3A_61 = arith.constant 0 : index
    %swap3A_62 = vector.load %arg13[%swap3A, %swap3A_61] : memref<64x128xf32, #tpu.memory_space<vmem>>, vector<64x128xf32>
    tpu.vector_store %arg13[%swap3A, %swap3A_61], %add3A_60 {strides = array<i32>} : memref<64x128xf32, #tpu.memory_space<vmem>>, vector<64x128xf32>,
    %get3A_63 = arith.constant 0 : index
    %get3A_64 = arith.constant 0 : index
    %get3A_65 = vector.load %arg14[%get3A_63, %get3A_64] : memref<64x128xf32, #tpu.memory_space<vmem>>, vector<64x128xf32>
    %reduce_sum3A = arith.constant dense<0.000000e+00> : vector<64xf32>
    %reduce_sum3A_66 = vector.multi_reduction <add>, %convert_element_type3A_54, %reduce_sum3A [1] : vector<64x1000xf32> to vector<64xf32>
    %broadcast_in_dim3A_67 = vector.shape_cast %reduce_sum3A_66 : vector<64xf32> to vector<64x1xf32>
    %broadcast_in_dim3A_68 = vector.shape_cast %broadcast_in_dim3A_67 : vector<64x1xf32> to vector<64x1xf32>
    %broadcast_in_dim3A_69 = vector.broadcast %broadcast_in_dim3A_68 : vector<64x1xf32> to vector<64x128xf32>
    %add3A_70 = arith.addf %get3A_65, %broadcast_in_dim3A_69 : vector<64x128xf32>
    %swap3A_71 = arith.constant 0 : index
    %swap3A_72 = arith.constant 0 : index
    %swap3A_73 = vector.load %arg14[%swap3A_71, %swap3A_72] : memref<64x128xf32, #tpu.memory_space<vmem>>, vector<64x128xf32>
    tpu.vector_store %arg14[%swap3A_71, %swap3A_72], %add3A_70 {strides = array<i32>} : memref<64x128xf32, #tpu.memory_space<vmem>>, vector<64x128xf32>,
    %eq3A_74 = arith.constant 9 : i32
    %eq3A_75 = arith.cmpi eq, %arg0, %eq3A_74 : i32
    %convert_element_type3A_76 = arith.extui %eq3A_75 : i1 to i32
    %cond3A_77 = arith.constant 0 : i32
    %cond3A_78 = arith.cmpi ne, %convert_element_type3A_76, %cond3A_77 : i32
    scf.if %cond3A_78 {
      %get3A_79 = arith.constant 0 : index
      %get3A_80 = arith.constant 0 : index
      %get3A_81 = vector.load %arg13[%get3A_79, %get3A_80] : memref<64x128xf32, #tpu.memory_space<vmem>>, vector<64x128xf32>
      %get3A_82 = arith.constant 0 : index
      %get3A_83 = arith.constant 0 : index
      %get3A_84 = vector.load %arg14[%get3A_82, %get3A_83] : memref<64x128xf32, #tpu.memory_space<vmem>>, vector<64x128xf32>
      %max3A_85 = arith.constant 1.000000e+00 : f32
      %max3A_86 = vector.broadcast %max3A_85 : f32 to vector<64x128xf32>
      %max3A_87 = arith.maximumf %get3A_84, %max3A_86 : vector<64x128xf32>
      %div3A_88 = arith.divf %get3A_81, %max3A_87 : vector<64x128xf32>
      %get3A_89 = arith.constant 0 : index
      %get3A_90 = arith.constant 0 : index
      %get3A_91 = vector.load %arg8[%get3A_89, %get3A_90] : memref<128x128xf32, #tpu.memory_space<vmem>>, vector<128x128xf32>
      %dot_general3A_92 = arith.constant dense<0.000000e+00> : vector<64x128xf32>
      %dot_general3A_93 = tpu.matmul %div3A_88, %get3A_91, %dot_general3A_92 {dimension_numbers = #tpu.dot_dimension_numbers<[1], [0], [0], [1], [0, 0, 1, 1], [], []>, transpose_lhs_hint = false} : vector<64x128xf32>, vector<128x128xf32>, vector<64x128xf32> -> vector<64x128xf32>
      %get3A_94 = arith.constant 0 : index
      %get3A_95 = arith.constant 0 : index
      %get3A_96 = vector.load %arg9[%get3A_94, %get3A_95] : memref<1x128xf32, #tpu.memory_space<vmem>>, vector<1x128xf32>
      %add3A_97 = vector.broadcast %get3A_96 : vector<1x128xf32> to vector<64x128xf32>
      %add3A_98 = arith.addf %dot_general3A_93, %add3A_97 : vector<64x128xf32>
      %max3A_99 = arith.constant 0.000000e+00 : f32
      %max3A_100 = vector.broadcast %max3A_99 : f32 to vector<64x128xf32>
      %max3A_101 = arith.maximumf %add3A_98, %max3A_100 : vector<64x128xf32>
      %convert_element_type3A_102 = arith.truncf %max3A_101 : vector<64x128xf32> to vector<64x128xbf16>
      %convert_element_type3A_103 = arith.extf %convert_element_type3A_102 : vector<64x128xbf16> to vector<64x128xf32>
      %get3A_104 = arith.constant 0 : index
      %get3A_105 = arith.constant 0 : index
      %get3A_106 = vector.load %arg10[%get3A_104, %get3A_105] : memref<1x128xf32, #tpu.memory_space<vmem>>, vector<1x128xf32>
      %convert_element_type3A_107 = arith.truncf %get3A_106 : vector<1x128xf32> to vector<1x128xbf16>
      %convert_element_type3A_108 = arith.extf %convert_element_type3A_107 : vector<1x128xbf16> to vector<1x128xf32>
      %mul3A = vector.broadcast %convert_element_type3A_108 : vector<1x128xf32> to vector<64x128xf32>
      %mul3A_109 = arith.mulf %convert_element_type3A_103, %mul3A : vector<64x128xf32>
      %reduce_sum3A_110 = arith.constant dense<0.000000e+00> : vector<64xf32>
      %reduce_sum3A_111 = vector.multi_reduction <add>, %mul3A_109, %reduce_sum3A_110 [1] : vector<64x128xf32> to vector<64xf32>
      %get3A_112 = arith.constant 0 : index
      %get3A_113 = arith.constant 0 : index
      %get3A_114 = vector.load %arg11[%get3A_112, %get3A_113] : memref<1x1xf32, #tpu.memory_space<vmem>>, vector<1x1xf32>
      %get3A_115 = vector.extract %get3A_114[0, 0] : f32 from vector<1x1xf32>
      %add3A_116 = vector.broadcast %get3A_115 : f32 to vector<64xf32>
      %add3A_117 = arith.addf %reduce_sum3A_111, %add3A_116 : vector<64xf32>
      %swap3A_118 = arith.constant 0 : index
      %swap3A_119 = arith.constant 0 : index
      %swap3A_120 = vector.load %arg12[%swap3A_118, %swap3A_119] : memref<1x64xf32, #tpu.memory_space<vmem>>, vector<1x64xf32>
      %swap3A_121 = vector.shape_cast %swap3A_120 : vector<1x64xf32> to vector<64xf32>
      %swap3A_122 = vector.shape_cast %add3A_117 : vector<64xf32> to vector<1x64xf32>
      tpu.vector_store %arg12[%swap3A_118, %swap3A_119], %swap3A_122 {strides = array<i32>} : memref<1x64xf32, #tpu.memory_space<vmem>>, vector<1x64xf32>,
    } else {
    }
    return
  }
  func.func @transform_0(%arg0: i32) -> (i32, i32, i32) {
    %c0_i32 = arith.constant 0 : i32
    %c0_i32_0 = arith.constant 0 : i32
    %c0_i32_1 = arith.constant 0 : i32
    return %c0_i32, %arg0, %c0_i32_0 : i32, i32, i32
  }
  func.func @transform_1(%arg0: i32) -> (i32, i32, i32) {
    %c0_i32 = arith.constant 0 : i32
    %c0_i32_0 = arith.constant 0 : i32
    %c0_i32_1 = arith.constant 0 : i32
    return %c0_i32, %arg0, %c0_i32_0 : i32, i32, i32
  }
  func.func @transform_2(%arg0: i32) -> (i32, i32) {
    %c0_i32 = arith.constant 0 : i32
    %c0_i32_0 = arith.constant 0 : i32
    return %arg0, %c0_i32 : i32, i32
  }
  func.func @transform_3(%arg0: i32) -> (i32, i32, i32) {
    %c0_i32 = arith.constant 0 : i32
    %c0_i32_0 = arith.constant 0 : i32
    %c0_i32_1 = arith.constant 0 : i32
    return %arg0, %c0_i32, %c0_i32_0 : i32, i32, i32
  }
  func.func @transform_4(%arg0: i32) -> (i32, i32) {
    %c0_i32 = arith.constant 0 : i32
    %c0_i32_0 = arith.constant 0 : i32
    %c0_i32_1 = arith.constant 0 : i32
    return %c0_i32, %c0_i32_0 : i32, i32
  }
  func.func @transform_5(%arg0: i32) -> (i32, i32) {
    %c0_i32 = arith.constant 0 : i32
    %c0_i32_0 = arith.constant 0 : i32
    %c0_i32_1 = arith.constant 0 : i32
    return %c0_i32, %c0_i32_0 : i32, i32
  }
  func.func @transform_6(%arg0: i32) -> (i32, i32) {
    %c0_i32 = arith.constant 0 : i32
    %c0_i32_0 = arith.constant 0 : i32
    %c0_i32_1 = arith.constant 0 : i32
    return %c0_i32, %c0_i32_0 : i32, i32
  }
  func.func @transform_7(%arg0: i32) -> (i32, i32) {
    %c0_i32 = arith.constant 0 : i32
    %c0_i32_0 = arith.constant 0 : i32
    %c0_i32_1 = arith.constant 0 : i32
    return %c0_i32, %c0_i32_0 : i32, i32
  }
  func.func @transform_8(%arg0: i32) -> (i32, i32) {
    %c0_i32 = arith.constant 0 : i32
    %c0_i32_0 = arith.constant 0 : i32
    %c0_i32_1 = arith.constant 0 : i32
    return %c0_i32, %c0_i32_0 : i32, i32
  }
  func.func @transform_9(%arg0: i32) -> (i32, i32) {
    %c0_i32 = arith.constant 0 : i32
    %c0_i32_0 = arith.constant 0 : i32
    %c0_i32_1 = arith.constant 0 : i32
    return %c0_i32, %c0_i32_0 : i32, i32
  }
  func.func @transform_10(%arg0: i32) -> (i32, i32) {
    %c0_i32 = arith.constant 0 : i32
    %c0_i32_0 = arith.constant 0 : i32
    %c0_i32_1 = arith.constant 0 : i32
    return %c0_i32, %c0_i32_0 : i32, i32
  }
  func.func @transform_11(%arg0: i32) -> (i32, i32) {
    %c0_i32 = arith.constant 0 : i32
    %c0_i32_0 = arith.constant 0 : i32
    %c0_i32_1 = arith.constant 0 : i32
    return %c0_i32, %c0_i32_0 : i32, i32
  }
}

</mosaic_0001>

<sc_bundles>
// kernel: kernel.10.cloned.1.call-start
scs
__scs_entry_jumppad:
0x0: {  	(pc) =	sbr.rel $0x88, $3  }
0x1: {  	(tag) =	ssettag $0x0;
	lr =	simm.s32 $0x1  }
0x2: {  	[smem:$0x3F94] =	sst lr;
	_ =	strace $0xD0000000  }
0x3: {  	_ = 	snop  }
0x4: {  	_ = 	snop  }
0x5: {  	_ = 	snop  }
0x6: {  	_ = 	snop  }
0x7: {  	_ = 	snop  }
__scs_overlays_trampoline_lowered:
0x8: {  	[smem:$0x3FA3] =	sst s0  }
0x9: {  	[smem:$0x3FA4] =	sst s1  }
0xa: {  	[smem:$0x3FA5] =	sst s2  }
0xb: {  	[smem:$0x3FA6] =	sst s3  }
0xc: {  	[smem:$0x3FA7] =	sst s4  }
0xd: {  	[smem:$0x3FA8] =	sst s5  }
0xe: {  	[smem:$0x3FA9] =	sst s6  }
0xf: {  	[smem:$0x3FAA] =	sst s7  }
0x10: {  	[smem:$0x3FAB] =	sst s8  }
0x11: {  	[smem:$0x3FAC] =	sst s9;
	s0 =	simm.s32 @!p0 $0x0  }
0x12: {  	s1 =	sld [smem:$0x3F92];
	s0 =	simm.s32 @p0 $0x1  }
0x13: {  	[smem:$0x3FAD] =	sst s0;
	s0 =	simm.s32 @!p1 $0x0  }
0x14: {  	s2 =	sld [smem:$0x3F91];
	s0 =	simm.s32 @p1 $0x1  }
0x15: {  	[smem:$0x3FAE] =	sst s0;
	s0 =	simm.s32 @!p2 $0x0  }
0x16: {  	s3 =	sld [smem:$0x3FDB];
	s0 =	simm.s32 @p2 $0x1  }
0x17: {  	s4 =	simm.s32 $0x1BF5;
	[smem:$0x3FB0] =	sst s0  }
0x18: {  	s0 =	sld [smem:$0x3F93];
	_ =	swait.ge [sflag:s4], $0x0  }
0x19: {  	s7 =	sld [smem:$0x3F94]  }
0x1a: {  	s8 =	sadd.s32 $0xFFFFE003, lr  }
0x1b: {  	s9 =	sadd.s32 $0xFFFFFEF7, lr;
	s5 =	simm.s32 $0xFFFFFFFF;
	p2 =	slt.u32 s8, $0xFFFFF086  }
0x1c: {  	p1 =	slt.u32 s9, $0xF7A;
	s5 =	simm.s32 @!p2 $0x0  }
0x1d: {  	s5 =	simm.s32 @p1 $0x1;
	p0 =	seq.s32 s7, s2  }
0x1e: {  	s7 =	smul.u32 @!p0 $0xF7A, s2;
	p2 =	seq.s32 @!p0 s5, $0x0  }
0x1f: {  	s9 =	smul.u32 $0xF7A, s1;
	s8 =	simm.s32 @!p0 $0x1BF5;
	p2 =	por !p2, p0  }
0x20: {  	[sflag:s8] =	ssyncset.s32 @!p0 $0xFFFFF086;
	s6 =	sadd.s32 @!p0 s3, s7;
	s7 =	simm.s32 @!p0 $0x108  }
0x21: {  	s3 =	sadd.s32 s3, s9;
	s6 =	sadd.s32 @!p0 $0x88, s6;
	s7 =	simm.s32 @p2 $0x1082  }
0x22: {  	[simem:s7], [sflag:s8] =	dma.local @!p0 [hbm:s6], $0xF7A  }
0x23: {  	s9 =	sor.u32 $0xD0000000, s2;
	s6 =	simm.s32 $0x108;
	_ =	swait.ge @!p0 [sflag:s8], $0x0  }
0x24: {  	s3 =	sadd.s32 $0x88, s3;
	s6 =	simm.s32 @!p1 $0x1082;
	[sflag:s4] =	ssyncset.s32 $0xFFFFF086  }
0x25: {  	[simem:s6], [sflag:s4] =	dma.local [hbm:s3], $0xF7A  }
0x26: {  	[smem:$0x3F94] =	sst s1;
	(tag) =	ssettag s2;
	_ =	strace s9  }
0x27: {  	s1 =	sld [smem:$0x3FA4]  }
0x28: {  	s2 =	sld [smem:$0x3FA5]  }
0x29: {  	s4 =	sld [smem:$0x3FA7]  }
0x2a: {  	p0 =	seq.s32 s5, $0x0;
	s5 =	sld [smem:$0x3FA8]  }
0x2b: {  	s6 =	sld [smem:$0x3FA9]  }
0x2c: {  	s7 =	sld [smem:$0x3FAA]  }
0x2d: {  	s3 =	simm.s32 $0x108;
	s8 =	sld [smem:$0x3FAB]  }
0x2e: {  	s3 =	simm.s32 @!p0 $0x1082;
	s9 =	sld [smem:$0x3FAC]  }
0x2f: {  	lr =	sadd.s32 s0, s3;
	s0 =	sld [smem:$0x3FA3]  }
0x30: {  	s3 =	sld [smem:$0x3FA6]  }
0x31: {  	[smem:$0x3FAF] =	sst s10  }
0x32: {  	s10 =	sld [smem:$0x3FAD];
	_ =	sdelay $0x3  }
0x33: {  	p0 =	seq.s32 s10, $0x1;
	s10 =	sld [smem:$0x3FAF];
	_ =	sdelay $0x3  }
0x34: {  	[smem:$0x3FAF] =	sst s10  }
0x35: {  	s10 =	sld [smem:$0x3FAE];
	_ =	sdelay $0x3  }
0x36: {  	p1 =	seq.s32 s10, $0x1;
	s10 =	sld [smem:$0x3FAF];
	_ =	sdelay $0x3  }
0x37: {  	[smem:$0x3FAF] =	sst s10  }
0x38: {  	s10 =	sld [smem:$0x3FB0]  }
0x39: {  	_ = 	snop;
	(pc) =	sbr.ind lr, $3  }
0x3a: {  	_ = 	snop  }
0x3b: {  	_ = 	snop  }
0x3c: {  	p2 =	seq.s32 s10, $0x1;
	s10 =	sld [smem:$0x3FAF]  }
0x3d: {  	_ =	shalt  }
0x3e: {  	_ =	shalt  }
0x3f: {  	_ =	shalt  }
0x40: {  	_ =	shalt  }
0x41: {  	_ =	shalt  }
0x42: {  	_ =	shalt  }
0x43: {  	_ =	shalt  }
0x44: {  	_ =	shalt  }
0x45: {  	_ =	shalt  }
0x46: {  	_ =	shalt  }
0x47: {  	_ =	shalt  }
0x48: {  	_ =	shalt  }
0x49: {  	_ =	shalt  }
0x4a: {  	_ =	shalt  }
0x4b: {  	_ =	shalt  }
0x4c: {  	_ =	shalt  }
0x4d: {  	_ =	shalt  }
0x4e: {  	_ =	shalt  }
0x4f: {  	_ =	shalt  }
0x50: {  	_ =	shalt  }
0x51: {  	_ =	shalt  }
0x52: {  	_ =	shalt  }
0x53: {  	_ =	shalt  }
0x54: {  	_ =	shalt  }
0x55: {  	_ =	shalt  }
0x56: {  	_ =	shalt  }
0x57: {  	_ =	shalt  }
0x58: {  	_ =	shalt  }
0x59: {  	_ =	shalt  }
0x5a: {  	_ =	shalt  }
0x5b: {  	_ =	shalt  }
0x5c: {  	_ =	shalt  }
0x5d: {  	_ =	shalt  }
0x5e: {  	_ =	shalt  }
0x5f: {  	_ =	shalt  }
0x60: {  	_ =	shalt  }
0x61: {  	_ =	shalt  }
0x62: {  	_ =	shalt  }
0x63: {  	_ =	shalt  }
0x64: {  	_ =	shalt  }
0x65: {  	_ =	shalt  }
0x66: {  	_ =	shalt  }
0x67: {  	_ =	shalt  }
0x68: {  	_ =	shalt  }
0x69: {  	_ =	shalt  }
0x6a: {  	_ =	shalt  }
0x6b: {  	_ =	shalt  }
0x6c: {  	_ =	shalt  }
0x6d: {  	_ =	shalt  }
0x6e: {  	_ =	shalt  }
0x6f: {  	_ =	shalt  }
0x70: {  	_ =	shalt  }
0x71: {  	_ =	shalt  }
0x72: {  	_ =	shalt  }
0x73: {  	_ =	shalt  }
0x74: {  	_ =	shalt  }
0x75: {  	_ =	shalt  }
0x76: {  	_ =	shalt  }
0x77: {  	_ =	shalt  }
0x78: {  	_ =	shalt  }
0x79: {  	_ =	shalt  }
0x7a: {  	_ =	shalt  }
0x7b: {  	_ =	shalt  }
0x7c: {  	_ =	shalt  }
0x7d: {  	_ =	shalt  }
0x7e: {  	_ =	shalt  }
0x7f: {  	_ =	shalt  }
0x80: {  	_ =	shalt  }
0x81: {  	_ =	shalt  }
0x82: {  	_ =	shalt  }
0x83: {  	_ =	shalt  }
0x84: {  	_ =	shalt  }
0x85: {  	_ =	shalt  }
0x86: {  	_ =	shalt  }
0x87: {  	_ =	shalt  }
.Lfunc_end0:
.L_simem_size_0:
called_computation.1_lowered:
.L_overlay_start_0:
0x88: {  	s2 =	sld [smem:$0x3FD9]  }
0x89: {  	s3 =	sld [smem:$0x3FFE];
	_ =	sdelay $0x1  }
0x8a: {  	s1 =	srdreg.scid  }
0x8b: {  	s0 =	sand.u32 $0x1, s1  }
0x8c: {  	s17 =	sshll.u32 s0, $0xA;
	s2 =	sadd.s32 s3, s2  }
0x8d: {  	s2 =	sadd.s32 s2, s17  }
0x8e: {  	[smem:$0x3FBB] =	sst s2  }
0x8f: {  	_ = 	snop  }
0x90: {  	s18 =	sld [smem:$0x3FC9];
	(tm) =	ssettm $0x1  }
0x91: {  	s19 =	sld [smem:$0x3FFB];
	_ =	sdelay $0x3  }
0x92: {  	_ =	strace s19  }
0x93: {  	s2 =	sld [smem:$0x3FFC];
	_ =	sdelay $0x3  }
0x94: {  	_ =	strace s2  }
0x95: {  	s2 =	sld [smem:$0x3FFD];
	_ =	sdelay $0x3  }
0x96: {  	_ =	strace s2  }
0x97: {  	_ =	strace $0x8FFFFFFF  }
0x98: {  	s20 =	sld [smem:$0x3FDB];
	_ =	sdelay $0x1  }
0x99: {  	s4 =	simm.s32 $_scs_section_size  }
0x9a: {  	s5 =	simm.s32 $_size__tile_overlayer_lowered;
	s6 =	simm.s32 $_tile_overlayer_lowered  }
0x9b: {  	s7 =	simm.s32 $0x1BFF;
	s21 =	sshll.u32 s6, $0x1;
	s4 =	sadd.s32 s4, s20  }
0x9c: {  	s22 =	simm.s32 $0x0;
	s5 =	sshll.u32 s5, $0x1;
	s6 =	sadd.s32 s21, s4  }
0x9d: {  	[timem:s22], [sflag:s7] =	dma.local [hbm:s6], s5  }
0x9e: {  	_ =	swait.ge [sflag:s7], s5  }
0x9f: {  	s5 =	ssub.s32 $0x0, s5;
	[sflag:s7] =	ssyncset.done $0x0  }
0xa0: {  	[sflag:s7] =	ssyncadd.s32 s5;
	_ =	sdelay $0x1  }
0xa1: {  	s23 =	simm.s32 $0x1B8B  }
0xa2: {  	_ =	swait.ge [sflag:s23], $0x1  }
0xa3: {  	[sflag:s23] =	ssyncset.done $0x0  }
0xa4: {  	[sflag:s23] =	ssyncadd.s32 $0xFFFFFFFF  }
0xa5: {  	s5 =	sld [smem:$0x0]  }
0xa6: {  	s6 =	sand.u32 $0xFFFFFFFE, s1  }
0xa7: {  	p0 =	sne.s32 s1, s6  }
0xa8: {  	s6 =	sshll.u32 @p0 s6, $0xE  }
0xa9: {  	s6 =	sadd.s32 @p0 $0x11B8D, s6;
	s7 =	sshll.u32 @p0 s5, $0x11  }
0xaa: {  	s6 =	sor.u32 @p0 s7, s6  }
0xab: {  	[sflag:s6] =	ssyncadd.remote.s32 @p0 $0x1;
	_ =	sdelay $0x1  }
0xac: {  	s6 =	simm.s32 @p0 $0x1B8D  }
0xad: {  	_ =	swait.eq @p0 [sflag:s6], $0x1  }
0xae: {  	[sflag:s6] =	ssyncadd.s32 @p0 $0xFFFFFFFF  }
0xaf: {  	s7 =	sshll.u32 @!p0 s1, $0xE  }
0xb0: {  	s7 =	sor.u32 @!p0 $0x4000, s7;
	s6 =	simm.s32 @!p0 $0x1B8D  }
0xb1: {  	s5 =	sshll.u32 @!p0 s5, $0x11;
	s7 =	sadd.s32 @!p0 $0x11B8D, s7;
	_ =	swait.eq @!p0 [sflag:s6], $0x1  }
0xb2: {  	s5 =	sor.u32 @!p0 s5, s7;
	[sflag:s6] =	ssyncadd.s32 @!p0 $0xFFFFFFFF  }
0xb3: {  	s25 =	simm.s32 $0x1B8E;
	s24 =	sld [smem:$0x3FFE];
	[sflag:s5] =	ssyncadd.remote.s32 @!p0 $0x1  }
0xb4: {  	s26 =	simm.s32 $execute0_lowered;
	[smem:$0x3FD2] =	sst s25  }
0xb5: {  	s6 =	sshll.u32 s26, $0x1;
	_ =	strace $0x80000049;
	[dreg:$0x1] =	wrdreg $0xFFFFFFFF  }
0xb6: {  	s28 =	simm.s32 $_size_execute0_lowered;
	s4 =	sadd.s32 s4, s6;
	[dreg:$0x0] =	wrdreg $0x0  }
0xb7: {  	s6 =	sshll.u32 s28, $0x1;
	[dreg:$0x2] =	wrdreg s4  }
0xb8: {  	[dreg:$0x3] =	wrdreg s6  }
0xb9: {  	[dreg:$0x4] =	wrdreg $0xC0  }
0xba: {  	_ =	task [dreg:s22], $0x5FFFF  }
0xbb: {  	[dreg:$0x1] =	wrdreg $0xFFFFFFFF  }
0xbc: {  	[dreg:$0x0] =	wrdreg $0x60  }
0xbd: {  	[dreg:$0x2] =	wrdreg s18  }
0xbe: {  	[dreg:$0x3] =	wrdreg s24  }
0xbf: {  	[dreg:$0x4] =	wrdreg $0x0  }
0xc0: {  	[dreg:$0x5] =	wrdreg $0xA  }
0xc1: {  	_ =	task.clear_ibuf [dreg:s22], $0x6FFFF;
	_ =	strace $0x90000049  }
0xc2: {  	s29 =	simm.s32 $0xA;
	_ =	strace $0x8000004B  }
0xc3: {  	_ =	swait.ge [sflag:s29], $0x1  }
0xc4: {  	[sflag:s29] =	ssyncadd.s32 $0xFFFFFFFF  }
0xc5: {  	_ =	strace $0x9000004B  }
0xc6: {  	_ =	sfence  }
0xc7: {  	s30 =	sld [smem:$0x0];
	_ =	sdelay $0x2  }
0xc8: {  	s31 =	sshll.u32 s1, $0xD;
	s1 =	sshrl.u32 s1, $0x2  }
0xc9: {  	s4 =	sand.u32 $0x4000, s31;
	s1 =	sadd.s32 s1, s30  }
0xca: {  	s0 =	sor.u32 s4, s0;
	s1 =	sshll.u32 s1, $0x11  }
0xcb: {  	s0 =	sor.u32 s1, s0  }
0xcc: {  	s0 =	sadd.s32 $0x8F2B, s0  }
0xcd: {  	[sflag:s0] =	ssyncadd.remote.s32 $0x1  }
0xce: {  	_ =	sfence.sel $0xFFFF  }
0xcf: {  	[dreg:$0x0] =	wrdreg $0xFFFFFFFF;
	(pc) =	sbr.abs _section_cstart, $3  }
0xd0: {  	[dreg:$0x1] =	wrdreg $0xFFFFFFFF  }
0xd1: {  	_ =	task.clear_ibuf [dreg:s22], $0x2FFFF;
	_ =	strace $0x9FFFFFFF  }
0xd2: {  	(tm) =	ssettm $0x7FFFFFFF  }
0xd3: {  	_ =	shalt  }
tec
execute0_lowered:
.L_overlay_start_1:
0x0: {  	(tag) =	ssettag $0x1  }
0x1: {  	s1 =	rddreg [dreg:$0x0]  }
0x2: {  	s0 =	rddreg [dreg:$0x1]  }
0x3: {  	s2 =	rddreg [dreg:$0x2]  }
0x4: {  	s3 =	srdreg.scid;
	s13 =	simm.s32 $0x0;
	s9 =	stileid.u32  }
0x5: {  	s28 =	simm.s32 $0x40;
	s30 =	simm.s32 $0x16000;
	s29 =	simm.s32 $0x1D1C0  }
0x6: {  	s31 =	simm.s32 $0x1D900;
	s3 =	sand.u32 $0x1, s3;
	s6 =	smul.u32 $0x14000, s9  }
0x7: {  	[smem:$0x7FF] =	sst s13;
	s7 =	sadd.s32 $0x3200, s0;
	s26 =	smul.u32 $0x50000, s9  }
0x8: {  	s5 =	smul.u32 $0x140000, s3;
	s8 =	sshll.u32 s3, $0x4;
	s3 =	ssub.s32 $0x2, s3  }
0x9: {  	_ =	strace $0x8000004A;
	s25 =	sor.u32 s9, s8;
	s10 =	sshrl.u32 s3, $0x1  }
0xa: {  	s12 =	sshrl.u32 s26, $0x2;
	s9 =	sadd.s32 $0xD200, s0;
	s4 =	smul.u32 $0x2800, s25  }
0xb: {  	s5 =	sadd.s32 s6, s5;
	s11 =	smul.u32 $0x500, s25;
	s6 =	sadd.s32 s12, s2  }
0xc: {  	s3 =	ssub.s32 s3, s10;
	s12 =	simm.s32 $0x1A000;
	[dreg:$0x14] =	wrdreg s6  }
0xd: {  	s10 =	simm.s32 $0x5;
	s22 =	smax.u32 s3, $0x1;
	[dreg:$0x4] =	wrdreg s11  }
0xe: {  	s5 =	sshrl.u32 s5, $0x3;
	s23 =	sadd.s32 $0x4000, s6;
	[dreg:$0xf] =	wrdreg s22  }
0xf: {  	s24 =	sadd.s32 $0x8000, s6;
	s25 =	sadd.s32 $0xC000, s6;
	[dreg:$0x10] =	wrdreg s23  }
0x10: {  	s26 =	sadd.s32 $0x10000, s6;
	s6 =	simm.s32 $0x1D800;
	[dreg:$0x11] =	wrdreg s24  }
0x11: {  	s5 =	sadd.s32 s5, s0;
	s14 =	sshrl.u32 s4, $0x3;
	[dreg:$0x12] =	wrdreg s25  }
0x12: {  	s15 =	sadd.s32 s7, s11;
	[dreg:$0x13] =	wrdreg s26;
	s23 =	simm.s32 $0x14000  }
0x13: {  	s24 =	simm.s32 $0x6;
	s22 =	simm.s32 $0x4;
	s26 =	simm.s32 $0x1C000  }
0x14: {  	s4 =	simm.s32 $0x1C800;
	[dreg:$0x5] =	wrdreg s15;
	s16 =	sadd.s32 $0x100, s14  }
0x15: {  	s11 =	simm.s32 $0x1D880;
	s18 =	sadd.s32 $0x200, s14;
	[dreg:$0x6] =	wrdreg s16  }
0x16: {  	s25 =	simm.s32 $0x1D180;
	s19 =	sadd.s32 $0x300, s14;
	[dreg:$0x8] =	wrdreg s18  }
0x17: {  	s8 =	sadd.s32 $0x400, s14;
	s21 =	sadd.s32 $0x67200, s5;
	[dreg:$0xa] =	wrdreg s19  }
0x18: {  	s15 =	simm.s32 $0x1;
	s14 =	simm.s32 $0x1D100;
	[dreg:$0xb] =	wrdreg s8  }
0x19: {  	s17 =	sadd.s32 s7, s16;
	s0 =	sadd.s32 s7, s18;
	[dreg:$0xe] =	wrdreg s21  }
0x1a: {  	s20 =	sadd.s32 s7, s8;
	s16 =	simm.s32 $0x80;
	[dreg:$0x7] =	wrdreg s17  }
0x1b: {  	s18 =	simm.s32 $0x0;
	s8 =	simm.s32 $0x1D0C0;
	[dreg:$0x9] =	wrdreg s0  }
0x1c: {  	s0 =	sadd.s32 s7, s19;
	[dreg:$0xd] =	wrdreg s20;
	s7 =	simm.s32 $0x18000  }
0x1d: {  	v0 =	vimm.f32 $0.0e+00;
	s17 =	simm.s32 $0x2;
	s19 =	simm.s32 $0x3;
	[dreg:$0xc] =	wrdreg s0  }
.LBB2_1:
0x1e: {  	s20 =	simm.s32 $0x0;
	s21 =	simm.s32 $0x200  }
.LBB2_2:
0x1f: {  	p0 =	sne.s32 s21, $0xFE00;
	[tilespmem:s20+$0x14070] =	vst v0  }
0x20: {  	[tilespmem:s20+$0x14000] =	vst v0  }
0x21: {  	[tilespmem:s20+$0x14010] =	vst v0  }
.Ltmp0:
0x22: {  	[tilespmem:s20+$0x14020] =	vst v0;
	(pc) =	sbr.rel @p0 .LBB2_2-.Ltmp0, $4  }
0x23: {  	[tilespmem:s20+$0x14030] =	vst v0  }
0x24: {  	[tilespmem:s20+$0x14040] =	vst v0  }
0x25: {  	[tilespmem:s20+$0x14050] =	vst v0  }
0x26: {  	[tilespmem:s20+$0x14060] =	vst v0;
	s20 =	sshra.s32 s21, $0x2;
	s21 =	sadd.s32 $0x200, s21  }
0x27: {  	[tilespmem:s20+$0x14070] =	vst v0  }
0x28: {  	[tilespmem:s20+$0x14000] =	vst v0  }
0x29: {  	[tilespmem:s20+$0x14010] =	vst v0  }
0x2a: {  	[tilespmem:s20+$0x14020] =	vst v0  }
0x2b: {  	[tilespmem:s20+$0x14030] =	vst v0  }
0x2c: {  	[tilespmem:s20+$0x14040] =	vst v0  }
0x2d: {  	[tilespmem:s20+$0x14050] =	vst v0  }
0x2e: {  	[tilespmem:s20+$0x14060] =	vst v0;
	s0 =	rddreg [dreg:$0x14]  }
0x2f: {  	[spmem:s0] =	stream.linear.scatter [tilespmem:s23], [sflag:$0x6], $0x4000, $0x38;
	[tilespmem:$0x1E000] =	vst v63  }
0x30: {  	_ =	swait.ge [sflag:s24], $0x4000  }
0x31: {  	[sflag:s24] =	ssyncset.done $0x0  }
0x32: {  	s5 =	rddreg [dreg:$0x10];
	[sflag:s24] =	ssyncadd.s32 $0xFFFFC000  }
0x33: {  	[spmem:s5] =	stream.linear.scatter [tilespmem:s23], [sflag:$0x6], $0x4000, $0x38;
	[tilespmem:$0x1E000] =	vst v63  }
0x34: {  	_ =	swait.ge [sflag:s24], $0x4000  }
0x35: {  	[sflag:s24] =	ssyncset.done $0x0  }
0x36: {  	s20 =	rddreg [dreg:$0x11];
	[sflag:s24] =	ssyncadd.s32 $0xFFFFC000  }
0x37: {  	[spmem:s20] =	stream.linear.scatter [tilespmem:s23], [sflag:$0x6], $0x4000, $0x38;
	[tilespmem:$0x1E000] =	vst v63  }
0x38: {  	_ =	swait.ge [sflag:s24], $0x4000  }
0x39: {  	[sflag:s24] =	ssyncset.done $0x0  }
0x3a: {  	s21 =	rddreg [dreg:$0x12];
	[sflag:s24] =	ssyncadd.s32 $0xFFFFC000  }
0x3b: {  	[spmem:s21] =	stream.linear.scatter [tilespmem:s23], [sflag:$0x6], $0x4000, $0x38;
	[tilespmem:$0x1E000] =	vst v63  }
0x3c: {  	_ =	swait.ge [sflag:s24], $0x4000  }
0x3d: {  	[sflag:s24] =	ssyncset.done $0x0  }
0x3e: {  	s0 =	rddreg [dreg:$0x13];
	[sflag:s24] =	ssyncadd.s32 $0xFFFFC000  }
0x3f: {  	[spmem:s0] =	stream.linear.scatter [tilespmem:s23], [sflag:$0x6], $0x4000, $0x38;
	[tilespmem:$0x1E000] =	vst v63  }
0x40: {  	_ =	swait.ge [sflag:s24], $0x4000  }
0x41: {  	[sflag:s24] =	ssyncset.done $0x0  }
0x42: {  	[sflag:s24] =	ssyncadd.s32 $0xFFFFC000  }
0x43: {  	[bflag:$0x0] =	sbarrier.arrive $0xFFFF  }
0x44: {  	s3 =	rddreg [dreg:$0x5]  }
0x45: {  	[tilespmem:s26], [sflag:$0x6] =	stream.linear.gather [hbm4b:s3+s13], $0x800, $0x38;
	[tilespmem:$0x1E000] =	vst v63  }
0x46: {  	_ =	swait.ge [sflag:s24], $0x800  }
0x47: {  	[sflag:s24] =	ssyncset.done $0x0;
	s5 =	rddreg [dreg:$0x4]  }
0x48: {  	[sflag:s24] =	ssyncadd.s32 $0xFFFFF800;
	s20 =	sadd.s32 s5, s9  }
0x49: {  	[tilespmem:s4], [sflag:$0x6] =	stream.linear.gather [hbm4b:s20+s13], $0x800, $0x38;
	[tilespmem:$0x1E000] =	vst v63  }
0x4a: {  	_ =	swait.ge [sflag:s24], $0x800  }
0x4b: {  	[sflag:s24] =	ssyncset.done $0x0  }
0x4c: {  	[sflag:s24] =	ssyncadd.s32 $0xFFFFF800  }
0x4d: {  	[tilespmem:s23], [sflag:$0x1] =	stream.indirect.gather [hbm4b:s1+s28], $0x80, s26, s28, $0xb8;
	[tilespmem:$0x1E000] =	vst v63  }
0x4e: {  	s21 =	simm.s32 $0x1C040;
	s3 =	rddreg [dreg:$0x7]  }
0x4f: {  	[tilespmem:s30], [sflag:$0x1] =	stream.indirect.gather [hbm4b:s1+s28], $0x80, s21, s28, $0xb8;
	[tilespmem:$0x1E000] =	vst v63  }
0x50: {  	s0 =	simm.s32 $0x1D000;
	s5 =	rddreg [dreg:$0x6]  }
0x51: {  	[tilespmem:s0], [sflag:$0x5] =	stream.linear.gather [hbm4b:s3+s13], $0x800, $0x38;
	[tilespmem:$0x1E000] =	vst v63  }
0x52: {  	s20 =	sadd.s32 s5, s9  }
0x53: {  	[tilespmem:s6], [sflag:$0x5] =	stream.linear.gather [hbm4b:s20+s13], $0x800, $0x38;
	[tilespmem:$0x1E000] =	vst v63  }
0x54: {  	s3 =	simm.s32 $0x1C080  }
0x55: {  	[tilespmem:s7], [sflag:$0x2] =	stream.indirect.gather [hbm4b:s1+s28], $0x80, s3, s28, $0xb8;
	[tilespmem:$0x1E000] =	vst v63  }
0x56: {  	s20 =	simm.s32 $0x1C0C0  }
0x57: {  	[tilespmem:s12], [sflag:$0x2] =	stream.indirect.gather [hbm4b:s1+s28], $0x80, s20, s28, $0xb8;
	[tilespmem:$0x1E000] =	vst v63  }
0x58: {  	_ =	swait.ge [sflag:s15], $0x4000  }
0x59: {  	[sflag:s15] =	ssyncset.done $0x0  }
0x5a: {  	[sflag:s15] =	ssyncadd.s32 $0xFFFFC000  }
0x5b: {  	[spmem:s2] =	stream.indirect.scatter.add.f32 [tilespmem:s23], [sflag:$0x3], $0x80, s4, s16, $0xb8;
	[tilespmem:$0x1E000] =	vst v63  }
0x5c: {  	_ =	swait.ge [sflag:s17], $0x4000  }
0x5d: {  	[sflag:s17] =	ssyncset.done $0x0  }
0x5e: {  	s21 =	simm.s32 $0x1C880;
	[sflag:s17] =	ssyncadd.s32 $0xFFFFC000  }
0x5f: {  	[spmem:s2] =	stream.indirect.scatter.add.f32 [tilespmem:s7], [sflag:$0x4], $0x80, s21, s16, $0xb8;
	[tilespmem:$0x1E000] =	vst v63  }
0x60: {  	_ =	swait.ge [sflag:s19], $0x4000  }
0x61: {  	[sflag:s19] =	ssyncset.done $0x0  }
0x62: {  	s5 =	simm.s32 $0x1C100;
	[sflag:s19] =	ssyncadd.s32 $0xFFFFC000  }
0x63: {  	[tilespmem:s23], [sflag:$0x1] =	stream.indirect.gather [hbm4b:s1+s28], $0x80, s5, s28, $0xb8;
	[tilespmem:$0x1E000] =	vst v63  }
0x64: {  	s20 =	simm.s32 $0x1C140  }
0x65: {  	[tilespmem:s30], [sflag:$0x1] =	stream.indirect.gather [hbm4b:s1+s28], $0x80, s20, s28, $0xb8;
	[tilespmem:$0x1E000] =	vst v63  }
0x66: {  	_ =	swait.ge [sflag:s22], $0x4000  }
0x67: {  	[sflag:s22] =	ssyncset.done $0x0  }
0x68: {  	s21 =	simm.s32 $0x1C180;
	[sflag:s22] =	ssyncadd.s32 $0xFFFFC000  }
0x69: {  	[tilespmem:s7], [sflag:$0x2] =	stream.indirect.gather [hbm4b:s1+s28], $0x80, s21, s28, $0xb8;
	[tilespmem:$0x1E000] =	vst v63  }
0x6a: {  	s5 =	simm.s32 $0x1C1C0  }
0x6b: {  	[tilespmem:s12], [sflag:$0x2] =	stream.indirect.gather [hbm4b:s1+s28], $0x80, s5, s28, $0xb8;
	[tilespmem:$0x1E000] =	vst v63  }
0x6c: {  	_ =	swait.ge [sflag:s15], $0x4000  }
0x6d: {  	[sflag:s15] =	ssyncset.done $0x0  }
0x6e: {  	s20 =	simm.s32 $0x1C900;
	[sflag:s15] =	ssyncadd.s32 $0xFFFFC000  }
0x6f: {  	[spmem:s2] =	stream.indirect.scatter.add.f32 [tilespmem:s23], [sflag:$0x3], $0x80, s20, s16, $0xb8;
	[tilespmem:$0x1E000] =	vst v63  }
0x70: {  	_ =	swait.ge [sflag:s17], $0x4000  }
0x71: {  	[sflag:s17] =	ssyncset.done $0x0  }
0x72: {  	s21 =	simm.s32 $0x1C980;
	[sflag:s17] =	ssyncadd.s32 $0xFFFFC000  }
0x73: {  	[spmem:s2] =	stream.indirect.scatter.add.f32 [tilespmem:s7], [sflag:$0x4], $0x80, s21, s16, $0xb8;
	[tilespmem:$0x1E000] =	vst v63  }
0x74: {  	_ =	swait.ge [sflag:s19], $0x4000  }
0x75: {  	[sflag:s19] =	ssyncset.done $0x0  }
0x76: {  	s5 =	simm.s32 $0x1C200;
	[sflag:s19] =	ssyncadd.s32 $0xFFFFC000  }
0x77: {  	[tilespmem:s23], [sflag:$0x1] =	stream.indirect.gather [hbm4b:s1+s28], $0x80, s5, s28, $0xb8;
	[tilespmem:$0x1E000] =	vst v63  }
0x78: {  	s20 =	simm.s32 $0x1C240  }
0x79: {  	[tilespmem:s30], [sflag:$0x1] =	stream.indirect.gather [hbm4b:s1+s28], $0x80, s20, s28, $0xb8;
	[tilespmem:$0x1E000] =	vst v63  }
0x7a: {  	_ =	swait.ge [sflag:s22], $0x4000  }
0x7b: {  	[sflag:s22] =	ssyncset.done $0x0  }
0x7c: {  	s21 =	simm.s32 $0x1C280;
	[sflag:s22] =	ssyncadd.s32 $0xFFFFC000  }
0x7d: {  	[tilespmem:s7], [sflag:$0x2] =	stream.indirect.gather [hbm4b:s1+s28], $0x80, s21, s28, $0xb8;
	[tilespmem:$0x1E000] =	vst v63  }
0x7e: {  	s5 =	simm.s32 $0x1C2C0  }
0x7f: {  	[tilespmem:s12], [sflag:$0x2] =	stream.indirect.gather [hbm4b:s1+s28], $0x80, s5, s28, $0xb8;
	[tilespmem:$0x1E000] =	vst v63  }
0x80: {  	_ =	swait.ge [sflag:s15], $0x4000  }
0x81: {  	[sflag:s15] =	ssyncset.done $0x0  }
0x82: {  	s20 =	simm.s32 $0x1CA00;
	[sflag:s15] =	ssyncadd.s32 $0xFFFFC000  }
0x83: {  	[spmem:s2] =	stream.indirect.scatter.add.f32 [tilespmem:s23], [sflag:$0x3], $0x80, s20, s16, $0xb8;
	[tilespmem:$0x1E000] =	vst v63  }
0x84: {  	_ =	swait.ge [sflag:s17], $0x4000  }
0x85: {  	[sflag:s17] =	ssyncset.done $0x0  }
0x86: {  	s21 =	simm.s32 $0x1CA80;
	[sflag:s17] =	ssyncadd.s32 $0xFFFFC000  }
0x87: {  	[spmem:s2] =	stream.indirect.scatter.add.f32 [tilespmem:s7], [sflag:$0x4], $0x80, s21, s16, $0xb8;
	[tilespmem:$0x1E000] =	vst v63  }
0x88: {  	_ =	swait.ge [sflag:s19], $0x4000  }
0x89: {  	[sflag:s19] =	ssyncset.done $0x0  }
0x8a: {  	s5 =	simm.s32 $0x1C300;
	[sflag:s19] =	ssyncadd.s32 $0xFFFFC000  }
0x8b: {  	[tilespmem:s23], [sflag:$0x1] =	stream.indirect.gather [hbm4b:s1+s28], $0x80, s5, s28, $0xb8;
	[tilespmem:$0x1E000] =	vst v63  }
0x8c: {  	s20 =	simm.s32 $0x1C340  }
0x8d: {  	[tilespmem:s30], [sflag:$0x1] =	stream.indirect.gather [hbm4b:s1+s28], $0x80, s20, s28, $0xb8;
	[tilespmem:$0x1E000] =	vst v63  }
0x8e: {  	_ =	swait.ge [sflag:s22], $0x4000  }
0x8f: {  	[sflag:s22] =	ssyncset.done $0x0  }
0x90: {  	s21 =	simm.s32 $0x1C380;
	[sflag:s22] =	ssyncadd.s32 $0xFFFFC000  }
0x91: {  	[tilespmem:s7], [sflag:$0x2] =	stream.indirect.gather [hbm4b:s1+s28], $0x80, s21, s28, $0xb8;
	[tilespmem:$0x1E000] =	vst v63  }
0x92: {  	s5 =	simm.s32 $0x1C3C0  }
0x93: {  	[tilespmem:s12], [sflag:$0x2] =	stream.indirect.gather [hbm4b:s1+s28], $0x80, s5, s28, $0xb8;
	[tilespmem:$0x1E000] =	vst v63  }
0x94: {  	_ =	swait.ge [sflag:s15], $0x4000  }
0x95: {  	[sflag:s15] =	ssyncset.done $0x0  }
0x96: {  	s20 =	simm.s32 $0x1CB00;
	[sflag:s15] =	ssyncadd.s32 $0xFFFFC000  }
0x97: {  	[spmem:s2] =	stream.indirect.scatter.add.f32 [tilespmem:s23], [sflag:$0x3], $0x80, s20, s16, $0xb8;
	[tilespmem:$0x1E000] =	vst v63  }
0x98: {  	_ =	swait.ge [sflag:s17], $0x4000  }
0x99: {  	[sflag:s17] =	ssyncset.done $0x0  }
0x9a: {  	s21 =	simm.s32 $0x1CB80;
	[sflag:s17] =	ssyncadd.s32 $0xFFFFC000  }
0x9b: {  	[spmem:s2] =	stream.indirect.scatter.add.f32 [tilespmem:s7], [sflag:$0x4], $0x80, s21, s16, $0xb8;
	[tilespmem:$0x1E000] =	vst v63  }
0x9c: {  	_ =	swait.ge [sflag:s19], $0x4000  }
0x9d: {  	[sflag:s19] =	ssyncset.done $0x0  }
0x9e: {  	s5 =	simm.s32 $0x1C400;
	[sflag:s19] =	ssyncadd.s32 $0xFFFFC000  }
0x9f: {  	[tilespmem:s23], [sflag:$0x1] =	stream.indirect.gather [hbm4b:s1+s28], $0x80, s5, s28, $0xb8;
	[tilespmem:$0x1E000] =	vst v63  }
0xa0: {  	s20 =	simm.s32 $0x1C440  }
0xa1: {  	[tilespmem:s30], [sflag:$0x1] =	stream.indirect.gather [hbm4b:s1+s28], $0x80, s20, s28, $0xb8;
	[tilespmem:$0x1E000] =	vst v63  }
0xa2: {  	_ =	swait.ge [sflag:s22], $0x4000  }
0xa3: {  	[sflag:s22] =	ssyncset.done $0x0  }
0xa4: {  	s21 =	simm.s32 $0x1C480;
	[sflag:s22] =	ssyncadd.s32 $0xFFFFC000  }
0xa5: {  	[tilespmem:s7], [sflag:$0x2] =	stream.indirect.gather [hbm4b:s1+s28], $0x80, s21, s28, $0xb8;
	[tilespmem:$0x1E000] =	vst v63  }
0xa6: {  	s5 =	simm.s32 $0x1C4C0  }
0xa7: {  	[tilespmem:s12], [sflag:$0x2] =	stream.indirect.gather [hbm4b:s1+s28], $0x80, s5, s28, $0xb8;
	[tilespmem:$0x1E000] =	vst v63  }
0xa8: {  	_ =	swait.ge [sflag:s15], $0x4000  }
0xa9: {  	[sflag:s15] =	ssyncset.done $0x0  }
0xaa: {  	s20 =	simm.s32 $0x1CC00;
	[sflag:s15] =	ssyncadd.s32 $0xFFFFC000  }
0xab: {  	[spmem:s2] =	stream.indirect.scatter.add.f32 [tilespmem:s23], [sflag:$0x3], $0x80, s20, s16, $0xb8;
	[tilespmem:$0x1E000] =	vst v63  }
0xac: {  	_ =	swait.ge [sflag:s17], $0x4000  }
0xad: {  	[sflag:s17] =	ssyncset.done $0x0  }
0xae: {  	s21 =	simm.s32 $0x1CC80;
	[sflag:s17] =	ssyncadd.s32 $0xFFFFC000  }
0xaf: {  	[spmem:s2] =	stream.indirect.scatter.add.f32 [tilespmem:s7], [sflag:$0x4], $0x80, s21, s16, $0xb8;
	[tilespmem:$0x1E000] =	vst v63  }
0xb0: {  	_ =	swait.ge [sflag:s19], $0x4000  }
0xb1: {  	[sflag:s19] =	ssyncset.done $0x0  }
0xb2: {  	s5 =	simm.s32 $0x1C500;
	[sflag:s19] =	ssyncadd.s32 $0xFFFFC000  }
0xb3: {  	[tilespmem:s23], [sflag:$0x1] =	stream.indirect.gather [hbm4b:s1+s28], $0x80, s5, s28, $0xb8;
	[tilespmem:$0x1E000] =	vst v63  }
0xb4: {  	s20 =	simm.s32 $0x1C540  }
0xb5: {  	[tilespmem:s30], [sflag:$0x1] =	stream.indirect.gather [hbm4b:s1+s28], $0x80, s20, s28, $0xb8;
	[tilespmem:$0x1E000] =	vst v63  }
0xb6: {  	_ =	swait.ge [sflag:s22], $0x4000  }
0xb7: {  	[sflag:s22] =	ssyncset.done $0x0  }
0xb8: {  	s21 =	simm.s32 $0x1C580;
	[sflag:s22] =	ssyncadd.s32 $0xFFFFC000  }
0xb9: {  	[tilespmem:s7], [sflag:$0x2] =	stream.indirect.gather [hbm4b:s1+s28], $0x80, s21, s28, $0xb8;
	[tilespmem:$0x1E000] =	vst v63  }
0xba: {  	s5 =	simm.s32 $0x1C5C0  }
0xbb: {  	[tilespmem:s12], [sflag:$0x2] =	stream.indirect.gather [hbm4b:s1+s28], $0x80, s5, s28, $0xb8;
	[tilespmem:$0x1E000] =	vst v63  }
0xbc: {  	_ =	swait.ge [sflag:s15], $0x4000  }
0xbd: {  	[sflag:s15] =	ssyncset.done $0x0  }
0xbe: {  	s20 =	simm.s32 $0x1CD00;
	[sflag:s15] =	ssyncadd.s32 $0xFFFFC000  }
0xbf: {  	[spmem:s2] =	stream.indirect.scatter.add.f32 [tilespmem:s23], [sflag:$0x3], $0x80, s20, s16, $0xb8;
	[tilespmem:$0x1E000] =	vst v63  }
0xc0: {  	_ =	swait.ge [sflag:s17], $0x4000  }
0xc1: {  	[sflag:s17] =	ssyncset.done $0x0  }
0xc2: {  	s21 =	simm.s32 $0x1CD80;
	[sflag:s17] =	ssyncadd.s32 $0xFFFFC000  }
0xc3: {  	[spmem:s2] =	stream.indirect.scatter.add.f32 [tilespmem:s7], [sflag:$0x4], $0x80, s21, s16, $0xb8;
	[tilespmem:$0x1E000] =	vst v63  }
0xc4: {  	_ =	swait.ge [sflag:s19], $0x4000  }
0xc5: {  	[sflag:s19] =	ssyncset.done $0x0  }
0xc6: {  	s5 =	simm.s32 $0x1C600;
	[sflag:s19] =	ssyncadd.s32 $0xFFFFC000  }
0xc7: {  	[tilespmem:s23], [sflag:$0x1] =	stream.indirect.gather [hbm4b:s1+s28], $0x80, s5, s28, $0xb8;
	[tilespmem:$0x1E000] =	vst v63  }
0xc8: {  	s20 =	simm.s32 $0x1C640  }
0xc9: {  	[tilespmem:s30], [sflag:$0x1] =	stream.indirect.gather [hbm4b:s1+s28], $0x80, s20, s28, $0xb8;
	[tilespmem:$0x1E000] =	vst v63  }
0xca: {  	_ =	swait.ge [sflag:s22], $0x4000  }
0xcb: {  	[sflag:s22] =	ssyncset.done $0x0  }
0xcc: {  	s21 =	simm.s32 $0x1C680;
	[sflag:s22] =	ssyncadd.s32 $0xFFFFC000  }
0xcd: {  	[tilespmem:s7], [sflag:$0x2] =	stream.indirect.gather [hbm4b:s1+s28], $0x80, s21, s28, $0xb8;
	[tilespmem:$0x1E000] =	vst v63  }
0xce: {  	s5 =	simm.s32 $0x1C6C0  }
0xcf: {  	[tilespmem:s12], [sflag:$0x2] =	stream.indirect.gather [hbm4b:s1+s28], $0x80, s5, s28, $0xb8;
	[tilespmem:$0x1E000] =	vst v63  }
0xd0: {  	_ =	swait.ge [sflag:s15], $0x4000  }
0xd1: {  	[sflag:s15] =	ssyncset.done $0x0  }
0xd2: {  	s20 =	simm.s32 $0x1CE00;
	[sflag:s15] =	ssyncadd.s32 $0xFFFFC000  }
0xd3: {  	[spmem:s2] =	stream.indirect.scatter.add.f32 [tilespmem:s23], [sflag:$0x3], $0x80, s20, s16, $0xb8;
	[tilespmem:$0x1E000] =	vst v63  }
0xd4: {  	_ =	swait.ge [sflag:s17], $0x4000  }
0xd5: {  	[sflag:s17] =	ssyncset.done $0x0  }
0xd6: {  	s21 =	simm.s32 $0x1CE80;
	[sflag:s17] =	ssyncadd.s32 $0xFFFFC000  }
0xd7: {  	[spmem:s2] =	stream.indirect.scatter.add.f32 [tilespmem:s7], [sflag:$0x4], $0x80, s21, s16, $0xb8;
	[tilespmem:$0x1E000] =	vst v63  }
0xd8: {  	_ =	swait.ge [sflag:s19], $0x4000  }
0xd9: {  	[sflag:s19] =	ssyncset.done $0x0  }
0xda: {  	s5 =	simm.s32 $0x1C700;
	[sflag:s19] =	ssyncadd.s32 $0xFFFFC000  }
0xdb: {  	[tilespmem:s23], [sflag:$0x1] =	stream.indirect.gather [hbm4b:s1+s28], $0x80, s5, s28, $0xb8;
	[tilespmem:$0x1E000] =	vst v63  }
0xdc: {  	s20 =	simm.s32 $0x1C740  }
0xdd: {  	[tilespmem:s30], [sflag:$0x1] =	stream.indirect.gather [hbm4b:s1+s28], $0x80, s20, s28, $0xb8;
	[tilespmem:$0x1E000] =	vst v63  }
0xde: {  	_ =	swait.ge [sflag:s22], $0x4000  }
0xdf: {  	[sflag:s22] =	ssyncset.done $0x0  }
0xe0: {  	s21 =	simm.s32 $0x1C780;
	[sflag:s22] =	ssyncadd.s32 $0xFFFFC000  }
0xe1: {  	[tilespmem:s7], [sflag:$0x2] =	stream.indirect.gather [hbm4b:s1+s28], $0x80, s21, s28, $0xb8;
	[tilespmem:$0x1E000] =	vst v63  }
0xe2: {  	s5 =	simm.s32 $0x1C7C0  }
0xe3: {  	[tilespmem:s12], [sflag:$0x2] =	stream.indirect.gather [hbm4b:s1+s28], $0x80, s5, s28, $0xb8;
	[tilespmem:$0x1E000] =	vst v63  }
0xe4: {  	_ =	swait.ge [sflag:s15], $0x4000  }
0xe5: {  	[sflag:s15] =	ssyncset.done $0x0  }
0xe6: {  	s20 =	simm.s32 $0x1CF00;
	[sflag:s15] =	ssyncadd.s32 $0xFFFFC000  }
0xe7: {  	[spmem:s2] =	stream.indirect.scatter.add.f32 [tilespmem:s23], [sflag:$0x3], $0x80, s20, s16, $0xb8;
	[tilespmem:$0x1E000] =	vst v63  }
0xe8: {  	_ =	swait.ge [sflag:s17], $0x4000  }
0xe9: {  	[sflag:s17] =	ssyncset.done $0x0  }
0xea: {  	s21 =	simm.s32 $0x1CF80;
	[sflag:s17] =	ssyncadd.s32 $0xFFFFC000  }
0xeb: {  	[spmem:s2] =	stream.indirect.scatter.add.f32 [tilespmem:s7], [sflag:$0x4], $0x80, s21, s16, $0xb8;
	[tilespmem:$0x1E000] =	vst v63  }
0xec: {  	_ =	swait.ge [sflag:s19], $0x4000  }
0xed: {  	[sflag:s19] =	ssyncset.done $0x0  }
0xee: {  	[sflag:s19] =	ssyncadd.s32 $0xFFFFC000  }
0xef: {  	_ =	swait.ge [sflag:s22], $0x4000  }
0xf0: {  	[sflag:s22] =	ssyncset.done $0x0  }
0xf1: {  	[sflag:s22] =	ssyncadd.s32 $0xFFFFC000  }
0xf2: {  	_ =	swait.ge [sflag:s10], $0x800  }
0xf3: {  	[sflag:s10] =	ssyncset.done $0x0  }
0xf4: {  	[sflag:s10] =	ssyncadd.s32 $0xFFFFF800  }
0xf5: {  	_ =	swait.ge [sflag:s10], $0x800  }
0xf6: {  	[sflag:s10] =	ssyncset.done $0x0  }
0xf7: {  	[sflag:s10] =	ssyncadd.s32 $0xFFFFF800  }
0xf8: {  	[tilespmem:s23], [sflag:$0x1] =	stream.indirect.gather [hbm4b:s1+s28], $0x80, s0, s28, $0xb8;
	[tilespmem:$0x1E000] =	vst v63  }
0xf9: {  	s3 =	simm.s32 $0x1D040;
	s5 =	rddreg [dreg:$0x9]  }
0xfa: {  	[tilespmem:s30], [sflag:$0x1] =	stream.indirect.gather [hbm4b:s1+s28], $0x80, s3, s28, $0xb8;
	[tilespmem:$0x1E000] =	vst v63  }
0xfb: {  	s21 =	rddreg [dreg:$0x8]  }
0xfc: {  	[tilespmem:s26], [sflag:$0x5] =	stream.linear.gather [hbm4b:s5+s13], $0x800, $0x38;
	[tilespmem:$0x1E000] =	vst v63  }
0xfd: {  	s20 =	sadd.s32 s21, s9  }
0xfe: {  	[tilespmem:s4], [sflag:$0x5] =	stream.linear.gather [hbm4b:s20+s13], $0x800, $0x38;
	[tilespmem:$0x1E000] =	vst v63  }
0xff: {  	s5 =	simm.s32 $0x1D080  }
0x100: {  	[tilespmem:s7], [sflag:$0x2] =	stream.indirect.gather [hbm4b:s1+s28], $0x80, s5, s28, $0xb8;
	[tilespmem:$0x1E000] =	vst v63  }
0x101: {  	_ = 	snop  }
0x102: {  	[tilespmem:s12], [sflag:$0x2] =	stream.indirect.gather [hbm4b:s1+s28], $0x80, s8, s28, $0xb8;
	[tilespmem:$0x1E000] =	vst v63  }
0x103: {  	_ =	swait.ge [sflag:s15], $0x4000  }
0x104: {  	[sflag:s15] =	ssyncset.done $0x0  }
0x105: {  	[sflag:s15] =	ssyncadd.s32 $0xFFFFC000  }
0x106: {  	[spmem:s2] =	stream.indirect.scatter.add.f32 [tilespmem:s23], [sflag:$0x3], $0x80, s6, s16, $0xb8;
	[tilespmem:$0x1E000] =	vst v63  }
0x107: {  	_ =	swait.ge [sflag:s17], $0x4000  }
0x108: {  	[sflag:s17] =	ssyncset.done $0x0  }
0x109: {  	[sflag:s17] =	ssyncadd.s32 $0xFFFFC000  }
0x10a: {  	[spmem:s2] =	stream.indirect.scatter.add.f32 [tilespmem:s7], [sflag:$0x4], $0x80, s11, s16, $0xb8;
	[tilespmem:$0x1E000] =	vst v63  }
0x10b: {  	_ =	swait.ge [sflag:s19], $0x4000  }
0x10c: {  	[sflag:s19] =	ssyncset.done $0x0  }
0x10d: {  	[sflag:s19] =	ssyncadd.s32 $0xFFFFC000  }
0x10e: {  	[tilespmem:s23], [sflag:$0x1] =	stream.indirect.gather [hbm4b:s1+s28], $0x80, s14, s28, $0xb8;
	[tilespmem:$0x1E000] =	vst v63  }
0x10f: {  	s21 =	simm.s32 $0x1D140  }
0x110: {  	[tilespmem:s30], [sflag:$0x1] =	stream.indirect.gather [hbm4b:s1+s28], $0x80, s21, s28, $0xb8;
	[tilespmem:$0x1E000] =	vst v63  }
0x111: {  	_ =	swait.ge [sflag:s22], $0x4000  }
0x112: {  	[sflag:s22] =	ssyncset.done $0x0  }
0x113: {  	[sflag:s22] =	ssyncadd.s32 $0xFFFFC000  }
0x114: {  	[tilespmem:s7], [sflag:$0x2] =	stream.indirect.gather [hbm4b:s1+s28], $0x80, s25, s28, $0xb8;
	[tilespmem:$0x1E000] =	vst v63  }
0x115: {  	_ = 	snop  }
0x116: {  	[tilespmem:s12], [sflag:$0x2] =	stream.indirect.gather [hbm4b:s1+s28], $0x80, s29, s28, $0xb8;
	[tilespmem:$0x1E000] =	vst v63  }
0x117: {  	_ =	swait.ge [sflag:s15], $0x4000  }
0x118: {  	[sflag:s15] =	ssyncset.done $0x0  }
0x119: {  	[sflag:s15] =	ssyncadd.s32 $0xFFFFC000  }
0x11a: {  	[spmem:s2] =	stream.indirect.scatter.add.f32 [tilespmem:s23], [sflag:$0x3], $0x80, s31, s16, $0xb8;
	[tilespmem:$0x1E000] =	vst v63  }
0x11b: {  	_ =	swait.ge [sflag:s17], $0x4000  }
0x11c: {  	[sflag:s17] =	ssyncset.done $0x0  }
0x11d: {  	s20 =	simm.s32 $0x1D980;
	[sflag:s17] =	ssyncadd.s32 $0xFFFFC000  }
0x11e: {  	[spmem:s2] =	stream.indirect.scatter.add.f32 [tilespmem:s7], [sflag:$0x4], $0x80, s20, s16, $0xb8;
	[tilespmem:$0x1E000] =	vst v63  }
0x11f: {  	_ =	swait.ge [sflag:s19], $0x4000  }
0x120: {  	[sflag:s19] =	ssyncset.done $0x0  }
0x121: {  	s20 =	simm.s32 $0x1D200;
	[sflag:s19] =	ssyncadd.s32 $0xFFFFC000  }
0x122: {  	[tilespmem:s23], [sflag:$0x1] =	stream.indirect.gather [hbm4b:s1+s28], $0x80, s20, s28, $0xb8;
	[tilespmem:$0x1E000] =	vst v63  }
0x123: {  	s20 =	simm.s32 $0x1D240  }
0x124: {  	[tilespmem:s30], [sflag:$0x1] =	stream.indirect.gather [hbm4b:s1+s28], $0x80, s20, s28, $0xb8;
	[tilespmem:$0x1E000] =	vst v63  }
0x125: {  	_ =	swait.ge [sflag:s22], $0x4000  }
0x126: {  	[sflag:s22] =	ssyncset.done $0x0  }
0x127: {  	s20 =	simm.s32 $0x1D280;
	[sflag:s22] =	ssyncadd.s32 $0xFFFFC000  }
0x128: {  	[tilespmem:s7], [sflag:$0x2] =	stream.indirect.gather [hbm4b:s1+s28], $0x80, s20, s28, $0xb8;
	[tilespmem:$0x1E000] =	vst v63  }
0x129: {  	s20 =	simm.s32 $0x1D2C0  }
0x12a: {  	[tilespmem:s12], [sflag:$0x2] =	stream.indirect.gather [hbm4b:s1+s28], $0x80, s20, s28, $0xb8;
	[tilespmem:$0x1E000] =	vst v63  }
0x12b: {  	_ =	swait.ge [sflag:s15], $0x4000  }
0x12c: {  	[sflag:s15] =	ssyncset.done $0x0  }
0x12d: {  	s20 =	simm.s32 $0x1DA00;
	[sflag:s15] =	ssyncadd.s32 $0xFFFFC000  }
0x12e: {  	[spmem:s2] =	stream.indirect.scatter.add.f32 [tilespmem:s23], [sflag:$0x3], $0x80, s20, s16, $0xb8;
	[tilespmem:$0x1E000] =	vst v63  }
0x12f: {  	_ =	swait.ge [sflag:s17], $0x4000  }
0x130: {  	[sflag:s17] =	ssyncset.done $0x0  }
0x131: {  	s20 =	simm.s32 $0x1DA80;
	[sflag:s17] =	ssyncadd.s32 $0xFFFFC000  }
0x132: {  	[spmem:s2] =	stream.indirect.scatter.add.f32 [tilespmem:s7], [sflag:$0x4], $0x80, s20, s16, $0xb8;
	[tilespmem:$0x1E000] =	vst v63  }
0x133: {  	_ =	swait.ge [sflag:s19], $0x4000  }
0x134: {  	[sflag:s19] =	ssyncset.done $0x0  }
0x135: {  	s20 =	simm.s32 $0x1D300;
	[sflag:s19] =	ssyncadd.s32 $0xFFFFC000  }
0x136: {  	[tilespmem:s23], [sflag:$0x1] =	stream.indirect.gather [hbm4b:s1+s28], $0x80, s20, s28, $0xb8;
	[tilespmem:$0x1E000] =	vst v63  }
0x137: {  	s20 =	simm.s32 $0x1D340  }
0x138: {  	[tilespmem:s30], [sflag:$0x1] =	stream.indirect.gather [hbm4b:s1+s28], $0x80, s20, s28, $0xb8;
	[tilespmem:$0x1E000] =	vst v63  }
0x139: {  	_ =	swait.ge [sflag:s22], $0x4000  }
0x13a: {  	[sflag:s22] =	ssyncset.done $0x0  }
0x13b: {  	s20 =	simm.s32 $0x1D380;
	[sflag:s22] =	ssyncadd.s32 $0xFFFFC000  }
0x13c: {  	[tilespmem:s7], [sflag:$0x2] =	stream.indirect.gather [hbm4b:s1+s28], $0x80, s20, s28, $0xb8;
	[tilespmem:$0x1E000] =	vst v63  }
0x13d: {  	s20 =	simm.s32 $0x1D3C0  }
0x13e: {  	[tilespmem:s12], [sflag:$0x2] =	stream.indirect.gather [hbm4b:s1+s28], $0x80, s20, s28, $0xb8;
	[tilespmem:$0x1E000] =	vst v63  }
0x13f: {  	_ =	swait.ge [sflag:s15], $0x4000  }
0x140: {  	[sflag:s15] =	ssyncset.done $0x0  }
0x141: {  	s20 =	simm.s32 $0x1DB00;
	[sflag:s15] =	ssyncadd.s32 $0xFFFFC000  }
0x142: {  	[spmem:s2] =	stream.indirect.scatter.add.f32 [tilespmem:s23], [sflag:$0x3], $0x80, s20, s16, $0xb8;
	[tilespmem:$0x1E000] =	vst v63  }
0x143: {  	_ =	swait.ge [sflag:s17], $0x4000  }
0x144: {  	[sflag:s17] =	ssyncset.done $0x0  }
0x145: {  	s20 =	simm.s32 $0x1DB80;
	[sflag:s17] =	ssyncadd.s32 $0xFFFFC000  }
0x146: {  	[spmem:s2] =	stream.indirect.scatter.add.f32 [tilespmem:s7], [sflag:$0x4], $0x80, s20, s16, $0xb8;
	[tilespmem:$0x1E000] =	vst v63  }
0x147: {  	_ =	swait.ge [sflag:s19], $0x4000  }
0x148: {  	[sflag:s19] =	ssyncset.done $0x0  }
0x149: {  	s20 =	simm.s32 $0x1D400;
	[sflag:s19] =	ssyncadd.s32 $0xFFFFC000  }
0x14a: {  	[tilespmem:s23], [sflag:$0x1] =	stream.indirect.gather [hbm4b:s1+s28], $0x80, s20, s28, $0xb8;
	[tilespmem:$0x1E000] =	vst v63  }
0x14b: {  	s20 =	simm.s32 $0x1D440  }
0x14c: {  	[tilespmem:s30], [sflag:$0x1] =	stream.indirect.gather [hbm4b:s1+s28], $0x80, s20, s28, $0xb8;
	[tilespmem:$0x1E000] =	vst v63  }
0x14d: {  	_ =	swait.ge [sflag:s22], $0x4000  }
0x14e: {  	[sflag:s22] =	ssyncset.done $0x0  }
0x14f: {  	s20 =	simm.s32 $0x1D480;
	[sflag:s22] =	ssyncadd.s32 $0xFFFFC000  }
0x150: {  	[tilespmem:s7], [sflag:$0x2] =	stream.indirect.gather [hbm4b:s1+s28], $0x80, s20, s28, $0xb8;
	[tilespmem:$0x1E000] =	vst v63  }
0x151: {  	s20 =	simm.s32 $0x1D4C0  }
0x152: {  	[tilespmem:s12], [sflag:$0x2] =	stream.indirect.gather [hbm4b:s1+s28], $0x80, s20, s28, $0xb8;
	[tilespmem:$0x1E000] =	vst v63  }
0x153: {  	_ =	swait.ge [sflag:s15], $0x4000  }
0x154: {  	[sflag:s15] =	ssyncset.done $0x0  }
0x155: {  	s20 =	simm.s32 $0x1DC00;
	[sflag:s15] =	ssyncadd.s32 $0xFFFFC000  }
0x156: {  	[spmem:s2] =	stream.indirect.scatter.add.f32 [tilespmem:s23], [sflag:$0x3], $0x80, s20, s16, $0xb8;
	[tilespmem:$0x1E000] =	vst v63  }
0x157: {  	_ =	swait.ge [sflag:s17], $0x4000  }
0x158: {  	[sflag:s17] =	ssyncset.done $0x0  }
0x159: {  	s20 =	simm.s32 $0x1DC80;
	[sflag:s17] =	ssyncadd.s32 $0xFFFFC000  }
0x15a: {  	[spmem:s2] =	stream.indirect.scatter.add.f32 [tilespmem:s7], [sflag:$0x4], $0x80, s20, s16, $0xb8;
	[tilespmem:$0x1E000] =	vst v63  }
0x15b: {  	_ =	swait.ge [sflag:s19], $0x4000  }
0x15c: {  	[sflag:s19] =	ssyncset.done $0x0  }
0x15d: {  	s20 =	simm.s32 $0x1D500;
	[sflag:s19] =	ssyncadd.s32 $0xFFFFC000  }
0x15e: {  	[tilespmem:s23], [sflag:$0x1] =	stream.indirect.gather [hbm4b:s1+s28], $0x80, s20, s28, $0xb8;
	[tilespmem:$0x1E000] =	vst v63  }
0x15f: {  	s20 =	simm.s32 $0x1D540  }
0x160: {  	[tilespmem:s30], [sflag:$0x1] =	stream.indirect.gather [hbm4b:s1+s28], $0x80, s20, s28, $0xb8;
	[tilespmem:$0x1E000] =	vst v63  }
0x161: {  	_ =	swait.ge [sflag:s22], $0x4000  }
0x162: {  	[sflag:s22] =	ssyncset.done $0x0  }
0x163: {  	s20 =	simm.s32 $0x1D580;
	[sflag:s22] =	ssyncadd.s32 $0xFFFFC000  }
0x164: {  	[tilespmem:s7], [sflag:$0x2] =	stream.indirect.gather [hbm4b:s1+s28], $0x80, s20, s28, $0xb8;
	[tilespmem:$0x1E000] =	vst v63  }
0x165: {  	s20 =	simm.s32 $0x1D5C0  }
0x166: {  	[tilespmem:s12], [sflag:$0x2] =	stream.indirect.gather [hbm4b:s1+s28], $0x80, s20, s28, $0xb8;
	[tilespmem:$0x1E000] =	vst v63  }
0x167: {  	_ =	swait.ge [sflag:s15], $0x4000  }
0x168: {  	[sflag:s15] =	ssyncset.done $0x0  }
0x169: {  	s20 =	simm.s32 $0x1DD00;
	[sflag:s15] =	ssyncadd.s32 $0xFFFFC000  }
0x16a: {  	[spmem:s2] =	stream.indirect.scatter.add.f32 [tilespmem:s23], [sflag:$0x3], $0x80, s20, s16, $0xb8;
	[tilespmem:$0x1E000] =	vst v63  }
0x16b: {  	_ =	swait.ge [sflag:s17], $0x4000  }
0x16c: {  	[sflag:s17] =	ssyncset.done $0x0  }
0x16d: {  	s20 =	simm.s32 $0x1DD80;
	[sflag:s17] =	ssyncadd.s32 $0xFFFFC000  }
0x16e: {  	[spmem:s2] =	stream.indirect.scatter.add.f32 [tilespmem:s7], [sflag:$0x4], $0x80, s20, s16, $0xb8;
	[tilespmem:$0x1E000] =	vst v63  }
0x16f: {  	_ =	swait.ge [sflag:s19], $0x4000  }
0x170: {  	[sflag:s19] =	ssyncset.done $0x0  }
0x171: {  	s20 =	simm.s32 $0x1D600;
	[sflag:s19] =	ssyncadd.s32 $0xFFFFC000  }
0x172: {  	[tilespmem:s23], [sflag:$0x1] =	stream.indirect.gather [hbm4b:s1+s28], $0x80, s20, s28, $0xb8;
	[tilespmem:$0x1E000] =	vst v63  }
0x173: {  	s20 =	simm.s32 $0x1D640  }
0x174: {  	[tilespmem:s30], [sflag:$0x1] =	stream.indirect.gather [hbm4b:s1+s28], $0x80, s20, s28, $0xb8;
	[tilespmem:$0x1E000] =	vst v63  }
0x175: {  	_ =	swait.ge [sflag:s22], $0x4000  }
0x176: {  	[sflag:s22] =	ssyncset.done $0x0  }
0x177: {  	s20 =	simm.s32 $0x1D680;
	[sflag:s22] =	ssyncadd.s32 $0xFFFFC000  }
0x178: {  	[tilespmem:s7], [sflag:$0x2] =	stream.indirect.gather [hbm4b:s1+s28], $0x80, s20, s28, $0xb8;
	[tilespmem:$0x1E000] =	vst v63  }
0x179: {  	s20 =	simm.s32 $0x1D6C0  }
0x17a: {  	[tilespmem:s12], [sflag:$0x2] =	stream.indirect.gather [hbm4b:s1+s28], $0x80, s20, s28, $0xb8;
	[tilespmem:$0x1E000] =	vst v63  }
0x17b: {  	_ =	swait.ge [sflag:s15], $0x4000  }
0x17c: {  	[sflag:s15] =	ssyncset.done $0x0  }
0x17d: {  	s20 =	simm.s32 $0x1DE00;
	[sflag:s15] =	ssyncadd.s32 $0xFFFFC000  }
0x17e: {  	[spmem:s2] =	stream.indirect.scatter.add.f32 [tilespmem:s23], [sflag:$0x3], $0x80, s20, s16, $0xb8;
	[tilespmem:$0x1E000] =	vst v63  }
0x17f: {  	_ =	swait.ge [sflag:s17], $0x4000  }
0x180: {  	[sflag:s17] =	ssyncset.done $0x0  }
0x181: {  	s20 =	simm.s32 $0x1DE80;
	[sflag:s17] =	ssyncadd.s32 $0xFFFFC000  }
0x182: {  	[spmem:s2] =	stream.indirect.scatter.add.f32 [tilespmem:s7], [sflag:$0x4], $0x80, s20, s16, $0xb8;
	[tilespmem:$0x1E000] =	vst v63  }
0x183: {  	_ =	swait.ge [sflag:s19], $0x4000  }
0x184: {  	[sflag:s19] =	ssyncset.done $0x0  }
0x185: {  	s20 =	simm.s32 $0x1D700;
	[sflag:s19] =	ssyncadd.s32 $0xFFFFC000  }
0x186: {  	[tilespmem:s23], [sflag:$0x1] =	stream.indirect.gather [hbm4b:s1+s28], $0x80, s20, s28, $0xb8;
	[tilespmem:$0x1E000] =	vst v63  }
0x187: {  	s20 =	simm.s32 $0x1D740  }
0x188: {  	[tilespmem:s30], [sflag:$0x1] =	stream.indirect.gather [hbm4b:s1+s28], $0x80, s20, s28, $0xb8;
	[tilespmem:$0x1E000] =	vst v63  }
0x189: {  	_ =	swait.ge [sflag:s22], $0x4000  }
0x18a: {  	[sflag:s22] =	ssyncset.done $0x0  }
0x18b: {  	s20 =	simm.s32 $0x1D780;
	[sflag:s22] =	ssyncadd.s32 $0xFFFFC000  }
0x18c: {  	[tilespmem:s7], [sflag:$0x2] =	stream.indirect.gather [hbm4b:s1+s28], $0x80, s20, s28, $0xb8;
	[tilespmem:$0x1E000] =	vst v63  }
0x18d: {  	s20 =	simm.s32 $0x1D7C0  }
0x18e: {  	[tilespmem:s12], [sflag:$0x2] =	stream.indirect.gather [hbm4b:s1+s28], $0x80, s20, s28, $0xb8;
	[tilespmem:$0x1E000] =	vst v63  }
0x18f: {  	_ =	swait.ge [sflag:s15], $0x4000  }
0x190: {  	[sflag:s15] =	ssyncset.done $0x0  }
0x191: {  	s20 =	simm.s32 $0x1DF00;
	[sflag:s15] =	ssyncadd.s32 $0xFFFFC000  }
0x192: {  	[spmem:s2] =	stream.indirect.scatter.add.f32 [tilespmem:s23], [sflag:$0x3], $0x80, s20, s16, $0xb8;
	[tilespmem:$0x1E000] =	vst v63  }
0x193: {  	_ =	swait.ge [sflag:s17], $0x4000  }
0x194: {  	[sflag:s17] =	ssyncset.done $0x0  }
0x195: {  	s20 =	simm.s32 $0x1DF80;
	[sflag:s17] =	ssyncadd.s32 $0xFFFFC000  }
0x196: {  	[spmem:s2] =	stream.indirect.scatter.add.f32 [tilespmem:s7], [sflag:$0x4], $0x80, s20, s16, $0xb8;
	[tilespmem:$0x1E000] =	vst v63  }
0x197: {  	_ =	swait.ge [sflag:s19], $0x4000  }
0x198: {  	[sflag:s19] =	ssyncset.done $0x0  }
0x199: {  	[sflag:s19] =	ssyncadd.s32 $0xFFFFC000  }
0x19a: {  	_ =	swait.ge [sflag:s22], $0x4000  }
0x19b: {  	[sflag:s22] =	ssyncset.done $0x0  }
0x19c: {  	[sflag:s22] =	ssyncadd.s32 $0xFFFFC000  }
0x19d: {  	_ =	swait.ge [sflag:s10], $0x800  }
0x19e: {  	[sflag:s10] =	ssyncset.done $0x0  }
0x19f: {  	[sflag:s10] =	ssyncadd.s32 $0xFFFFF800  }
0x1a0: {  	_ =	swait.ge [sflag:s10], $0x800  }
0x1a1: {  	[sflag:s10] =	ssyncset.done $0x0  }
0x1a2: {  	[sflag:s10] =	ssyncadd.s32 $0xFFFFF800  }
0x1a3: {  	[tilespmem:s23], [sflag:$0x1] =	stream.indirect.gather [hbm4b:s1+s28], $0x80, s26, s28, $0xb8;
	[tilespmem:$0x1E000] =	vst v63  }
0x1a4: {  	s20 =	simm.s32 $0x1C040  }
0x1a5: {  	[tilespmem:s30], [sflag:$0x1] =	stream.indirect.gather [hbm4b:s1+s28], $0x80, s20, s28, $0xb8;
	[tilespmem:$0x1E000] =	vst v63  }
0x1a6: {  	s20 =	rddreg [dreg:$0xc]  }
0x1a7: {  	[tilespmem:s0], [sflag:$0x5] =	stream.linear.gather [hbm4b:s20+s13], $0x800, $0x38;
	[tilespmem:$0x1E000] =	vst v63  }
0x1a8: {  	s20 =	rddreg [dreg:$0xa]  }
0x1a9: {  	s20 =	sadd.s32 s20, s9  }
0x1aa: {  	[tilespmem:s6], [sflag:$0x5] =	stream.linear.gather [hbm4b:s20+s13], $0x800, $0x38;
	[tilespmem:$0x1E000] =	vst v63  }
0x1ab: {  	s20 =	simm.s32 $0x1C080  }
0x1ac: {  	[tilespmem:s7], [sflag:$0x2] =	stream.indirect.gather [hbm4b:s1+s28], $0x80, s20, s28, $0xb8;
	[tilespmem:$0x1E000] =	vst v63  }
0x1ad: {  	s20 =	simm.s32 $0x1C0C0  }
0x1ae: {  	[tilespmem:s12], [sflag:$0x2] =	stream.indirect.gather [hbm4b:s1+s28], $0x80, s20, s28, $0xb8;
	[tilespmem:$0x1E000] =	vst v63  }
0x1af: {  	_ =	swait.ge [sflag:s15], $0x4000  }
0x1b0: {  	[sflag:s15] =	ssyncset.done $0x0  }
0x1b1: {  	[sflag:s15] =	ssyncadd.s32 $0xFFFFC000  }
0x1b2: {  	[spmem:s2] =	stream.indirect.scatter.add.f32 [tilespmem:s23], [sflag:$0x3], $0x80, s4, s16, $0xb8;
	[tilespmem:$0x1E000] =	vst v63  }
0x1b3: {  	_ =	swait.ge [sflag:s17], $0x4000  }
0x1b4: {  	[sflag:s17] =	ssyncset.done $0x0  }
0x1b5: {  	s20 =	simm.s32 $0x1C880;
	[sflag:s17] =	ssyncadd.s32 $0xFFFFC000  }
0x1b6: {  	[spmem:s2] =	stream.indirect.scatter.add.f32 [tilespmem:s7], [sflag:$0x4], $0x80, s20, s16, $0xb8;
	[tilespmem:$0x1E000] =	vst v63  }
0x1b7: {  	_ =	swait.ge [sflag:s19], $0x4000  }
0x1b8: {  	[sflag:s19] =	ssyncset.done $0x0  }
0x1b9: {  	s20 =	simm.s32 $0x1C100;
	[sflag:s19] =	ssyncadd.s32 $0xFFFFC000  }
0x1ba: {  	[tilespmem:s23], [sflag:$0x1] =	stream.indirect.gather [hbm4b:s1+s28], $0x80, s20, s28, $0xb8;
	[tilespmem:$0x1E000] =	vst v63  }
0x1bb: {  	s20 =	simm.s32 $0x1C140  }
0x1bc: {  	[tilespmem:s30], [sflag:$0x1] =	stream.indirect.gather [hbm4b:s1+s28], $0x80, s20, s28, $0xb8;
	[tilespmem:$0x1E000] =	vst v63  }
0x1bd: {  	_ =	swait.ge [sflag:s22], $0x4000  }
0x1be: {  	[sflag:s22] =	ssyncset.done $0x0  }
0x1bf: {  	s20 =	simm.s32 $0x1C180;
	[sflag:s22] =	ssyncadd.s32 $0xFFFFC000  }
0x1c0: {  	[tilespmem:s7], [sflag:$0x2] =	stream.indirect.gather [hbm4b:s1+s28], $0x80, s20, s28, $0xb8;
	[tilespmem:$0x1E000] =	vst v63  }
0x1c1: {  	s20 =	simm.s32 $0x1C1C0  }
0x1c2: {  	[tilespmem:s12], [sflag:$0x2] =	stream.indirect.gather [hbm4b:s1+s28], $0x80, s20, s28, $0xb8;
	[tilespmem:$0x1E000] =	vst v63  }
0x1c3: {  	_ =	swait.ge [sflag:s15], $0x4000  }
0x1c4: {  	[sflag:s15] =	ssyncset.done $0x0  }
0x1c5: {  	s20 =	simm.s32 $0x1C900;
	[sflag:s15] =	ssyncadd.s32 $0xFFFFC000  }
0x1c6: {  	[spmem:s2] =	stream.indirect.scatter.add.f32 [tilespmem:s23], [sflag:$0x3], $0x80, s20, s16, $0xb8;
	[tilespmem:$0x1E000] =	vst v63  }
0x1c7: {  	_ =	swait.ge [sflag:s17], $0x4000  }
0x1c8: {  	[sflag:s17] =	ssyncset.done $0x0  }
0x1c9: {  	s20 =	simm.s32 $0x1C980;
	[sflag:s17] =	ssyncadd.s32 $0xFFFFC000  }
0x1ca: {  	[spmem:s2] =	stream.indirect.scatter.add.f32 [tilespmem:s7], [sflag:$0x4], $0x80, s20, s16, $0xb8;
	[tilespmem:$0x1E000] =	vst v63  }
0x1cb: {  	_ =	swait.ge [sflag:s19], $0x4000  }
0x1cc: {  	[sflag:s19] =	ssyncset.done $0x0  }
0x1cd: {  	s20 =	simm.s32 $0x1C200;
	[sflag:s19] =	ssyncadd.s32 $0xFFFFC000  }
0x1ce: {  	[tilespmem:s23], [sflag:$0x1] =	stream.indirect.gather [hbm4b:s1+s28], $0x80, s20, s28, $0xb8;
	[tilespmem:$0x1E000] =	vst v63  }
0x1cf: {  	s20 =	simm.s32 $0x1C240  }
0x1d0: {  	[tilespmem:s30], [sflag:$0x1] =	stream.indirect.gather [hbm4b:s1+s28], $0x80, s20, s28, $0xb8;
	[tilespmem:$0x1E000] =	vst v63  }
0x1d1: {  	_ =	swait.ge [sflag:s22], $0x4000  }
0x1d2: {  	[sflag:s22] =	ssyncset.done $0x0  }
0x1d3: {  	s20 =	simm.s32 $0x1C280;
	[sflag:s22] =	ssyncadd.s32 $0xFFFFC000  }
0x1d4: {  	[tilespmem:s7], [sflag:$0x2] =	stream.indirect.gather [hbm4b:s1+s28], $0x80, s20, s28, $0xb8;
	[tilespmem:$0x1E000] =	vst v63  }
0x1d5: {  	s20 =	simm.s32 $0x1C2C0  }
0x1d6: {  	[tilespmem:s12], [sflag:$0x2] =	stream.indirect.gather [hbm4b:s1+s28], $0x80, s20, s28, $0xb8;
	[tilespmem:$0x1E000] =	vst v63  }
0x1d7: {  	_ =	swait.ge [sflag:s15], $0x4000  }
0x1d8: {  	[sflag:s15] =	ssyncset.done $0x0  }
0x1d9: {  	s20 =	simm.s32 $0x1CA00;
	[sflag:s15] =	ssyncadd.s32 $0xFFFFC000  }
0x1da: {  	[spmem:s2] =	stream.indirect.scatter.add.f32 [tilespmem:s23], [sflag:$0x3], $0x80, s20, s16, $0xb8;
	[tilespmem:$0x1E000] =	vst v63  }
0x1db: {  	_ =	swait.ge [sflag:s17], $0x4000  }
0x1dc: {  	[sflag:s17] =	ssyncset.done $0x0  }
0x1dd: {  	s20 =	simm.s32 $0x1CA80;
	[sflag:s17] =	ssyncadd.s32 $0xFFFFC000  }
0x1de: {  	[spmem:s2] =	stream.indirect.scatter.add.f32 [tilespmem:s7], [sflag:$0x4], $0x80, s20, s16, $0xb8;
	[tilespmem:$0x1E000] =	vst v63  }
0x1df: {  	_ =	swait.ge [sflag:s19], $0x4000  }
0x1e0: {  	[sflag:s19] =	ssyncset.done $0x0  }
0x1e1: {  	s20 =	simm.s32 $0x1C300;
	[sflag:s19] =	ssyncadd.s32 $0xFFFFC000  }
0x1e2: {  	[tilespmem:s23], [sflag:$0x1] =	stream.indirect.gather [hbm4b:s1+s28], $0x80, s20, s28, $0xb8;
	[tilespmem:$0x1E000] =	vst v63  }
0x1e3: {  	s20 =	simm.s32 $0x1C340  }
0x1e4: {  	[tilespmem:s30], [sflag:$0x1] =	stream.indirect.gather [hbm4b:s1+s28], $0x80, s20, s28, $0xb8;
	[tilespmem:$0x1E000] =	vst v63  }
0x1e5: {  	_ =	swait.ge [sflag:s22], $0x4000  }
0x1e6: {  	[sflag:s22] =	ssyncset.done $0x0  }
0x1e7: {  	s20 =	simm.s32 $0x1C380;
	[sflag:s22] =	ssyncadd.s32 $0xFFFFC000  }
0x1e8: {  	[tilespmem:s7], [sflag:$0x2] =	stream.indirect.gather [hbm4b:s1+s28], $0x80, s20, s28, $0xb8;
	[tilespmem:$0x1E000] =	vst v63  }
0x1e9: {  	s20 =	simm.s32 $0x1C3C0  }
0x1ea: {  	[tilespmem:s12], [sflag:$0x2] =	stream.indirect.gather [hbm4b:s1+s28], $0x80, s20, s28, $0xb8;
	[tilespmem:$0x1E000] =	vst v63  }
0x1eb: {  	_ =	swait.ge [sflag:s15], $0x4000  }
0x1ec: {  	[sflag:s15] =	ssyncset.done $0x0  }
0x1ed: {  	s20 =	simm.s32 $0x1CB00;
	[sflag:s15] =	ssyncadd.s32 $0xFFFFC000  }
0x1ee: {  	[spmem:s2] =	stream.indirect.scatter.add.f32 [tilespmem:s23], [sflag:$0x3], $0x80, s20, s16, $0xb8;
	[tilespmem:$0x1E000] =	vst v63  }
0x1ef: {  	_ =	swait.ge [sflag:s17], $0x4000  }
0x1f0: {  	[sflag:s17] =	ssyncset.done $0x0  }
0x1f1: {  	s20 =	simm.s32 $0x1CB80;
	[sflag:s17] =	ssyncadd.s32 $0xFFFFC000  }
0x1f2: {  	[spmem:s2] =	stream.indirect.scatter.add.f32 [tilespmem:s7], [sflag:$0x4], $0x80, s20, s16, $0xb8;
	[tilespmem:$0x1E000] =	vst v63  }
0x1f3: {  	_ =	swait.ge [sflag:s19], $0x4000  }
0x1f4: {  	[sflag:s19] =	ssyncset.done $0x0  }
0x1f5: {  	s20 =	simm.s32 $0x1C400;
	[sflag:s19] =	ssyncadd.s32 $0xFFFFC000  }
0x1f6: {  	[tilespmem:s23], [sflag:$0x1] =	stream.indirect.gather [hbm4b:s1+s28], $0x80, s20, s28, $0xb8;
	[tilespmem:$0x1E000] =	vst v63  }
0x1f7: {  	s20 =	simm.s32 $0x1C440  }
0x1f8: {  	[tilespmem:s30], [sflag:$0x1] =	stream.indirect.gather [hbm4b:s1+s28], $0x80, s20, s28, $0xb8;
	[tilespmem:$0x1E000] =	vst v63  }
0x1f9: {  	_ =	swait.ge [sflag:s22], $0x4000  }
0x1fa: {  	[sflag:s22] =	ssyncset.done $0x0  }
0x1fb: {  	s20 =	simm.s32 $0x1C480;
	[sflag:s22] =	ssyncadd.s32 $0xFFFFC000  }
0x1fc: {  	[tilespmem:s7], [sflag:$0x2] =	stream.indirect.gather [hbm4b:s1+s28], $0x80, s20, s28, $0xb8;
	[tilespmem:$0x1E000] =	vst v63  }
0x1fd: {  	s20 =	simm.s32 $0x1C4C0  }
0x1fe: {  	[tilespmem:s12], [sflag:$0x2] =	stream.indirect.gather [hbm4b:s1+s28], $0x80, s20, s28, $0xb8;
	[tilespmem:$0x1E000] =	vst v63  }
0x1ff: {  	_ =	swait.ge [sflag:s15], $0x4000  }
0x200: {  	[sflag:s15] =	ssyncset.done $0x0  }
0x201: {  	s20 =	simm.s32 $0x1CC00;
	[sflag:s15] =	ssyncadd.s32 $0xFFFFC000  }
0x202: {  	[spmem:s2] =	stream.indirect.scatter.add.f32 [tilespmem:s23], [sflag:$0x3], $0x80, s20, s16, $0xb8;
	[tilespmem:$0x1E000] =	vst v63  }
0x203: {  	_ =	swait.ge [sflag:s17], $0x4000  }
0x204: {  	[sflag:s17] =	ssyncset.done $0x0  }
0x205: {  	s20 =	simm.s32 $0x1CC80;
	[sflag:s17] =	ssyncadd.s32 $0xFFFFC000  }
0x206: {  	[spmem:s2] =	stream.indirect.scatter.add.f32 [tilespmem:s7], [sflag:$0x4], $0x80, s20, s16, $0xb8;
	[tilespmem:$0x1E000] =	vst v63  }
0x207: {  	_ =	swait.ge [sflag:s19], $0x4000  }
0x208: {  	[sflag:s19] =	ssyncset.done $0x0  }
0x209: {  	s20 =	simm.s32 $0x1C500;
	[sflag:s19] =	ssyncadd.s32 $0xFFFFC000  }
0x20a: {  	[tilespmem:s23], [sflag:$0x1] =	stream.indirect.gather [hbm4b:s1+s28], $0x80, s20, s28, $0xb8;
	[tilespmem:$0x1E000] =	vst v63  }
0x20b: {  	s20 =	simm.s32 $0x1C540  }
0x20c: {  	[tilespmem:s30], [sflag:$0x1] =	stream.indirect.gather [hbm4b:s1+s28], $0x80, s20, s28, $0xb8;
	[tilespmem:$0x1E000] =	vst v63  }
0x20d: {  	_ =	swait.ge [sflag:s22], $0x4000  }
0x20e: {  	[sflag:s22] =	ssyncset.done $0x0  }
0x20f: {  	s20 =	simm.s32 $0x1C580;
	[sflag:s22] =	ssyncadd.s32 $0xFFFFC000  }
0x210: {  	[tilespmem:s7], [sflag:$0x2] =	stream.indirect.gather [hbm4b:s1+s28], $0x80, s20, s28, $0xb8;
	[tilespmem:$0x1E000] =	vst v63  }
0x211: {  	s20 =	simm.s32 $0x1C5C0  }
0x212: {  	[tilespmem:s12], [sflag:$0x2] =	stream.indirect.gather [hbm4b:s1+s28], $0x80, s20, s28, $0xb8;
	[tilespmem:$0x1E000] =	vst v63  }
0x213: {  	_ =	swait.ge [sflag:s15], $0x4000  }
0x214: {  	[sflag:s15] =	ssyncset.done $0x0  }
0x215: {  	s20 =	simm.s32 $0x1CD00;
	[sflag:s15] =	ssyncadd.s32 $0xFFFFC000  }
0x216: {  	[spmem:s2] =	stream.indirect.scatter.add.f32 [tilespmem:s23], [sflag:$0x3], $0x80, s20, s16, $0xb8;
	[tilespmem:$0x1E000] =	vst v63  }
0x217: {  	_ =	swait.ge [sflag:s17], $0x4000  }
0x218: {  	[sflag:s17] =	ssyncset.done $0x0  }
0x219: {  	s20 =	simm.s32 $0x1CD80;
	[sflag:s17] =	ssyncadd.s32 $0xFFFFC000  }
0x21a: {  	[spmem:s2] =	stream.indirect.scatter.add.f32 [tilespmem:s7], [sflag:$0x4], $0x80, s20, s16, $0xb8;
	[tilespmem:$0x1E000] =	vst v63  }
0x21b: {  	_ =	swait.ge [sflag:s19], $0x4000  }
0x21c: {  	[sflag:s19] =	ssyncset.done $0x0  }
0x21d: {  	s20 =	simm.s32 $0x1C600;
	[sflag:s19] =	ssyncadd.s32 $0xFFFFC000  }
0x21e: {  	[tilespmem:s23], [sflag:$0x1] =	stream.indirect.gather [hbm4b:s1+s28], $0x80, s20, s28, $0xb8;
	[tilespmem:$0x1E000] =	vst v63  }
0x21f: {  	s20 =	simm.s32 $0x1C640  }
0x220: {  	[tilespmem:s30], [sflag:$0x1] =	stream.indirect.gather [hbm4b:s1+s28], $0x80, s20, s28, $0xb8;
	[tilespmem:$0x1E000] =	vst v63  }
0x221: {  	_ =	swait.ge [sflag:s22], $0x4000  }
0x222: {  	[sflag:s22] =	ssyncset.done $0x0  }
0x223: {  	s20 =	simm.s32 $0x1C680;
	[sflag:s22] =	ssyncadd.s32 $0xFFFFC000  }
0x224: {  	[tilespmem:s7], [sflag:$0x2] =	stream.indirect.gather [hbm4b:s1+s28], $0x80, s20, s28, $0xb8;
	[tilespmem:$0x1E000] =	vst v63  }
0x225: {  	s20 =	simm.s32 $0x1C6C0  }
0x226: {  	[tilespmem:s12], [sflag:$0x2] =	stream.indirect.gather [hbm4b:s1+s28], $0x80, s20, s28, $0xb8;
	[tilespmem:$0x1E000] =	vst v63  }
0x227: {  	_ =	swait.ge [sflag:s15], $0x4000  }
0x228: {  	[sflag:s15] =	ssyncset.done $0x0  }
0x229: {  	s20 =	simm.s32 $0x1CE00;
	[sflag:s15] =	ssyncadd.s32 $0xFFFFC000  }
0x22a: {  	[spmem:s2] =	stream.indirect.scatter.add.f32 [tilespmem:s23], [sflag:$0x3], $0x80, s20, s16, $0xb8;
	[tilespmem:$0x1E000] =	vst v63  }
0x22b: {  	_ =	swait.ge [sflag:s17], $0x4000  }
0x22c: {  	[sflag:s17] =	ssyncset.done $0x0  }
0x22d: {  	s20 =	simm.s32 $0x1CE80;
	[sflag:s17] =	ssyncadd.s32 $0xFFFFC000  }
0x22e: {  	[spmem:s2] =	stream.indirect.scatter.add.f32 [tilespmem:s7], [sflag:$0x4], $0x80, s20, s16, $0xb8;
	[tilespmem:$0x1E000] =	vst v63  }
0x22f: {  	_ =	swait.ge [sflag:s19], $0x4000  }
0x230: {  	[sflag:s19] =	ssyncset.done $0x0  }
0x231: {  	s20 =	simm.s32 $0x1C700;
	[sflag:s19] =	ssyncadd.s32 $0xFFFFC000  }
0x232: {  	[tilespmem:s23], [sflag:$0x1] =	stream.indirect.gather [hbm4b:s1+s28], $0x80, s20, s28, $0xb8;
	[tilespmem:$0x1E000] =	vst v63  }
0x233: {  	s20 =	simm.s32 $0x1C740  }
0x234: {  	[tilespmem:s30], [sflag:$0x1] =	stream.indirect.gather [hbm4b:s1+s28], $0x80, s20, s28, $0xb8;
	[tilespmem:$0x1E000] =	vst v63  }
0x235: {  	_ =	swait.ge [sflag:s22], $0x4000  }
0x236: {  	[sflag:s22] =	ssyncset.done $0x0  }
0x237: {  	s20 =	simm.s32 $0x1C780;
	[sflag:s22] =	ssyncadd.s32 $0xFFFFC000  }
0x238: {  	[tilespmem:s7], [sflag:$0x2] =	stream.indirect.gather [hbm4b:s1+s28], $0x80, s20, s28, $0xb8;
	[tilespmem:$0x1E000] =	vst v63  }
0x239: {  	s20 =	simm.s32 $0x1C7C0  }
0x23a: {  	[tilespmem:s12], [sflag:$0x2] =	stream.indirect.gather [hbm4b:s1+s28], $0x80, s20, s28, $0xb8;
	[tilespmem:$0x1E000] =	vst v63  }
0x23b: {  	_ =	swait.ge [sflag:s15], $0x4000  }
0x23c: {  	[sflag:s15] =	ssyncset.done $0x0  }
0x23d: {  	s20 =	simm.s32 $0x1CF00;
	[sflag:s15] =	ssyncadd.s32 $0xFFFFC000  }
0x23e: {  	[spmem:s2] =	stream.indirect.scatter.add.f32 [tilespmem:s23], [sflag:$0x3], $0x80, s20, s16, $0xb8;
	[tilespmem:$0x1E000] =	vst v63  }
0x23f: {  	_ =	swait.ge [sflag:s17], $0x4000  }
0x240: {  	[sflag:s17] =	ssyncset.done $0x0  }
0x241: {  	s20 =	simm.s32 $0x1CF80;
	[sflag:s17] =	ssyncadd.s32 $0xFFFFC000  }
0x242: {  	[spmem:s2] =	stream.indirect.scatter.add.f32 [tilespmem:s7], [sflag:$0x4], $0x80, s20, s16, $0xb8;
	[tilespmem:$0x1E000] =	vst v63  }
0x243: {  	_ =	swait.ge [sflag:s19], $0x4000  }
0x244: {  	[sflag:s19] =	ssyncset.done $0x0  }
0x245: {  	[sflag:s19] =	ssyncadd.s32 $0xFFFFC000  }
0x246: {  	_ =	swait.ge [sflag:s22], $0x4000  }
0x247: {  	[sflag:s22] =	ssyncset.done $0x0  }
0x248: {  	[sflag:s22] =	ssyncadd.s32 $0xFFFFC000  }
0x249: {  	_ =	swait.ge [sflag:s10], $0x800  }
0x24a: {  	[sflag:s10] =	ssyncset.done $0x0  }
0x24b: {  	[sflag:s10] =	ssyncadd.s32 $0xFFFFF800  }
0x24c: {  	_ =	swait.ge [sflag:s10], $0x800  }
0x24d: {  	[sflag:s10] =	ssyncset.done $0x0  }
0x24e: {  	[sflag:s10] =	ssyncadd.s32 $0xFFFFF800  }
0x24f: {  	[tilespmem:s23], [sflag:$0x1] =	stream.indirect.gather [hbm4b:s1+s28], $0x80, s0, s28, $0xb8;
	[tilespmem:$0x1E000] =	vst v63  }
0x250: {  	s0 =	rddreg [dreg:$0xd]  }
0x251: {  	[tilespmem:s30], [sflag:$0x1] =	stream.indirect.gather [hbm4b:s1+s28], $0x80, s3, s28, $0xb8;
	[tilespmem:$0x1E000] =	vst v63  }
0x252: {  	s3 =	rddreg [dreg:$0xb]  }
0x253: {  	[tilespmem:s26], [sflag:$0x5] =	stream.linear.gather [hbm4b:s0+s13], $0x800, $0x38;
	[tilespmem:$0x1E000] =	vst v63  }
0x254: {  	s20 =	sadd.s32 s3, s9  }
0x255: {  	[tilespmem:s4], [sflag:$0x5] =	stream.linear.gather [hbm4b:s20+s13], $0x800, $0x38;
	[tilespmem:$0x1E000] =	vst v63  }
0x256: {  	_ = 	snop  }
0x257: {  	[tilespmem:s7], [sflag:$0x2] =	stream.indirect.gather [hbm4b:s1+s28], $0x80, s5, s28, $0xb8;
	[tilespmem:$0x1E000] =	vst v63  }
0x258: {  	_ = 	snop  }
0x259: {  	[tilespmem:s12], [sflag:$0x2] =	stream.indirect.gather [hbm4b:s1+s28], $0x80, s8, s28, $0xb8;
	[tilespmem:$0x1E000] =	vst v63  }
0x25a: {  	_ =	swait.ge [sflag:s15], $0x4000  }
0x25b: {  	[sflag:s15] =	ssyncset.done $0x0  }
0x25c: {  	[sflag:s15] =	ssyncadd.s32 $0xFFFFC000  }
0x25d: {  	[spmem:s2] =	stream.indirect.scatter.add.f32 [tilespmem:s23], [sflag:$0x3], $0x80, s6, s16, $0xb8;
	[tilespmem:$0x1E000] =	vst v63  }
0x25e: {  	_ =	swait.ge [sflag:s17], $0x4000  }
0x25f: {  	[sflag:s17] =	ssyncset.done $0x0  }
0x260: {  	[sflag:s17] =	ssyncadd.s32 $0xFFFFC000  }
0x261: {  	[spmem:s2] =	stream.indirect.scatter.add.f32 [tilespmem:s7], [sflag:$0x4], $0x80, s11, s16, $0xb8;
	[tilespmem:$0x1E000] =	vst v63  }
0x262: {  	_ =	swait.ge [sflag:s19], $0x4000  }
0x263: {  	[sflag:s19] =	ssyncset.done $0x0  }
0x264: {  	[sflag:s19] =	ssyncadd.s32 $0xFFFFC000  }
0x265: {  	[tilespmem:s23], [sflag:$0x1] =	stream.indirect.gather [hbm4b:s1+s28], $0x80, s14, s28, $0xb8;
	[tilespmem:$0x1E000] =	vst v63  }
0x266: {  	_ = 	snop  }
0x267: {  	[tilespmem:s30], [sflag:$0x1] =	stream.indirect.gather [hbm4b:s1+s28], $0x80, s21, s28, $0xb8;
	[tilespmem:$0x1E000] =	vst v63  }
0x268: {  	_ =	swait.ge [sflag:s22], $0x4000  }
0x269: {  	[sflag:s22] =	ssyncset.done $0x0  }
0x26a: {  	[sflag:s22] =	ssyncadd.s32 $0xFFFFC000  }
0x26b: {  	[tilespmem:s7], [sflag:$0x2] =	stream.indirect.gather [hbm4b:s1+s28], $0x80, s25, s28, $0xb8;
	[tilespmem:$0x1E000] =	vst v63  }
0x26c: {  	_ = 	snop  }
0x26d: {  	[tilespmem:s12], [sflag:$0x2] =	stream.indirect.gather [hbm4b:s1+s28], $0x80, s29, s28, $0xb8;
	[tilespmem:$0x1E000] =	vst v63  }
0x26e: {  	_ =	swait.ge [sflag:s15], $0x4000  }
0x26f: {  	[sflag:s15] =	ssyncset.done $0x0  }
0x270: {  	[sflag:s15] =	ssyncadd.s32 $0xFFFFC000  }
0x271: {  	[spmem:s2] =	stream.indirect.scatter.add.f32 [tilespmem:s23], [sflag:$0x3], $0x80, s31, s16, $0xb8;
	[tilespmem:$0x1E000] =	vst v63  }
0x272: {  	_ =	swait.ge [sflag:s17], $0x4000  }
0x273: {  	[sflag:s17] =	ssyncset.done $0x0  }
0x274: {  	s20 =	simm.s32 $0x1D980;
	[sflag:s17] =	ssyncadd.s32 $0xFFFFC000  }
0x275: {  	[spmem:s2] =	stream.indirect.scatter.add.f32 [tilespmem:s7], [sflag:$0x4], $0x80, s20, s16, $0xb8;
	[tilespmem:$0x1E000] =	vst v63  }
0x276: {  	_ =	swait.ge [sflag:s19], $0x4000  }
0x277: {  	[sflag:s19] =	ssyncset.done $0x0  }
0x278: {  	s21 =	simm.s32 $0x1D200;
	[sflag:s19] =	ssyncadd.s32 $0xFFFFC000  }
0x279: {  	[tilespmem:s23], [sflag:$0x1] =	stream.indirect.gather [hbm4b:s1+s28], $0x80, s21, s28, $0xb8;
	[tilespmem:$0x1E000] =	vst v63  }
0x27a: {  	s3 =	simm.s32 $0x1D240  }
0x27b: {  	[tilespmem:s30], [sflag:$0x1] =	stream.indirect.gather [hbm4b:s1+s28], $0x80, s3, s28, $0xb8;
	[tilespmem:$0x1E000] =	vst v63  }
0x27c: {  	_ =	swait.ge [sflag:s22], $0x4000  }
0x27d: {  	[sflag:s22] =	ssyncset.done $0x0  }
0x27e: {  	s5 =	simm.s32 $0x1D280;
	[sflag:s22] =	ssyncadd.s32 $0xFFFFC000  }
0x27f: {  	[tilespmem:s7], [sflag:$0x2] =	stream.indirect.gather [hbm4b:s1+s28], $0x80, s5, s28, $0xb8;
	[tilespmem:$0x1E000] =	vst v63  }
0x280: {  	s20 =	simm.s32 $0x1D2C0  }
0x281: {  	[tilespmem:s12], [sflag:$0x2] =	stream.indirect.gather [hbm4b:s1+s28], $0x80, s20, s28, $0xb8;
	[tilespmem:$0x1E000] =	vst v63  }
0x282: {  	_ =	swait.ge [sflag:s15], $0x4000  }
0x283: {  	[sflag:s15] =	ssyncset.done $0x0  }
0x284: {  	s21 =	simm.s32 $0x1DA00;
	[sflag:s15] =	ssyncadd.s32 $0xFFFFC000  }
0x285: {  	[spmem:s2] =	stream.indirect.scatter.add.f32 [tilespmem:s23], [sflag:$0x3], $0x80, s21, s16, $0xb8;
	[tilespmem:$0x1E000] =	vst v63  }
0x286: {  	_ =	swait.ge [sflag:s17], $0x4000  }
0x287: {  	[sflag:s17] =	ssyncset.done $0x0  }
0x288: {  	s3 =	simm.s32 $0x1DA80;
	[sflag:s17] =	ssyncadd.s32 $0xFFFFC000  }
0x289: {  	[spmem:s2] =	stream.indirect.scatter.add.f32 [tilespmem:s7], [sflag:$0x4], $0x80, s3, s16, $0xb8;
	[tilespmem:$0x1E000] =	vst v63  }
0x28a: {  	_ =	swait.ge [sflag:s19], $0x4000  }
0x28b: {  	[sflag:s19] =	ssyncset.done $0x0  }
0x28c: {  	s5 =	simm.s32 $0x1D300;
	[sflag:s19] =	ssyncadd.s32 $0xFFFFC000  }
0x28d: {  	[tilespmem:s23], [sflag:$0x1] =	stream.indirect.gather [hbm4b:s1+s28], $0x80, s5, s28, $0xb8;
	[tilespmem:$0x1E000] =	vst v63  }
0x28e: {  	s20 =	simm.s32 $0x1D340  }
0x28f: {  	[tilespmem:s30], [sflag:$0x1] =	stream.indirect.gather [hbm4b:s1+s28], $0x80, s20, s28, $0xb8;
	[tilespmem:$0x1E000] =	vst v63  }
0x290: {  	_ =	swait.ge [sflag:s22], $0x4000  }
0x291: {  	[sflag:s22] =	ssyncset.done $0x0  }
0x292: {  	s21 =	simm.s32 $0x1D380;
	[sflag:s22] =	ssyncadd.s32 $0xFFFFC000  }
0x293: {  	[tilespmem:s7], [sflag:$0x2] =	stream.indirect.gather [hbm4b:s1+s28], $0x80, s21, s28, $0xb8;
	[tilespmem:$0x1E000] =	vst v63  }
0x294: {  	s3 =	simm.s32 $0x1D3C0  }
0x295: {  	[tilespmem:s12], [sflag:$0x2] =	stream.indirect.gather [hbm4b:s1+s28], $0x80, s3, s28, $0xb8;
	[tilespmem:$0x1E000] =	vst v63  }
0x296: {  	_ =	swait.ge [sflag:s15], $0x4000  }
0x297: {  	[sflag:s15] =	ssyncset.done $0x0  }
0x298: {  	s5 =	simm.s32 $0x1DB00;
	[sflag:s15] =	ssyncadd.s32 $0xFFFFC000  }
0x299: {  	[spmem:s2] =	stream.indirect.scatter.add.f32 [tilespmem:s23], [sflag:$0x3], $0x80, s5, s16, $0xb8;
	[tilespmem:$0x1E000] =	vst v63  }
0x29a: {  	_ =	swait.ge [sflag:s17], $0x4000  }
0x29b: {  	[sflag:s17] =	ssyncset.done $0x0  }
0x29c: {  	s20 =	simm.s32 $0x1DB80;
	[sflag:s17] =	ssyncadd.s32 $0xFFFFC000  }
0x29d: {  	[spmem:s2] =	stream.indirect.scatter.add.f32 [tilespmem:s7], [sflag:$0x4], $0x80, s20, s16, $0xb8;
	[tilespmem:$0x1E000] =	vst v63  }
0x29e: {  	_ =	swait.ge [sflag:s19], $0x4000  }
0x29f: {  	[sflag:s19] =	ssyncset.done $0x0  }
0x2a0: {  	s21 =	simm.s32 $0x1D400;
	[sflag:s19] =	ssyncadd.s32 $0xFFFFC000  }
0x2a1: {  	[tilespmem:s23], [sflag:$0x1] =	stream.indirect.gather [hbm4b:s1+s28], $0x80, s21, s28, $0xb8;
	[tilespmem:$0x1E000] =	vst v63  }
0x2a2: {  	s3 =	simm.s32 $0x1D440  }
0x2a3: {  	[tilespmem:s30], [sflag:$0x1] =	stream.indirect.gather [hbm4b:s1+s28], $0x80, s3, s28, $0xb8;
	[tilespmem:$0x1E000] =	vst v63  }
0x2a4: {  	_ =	swait.ge [sflag:s22], $0x4000  }
0x2a5: {  	[sflag:s22] =	ssyncset.done $0x0  }
0x2a6: {  	s5 =	simm.s32 $0x1D480;
	[sflag:s22] =	ssyncadd.s32 $0xFFFFC000  }
0x2a7: {  	[tilespmem:s7], [sflag:$0x2] =	stream.indirect.gather [hbm4b:s1+s28], $0x80, s5, s28, $0xb8;
	[tilespmem:$0x1E000] =	vst v63  }
0x2a8: {  	s20 =	simm.s32 $0x1D4C0  }
0x2a9: {  	[tilespmem:s12], [sflag:$0x2] =	stream.indirect.gather [hbm4b:s1+s28], $0x80, s20, s28, $0xb8;
	[tilespmem:$0x1E000] =	vst v63  }
0x2aa: {  	_ =	swait.ge [sflag:s15], $0x4000  }
0x2ab: {  	[sflag:s15] =	ssyncset.done $0x0  }
0x2ac: {  	s21 =	simm.s32 $0x1DC00;
	[sflag:s15] =	ssyncadd.s32 $0xFFFFC000  }
0x2ad: {  	[spmem:s2] =	stream.indirect.scatter.add.f32 [tilespmem:s23], [sflag:$0x3], $0x80, s21, s16, $0xb8;
	[tilespmem:$0x1E000] =	vst v63  }
0x2ae: {  	_ =	swait.ge [sflag:s17], $0x4000  }
0x2af: {  	[sflag:s17] =	ssyncset.done $0x0  }
0x2b0: {  	s3 =	simm.s32 $0x1DC80;
	[sflag:s17] =	ssyncadd.s32 $0xFFFFC000  }
0x2b1: {  	[spmem:s2] =	stream.indirect.scatter.add.f32 [tilespmem:s7], [sflag:$0x4], $0x80, s3, s16, $0xb8;
	[tilespmem:$0x1E000] =	vst v63  }
0x2b2: {  	_ =	swait.ge [sflag:s19], $0x4000  }
0x2b3: {  	[sflag:s19] =	ssyncset.done $0x0  }
0x2b4: {  	s5 =	simm.s32 $0x1D500;
	[sflag:s19] =	ssyncadd.s32 $0xFFFFC000  }
0x2b5: {  	[tilespmem:s23], [sflag:$0x1] =	stream.indirect.gather [hbm4b:s1+s28], $0x80, s5, s28, $0xb8;
	[tilespmem:$0x1E000] =	vst v63  }
0x2b6: {  	s20 =	simm.s32 $0x1D540  }
0x2b7: {  	[tilespmem:s30], [sflag:$0x1] =	stream.indirect.gather [hbm4b:s1+s28], $0x80, s20, s28, $0xb8;
	[tilespmem:$0x1E000] =	vst v63  }
0x2b8: {  	_ =	swait.ge [sflag:s22], $0x4000  }
0x2b9: {  	[sflag:s22] =	ssyncset.done $0x0  }
0x2ba: {  	s21 =	simm.s32 $0x1D580;
	[sflag:s22] =	ssyncadd.s32 $0xFFFFC000  }
0x2bb: {  	[tilespmem:s7], [sflag:$0x2] =	stream.indirect.gather [hbm4b:s1+s28], $0x80, s21, s28, $0xb8;
	[tilespmem:$0x1E000] =	vst v63  }
0x2bc: {  	s3 =	simm.s32 $0x1D5C0  }
0x2bd: {  	[tilespmem:s12], [sflag:$0x2] =	stream.indirect.gather [hbm4b:s1+s28], $0x80, s3, s28, $0xb8;
	[tilespmem:$0x1E000] =	vst v63  }
0x2be: {  	_ =	swait.ge [sflag:s15], $0x4000  }
0x2bf: {  	[sflag:s15] =	ssyncset.done $0x0  }
0x2c0: {  	s5 =	simm.s32 $0x1DD00;
	[sflag:s15] =	ssyncadd.s32 $0xFFFFC000  }
0x2c1: {  	[spmem:s2] =	stream.indirect.scatter.add.f32 [tilespmem:s23], [sflag:$0x3], $0x80, s5, s16, $0xb8;
	[tilespmem:$0x1E000] =	vst v63  }
0x2c2: {  	_ =	swait.ge [sflag:s17], $0x4000  }
0x2c3: {  	[sflag:s17] =	ssyncset.done $0x0  }
0x2c4: {  	s20 =	simm.s32 $0x1DD80;
	[sflag:s17] =	ssyncadd.s32 $0xFFFFC000  }
0x2c5: {  	[spmem:s2] =	stream.indirect.scatter.add.f32 [tilespmem:s7], [sflag:$0x4], $0x80, s20, s16, $0xb8;
	[tilespmem:$0x1E000] =	vst v63  }
0x2c6: {  	_ =	swait.ge [sflag:s19], $0x4000  }
0x2c7: {  	[sflag:s19] =	ssyncset.done $0x0  }
0x2c8: {  	s21 =	simm.s32 $0x1D600;
	[sflag:s19] =	ssyncadd.s32 $0xFFFFC000  }
0x2c9: {  	[tilespmem:s23], [sflag:$0x1] =	stream.indirect.gather [hbm4b:s1+s28], $0x80, s21, s28, $0xb8;
	[tilespmem:$0x1E000] =	vst v63  }
0x2ca: {  	s3 =	simm.s32 $0x1D640  }
0x2cb: {  	[tilespmem:s30], [sflag:$0x1] =	stream.indirect.gather [hbm4b:s1+s28], $0x80, s3, s28, $0xb8;
	[tilespmem:$0x1E000] =	vst v63  }
0x2cc: {  	_ =	swait.ge [sflag:s22], $0x4000  }
0x2cd: {  	[sflag:s22] =	ssyncset.done $0x0  }
0x2ce: {  	s5 =	simm.s32 $0x1D680;
	[sflag:s22] =	ssyncadd.s32 $0xFFFFC000  }
0x2cf: {  	[tilespmem:s7], [sflag:$0x2] =	stream.indirect.gather [hbm4b:s1+s28], $0x80, s5, s28, $0xb8;
	[tilespmem:$0x1E000] =	vst v63  }
0x2d0: {  	s20 =	simm.s32 $0x1D6C0  }
0x2d1: {  	[tilespmem:s12], [sflag:$0x2] =	stream.indirect.gather [hbm4b:s1+s28], $0x80, s20, s28, $0xb8;
	[tilespmem:$0x1E000] =	vst v63  }
0x2d2: {  	_ =	swait.ge [sflag:s15], $0x4000  }
0x2d3: {  	[sflag:s15] =	ssyncset.done $0x0  }
0x2d4: {  	s21 =	simm.s32 $0x1DE00;
	[sflag:s15] =	ssyncadd.s32 $0xFFFFC000  }
0x2d5: {  	[spmem:s2] =	stream.indirect.scatter.add.f32 [tilespmem:s23], [sflag:$0x3], $0x80, s21, s16, $0xb8;
	[tilespmem:$0x1E000] =	vst v63  }
0x2d6: {  	_ =	swait.ge [sflag:s17], $0x4000  }
0x2d7: {  	[sflag:s17] =	ssyncset.done $0x0  }
0x2d8: {  	s3 =	simm.s32 $0x1DE80;
	[sflag:s17] =	ssyncadd.s32 $0xFFFFC000  }
0x2d9: {  	[spmem:s2] =	stream.indirect.scatter.add.f32 [tilespmem:s7], [sflag:$0x4], $0x80, s3, s16, $0xb8;
	[tilespmem:$0x1E000] =	vst v63  }
0x2da: {  	_ =	swait.ge [sflag:s19], $0x4000  }
0x2db: {  	[sflag:s19] =	ssyncset.done $0x0  }
0x2dc: {  	s5 =	simm.s32 $0x1D700;
	[sflag:s19] =	ssyncadd.s32 $0xFFFFC000  }
0x2dd: {  	[tilespmem:s23], [sflag:$0x1] =	stream.indirect.gather [hbm4b:s1+s28], $0x80, s5, s28, $0xb8;
	[tilespmem:$0x1E000] =	vst v63  }
0x2de: {  	s20 =	simm.s32 $0x1D740  }
0x2df: {  	[tilespmem:s30], [sflag:$0x1] =	stream.indirect.gather [hbm4b:s1+s28], $0x80, s20, s28, $0xb8;
	[tilespmem:$0x1E000] =	vst v63  }
0x2e0: {  	_ =	swait.ge [sflag:s22], $0x4000  }
0x2e1: {  	[sflag:s22] =	ssyncset.done $0x0  }
0x2e2: {  	s21 =	simm.s32 $0x1D780;
	[sflag:s22] =	ssyncadd.s32 $0xFFFFC000  }
0x2e3: {  	[tilespmem:s7], [sflag:$0x2] =	stream.indirect.gather [hbm4b:s1+s28], $0x80, s21, s28, $0xb8;
	[tilespmem:$0x1E000] =	vst v63  }
0x2e4: {  	s3 =	simm.s32 $0x1D7C0  }
0x2e5: {  	[tilespmem:s12], [sflag:$0x2] =	stream.indirect.gather [hbm4b:s1+s28], $0x80, s3, s28, $0xb8;
	[tilespmem:$0x1E000] =	vst v63  }
0x2e6: {  	_ =	swait.ge [sflag:s15], $0x4000  }
0x2e7: {  	[sflag:s15] =	ssyncset.done $0x0  }
0x2e8: {  	s5 =	simm.s32 $0x1DF00;
	[sflag:s15] =	ssyncadd.s32 $0xFFFFC000  }
0x2e9: {  	[spmem:s2] =	stream.indirect.scatter.add.f32 [tilespmem:s23], [sflag:$0x3], $0x80, s5, s16, $0xb8;
	[tilespmem:$0x1E000] =	vst v63  }
0x2ea: {  	_ =	swait.ge [sflag:s17], $0x4000  }
0x2eb: {  	[sflag:s17] =	ssyncset.done $0x0  }
0x2ec: {  	s20 =	simm.s32 $0x1DF80;
	[sflag:s17] =	ssyncadd.s32 $0xFFFFC000  }
0x2ed: {  	[spmem:s2] =	stream.indirect.scatter.add.f32 [tilespmem:s7], [sflag:$0x4], $0x80, s20, s16, $0xb8;
	[tilespmem:$0x1E000] =	vst v63  }
0x2ee: {  	_ =	swait.ge [sflag:s19], $0x4000  }
0x2ef: {  	[sflag:s19] =	ssyncset.done $0x0  }
0x2f0: {  	[sflag:s19] =	ssyncadd.s32 $0xFFFFC000  }
0x2f1: {  	_ =	swait.ge [sflag:s22], $0x4000  }
0x2f2: {  	[sflag:s22] =	ssyncset.done $0x0  }
0x2f3: {  	[sflag:s22] =	ssyncadd.s32 $0xFFFFC000  }
0x2f4: {  	_ =	swait.ge [sflag:s10], $0x800  }
0x2f5: {  	[sflag:s10] =	ssyncset.done $0x0  }
0x2f6: {  	[sflag:s10] =	ssyncadd.s32 $0xFFFFF800  }
0x2f7: {  	_ =	swait.ge [sflag:s10], $0x800  }
0x2f8: {  	[sflag:s10] =	ssyncset.done $0x0  }
0x2f9: {  	[sflag:s10] =	ssyncadd.s32 $0xFFFFF800  }
0x2fa: {  	[tilespmem:s23], [sflag:$0x1] =	stream.indirect.gather [hbm4b:s1+s28], $0x80, s26, s28, $0xb8;
	[tilespmem:$0x1E000] =	vst v63  }
0x2fb: {  	s21 =	simm.s32 $0x1C040  }
0x2fc: {  	[tilespmem:s30], [sflag:$0x1] =	stream.indirect.gather [hbm4b:s1+s28], $0x80, s21, s28, $0xb8;
	[tilespmem:$0x1E000] =	vst v63  }
0x2fd: {  	s3 =	simm.s32 $0x1C080  }
0x2fe: {  	[tilespmem:s7], [sflag:$0x2] =	stream.indirect.gather [hbm4b:s1+s28], $0x80, s3, s28, $0xb8;
	[tilespmem:$0x1E000] =	vst v63  }
0x2ff: {  	s5 =	simm.s32 $0x1C0C0  }
0x300: {  	[tilespmem:s12], [sflag:$0x2] =	stream.indirect.gather [hbm4b:s1+s28], $0x80, s5, s28, $0xb8;
	[tilespmem:$0x1E000] =	vst v63  }
0x301: {  	_ =	swait.ge [sflag:s15], $0x4000  }
0x302: {  	[sflag:s15] =	ssyncset.done $0x0  }
0x303: {  	[sflag:s15] =	ssyncadd.s32 $0xFFFFC000  }
0x304: {  	[spmem:s2] =	stream.indirect.scatter.add.f32 [tilespmem:s23], [sflag:$0x3], $0x80, s4, s16, $0xb8;
	[tilespmem:$0x1E000] =	vst v63  }
0x305: {  	_ =	swait.ge [sflag:s17], $0x4000  }
0x306: {  	[sflag:s17] =	ssyncset.done $0x0  }
0x307: {  	s20 =	simm.s32 $0x1C880;
	[sflag:s17] =	ssyncadd.s32 $0xFFFFC000  }
0x308: {  	[spmem:s2] =	stream.indirect.scatter.add.f32 [tilespmem:s7], [sflag:$0x4], $0x80, s20, s16, $0xb8;
	[tilespmem:$0x1E000] =	vst v63  }
0x309: {  	_ =	swait.ge [sflag:s19], $0x4000  }
0x30a: {  	[sflag:s19] =	ssyncset.done $0x0  }
0x30b: {  	s21 =	simm.s32 $0x1C100;
	[sflag:s19] =	ssyncadd.s32 $0xFFFFC000  }
0x30c: {  	[tilespmem:s23], [sflag:$0x1] =	stream.indirect.gather [hbm4b:s1+s28], $0x80, s21, s28, $0xb8;
	[tilespmem:$0x1E000] =	vst v63  }
0x30d: {  	s3 =	simm.s32 $0x1C140  }
0x30e: {  	[tilespmem:s30], [sflag:$0x1] =	stream.indirect.gather [hbm4b:s1+s28], $0x80, s3, s28, $0xb8;
	[tilespmem:$0x1E000] =	vst v63  }
0x30f: {  	_ =	swait.ge [sflag:s22], $0x4000  }
0x310: {  	[sflag:s22] =	ssyncset.done $0x0  }
0x311: {  	s5 =	simm.s32 $0x1C180;
	[sflag:s22] =	ssyncadd.s32 $0xFFFFC000  }
0x312: {  	[tilespmem:s7], [sflag:$0x2] =	stream.indirect.gather [hbm4b:s1+s28], $0x80, s5, s28, $0xb8;
	[tilespmem:$0x1E000] =	vst v63  }
0x313: {  	s20 =	simm.s32 $0x1C1C0  }
0x314: {  	[tilespmem:s12], [sflag:$0x2] =	stream.indirect.gather [hbm4b:s1+s28], $0x80, s20, s28, $0xb8;
	[tilespmem:$0x1E000] =	vst v63  }
0x315: {  	_ =	swait.ge [sflag:s15], $0x4000  }
0x316: {  	[sflag:s15] =	ssyncset.done $0x0  }
0x317: {  	s21 =	simm.s32 $0x1C900;
	[sflag:s15] =	ssyncadd.s32 $0xFFFFC000  }
0x318: {  	[spmem:s2] =	stream.indirect.scatter.add.f32 [tilespmem:s23], [sflag:$0x3], $0x80, s21, s16, $0xb8;
	[tilespmem:$0x1E000] =	vst v63  }
0x319: {  	_ =	swait.ge [sflag:s17], $0x4000  }
0x31a: {  	[sflag:s17] =	ssyncset.done $0x0  }
0x31b: {  	s3 =	simm.s32 $0x1C980;
	[sflag:s17] =	ssyncadd.s32 $0xFFFFC000  }
0x31c: {  	[spmem:s2] =	stream.indirect.scatter.add.f32 [tilespmem:s7], [sflag:$0x4], $0x80, s3, s16, $0xb8;
	[tilespmem:$0x1E000] =	vst v63  }
0x31d: {  	_ =	swait.ge [sflag:s19], $0x4000  }
0x31e: {  	[sflag:s19] =	ssyncset.done $0x0  }
0x31f: {  	s5 =	simm.s32 $0x1C200;
	[sflag:s19] =	ssyncadd.s32 $0xFFFFC000  }
0x320: {  	[tilespmem:s23], [sflag:$0x1] =	stream.indirect.gather [hbm4b:s1+s28], $0x80, s5, s28, $0xb8;
	[tilespmem:$0x1E000] =	vst v63  }
0x321: {  	s20 =	simm.s32 $0x1C240  }
0x322: {  	[tilespmem:s30], [sflag:$0x1] =	stream.indirect.gather [hbm4b:s1+s28], $0x80, s20, s28, $0xb8;
	[tilespmem:$0x1E000] =	vst v63  }
0x323: {  	_ =	swait.ge [sflag:s22], $0x4000  }
0x324: {  	[sflag:s22] =	ssyncset.done $0x0  }
0x325: {  	s21 =	simm.s32 $0x1C280;
	[sflag:s22] =	ssyncadd.s32 $0xFFFFC000  }
0x326: {  	[tilespmem:s7], [sflag:$0x2] =	stream.indirect.gather [hbm4b:s1+s28], $0x80, s21, s28, $0xb8;
	[tilespmem:$0x1E000] =	vst v63  }
0x327: {  	s3 =	simm.s32 $0x1C2C0  }
0x328: {  	[tilespmem:s12], [sflag:$0x2] =	stream.indirect.gather [hbm4b:s1+s28], $0x80, s3, s28, $0xb8;
	[tilespmem:$0x1E000] =	vst v63  }
0x329: {  	_ =	swait.ge [sflag:s15], $0x4000  }
0x32a: {  	[sflag:s15] =	ssyncset.done $0x0  }
0x32b: {  	s5 =	simm.s32 $0x1CA00;
	[sflag:s15] =	ssyncadd.s32 $0xFFFFC000  }
0x32c: {  	[spmem:s2] =	stream.indirect.scatter.add.f32 [tilespmem:s23], [sflag:$0x3], $0x80, s5, s16, $0xb8;
	[tilespmem:$0x1E000] =	vst v63  }
0x32d: {  	_ =	swait.ge [sflag:s17], $0x4000  }
0x32e: {  	[sflag:s17] =	ssyncset.done $0x0  }
0x32f: {  	s20 =	simm.s32 $0x1CA80;
	[sflag:s17] =	ssyncadd.s32 $0xFFFFC000  }
0x330: {  	[spmem:s2] =	stream.indirect.scatter.add.f32 [tilespmem:s7], [sflag:$0x4], $0x80, s20, s16, $0xb8;
	[tilespmem:$0x1E000] =	vst v63  }
0x331: {  	_ =	swait.ge [sflag:s19], $0x4000  }
0x332: {  	[sflag:s19] =	ssyncset.done $0x0  }
0x333: {  	s21 =	simm.s32 $0x1C300;
	[sflag:s19] =	ssyncadd.s32 $0xFFFFC000  }
0x334: {  	[tilespmem:s23], [sflag:$0x1] =	stream.indirect.gather [hbm4b:s1+s28], $0x80, s21, s28, $0xb8;
	[tilespmem:$0x1E000] =	vst v63  }
0x335: {  	s3 =	simm.s32 $0x1C340  }
0x336: {  	[tilespmem:s30], [sflag:$0x1] =	stream.indirect.gather [hbm4b:s1+s28], $0x80, s3, s28, $0xb8;
	[tilespmem:$0x1E000] =	vst v63  }
0x337: {  	_ =	swait.ge [sflag:s22], $0x4000  }
0x338: {  	[sflag:s22] =	ssyncset.done $0x0  }
0x339: {  	s5 =	simm.s32 $0x1C380;
	[sflag:s22] =	ssyncadd.s32 $0xFFFFC000  }
0x33a: {  	[tilespmem:s7], [sflag:$0x2] =	stream.indirect.gather [hbm4b:s1+s28], $0x80, s5, s28, $0xb8;
	[tilespmem:$0x1E000] =	vst v63  }
0x33b: {  	s20 =	simm.s32 $0x1C3C0  }
0x33c: {  	[tilespmem:s12], [sflag:$0x2] =	stream.indirect.gather [hbm4b:s1+s28], $0x80, s20, s28, $0xb8;
	[tilespmem:$0x1E000] =	vst v63  }
0x33d: {  	_ =	swait.ge [sflag:s15], $0x4000  }
0x33e: {  	[sflag:s15] =	ssyncset.done $0x0  }
0x33f: {  	s21 =	simm.s32 $0x1CB00;
	[sflag:s15] =	ssyncadd.s32 $0xFFFFC000  }
0x340: {  	[spmem:s2] =	stream.indirect.scatter.add.f32 [tilespmem:s23], [sflag:$0x3], $0x80, s21, s16, $0xb8;
	[tilespmem:$0x1E000] =	vst v63  }
0x341: {  	_ =	swait.ge [sflag:s17], $0x4000  }
0x342: {  	[sflag:s17] =	ssyncset.done $0x0  }
0x343: {  	s3 =	simm.s32 $0x1CB80;
	[sflag:s17] =	ssyncadd.s32 $0xFFFFC000  }
0x344: {  	[spmem:s2] =	stream.indirect.scatter.add.f32 [tilespmem:s7], [sflag:$0x4], $0x80, s3, s16, $0xb8;
	[tilespmem:$0x1E000] =	vst v63  }
0x345: {  	_ =	swait.ge [sflag:s19], $0x4000  }
0x346: {  	[sflag:s19] =	ssyncset.done $0x0  }
0x347: {  	s5 =	simm.s32 $0x1C400;
	[sflag:s19] =	ssyncadd.s32 $0xFFFFC000  }
0x348: {  	[tilespmem:s23], [sflag:$0x1] =	stream.indirect.gather [hbm4b:s1+s28], $0x80, s5, s28, $0xb8;
	[tilespmem:$0x1E000] =	vst v63  }
0x349: {  	s20 =	simm.s32 $0x1C440  }
0x34a: {  	[tilespmem:s30], [sflag:$0x1] =	stream.indirect.gather [hbm4b:s1+s28], $0x80, s20, s28, $0xb8;
	[tilespmem:$0x1E000] =	vst v63  }
0x34b: {  	_ =	swait.ge [sflag:s22], $0x4000  }
0x34c: {  	[sflag:s22] =	ssyncset.done $0x0  }
0x34d: {  	s21 =	simm.s32 $0x1C480;
	[sflag:s22] =	ssyncadd.s32 $0xFFFFC000  }
0x34e: {  	[tilespmem:s7], [sflag:$0x2] =	stream.indirect.gather [hbm4b:s1+s28], $0x80, s21, s28, $0xb8;
	[tilespmem:$0x1E000] =	vst v63  }
0x34f: {  	s3 =	simm.s32 $0x1C4C0  }
0x350: {  	[tilespmem:s12], [sflag:$0x2] =	stream.indirect.gather [hbm4b:s1+s28], $0x80, s3, s28, $0xb8;
	[tilespmem:$0x1E000] =	vst v63  }
0x351: {  	_ =	swait.ge [sflag:s15], $0x4000  }
0x352: {  	[sflag:s15] =	ssyncset.done $0x0  }
0x353: {  	s5 =	simm.s32 $0x1CC00;
	[sflag:s15] =	ssyncadd.s32 $0xFFFFC000  }
0x354: {  	[spmem:s2] =	stream.indirect.scatter.add.f32 [tilespmem:s23], [sflag:$0x3], $0x80, s5, s16, $0xb8;
	[tilespmem:$0x1E000] =	vst v63  }
0x355: {  	_ =	swait.ge [sflag:s17], $0x4000  }
0x356: {  	[sflag:s17] =	ssyncset.done $0x0  }
0x357: {  	s20 =	simm.s32 $0x1CC80;
	[sflag:s17] =	ssyncadd.s32 $0xFFFFC000  }
0x358: {  	[spmem:s2] =	stream.indirect.scatter.add.f32 [tilespmem:s7], [sflag:$0x4], $0x80, s20, s16, $0xb8;
	[tilespmem:$0x1E000] =	vst v63  }
0x359: {  	_ =	swait.ge [sflag:s19], $0x4000  }
0x35a: {  	[sflag:s19] =	ssyncset.done $0x0  }
0x35b: {  	s21 =	simm.s32 $0x1C500;
	[sflag:s19] =	ssyncadd.s32 $0xFFFFC000  }
0x35c: {  	[tilespmem:s23], [sflag:$0x1] =	stream.indirect.gather [hbm4b:s1+s28], $0x80, s21, s28, $0xb8;
	[tilespmem:$0x1E000] =	vst v63  }
0x35d: {  	s3 =	simm.s32 $0x1C540  }
0x35e: {  	[tilespmem:s30], [sflag:$0x1] =	stream.indirect.gather [hbm4b:s1+s28], $0x80, s3, s28, $0xb8;
	[tilespmem:$0x1E000] =	vst v63  }
0x35f: {  	_ =	swait.ge [sflag:s22], $0x4000  }
0x360: {  	[sflag:s22] =	ssyncset.done $0x0  }
0x361: {  	s5 =	simm.s32 $0x1C580;
	[sflag:s22] =	ssyncadd.s32 $0xFFFFC000  }
0x362: {  	[tilespmem:s7], [sflag:$0x2] =	stream.indirect.gather [hbm4b:s1+s28], $0x80, s5, s28, $0xb8;
	[tilespmem:$0x1E000] =	vst v63  }
0x363: {  	s20 =	simm.s32 $0x1C5C0  }
0x364: {  	[tilespmem:s12], [sflag:$0x2] =	stream.indirect.gather [hbm4b:s1+s28], $0x80, s20, s28, $0xb8;
	[tilespmem:$0x1E000] =	vst v63  }
0x365: {  	_ =	swait.ge [sflag:s15], $0x4000  }
0x366: {  	[sflag:s15] =	ssyncset.done $0x0  }
0x367: {  	s21 =	simm.s32 $0x1CD00;
	[sflag:s15] =	ssyncadd.s32 $0xFFFFC000  }
0x368: {  	[spmem:s2] =	stream.indirect.scatter.add.f32 [tilespmem:s23], [sflag:$0x3], $0x80, s21, s16, $0xb8;
	[tilespmem:$0x1E000] =	vst v63  }
0x369: {  	_ =	swait.ge [sflag:s17], $0x4000  }
0x36a: {  	[sflag:s17] =	ssyncset.done $0x0  }
0x36b: {  	s3 =	simm.s32 $0x1CD80;
	[sflag:s17] =	ssyncadd.s32 $0xFFFFC000  }
0x36c: {  	[spmem:s2] =	stream.indirect.scatter.add.f32 [tilespmem:s7], [sflag:$0x4], $0x80, s3, s16, $0xb8;
	[tilespmem:$0x1E000] =	vst v63  }
0x36d: {  	_ =	swait.ge [sflag:s19], $0x4000  }
0x36e: {  	[sflag:s19] =	ssyncset.done $0x0  }
0x36f: {  	s5 =	simm.s32 $0x1C600;
	[sflag:s19] =	ssyncadd.s32 $0xFFFFC000  }
0x370: {  	[tilespmem:s23], [sflag:$0x1] =	stream.indirect.gather [hbm4b:s1+s28], $0x80, s5, s28, $0xb8;
	[tilespmem:$0x1E000] =	vst v63  }
0x371: {  	s20 =	simm.s32 $0x1C640  }
0x372: {  	[tilespmem:s30], [sflag:$0x1] =	stream.indirect.gather [hbm4b:s1+s28], $0x80, s20, s28, $0xb8;
	[tilespmem:$0x1E000] =	vst v63  }
0x373: {  	_ =	swait.ge [sflag:s22], $0x4000  }
0x374: {  	[sflag:s22] =	ssyncset.done $0x0  }
0x375: {  	s21 =	simm.s32 $0x1C680;
	[sflag:s22] =	ssyncadd.s32 $0xFFFFC000  }
0x376: {  	[tilespmem:s7], [sflag:$0x2] =	stream.indirect.gather [hbm4b:s1+s28], $0x80, s21, s28, $0xb8;
	[tilespmem:$0x1E000] =	vst v63  }
0x377: {  	s3 =	simm.s32 $0x1C6C0  }
0x378: {  	[tilespmem:s12], [sflag:$0x2] =	stream.indirect.gather [hbm4b:s1+s28], $0x80, s3, s28, $0xb8;
	[tilespmem:$0x1E000] =	vst v63  }
0x379: {  	_ =	swait.ge [sflag:s15], $0x4000  }
0x37a: {  	[sflag:s15] =	ssyncset.done $0x0  }
0x37b: {  	s5 =	simm.s32 $0x1CE00;
	[sflag:s15] =	ssyncadd.s32 $0xFFFFC000  }
0x37c: {  	[spmem:s2] =	stream.indirect.scatter.add.f32 [tilespmem:s23], [sflag:$0x3], $0x80, s5, s16, $0xb8;
	[tilespmem:$0x1E000] =	vst v63  }
0x37d: {  	_ =	swait.ge [sflag:s17], $0x4000  }
0x37e: {  	[sflag:s17] =	ssyncset.done $0x0  }
0x37f: {  	s20 =	simm.s32 $0x1CE80;
	[sflag:s17] =	ssyncadd.s32 $0xFFFFC000  }
0x380: {  	[spmem:s2] =	stream.indirect.scatter.add.f32 [tilespmem:s7], [sflag:$0x4], $0x80, s20, s16, $0xb8;
	[tilespmem:$0x1E000] =	vst v63  }
0x381: {  	_ =	swait.ge [sflag:s19], $0x4000  }
0x382: {  	[sflag:s19] =	ssyncset.done $0x0  }
0x383: {  	s21 =	simm.s32 $0x1C700;
	[sflag:s19] =	ssyncadd.s32 $0xFFFFC000  }
0x384: {  	[tilespmem:s23], [sflag:$0x1] =	stream.indirect.gather [hbm4b:s1+s28], $0x80, s21, s28, $0xb8;
	[tilespmem:$0x1E000] =	vst v63  }
0x385: {  	s3 =	simm.s32 $0x1C740  }
0x386: {  	[tilespmem:s30], [sflag:$0x1] =	stream.indirect.gather [hbm4b:s1+s28], $0x80, s3, s28, $0xb8;
	[tilespmem:$0x1E000] =	vst v63  }
0x387: {  	_ =	swait.ge [sflag:s22], $0x4000  }
0x388: {  	[sflag:s22] =	ssyncset.done $0x0  }
0x389: {  	s5 =	simm.s32 $0x1C780;
	[sflag:s22] =	ssyncadd.s32 $0xFFFFC000  }
0x38a: {  	[tilespmem:s7], [sflag:$0x2] =	stream.indirect.gather [hbm4b:s1+s28], $0x80, s5, s28, $0xb8;
	[tilespmem:$0x1E000] =	vst v63  }
0x38b: {  	s20 =	simm.s32 $0x1C7C0  }
0x38c: {  	[tilespmem:s12], [sflag:$0x2] =	stream.indirect.gather [hbm4b:s1+s28], $0x80, s20, s28, $0xb8;
	[tilespmem:$0x1E000] =	vst v63  }
0x38d: {  	_ =	swait.ge [sflag:s15], $0x4000  }
0x38e: {  	[sflag:s15] =	ssyncset.done $0x0  }
0x38f: {  	s21 =	simm.s32 $0x1CF00;
	[sflag:s15] =	ssyncadd.s32 $0xFFFFC000  }
0x390: {  	[spmem:s2] =	stream.indirect.scatter.add.f32 [tilespmem:s23], [sflag:$0x3], $0x80, s21, s16, $0xb8;
	[tilespmem:$0x1E000] =	vst v63  }
0x391: {  	_ =	swait.ge [sflag:s17], $0x4000  }
0x392: {  	[sflag:s17] =	ssyncset.done $0x0  }
0x393: {  	s3 =	simm.s32 $0x1CF80;
	[sflag:s17] =	ssyncadd.s32 $0xFFFFC000  }
0x394: {  	[spmem:s2] =	stream.indirect.scatter.add.f32 [tilespmem:s7], [sflag:$0x4], $0x80, s3, s16, $0xb8;
	[tilespmem:$0x1E000] =	vst v63  }
0x395: {  	_ =	swait.ge [sflag:s19], $0x4000  }
0x396: {  	[sflag:s19] =	ssyncset.done $0x0  }
0x397: {  	[sflag:s19] =	ssyncadd.s32 $0xFFFFC000  }
0x398: {  	_ =	swait.ge [sflag:s22], $0x4000  }
0x399: {  	[sflag:s22] =	ssyncset.done $0x0  }
0x39a: {  	[sflag:s22] =	ssyncadd.s32 $0xFFFFC000  }
0x39b: {  	s5 =	stileid.u32;
	[bflag:$0x0] =	sbarrier.arrive $0xFFFF  }
0x39c: {  	s20 =	sshll.u32 s5, $0x6;
	s21 =	rddreg [dreg:$0x14]  }
0x39d: {  	s20 =	sor.u32 $0x1C06, s20;
	s3 =	rddreg [dreg:$0xe];
	s0 =	sshrl.u32 s21, $0x3  }
0x39e: {  	[hbm:s3], [sflag:s20] =	dma.local [spmem:s0], $0x2800  }
0x39f: {  	_ =	swait.ge [sflag:s24], $0x2800  }
0x3a0: {  	s18 =	sadd.s32 $0x1, s18;
	s21 =	rddreg [dreg:$0xf]  }
0x3a1: {  	p0 =	sne.s32 s18, s21  }
.Ltmp1:
0x3a2: {  	_ = 	snop;
	(pc) =	sbr.rel @p0 .LBB2_1-.Ltmp1, $3  }
0x3a3: {  	_ =	sdelay $0x1  }
0x3a4: {  	[sflag:s24] =	ssyncset.done $0x0  }
0x3a5: {  	[sflag:s24] =	ssyncadd.s32 $0xFFFFD800  }
0x3a6: {  	_ =	sfence.sel $0x180000  }
0x3a7: {  	[bflag:$0x0] =	sbarrier.arrive $0xFFFF  }
0x3a8: {  	_ =	strace $0x9000004A  }
0x3a9: {  	s0 =	stileid.u32;
	[bflag:$0x2] =	sbarrier.arrive $0xFFFF  }
0x3aa: {  	p0 =	sne.s32 s0, $0x0;
	s0 =	rddreg [dreg:$0x3]  }
0x3ab: {  	s0 =	sadd.s32 @!p0 $0x100000, s0  }
0x3ac: {  	[sflag:s0] =	ssyncadd.tile.s32 @!p0 $0x1;
	_ =	shalt  }
.Lfunc_end2:
_tile_overlayer_lowered:
.L_overlay_start_2:
0x3ad: {  	(tag) =	ssettag $0x2  }
0x3ae: {  	s0 =	rddreg [dreg:$0x0];
	s2 =	stileid.u32  }
0x3af: {  	s1 =	rddreg [dreg:$0x1];
	p0 =	sne.s32 s2, $0x0  }
0x3b0: {  	s3 =	rddreg [dreg:$0x2];
	[bflag:$0x3] =	sbarrier.arrive $0xFFFF;
	s2 =	simm.s32 @!p0 $0x1C06  }
0x3b1: {  	[timem:s3], [sflag:s2] =	dma.local @!p0 [hbm:s0], s1  }
0x3b2: {  	s0 =	simm.s32 @!p0 $0x6  }
0x3b3: {  	_ =	swait.ge @!p0 [sflag:s0], s1  }
0x3b4: {  	s1 =	ssub.s32 @!p0 $0x0, s1;
	[sflag:s0] =	ssyncset.done @!p0 $0x0  }
0x3b5: {  	[sflag:s0] =	ssyncadd.s32 @!p0 s1  }
0x3b6: {  	[bflag:$0x3] =	sbarrier.arrive $0xFFFF  }
0x3b7: {  	_ =	shalt  }

// kernel: kernel.13.cloned.1.call-start
scs
__scs_entry_jumppad:
0x0: {  	(pc) =	sbr.rel $0x88, $3  }
0x1: {  	(tag) =	ssettag $0x0;
	lr =	simm.s32 $0x1  }
0x2: {  	[smem:$0x3F94] =	sst lr;
	_ =	strace $0xD0000000  }
0x3: {  	_ = 	snop  }
0x4: {  	_ = 	snop  }
0x5: {  	_ = 	snop  }
0x6: {  	_ = 	snop  }
0x7: {  	_ = 	snop  }
__scs_overlays_trampoline_lowered:
0x8: {  	[smem:$0x3FA3] =	sst s0  }
0x9: {  	[smem:$0x3FA4] =	sst s1  }
0xa: {  	[smem:$0x3FA5] =	sst s2  }
0xb: {  	[smem:$0x3FA6] =	sst s3  }
0xc: {  	[smem:$0x3FA7] =	sst s4  }
0xd: {  	[smem:$0x3FA8] =	sst s5  }
0xe: {  	[smem:$0x3FA9] =	sst s6  }
0xf: {  	[smem:$0x3FAA] =	sst s7  }
0x10: {  	[smem:$0x3FAB] =	sst s8  }
0x11: {  	[smem:$0x3FAC] =	sst s9;
	s0 =	simm.s32 @!p0 $0x0  }
0x12: {  	s1 =	sld [smem:$0x3F92];
	s0 =	simm.s32 @p0 $0x1  }
0x13: {  	[smem:$0x3FAD] =	sst s0;
	s0 =	simm.s32 @!p1 $0x0  }
0x14: {  	s2 =	sld [smem:$0x3F91];
	s0 =	simm.s32 @p1 $0x1  }
0x15: {  	[smem:$0x3FAE] =	sst s0;
	s0 =	simm.s32 @!p2 $0x0  }
0x16: {  	s3 =	sld [smem:$0x3FDB];
	s0 =	simm.s32 @p2 $0x1  }
0x17: {  	s4 =	simm.s32 $0x1BF5;
	[smem:$0x3FB0] =	sst s0  }
0x18: {  	s0 =	sld [smem:$0x3F93];
	_ =	swait.ge [sflag:s4], $0x0  }
0x19: {  	s7 =	sld [smem:$0x3F94]  }
0x1a: {  	s8 =	sadd.s32 $0xFFFFE003, lr  }
0x1b: {  	s9 =	sadd.s32 $0xFFFFFEF7, lr;
	s5 =	simm.s32 $0xFFFFFFFF;
	p2 =	slt.u32 s8, $0xFFFFF086  }
0x1c: {  	p1 =	slt.u32 s9, $0xF7A;
	s5 =	simm.s32 @!p2 $0x0  }
0x1d: {  	s5 =	simm.s32 @p1 $0x1;
	p0 =	seq.s32 s7, s2  }
0x1e: {  	s7 =	smul.u32 @!p0 $0xF7A, s2;
	p2 =	seq.s32 @!p0 s5, $0x0  }
0x1f: {  	s9 =	smul.u32 $0xF7A, s1;
	s8 =	simm.s32 @!p0 $0x1BF5;
	p2 =	por !p2, p0  }
0x20: {  	[sflag:s8] =	ssyncset.s32 @!p0 $0xFFFFF086;
	s6 =	sadd.s32 @!p0 s3, s7;
	s7 =	simm.s32 @!p0 $0x108  }
0x21: {  	s3 =	sadd.s32 s3, s9;
	s6 =	sadd.s32 @!p0 $0x88, s6;
	s7 =	simm.s32 @p2 $0x1082  }
0x22: {  	[simem:s7], [sflag:s8] =	dma.local @!p0 [hbm:s6], $0xF7A  }
0x23: {  	s9 =	sor.u32 $0xD0000000, s2;
	s6 =	simm.s32 $0x108;
	_ =	swait.ge @!p0 [sflag:s8], $0x0  }
0x24: {  	s3 =	sadd.s32 $0x88, s3;
	s6 =	simm.s32 @!p1 $0x1082;
	[sflag:s4] =	ssyncset.s32 $0xFFFFF086  }
0x25: {  	[simem:s6], [sflag:s4] =	dma.local [hbm:s3], $0xF7A  }
0x26: {  	[smem:$0x3F94] =	sst s1;
	(tag) =	ssettag s2;
	_ =	strace s9  }
0x27: {  	s1 =	sld [smem:$0x3FA4]  }
0x28: {  	s2 =	sld [smem:$0x3FA5]  }
0x29: {  	s4 =	sld [smem:$0x3FA7]  }
0x2a: {  	p0 =	seq.s32 s5, $0x0;
	s5 =	sld [smem:$0x3FA8]  }
0x2b: {  	s6 =	sld [smem:$0x3FA9]  }
0x2c: {  	s7 =	sld [smem:$0x3FAA]  }
0x2d: {  	s3 =	simm.s32 $0x108;
	s8 =	sld [smem:$0x3FAB]  }
0x2e: {  	s3 =	simm.s32 @!p0 $0x1082;
	s9 =	sld [smem:$0x3FAC]  }
0x2f: {  	lr =	sadd.s32 s0, s3;
	s0 =	sld [smem:$0x3FA3]  }
0x30: {  	s3 =	sld [smem:$0x3FA6]  }
0x31: {  	[smem:$0x3FAF] =	sst s10  }
0x32: {  	s10 =	sld [smem:$0x3FAD];
	_ =	sdelay $0x3  }
0x33: {  	p0 =	seq.s32 s10, $0x1;
	s10 =	sld [smem:$0x3FAF];
	_ =	sdelay $0x3  }
0x34: {  	[smem:$0x3FAF] =	sst s10  }
0x35: {  	s10 =	sld [smem:$0x3FAE];
	_ =	sdelay $0x3  }
0x36: {  	p1 =	seq.s32 s10, $0x1;
	s10 =	sld [smem:$0x3FAF];
	_ =	sdelay $0x3  }
0x37: {  	[smem:$0x3FAF] =	sst s10  }
0x38: {  	s10 =	sld [smem:$0x3FB0]  }
0x39: {  	_ = 	snop;
	(pc) =	sbr.ind lr, $3  }
0x3a: {  	_ = 	snop  }
0x3b: {  	_ = 	snop  }
0x3c: {  	p2 =	seq.s32 s10, $0x1;
	s10 =	sld [smem:$0x3FAF]  }
0x3d: {  	_ =	shalt  }
0x3e: {  	_ =	shalt  }
0x3f: {  	_ =	shalt  }
0x40: {  	_ =	shalt  }
0x41: {  	_ =	shalt  }
0x42: {  	_ =	shalt  }
0x43: {  	_ =	shalt  }
0x44: {  	_ =	shalt  }
0x45: {  	_ =	shalt  }
0x46: {  	_ =	shalt  }
0x47: {  	_ =	shalt  }
0x48: {  	_ =	shalt  }
0x49: {  	_ =	shalt  }
0x4a: {  	_ =	shalt  }
0x4b: {  	_ =	shalt  }
0x4c: {  	_ =	shalt  }
0x4d: {  	_ =	shalt  }
0x4e: {  	_ =	shalt  }
0x4f: {  	_ =	shalt  }
0x50: {  	_ =	shalt  }
0x51: {  	_ =	shalt  }
0x52: {  	_ =	shalt  }
0x53: {  	_ =	shalt  }
0x54: {  	_ =	shalt  }
0x55: {  	_ =	shalt  }
0x56: {  	_ =	shalt  }
0x57: {  	_ =	shalt  }
0x58: {  	_ =	shalt  }
0x59: {  	_ =	shalt  }
0x5a: {  	_ =	shalt  }
0x5b: {  	_ =	shalt  }
0x5c: {  	_ =	shalt  }
0x5d: {  	_ =	shalt  }
0x5e: {  	_ =	shalt  }
0x5f: {  	_ =	shalt  }
0x60: {  	_ =	shalt  }
0x61: {  	_ =	shalt  }
0x62: {  	_ =	shalt  }
0x63: {  	_ =	shalt  }
0x64: {  	_ =	shalt  }
0x65: {  	_ =	shalt  }
0x66: {  	_ =	shalt  }
0x67: {  	_ =	shalt  }
0x68: {  	_ =	shalt  }
0x69: {  	_ =	shalt  }
0x6a: {  	_ =	shalt  }
0x6b: {  	_ =	shalt  }
0x6c: {  	_ =	shalt  }
0x6d: {  	_ =	shalt  }
0x6e: {  	_ =	shalt  }
0x6f: {  	_ =	shalt  }
0x70: {  	_ =	shalt  }
0x71: {  	_ =	shalt  }
0x72: {  	_ =	shalt  }
0x73: {  	_ =	shalt  }
0x74: {  	_ =	shalt  }
0x75: {  	_ =	shalt  }
0x76: {  	_ =	shalt  }
0x77: {  	_ =	shalt  }
0x78: {  	_ =	shalt  }
0x79: {  	_ =	shalt  }
0x7a: {  	_ =	shalt  }
0x7b: {  	_ =	shalt  }
0x7c: {  	_ =	shalt  }
0x7d: {  	_ =	shalt  }
0x7e: {  	_ =	shalt  }
0x7f: {  	_ =	shalt  }
0x80: {  	_ =	shalt  }
0x81: {  	_ =	shalt  }
0x82: {  	_ =	shalt  }
0x83: {  	_ =	shalt  }
0x84: {  	_ =	shalt  }
0x85: {  	_ =	shalt  }
0x86: {  	_ =	shalt  }
0x87: {  	_ =	shalt  }
.Lfunc_end0:
.L_simem_size_0:
called_computation.2_lowered:
.L_overlay_start_0:
0x88: {  	s2 =	sld [smem:$0x3FD9]  }
0x89: {  	s3 =	sld [smem:$0x3FFE];
	_ =	sdelay $0x1  }
0x8a: {  	s1 =	srdreg.scid  }
0x8b: {  	s0 =	sand.u32 $0x1, s1  }
0x8c: {  	s16 =	sshll.u32 s0, $0xA;
	s2 =	sadd.s32 s3, s2  }
0x8d: {  	s2 =	sadd.s32 s2, s16  }
0x8e: {  	[smem:$0x3FBB] =	sst s2  }
0x8f: {  	_ = 	snop  }
0x90: {  	(tm) =	ssettm $0x1  }
0x91: {  	s17 =	sld [smem:$0x3FFB];
	_ =	sdelay $0x3  }
0x92: {  	_ =	strace s17  }
0x93: {  	s2 =	sld [smem:$0x3FFC];
	_ =	sdelay $0x3  }
0x94: {  	_ =	strace s2  }
0x95: {  	s2 =	sld [smem:$0x3FFD];
	_ =	sdelay $0x3  }
0x96: {  	_ =	strace s2  }
0x97: {  	_ =	strace $0x8FFFFFFF  }
0x98: {  	s18 =	sld [smem:$0x3FDB];
	_ =	sdelay $0x1  }
0x99: {  	s19 =	simm.s32 $_scs_section_size  }
0x9a: {  	s4 =	simm.s32 $_size__tile_overlayer_lowered;
	s5 =	simm.s32 $_tile_overlayer_lowered  }
0x9b: {  	s22 =	simm.s32 $0x1BFF;
	s21 =	sshll.u32 s5, $0x1;
	s2 =	sadd.s32 s19, s18  }
0x9c: {  	s6 =	simm.s32 $0x0;
	s20 =	sshll.u32 s4, $0x1;
	s4 =	sadd.s32 s21, s2  }
0x9d: {  	[timem:s6], [sflag:s22] =	dma.local [hbm:s4], s20  }
0x9e: {  	_ =	swait.ge [sflag:s22], s20  }
0x9f: {  	s3 =	ssub.s32 $0x0, s20;
	[sflag:s22] =	ssyncset.done $0x0  }
0xa0: {  	[sflag:s22] =	ssyncadd.s32 s3;
	_ =	sdelay $0x1  }
0xa1: {  	s23 =	simm.s32 $0x1B8B  }
0xa2: {  	_ =	swait.ge [sflag:s23], $0x1  }
0xa3: {  	[sflag:s23] =	ssyncset.done $0x0  }
0xa4: {  	s25 =	simm.s32 $0x1B8E;
	s24 =	sld [smem:$0x3FFE];
	[sflag:s23] =	ssyncadd.s32 $0xFFFFFFFF  }
0xa5: {  	s26 =	simm.s32 $execute0_lowered;
	[smem:$0x3FD2] =	sst s25  }
0xa6: {  	s4 =	sshll.u32 s26, $0x1;
	_ =	strace $0x8000004C;
	[dreg:$0x1] =	wrdreg $0xFFFFFFFF  }
0xa7: {  	s28 =	simm.s32 $_size_execute0_lowered;
	s2 =	sadd.s32 s2, s4;
	[dreg:$0x0] =	wrdreg $0x0  }
0xa8: {  	s4 =	sshll.u32 s28, $0x1;
	[dreg:$0x2] =	wrdreg s2  }
0xa9: {  	[dreg:$0x3] =	wrdreg s4  }
0xaa: {  	[dreg:$0x4] =	wrdreg $0xC0  }
0xab: {  	_ =	task [dreg:s6], $0x5FFFF  }
0xac: {  	[dreg:$0x1] =	wrdreg $0xFFFFFFFF  }
0xad: {  	[dreg:$0x0] =	wrdreg $0x60  }
0xae: {  	[dreg:$0x2] =	wrdreg s24  }
0xaf: {  	[dreg:$0x3] =	wrdreg $0x0  }
0xb0: {  	[dreg:$0x4] =	wrdreg $0x9  }
0xb1: {  	_ =	task.clear_ibuf [dreg:s6], $0x5FFFF;
	_ =	strace $0x9000004C  }
0xb2: {  	s29 =	simm.s32 $0x9;
	_ =	strace $0x8000004E  }
0xb3: {  	_ =	swait.ge [sflag:s29], $0x1  }
0xb4: {  	[sflag:s29] =	ssyncadd.s32 $0xFFFFFFFF  }
0xb5: {  	_ =	strace $0x9000004E  }
0xb6: {  	_ =	sfence  }
0xb7: {  	s30 =	sld [smem:$0x0];
	_ =	sdelay $0x2  }
0xb8: {  	s31 =	sshll.u32 s1, $0xD;
	s1 =	sshrl.u32 s1, $0x2  }
0xb9: {  	s3 =	sand.u32 $0x4000, s31;
	s1 =	sadd.s32 s1, s30  }
0xba: {  	s0 =	sor.u32 s3, s0;
	s1 =	sshll.u32 s1, $0x11  }
0xbb: {  	s0 =	sor.u32 s1, s0  }
0xbc: {  	s0 =	sadd.s32 $0x8F2B, s0  }
0xbd: {  	[sflag:s0] =	ssyncadd.remote.s32 $0x1  }
0xbe: {  	_ =	sfence.sel $0xFFFF  }
0xbf: {  	[dreg:$0x0] =	wrdreg $0xFFFFFFFF;
	(pc) =	sbr.abs _section_cstart, $3  }
0xc0: {  	[dreg:$0x1] =	wrdreg $0xFFFFFFFF  }
0xc1: {  	_ =	task.clear_ibuf [dreg:s6], $0x2FFFF;
	_ =	strace $0x9FFFFFFF  }
0xc2: {  	(tm) =	ssettm $0x7FFFFFFF  }
0xc3: {  	_ =	shalt  }
tec
execute0_lowered:
.L_overlay_start_1:
0x0: {  	(tag) =	ssettag $0x1  }
0x1: {  	s0 =	rddreg [dreg:$0x0]  }
0x2: {  	s1 =	rddreg [dreg:$0x1];
	s13 =	simm.s32 $0x0  }
0x3: {  	s2 =	srdreg.scid;
	s9 =	stileid.u32;
	s28 =	simm.s32 $0x40  }
0x4: {  	s30 =	simm.s32 $0x16000;
	s29 =	simm.s32 $0x1D1C0;
	s31 =	simm.s32 $0x1D900  }
0x5: {  	[smem:$0x7FF] =	sst s13;
	s2 =	sand.u32 $0x1, s2;
	s6 =	smul.u32 $0x14000, s9  }
0x6: {  	s4 =	sadd.s32 $0x67200, s0;
	s7 =	sadd.s32 $0x3200, s0;
	s26 =	smul.u32 $0x50000, s9  }
0x7: {  	s5 =	smul.u32 $0x140000, s2;
	s8 =	sshll.u32 s2, $0x4;
	s2 =	ssub.s32 $0x2, s2  }
0x8: {  	_ =	strace $0x8000004D;
	s25 =	sor.u32 s9, s8;
	s10 =	sshrl.u32 s2, $0x1  }
0x9: {  	s12 =	sshrl.u32 s26, $0x2;
	s9 =	sadd.s32 $0xD200, s0;
	s3 =	smul.u32 $0x2800, s25  }
0xa: {  	s5 =	sadd.s32 s6, s5;
	s11 =	smul.u32 $0x500, s25;
	s6 =	sadd.s32 s12, s1  }
0xb: {  	s2 =	ssub.s32 s2, s10;
	s12 =	simm.s32 $0x1A000;
	[dreg:$0x13] =	wrdreg s6  }
0xc: {  	s10 =	simm.s32 $0x5;
	s22 =	smax.u32 s2, $0x1;
	[dreg:$0x3] =	wrdreg s11  }
0xd: {  	s5 =	sshrl.u32 s5, $0x3;
	s23 =	sadd.s32 $0x4000, s6;
	[dreg:$0xe] =	wrdreg s22  }
0xe: {  	s24 =	sadd.s32 $0x8000, s6;
	s25 =	sadd.s32 $0xC000, s6;
	[dreg:$0xf] =	wrdreg s23  }
0xf: {  	s26 =	sadd.s32 $0x10000, s6;
	s6 =	simm.s32 $0x1D800;
	[dreg:$0x10] =	wrdreg s24  }
0x10: {  	s5 =	sadd.s32 s5, s0;
	s14 =	sshrl.u32 s3, $0x3;
	[dreg:$0x11] =	wrdreg s25  }
0x11: {  	s15 =	sadd.s32 s7, s11;
	[dreg:$0x12] =	wrdreg s26;
	s23 =	simm.s32 $0x14000  }
0x12: {  	s24 =	simm.s32 $0x6;
	s22 =	simm.s32 $0x4;
	s26 =	simm.s32 $0x1C000  }
0x13: {  	s3 =	simm.s32 $0x1C800;
	[dreg:$0x4] =	wrdreg s15;
	s16 =	sadd.s32 $0x100, s14  }
0x14: {  	s11 =	simm.s32 $0x1D880;
	s18 =	sadd.s32 $0x200, s14;
	[dreg:$0x5] =	wrdreg s16  }
0x15: {  	s25 =	simm.s32 $0x1D180;
	s19 =	sadd.s32 $0x300, s14;
	[dreg:$0x7] =	wrdreg s18  }
0x16: {  	s8 =	sadd.s32 $0x400, s14;
	s21 =	sadd.s32 $0x8E400, s5;
	[dreg:$0x9] =	wrdreg s19  }
0x17: {  	s15 =	simm.s32 $0x1;
	s14 =	simm.s32 $0x1D100;
	[dreg:$0xa] =	wrdreg s8  }
0x18: {  	s17 =	sadd.s32 s7, s16;
	s0 =	sadd.s32 s7, s18;
	[dreg:$0xd] =	wrdreg s21  }
0x19: {  	s20 =	sadd.s32 s7, s8;
	s16 =	simm.s32 $0x80;
	[dreg:$0x6] =	wrdreg s17  }
0x1a: {  	s18 =	simm.s32 $0x0;
	s8 =	simm.s32 $0x1D0C0;
	[dreg:$0x8] =	wrdreg s0  }
0x1b: {  	s0 =	sadd.s32 s7, s19;
	[dreg:$0xc] =	wrdreg s20;
	s7 =	simm.s32 $0x18000  }
0x1c: {  	v0 =	vimm.f32 $0.0e+00;
	s17 =	simm.s32 $0x2;
	s19 =	simm.s32 $0x3;
	[dreg:$0xb] =	wrdreg s0  }
.LBB2_1:
0x1d: {  	s20 =	simm.s32 $0x0;
	s21 =	simm.s32 $0x200  }
.LBB2_2:
0x1e: {  	p0 =	sne.s32 s21, $0xFE00;
	[tilespmem:s20+$0x14070] =	vst v0  }
0x1f: {  	[tilespmem:s20+$0x14000] =	vst v0  }
0x20: {  	[tilespmem:s20+$0x14010] =	vst v0  }
.Ltmp0:
0x21: {  	[tilespmem:s20+$0x14020] =	vst v0;
	(pc) =	sbr.rel @p0 .LBB2_2-.Ltmp0, $4  }
0x22: {  	[tilespmem:s20+$0x14030] =	vst v0  }
0x23: {  	[tilespmem:s20+$0x14040] =	vst v0  }
0x24: {  	[tilespmem:s20+$0x14050] =	vst v0  }
0x25: {  	[tilespmem:s20+$0x14060] =	vst v0;
	s20 =	sshra.s32 s21, $0x2;
	s21 =	sadd.s32 $0x200, s21  }
0x26: {  	[tilespmem:s20+$0x14070] =	vst v0  }
0x27: {  	[tilespmem:s20+$0x14000] =	vst v0  }
0x28: {  	[tilespmem:s20+$0x14010] =	vst v0  }
0x29: {  	[tilespmem:s20+$0x14020] =	vst v0  }
0x2a: {  	[tilespmem:s20+$0x14030] =	vst v0  }
0x2b: {  	[tilespmem:s20+$0x14040] =	vst v0  }
0x2c: {  	[tilespmem:s20+$0x14050] =	vst v0  }
0x2d: {  	[tilespmem:s20+$0x14060] =	vst v0;
	s0 =	rddreg [dreg:$0x13]  }
0x2e: {  	[spmem:s0] =	stream.linear.scatter [tilespmem:s23], [sflag:$0x6], $0x4000, $0x38;
	[tilespmem:$0x1E000] =	vst v63  }
0x2f: {  	_ =	swait.ge [sflag:s24], $0x4000  }
0x30: {  	[sflag:s24] =	ssyncset.done $0x0  }
0x31: {  	s5 =	rddreg [dreg:$0xf];
	[sflag:s24] =	ssyncadd.s32 $0xFFFFC000  }
0x32: {  	[spmem:s5] =	stream.linear.scatter [tilespmem:s23], [sflag:$0x6], $0x4000, $0x38;
	[tilespmem:$0x1E000] =	vst v63  }
0x33: {  	_ =	swait.ge [sflag:s24], $0x4000  }
0x34: {  	[sflag:s24] =	ssyncset.done $0x0  }
0x35: {  	s20 =	rddreg [dreg:$0x10];
	[sflag:s24] =	ssyncadd.s32 $0xFFFFC000  }
0x36: {  	[spmem:s20] =	stream.linear.scatter [tilespmem:s23], [sflag:$0x6], $0x4000, $0x38;
	[tilespmem:$0x1E000] =	vst v63  }
0x37: {  	_ =	swait.ge [sflag:s24], $0x4000  }
0x38: {  	[sflag:s24] =	ssyncset.done $0x0  }
0x39: {  	s21 =	rddreg [dreg:$0x11];
	[sflag:s24] =	ssyncadd.s32 $0xFFFFC000  }
0x3a: {  	[spmem:s21] =	stream.linear.scatter [tilespmem:s23], [sflag:$0x6], $0x4000, $0x38;
	[tilespmem:$0x1E000] =	vst v63  }
0x3b: {  	_ =	swait.ge [sflag:s24], $0x4000  }
0x3c: {  	[sflag:s24] =	ssyncset.done $0x0  }
0x3d: {  	s0 =	rddreg [dreg:$0x12];
	[sflag:s24] =	ssyncadd.s32 $0xFFFFC000  }
0x3e: {  	[spmem:s0] =	stream.linear.scatter [tilespmem:s23], [sflag:$0x6], $0x4000, $0x38;
	[tilespmem:$0x1E000] =	vst v63  }
0x3f: {  	_ =	swait.ge [sflag:s24], $0x4000  }
0x40: {  	[sflag:s24] =	ssyncset.done $0x0  }
0x41: {  	[sflag:s24] =	ssyncadd.s32 $0xFFFFC000  }
0x42: {  	[bflag:$0x0] =	sbarrier.arrive $0xFFFF  }
0x43: {  	s2 =	rddreg [dreg:$0x4]  }
0x44: {  	[tilespmem:s26], [sflag:$0x6] =	stream.linear.gather [hbm4b:s2+s13], $0x800, $0x38;
	[tilespmem:$0x1E000] =	vst v63  }
0x45: {  	_ =	swait.ge [sflag:s24], $0x800  }
0x46: {  	[sflag:s24] =	ssyncset.done $0x0;
	s5 =	rddreg [dreg:$0x3]  }
0x47: {  	[sflag:s24] =	ssyncadd.s32 $0xFFFFF800;
	s20 =	sadd.s32 s5, s9  }
0x48: {  	[tilespmem:s3], [sflag:$0x6] =	stream.linear.gather [hbm4b:s20+s13], $0x800, $0x38;
	[tilespmem:$0x1E000] =	vst v63  }
0x49: {  	_ =	swait.ge [sflag:s24], $0x800  }
0x4a: {  	[sflag:s24] =	ssyncset.done $0x0  }
0x4b: {  	[sflag:s24] =	ssyncadd.s32 $0xFFFFF800  }
0x4c: {  	[tilespmem:s23], [sflag:$0x1] =	stream.indirect.gather [hbm4b:s4+s28], $0x80, s26, s28, $0xb8;
	[tilespmem:$0x1E000] =	vst v63  }
0x4d: {  	s21 =	simm.s32 $0x1C040;
	s2 =	rddreg [dreg:$0x6]  }
0x4e: {  	[tilespmem:s30], [sflag:$0x1] =	stream.indirect.gather [hbm4b:s4+s28], $0x80, s21, s28, $0xb8;
	[tilespmem:$0x1E000] =	vst v63  }
0x4f: {  	s0 =	simm.s32 $0x1D000;
	s5 =	rddreg [dreg:$0x5]  }
0x50: {  	[tilespmem:s0], [sflag:$0x5] =	stream.linear.gather [hbm4b:s2+s13], $0x800, $0x38;
	[tilespmem:$0x1E000] =	vst v63  }
0x51: {  	s20 =	sadd.s32 s5, s9  }
0x52: {  	[tilespmem:s6], [sflag:$0x5] =	stream.linear.gather [hbm4b:s20+s13], $0x800, $0x38;
	[tilespmem:$0x1E000] =	vst v63  }
0x53: {  	s2 =	simm.s32 $0x1C080  }
0x54: {  	[tilespmem:s7], [sflag:$0x2] =	stream.indirect.gather [hbm4b:s4+s28], $0x80, s2, s28, $0xb8;
	[tilespmem:$0x1E000] =	vst v63  }
0x55: {  	s20 =	simm.s32 $0x1C0C0  }
0x56: {  	[tilespmem:s12], [sflag:$0x2] =	stream.indirect.gather [hbm4b:s4+s28], $0x80, s20, s28, $0xb8;
	[tilespmem:$0x1E000] =	vst v63  }
0x57: {  	_ =	swait.ge [sflag:s15], $0x4000  }
0x58: {  	[sflag:s15] =	ssyncset.done $0x0  }
0x59: {  	[sflag:s15] =	ssyncadd.s32 $0xFFFFC000  }
0x5a: {  	[spmem:s1] =	stream.indirect.scatter.add.f32 [tilespmem:s23], [sflag:$0x3], $0x80, s3, s16, $0xb8;
	[tilespmem:$0x1E000] =	vst v63  }
0x5b: {  	_ =	swait.ge [sflag:s17], $0x4000  }
0x5c: {  	[sflag:s17] =	ssyncset.done $0x0  }
0x5d: {  	s21 =	simm.s32 $0x1C880;
	[sflag:s17] =	ssyncadd.s32 $0xFFFFC000  }
0x5e: {  	[spmem:s1] =	stream.indirect.scatter.add.f32 [tilespmem:s7], [sflag:$0x4], $0x80, s21, s16, $0xb8;
	[tilespmem:$0x1E000] =	vst v63  }
0x5f: {  	_ =	swait.ge [sflag:s19], $0x4000  }
0x60: {  	[sflag:s19] =	ssyncset.done $0x0  }
0x61: {  	s5 =	simm.s32 $0x1C100;
	[sflag:s19] =	ssyncadd.s32 $0xFFFFC000  }
0x62: {  	[tilespmem:s23], [sflag:$0x1] =	stream.indirect.gather [hbm4b:s4+s28], $0x80, s5, s28, $0xb8;
	[tilespmem:$0x1E000] =	vst v63  }
0x63: {  	s20 =	simm.s32 $0x1C140  }
0x64: {  	[tilespmem:s30], [sflag:$0x1] =	stream.indirect.gather [hbm4b:s4+s28], $0x80, s20, s28, $0xb8;
	[tilespmem:$0x1E000] =	vst v63  }
0x65: {  	_ =	swait.ge [sflag:s22], $0x4000  }
0x66: {  	[sflag:s22] =	ssyncset.done $0x0  }
0x67: {  	s21 =	simm.s32 $0x1C180;
	[sflag:s22] =	ssyncadd.s32 $0xFFFFC000  }
0x68: {  	[tilespmem:s7], [sflag:$0x2] =	stream.indirect.gather [hbm4b:s4+s28], $0x80, s21, s28, $0xb8;
	[tilespmem:$0x1E000] =	vst v63  }
0x69: {  	s5 =	simm.s32 $0x1C1C0  }
0x6a: {  	[tilespmem:s12], [sflag:$0x2] =	stream.indirect.gather [hbm4b:s4+s28], $0x80, s5, s28, $0xb8;
	[tilespmem:$0x1E000] =	vst v63  }
0x6b: {  	_ =	swait.ge [sflag:s15], $0x4000  }
0x6c: {  	[sflag:s15] =	ssyncset.done $0x0  }
0x6d: {  	s20 =	simm.s32 $0x1C900;
	[sflag:s15] =	ssyncadd.s32 $0xFFFFC000  }
0x6e: {  	[spmem:s1] =	stream.indirect.scatter.add.f32 [tilespmem:s23], [sflag:$0x3], $0x80, s20, s16, $0xb8;
	[tilespmem:$0x1E000] =	vst v63  }
0x6f: {  	_ =	swait.ge [sflag:s17], $0x4000  }
0x70: {  	[sflag:s17] =	ssyncset.done $0x0  }
0x71: {  	s21 =	simm.s32 $0x1C980;
	[sflag:s17] =	ssyncadd.s32 $0xFFFFC000  }
0x72: {  	[spmem:s1] =	stream.indirect.scatter.add.f32 [tilespmem:s7], [sflag:$0x4], $0x80, s21, s16, $0xb8;
	[tilespmem:$0x1E000] =	vst v63  }
0x73: {  	_ =	swait.ge [sflag:s19], $0x4000  }
0x74: {  	[sflag:s19] =	ssyncset.done $0x0  }
0x75: {  	s5 =	simm.s32 $0x1C200;
	[sflag:s19] =	ssyncadd.s32 $0xFFFFC000  }
0x76: {  	[tilespmem:s23], [sflag:$0x1] =	stream.indirect.gather [hbm4b:s4+s28], $0x80, s5, s28, $0xb8;
	[tilespmem:$0x1E000] =	vst v63  }
0x77: {  	s20 =	simm.s32 $0x1C240  }
0x78: {  	[tilespmem:s30], [sflag:$0x1] =	stream.indirect.gather [hbm4b:s4+s28], $0x80, s20, s28, $0xb8;
	[tilespmem:$0x1E000] =	vst v63  }
0x79: {  	_ =	swait.ge [sflag:s22], $0x4000  }
0x7a: {  	[sflag:s22] =	ssyncset.done $0x0  }
0x7b: {  	s21 =	simm.s32 $0x1C280;
	[sflag:s22] =	ssyncadd.s32 $0xFFFFC000  }
0x7c: {  	[tilespmem:s7], [sflag:$0x2] =	stream.indirect.gather [hbm4b:s4+s28], $0x80, s21, s28, $0xb8;
	[tilespmem:$0x1E000] =	vst v63  }
0x7d: {  	s5 =	simm.s32 $0x1C2C0  }
0x7e: {  	[tilespmem:s12], [sflag:$0x2] =	stream.indirect.gather [hbm4b:s4+s28], $0x80, s5, s28, $0xb8;
	[tilespmem:$0x1E000] =	vst v63  }
0x7f: {  	_ =	swait.ge [sflag:s15], $0x4000  }
0x80: {  	[sflag:s15] =	ssyncset.done $0x0  }
0x81: {  	s20 =	simm.s32 $0x1CA00;
	[sflag:s15] =	ssyncadd.s32 $0xFFFFC000  }
0x82: {  	[spmem:s1] =	stream.indirect.scatter.add.f32 [tilespmem:s23], [sflag:$0x3], $0x80, s20, s16, $0xb8;
	[tilespmem:$0x1E000] =	vst v63  }
0x83: {  	_ =	swait.ge [sflag:s17], $0x4000  }
0x84: {  	[sflag:s17] =	ssyncset.done $0x0  }
0x85: {  	s21 =	simm.s32 $0x1CA80;
	[sflag:s17] =	ssyncadd.s32 $0xFFFFC000  }
0x86: {  	[spmem:s1] =	stream.indirect.scatter.add.f32 [tilespmem:s7], [sflag:$0x4], $0x80, s21, s16, $0xb8;
	[tilespmem:$0x1E000] =	vst v63  }
0x87: {  	_ =	swait.ge [sflag:s19], $0x4000  }
0x88: {  	[sflag:s19] =	ssyncset.done $0x0  }
0x89: {  	s5 =	simm.s32 $0x1C300;
	[sflag:s19] =	ssyncadd.s32 $0xFFFFC000  }
0x8a: {  	[tilespmem:s23], [sflag:$0x1] =	stream.indirect.gather [hbm4b:s4+s28], $0x80, s5, s28, $0xb8;
	[tilespmem:$0x1E000] =	vst v63  }
0x8b: {  	s20 =	simm.s32 $0x1C340  }
0x8c: {  	[tilespmem:s30], [sflag:$0x1] =	stream.indirect.gather [hbm4b:s4+s28], $0x80, s20, s28, $0xb8;
	[tilespmem:$0x1E000] =	vst v63  }
0x8d: {  	_ =	swait.ge [sflag:s22], $0x4000  }
0x8e: {  	[sflag:s22] =	ssyncset.done $0x0  }
0x8f: {  	s21 =	simm.s32 $0x1C380;
	[sflag:s22] =	ssyncadd.s32 $0xFFFFC000  }
0x90: {  	[tilespmem:s7], [sflag:$0x2] =	stream.indirect.gather [hbm4b:s4+s28], $0x80, s21, s28, $0xb8;
	[tilespmem:$0x1E000] =	vst v63  }
0x91: {  	s5 =	simm.s32 $0x1C3C0  }
0x92: {  	[tilespmem:s12], [sflag:$0x2] =	stream.indirect.gather [hbm4b:s4+s28], $0x80, s5, s28, $0xb8;
	[tilespmem:$0x1E000] =	vst v63  }
0x93: {  	_ =	swait.ge [sflag:s15], $0x4000  }
0x94: {  	[sflag:s15] =	ssyncset.done $0x0  }
0x95: {  	s20 =	simm.s32 $0x1CB00;
	[sflag:s15] =	ssyncadd.s32 $0xFFFFC000  }
0x96: {  	[spmem:s1] =	stream.indirect.scatter.add.f32 [tilespmem:s23], [sflag:$0x3], $0x80, s20, s16, $0xb8;
	[tilespmem:$0x1E000] =	vst v63  }
0x97: {  	_ =	swait.ge [sflag:s17], $0x4000  }
0x98: {  	[sflag:s17] =	ssyncset.done $0x0  }
0x99: {  	s21 =	simm.s32 $0x1CB80;
	[sflag:s17] =	ssyncadd.s32 $0xFFFFC000  }
0x9a: {  	[spmem:s1] =	stream.indirect.scatter.add.f32 [tilespmem:s7], [sflag:$0x4], $0x80, s21, s16, $0xb8;
	[tilespmem:$0x1E000] =	vst v63  }
0x9b: {  	_ =	swait.ge [sflag:s19], $0x4000  }
0x9c: {  	[sflag:s19] =	ssyncset.done $0x0  }
0x9d: {  	s5 =	simm.s32 $0x1C400;
	[sflag:s19] =	ssyncadd.s32 $0xFFFFC000  }
0x9e: {  	[tilespmem:s23], [sflag:$0x1] =	stream.indirect.gather [hbm4b:s4+s28], $0x80, s5, s28, $0xb8;
	[tilespmem:$0x1E000] =	vst v63  }
0x9f: {  	s20 =	simm.s32 $0x1C440  }
0xa0: {  	[tilespmem:s30], [sflag:$0x1] =	stream.indirect.gather [hbm4b:s4+s28], $0x80, s20, s28, $0xb8;
	[tilespmem:$0x1E000] =	vst v63  }
0xa1: {  	_ =	swait.ge [sflag:s22], $0x4000  }
0xa2: {  	[sflag:s22] =	ssyncset.done $0x0  }
0xa3: {  	s21 =	simm.s32 $0x1C480;
	[sflag:s22] =	ssyncadd.s32 $0xFFFFC000  }
0xa4: {  	[tilespmem:s7], [sflag:$0x2] =	stream.indirect.gather [hbm4b:s4+s28], $0x80, s21, s28, $0xb8;
	[tilespmem:$0x1E000] =	vst v63  }
0xa5: {  	s5 =	simm.s32 $0x1C4C0  }
0xa6: {  	[tilespmem:s12], [sflag:$0x2] =	stream.indirect.gather [hbm4b:s4+s28], $0x80, s5, s28, $0xb8;
	[tilespmem:$0x1E000] =	vst v63  }
0xa7: {  	_ =	swait.ge [sflag:s15], $0x4000  }
0xa8: {  	[sflag:s15] =	ssyncset.done $0x0  }
0xa9: {  	s20 =	simm.s32 $0x1CC00;
	[sflag:s15] =	ssyncadd.s32 $0xFFFFC000  }
0xaa: {  	[spmem:s1] =	stream.indirect.scatter.add.f32 [tilespmem:s23], [sflag:$0x3], $0x80, s20, s16, $0xb8;
	[tilespmem:$0x1E000] =	vst v63  }
0xab: {  	_ =	swait.ge [sflag:s17], $0x4000  }
0xac: {  	[sflag:s17] =	ssyncset.done $0x0  }
0xad: {  	s21 =	simm.s32 $0x1CC80;
	[sflag:s17] =	ssyncadd.s32 $0xFFFFC000  }
0xae: {  	[spmem:s1] =	stream.indirect.scatter.add.f32 [tilespmem:s7], [sflag:$0x4], $0x80, s21, s16, $0xb8;
	[tilespmem:$0x1E000] =	vst v63  }
0xaf: {  	_ =	swait.ge [sflag:s19], $0x4000  }
0xb0: {  	[sflag:s19] =	ssyncset.done $0x0  }
0xb1: {  	s5 =	simm.s32 $0x1C500;
	[sflag:s19] =	ssyncadd.s32 $0xFFFFC000  }
0xb2: {  	[tilespmem:s23], [sflag:$0x1] =	stream.indirect.gather [hbm4b:s4+s28], $0x80, s5, s28, $0xb8;
	[tilespmem:$0x1E000] =	vst v63  }
0xb3: {  	s20 =	simm.s32 $0x1C540  }
0xb4: {  	[tilespmem:s30], [sflag:$0x1] =	stream.indirect.gather [hbm4b:s4+s28], $0x80, s20, s28, $0xb8;
	[tilespmem:$0x1E000] =	vst v63  }
0xb5: {  	_ =	swait.ge [sflag:s22], $0x4000  }
0xb6: {  	[sflag:s22] =	ssyncset.done $0x0  }
0xb7: {  	s21 =	simm.s32 $0x1C580;
	[sflag:s22] =	ssyncadd.s32 $0xFFFFC000  }
0xb8: {  	[tilespmem:s7], [sflag:$0x2] =	stream.indirect.gather [hbm4b:s4+s28], $0x80, s21, s28, $0xb8;
	[tilespmem:$0x1E000] =	vst v63  }
0xb9: {  	s5 =	simm.s32 $0x1C5C0  }
0xba: {  	[tilespmem:s12], [sflag:$0x2] =	stream.indirect.gather [hbm4b:s4+s28], $0x80, s5, s28, $0xb8;
	[tilespmem:$0x1E000] =	vst v63  }
0xbb: {  	_ =	swait.ge [sflag:s15], $0x4000  }
0xbc: {  	[sflag:s15] =	ssyncset.done $0x0  }
0xbd: {  	s20 =	simm.s32 $0x1CD00;
	[sflag:s15] =	ssyncadd.s32 $0xFFFFC000  }
0xbe: {  	[spmem:s1] =	stream.indirect.scatter.add.f32 [tilespmem:s23], [sflag:$0x3], $0x80, s20, s16, $0xb8;
	[tilespmem:$0x1E000] =	vst v63  }
0xbf: {  	_ =	swait.ge [sflag:s17], $0x4000  }
0xc0: {  	[sflag:s17] =	ssyncset.done $0x0  }
0xc1: {  	s21 =	simm.s32 $0x1CD80;
	[sflag:s17] =	ssyncadd.s32 $0xFFFFC000  }
0xc2: {  	[spmem:s1] =	stream.indirect.scatter.add.f32 [tilespmem:s7], [sflag:$0x4], $0x80, s21, s16, $0xb8;
	[tilespmem:$0x1E000] =	vst v63  }
0xc3: {  	_ =	swait.ge [sflag:s19], $0x4000  }
0xc4: {  	[sflag:s19] =	ssyncset.done $0x0  }
0xc5: {  	s5 =	simm.s32 $0x1C600;
	[sflag:s19] =	ssyncadd.s32 $0xFFFFC000  }
0xc6: {  	[tilespmem:s23], [sflag:$0x1] =	stream.indirect.gather [hbm4b:s4+s28], $0x80, s5, s28, $0xb8;
	[tilespmem:$0x1E000] =	vst v63  }
0xc7: {  	s20 =	simm.s32 $0x1C640  }
0xc8: {  	[tilespmem:s30], [sflag:$0x1] =	stream.indirect.gather [hbm4b:s4+s28], $0x80, s20, s28, $0xb8;
	[tilespmem:$0x1E000] =	vst v63  }
0xc9: {  	_ =	swait.ge [sflag:s22], $0x4000  }
0xca: {  	[sflag:s22] =	ssyncset.done $0x0  }
0xcb: {  	s21 =	simm.s32 $0x1C680;
	[sflag:s22] =	ssyncadd.s32 $0xFFFFC000  }
0xcc: {  	[tilespmem:s7], [sflag:$0x2] =	stream.indirect.gather [hbm4b:s4+s28], $0x80, s21, s28, $0xb8;
	[tilespmem:$0x1E000] =	vst v63  }
0xcd: {  	s5 =	simm.s32 $0x1C6C0  }
0xce: {  	[tilespmem:s12], [sflag:$0x2] =	stream.indirect.gather [hbm4b:s4+s28], $0x80, s5, s28, $0xb8;
	[tilespmem:$0x1E000] =	vst v63  }
0xcf: {  	_ =	swait.ge [sflag:s15], $0x4000  }
0xd0: {  	[sflag:s15] =	ssyncset.done $0x0  }
0xd1: {  	s20 =	simm.s32 $0x1CE00;
	[sflag:s15] =	ssyncadd.s32 $0xFFFFC000  }
0xd2: {  	[spmem:s1] =	stream.indirect.scatter.add.f32 [tilespmem:s23], [sflag:$0x3], $0x80, s20, s16, $0xb8;
	[tilespmem:$0x1E000] =	vst v63  }
0xd3: {  	_ =	swait.ge [sflag:s17], $0x4000  }
0xd4: {  	[sflag:s17] =	ssyncset.done $0x0  }
0xd5: {  	s21 =	simm.s32 $0x1CE80;
	[sflag:s17] =	ssyncadd.s32 $0xFFFFC000  }
0xd6: {  	[spmem:s1] =	stream.indirect.scatter.add.f32 [tilespmem:s7], [sflag:$0x4], $0x80, s21, s16, $0xb8;
	[tilespmem:$0x1E000] =	vst v63  }
0xd7: {  	_ =	swait.ge [sflag:s19], $0x4000  }
0xd8: {  	[sflag:s19] =	ssyncset.done $0x0  }
0xd9: {  	s5 =	simm.s32 $0x1C700;
	[sflag:s19] =	ssyncadd.s32 $0xFFFFC000  }
0xda: {  	[tilespmem:s23], [sflag:$0x1] =	stream.indirect.gather [hbm4b:s4+s28], $0x80, s5, s28, $0xb8;
	[tilespmem:$0x1E000] =	vst v63  }
0xdb: {  	s20 =	simm.s32 $0x1C740  }
0xdc: {  	[tilespmem:s30], [sflag:$0x1] =	stream.indirect.gather [hbm4b:s4+s28], $0x80, s20, s28, $0xb8;
	[tilespmem:$0x1E000] =	vst v63  }
0xdd: {  	_ =	swait.ge [sflag:s22], $0x4000  }
0xde: {  	[sflag:s22] =	ssyncset.done $0x0  }
0xdf: {  	s21 =	simm.s32 $0x1C780;
	[sflag:s22] =	ssyncadd.s32 $0xFFFFC000  }
0xe0: {  	[tilespmem:s7], [sflag:$0x2] =	stream.indirect.gather [hbm4b:s4+s28], $0x80, s21, s28, $0xb8;
	[tilespmem:$0x1E000] =	vst v63  }
0xe1: {  	s5 =	simm.s32 $0x1C7C0  }
0xe2: {  	[tilespmem:s12], [sflag:$0x2] =	stream.indirect.gather [hbm4b:s4+s28], $0x80, s5, s28, $0xb8;
	[tilespmem:$0x1E000] =	vst v63  }
0xe3: {  	_ =	swait.ge [sflag:s15], $0x4000  }
0xe4: {  	[sflag:s15] =	ssyncset.done $0x0  }
0xe5: {  	s20 =	simm.s32 $0x1CF00;
	[sflag:s15] =	ssyncadd.s32 $0xFFFFC000  }
0xe6: {  	[spmem:s1] =	stream.indirect.scatter.add.f32 [tilespmem:s23], [sflag:$0x3], $0x80, s20, s16, $0xb8;
	[tilespmem:$0x1E000] =	vst v63  }
0xe7: {  	_ =	swait.ge [sflag:s17], $0x4000  }
0xe8: {  	[sflag:s17] =	ssyncset.done $0x0  }
0xe9: {  	s21 =	simm.s32 $0x1CF80;
	[sflag:s17] =	ssyncadd.s32 $0xFFFFC000  }
0xea: {  	[spmem:s1] =	stream.indirect.scatter.add.f32 [tilespmem:s7], [sflag:$0x4], $0x80, s21, s16, $0xb8;
	[tilespmem:$0x1E000] =	vst v63  }
0xeb: {  	_ =	swait.ge [sflag:s19], $0x4000  }
0xec: {  	[sflag:s19] =	ssyncset.done $0x0  }
0xed: {  	[sflag:s19] =	ssyncadd.s32 $0xFFFFC000  }
0xee: {  	_ =	swait.ge [sflag:s22], $0x4000  }
0xef: {  	[sflag:s22] =	ssyncset.done $0x0  }
0xf0: {  	[sflag:s22] =	ssyncadd.s32 $0xFFFFC000  }
0xf1: {  	_ =	swait.ge [sflag:s10], $0x800  }
0xf2: {  	[sflag:s10] =	ssyncset.done $0x0  }
0xf3: {  	[sflag:s10] =	ssyncadd.s32 $0xFFFFF800  }
0xf4: {  	_ =	swait.ge [sflag:s10], $0x800  }
0xf5: {  	[sflag:s10] =	ssyncset.done $0x0  }
0xf6: {  	[sflag:s10] =	ssyncadd.s32 $0xFFFFF800  }
0xf7: {  	[tilespmem:s23], [sflag:$0x1] =	stream.indirect.gather [hbm4b:s4+s28], $0x80, s0, s28, $0xb8;
	[tilespmem:$0x1E000] =	vst v63  }
0xf8: {  	s2 =	simm.s32 $0x1D040;
	s5 =	rddreg [dreg:$0x8]  }
0xf9: {  	[tilespmem:s30], [sflag:$0x1] =	stream.indirect.gather [hbm4b:s4+s28], $0x80, s2, s28, $0xb8;
	[tilespmem:$0x1E000] =	vst v63  }
0xfa: {  	s21 =	rddreg [dreg:$0x7]  }
0xfb: {  	[tilespmem:s26], [sflag:$0x5] =	stream.linear.gather [hbm4b:s5+s13], $0x800, $0x38;
	[tilespmem:$0x1E000] =	vst v63  }
0xfc: {  	s20 =	sadd.s32 s21, s9  }
0xfd: {  	[tilespmem:s3], [sflag:$0x5] =	stream.linear.gather [hbm4b:s20+s13], $0x800, $0x38;
	[tilespmem:$0x1E000] =	vst v63  }
0xfe: {  	s5 =	simm.s32 $0x1D080  }
0xff: {  	[tilespmem:s7], [sflag:$0x2] =	stream.indirect.gather [hbm4b:s4+s28], $0x80, s5, s28, $0xb8;
	[tilespmem:$0x1E000] =	vst v63  }
0x100: {  	_ = 	snop  }
0x101: {  	[tilespmem:s12], [sflag:$0x2] =	stream.indirect.gather [hbm4b:s4+s28], $0x80, s8, s28, $0xb8;
	[tilespmem:$0x1E000] =	vst v63  }
0x102: {  	_ =	swait.ge [sflag:s15], $0x4000  }
0x103: {  	[sflag:s15] =	ssyncset.done $0x0  }
0x104: {  	[sflag:s15] =	ssyncadd.s32 $0xFFFFC000  }
0x105: {  	[spmem:s1] =	stream.indirect.scatter.add.f32 [tilespmem:s23], [sflag:$0x3], $0x80, s6, s16, $0xb8;
	[tilespmem:$0x1E000] =	vst v63  }
0x106: {  	_ =	swait.ge [sflag:s17], $0x4000  }
0x107: {  	[sflag:s17] =	ssyncset.done $0x0  }
0x108: {  	[sflag:s17] =	ssyncadd.s32 $0xFFFFC000  }
0x109: {  	[spmem:s1] =	stream.indirect.scatter.add.f32 [tilespmem:s7], [sflag:$0x4], $0x80, s11, s16, $0xb8;
	[tilespmem:$0x1E000] =	vst v63  }
0x10a: {  	_ =	swait.ge [sflag:s19], $0x4000  }
0x10b: {  	[sflag:s19] =	ssyncset.done $0x0  }
0x10c: {  	[sflag:s19] =	ssyncadd.s32 $0xFFFFC000  }
0x10d: {  	[tilespmem:s23], [sflag:$0x1] =	stream.indirect.gather [hbm4b:s4+s28], $0x80, s14, s28, $0xb8;
	[tilespmem:$0x1E000] =	vst v63  }
0x10e: {  	s21 =	simm.s32 $0x1D140  }
0x10f: {  	[tilespmem:s30], [sflag:$0x1] =	stream.indirect.gather [hbm4b:s4+s28], $0x80, s21, s28, $0xb8;
	[tilespmem:$0x1E000] =	vst v63  }
0x110: {  	_ =	swait.ge [sflag:s22], $0x4000  }
0x111: {  	[sflag:s22] =	ssyncset.done $0x0  }
0x112: {  	[sflag:s22] =	ssyncadd.s32 $0xFFFFC000  }
0x113: {  	[tilespmem:s7], [sflag:$0x2] =	stream.indirect.gather [hbm4b:s4+s28], $0x80, s25, s28, $0xb8;
	[tilespmem:$0x1E000] =	vst v63  }
0x114: {  	_ = 	snop  }
0x115: {  	[tilespmem:s12], [sflag:$0x2] =	stream.indirect.gather [hbm4b:s4+s28], $0x80, s29, s28, $0xb8;
	[tilespmem:$0x1E000] =	vst v63  }
0x116: {  	_ =	swait.ge [sflag:s15], $0x4000  }
0x117: {  	[sflag:s15] =	ssyncset.done $0x0  }
0x118: {  	[sflag:s15] =	ssyncadd.s32 $0xFFFFC000  }
0x119: {  	[spmem:s1] =	stream.indirect.scatter.add.f32 [tilespmem:s23], [sflag:$0x3], $0x80, s31, s16, $0xb8;
	[tilespmem:$0x1E000] =	vst v63  }
0x11a: {  	_ =	swait.ge [sflag:s17], $0x4000  }
0x11b: {  	[sflag:s17] =	ssyncset.done $0x0  }
0x11c: {  	s20 =	simm.s32 $0x1D980;
	[sflag:s17] =	ssyncadd.s32 $0xFFFFC000  }
0x11d: {  	[spmem:s1] =	stream.indirect.scatter.add.f32 [tilespmem:s7], [sflag:$0x4], $0x80, s20, s16, $0xb8;
	[tilespmem:$0x1E000] =	vst v63  }
0x11e: {  	_ =	swait.ge [sflag:s19], $0x4000  }
0x11f: {  	[sflag:s19] =	ssyncset.done $0x0  }
0x120: {  	s20 =	simm.s32 $0x1D200;
	[sflag:s19] =	ssyncadd.s32 $0xFFFFC000  }
0x121: {  	[tilespmem:s23], [sflag:$0x1] =	stream.indirect.gather [hbm4b:s4+s28], $0x80, s20, s28, $0xb8;
	[tilespmem:$0x1E000] =	vst v63  }
0x122: {  	s20 =	simm.s32 $0x1D240  }
0x123: {  	[tilespmem:s30], [sflag:$0x1] =	stream.indirect.gather [hbm4b:s4+s28], $0x80, s20, s28, $0xb8;
	[tilespmem:$0x1E000] =	vst v63  }
0x124: {  	_ =	swait.ge [sflag:s22], $0x4000  }
0x125: {  	[sflag:s22] =	ssyncset.done $0x0  }
0x126: {  	s20 =	simm.s32 $0x1D280;
	[sflag:s22] =	ssyncadd.s32 $0xFFFFC000  }
0x127: {  	[tilespmem:s7], [sflag:$0x2] =	stream.indirect.gather [hbm4b:s4+s28], $0x80, s20, s28, $0xb8;
	[tilespmem:$0x1E000] =	vst v63  }
0x128: {  	s20 =	simm.s32 $0x1D2C0  }
0x129: {  	[tilespmem:s12], [sflag:$0x2] =	stream.indirect.gather [hbm4b:s4+s28], $0x80, s20, s28, $0xb8;
	[tilespmem:$0x1E000] =	vst v63  }
0x12a: {  	_ =	swait.ge [sflag:s15], $0x4000  }
0x12b: {  	[sflag:s15] =	ssyncset.done $0x0  }
0x12c: {  	s20 =	simm.s32 $0x1DA00;
	[sflag:s15] =	ssyncadd.s32 $0xFFFFC000  }
0x12d: {  	[spmem:s1] =	stream.indirect.scatter.add.f32 [tilespmem:s23], [sflag:$0x3], $0x80, s20, s16, $0xb8;
	[tilespmem:$0x1E000] =	vst v63  }
0x12e: {  	_ =	swait.ge [sflag:s17], $0x4000  }
0x12f: {  	[sflag:s17] =	ssyncset.done $0x0  }
0x130: {  	s20 =	simm.s32 $0x1DA80;
	[sflag:s17] =	ssyncadd.s32 $0xFFFFC000  }
0x131: {  	[spmem:s1] =	stream.indirect.scatter.add.f32 [tilespmem:s7], [sflag:$0x4], $0x80, s20, s16, $0xb8;
	[tilespmem:$0x1E000] =	vst v63  }
0x132: {  	_ =	swait.ge [sflag:s19], $0x4000  }
0x133: {  	[sflag:s19] =	ssyncset.done $0x0  }
0x134: {  	s20 =	simm.s32 $0x1D300;
	[sflag:s19] =	ssyncadd.s32 $0xFFFFC000  }
0x135: {  	[tilespmem:s23], [sflag:$0x1] =	stream.indirect.gather [hbm4b:s4+s28], $0x80, s20, s28, $0xb8;
	[tilespmem:$0x1E000] =	vst v63  }
0x136: {  	s20 =	simm.s32 $0x1D340  }
0x137: {  	[tilespmem:s30], [sflag:$0x1] =	stream.indirect.gather [hbm4b:s4+s28], $0x80, s20, s28, $0xb8;
	[tilespmem:$0x1E000] =	vst v63  }
0x138: {  	_ =	swait.ge [sflag:s22], $0x4000  }
0x139: {  	[sflag:s22] =	ssyncset.done $0x0  }
0x13a: {  	s20 =	simm.s32 $0x1D380;
	[sflag:s22] =	ssyncadd.s32 $0xFFFFC000  }
0x13b: {  	[tilespmem:s7], [sflag:$0x2] =	stream.indirect.gather [hbm4b:s4+s28], $0x80, s20, s28, $0xb8;
	[tilespmem:$0x1E000] =	vst v63  }
0x13c: {  	s20 =	simm.s32 $0x1D3C0  }
0x13d: {  	[tilespmem:s12], [sflag:$0x2] =	stream.indirect.gather [hbm4b:s4+s28], $0x80, s20, s28, $0xb8;
	[tilespmem:$0x1E000] =	vst v63  }
0x13e: {  	_ =	swait.ge [sflag:s15], $0x4000  }
0x13f: {  	[sflag:s15] =	ssyncset.done $0x0  }
0x140: {  	s20 =	simm.s32 $0x1DB00;
	[sflag:s15] =	ssyncadd.s32 $0xFFFFC000  }
0x141: {  	[spmem:s1] =	stream.indirect.scatter.add.f32 [tilespmem:s23], [sflag:$0x3], $0x80, s20, s16, $0xb8;
	[tilespmem:$0x1E000] =	vst v63  }
0x142: {  	_ =	swait.ge [sflag:s17], $0x4000  }
0x143: {  	[sflag:s17] =	ssyncset.done $0x0  }
0x144: {  	s20 =	simm.s32 $0x1DB80;
	[sflag:s17] =	ssyncadd.s32 $0xFFFFC000  }
0x145: {  	[spmem:s1] =	stream.indirect.scatter.add.f32 [tilespmem:s7], [sflag:$0x4], $0x80, s20, s16, $0xb8;
	[tilespmem:$0x1E000] =	vst v63  }
0x146: {  	_ =	swait.ge [sflag:s19], $0x4000  }
0x147: {  	[sflag:s19] =	ssyncset.done $0x0  }
0x148: {  	s20 =	simm.s32 $0x1D400;
	[sflag:s19] =	ssyncadd.s32 $0xFFFFC000  }
0x149: {  	[tilespmem:s23], [sflag:$0x1] =	stream.indirect.gather [hbm4b:s4+s28], $0x80, s20, s28, $0xb8;
	[tilespmem:$0x1E000] =	vst v63  }
0x14a: {  	s20 =	simm.s32 $0x1D440  }
0x14b: {  	[tilespmem:s30], [sflag:$0x1] =	stream.indirect.gather [hbm4b:s4+s28], $0x80, s20, s28, $0xb8;
	[tilespmem:$0x1E000] =	vst v63  }
0x14c: {  	_ =	swait.ge [sflag:s22], $0x4000  }
0x14d: {  	[sflag:s22] =	ssyncset.done $0x0  }
0x14e: {  	s20 =	simm.s32 $0x1D480;
	[sflag:s22] =	ssyncadd.s32 $0xFFFFC000  }
0x14f: {  	[tilespmem:s7], [sflag:$0x2] =	stream.indirect.gather [hbm4b:s4+s28], $0x80, s20, s28, $0xb8;
	[tilespmem:$0x1E000] =	vst v63  }
0x150: {  	s20 =	simm.s32 $0x1D4C0  }
0x151: {  	[tilespmem:s12], [sflag:$0x2] =	stream.indirect.gather [hbm4b:s4+s28], $0x80, s20, s28, $0xb8;
	[tilespmem:$0x1E000] =	vst v63  }
0x152: {  	_ =	swait.ge [sflag:s15], $0x4000  }
0x153: {  	[sflag:s15] =	ssyncset.done $0x0  }
0x154: {  	s20 =	simm.s32 $0x1DC00;
	[sflag:s15] =	ssyncadd.s32 $0xFFFFC000  }
0x155: {  	[spmem:s1] =	stream.indirect.scatter.add.f32 [tilespmem:s23], [sflag:$0x3], $0x80, s20, s16, $0xb8;
	[tilespmem:$0x1E000] =	vst v63  }
0x156: {  	_ =	swait.ge [sflag:s17], $0x4000  }
0x157: {  	[sflag:s17] =	ssyncset.done $0x0  }
0x158: {  	s20 =	simm.s32 $0x1DC80;
	[sflag:s17] =	ssyncadd.s32 $0xFFFFC000  }
0x159: {  	[spmem:s1] =	stream.indirect.scatter.add.f32 [tilespmem:s7], [sflag:$0x4], $0x80, s20, s16, $0xb8;
	[tilespmem:$0x1E000] =	vst v63  }
0x15a: {  	_ =	swait.ge [sflag:s19], $0x4000  }
0x15b: {  	[sflag:s19] =	ssyncset.done $0x0  }
0x15c: {  	s20 =	simm.s32 $0x1D500;
	[sflag:s19] =	ssyncadd.s32 $0xFFFFC000  }
0x15d: {  	[tilespmem:s23], [sflag:$0x1] =	stream.indirect.gather [hbm4b:s4+s28], $0x80, s20, s28, $0xb8;
	[tilespmem:$0x1E000] =	vst v63  }
0x15e: {  	s20 =	simm.s32 $0x1D540  }
0x15f: {  	[tilespmem:s30], [sflag:$0x1] =	stream.indirect.gather [hbm4b:s4+s28], $0x80, s20, s28, $0xb8;
	[tilespmem:$0x1E000] =	vst v63  }
0x160: {  	_ =	swait.ge [sflag:s22], $0x4000  }
0x161: {  	[sflag:s22] =	ssyncset.done $0x0  }
0x162: {  	s20 =	simm.s32 $0x1D580;
	[sflag:s22] =	ssyncadd.s32 $0xFFFFC000  }
0x163: {  	[tilespmem:s7], [sflag:$0x2] =	stream.indirect.gather [hbm4b:s4+s28], $0x80, s20, s28, $0xb8;
	[tilespmem:$0x1E000] =	vst v63  }
0x164: {  	s20 =	simm.s32 $0x1D5C0  }
0x165: {  	[tilespmem:s12], [sflag:$0x2] =	stream.indirect.gather [hbm4b:s4+s28], $0x80, s20, s28, $0xb8;
	[tilespmem:$0x1E000] =	vst v63  }
0x166: {  	_ =	swait.ge [sflag:s15], $0x4000  }
0x167: {  	[sflag:s15] =	ssyncset.done $0x0  }
0x168: {  	s20 =	simm.s32 $0x1DD00;
	[sflag:s15] =	ssyncadd.s32 $0xFFFFC000  }
0x169: {  	[spmem:s1] =	stream.indirect.scatter.add.f32 [tilespmem:s23], [sflag:$0x3], $0x80, s20, s16, $0xb8;
	[tilespmem:$0x1E000] =	vst v63  }
0x16a: {  	_ =	swait.ge [sflag:s17], $0x4000  }
0x16b: {  	[sflag:s17] =	ssyncset.done $0x0  }
0x16c: {  	s20 =	simm.s32 $0x1DD80;
	[sflag:s17] =	ssyncadd.s32 $0xFFFFC000  }
0x16d: {  	[spmem:s1] =	stream.indirect.scatter.add.f32 [tilespmem:s7], [sflag:$0x4], $0x80, s20, s16, $0xb8;
	[tilespmem:$0x1E000] =	vst v63  }
0x16e: {  	_ =	swait.ge [sflag:s19], $0x4000  }
0x16f: {  	[sflag:s19] =	ssyncset.done $0x0  }
0x170: {  	s20 =	simm.s32 $0x1D600;
	[sflag:s19] =	ssyncadd.s32 $0xFFFFC000  }
0x171: {  	[tilespmem:s23], [sflag:$0x1] =	stream.indirect.gather [hbm4b:s4+s28], $0x80, s20, s28, $0xb8;
	[tilespmem:$0x1E000] =	vst v63  }
0x172: {  	s20 =	simm.s32 $0x1D640  }
0x173: {  	[tilespmem:s30], [sflag:$0x1] =	stream.indirect.gather [hbm4b:s4+s28], $0x80, s20, s28, $0xb8;
	[tilespmem:$0x1E000] =	vst v63  }
0x174: {  	_ =	swait.ge [sflag:s22], $0x4000  }
0x175: {  	[sflag:s22] =	ssyncset.done $0x0  }
0x176: {  	s20 =	simm.s32 $0x1D680;
	[sflag:s22] =	ssyncadd.s32 $0xFFFFC000  }
0x177: {  	[tilespmem:s7], [sflag:$0x2] =	stream.indirect.gather [hbm4b:s4+s28], $0x80, s20, s28, $0xb8;
	[tilespmem:$0x1E000] =	vst v63  }
0x178: {  	s20 =	simm.s32 $0x1D6C0  }
0x179: {  	[tilespmem:s12], [sflag:$0x2] =	stream.indirect.gather [hbm4b:s4+s28], $0x80, s20, s28, $0xb8;
	[tilespmem:$0x1E000] =	vst v63  }
0x17a: {  	_ =	swait.ge [sflag:s15], $0x4000  }
0x17b: {  	[sflag:s15] =	ssyncset.done $0x0  }
0x17c: {  	s20 =	simm.s32 $0x1DE00;
	[sflag:s15] =	ssyncadd.s32 $0xFFFFC000  }
0x17d: {  	[spmem:s1] =	stream.indirect.scatter.add.f32 [tilespmem:s23], [sflag:$0x3], $0x80, s20, s16, $0xb8;
	[tilespmem:$0x1E000] =	vst v63  }
0x17e: {  	_ =	swait.ge [sflag:s17], $0x4000  }
0x17f: {  	[sflag:s17] =	ssyncset.done $0x0  }
0x180: {  	s20 =	simm.s32 $0x1DE80;
	[sflag:s17] =	ssyncadd.s32 $0xFFFFC000  }
0x181: {  	[spmem:s1] =	stream.indirect.scatter.add.f32 [tilespmem:s7], [sflag:$0x4], $0x80, s20, s16, $0xb8;
	[tilespmem:$0x1E000] =	vst v63  }
0x182: {  	_ =	swait.ge [sflag:s19], $0x4000  }
0x183: {  	[sflag:s19] =	ssyncset.done $0x0  }
0x184: {  	s20 =	simm.s32 $0x1D700;
	[sflag:s19] =	ssyncadd.s32 $0xFFFFC000  }
0x185: {  	[tilespmem:s23], [sflag:$0x1] =	stream.indirect.gather [hbm4b:s4+s28], $0x80, s20, s28, $0xb8;
	[tilespmem:$0x1E000] =	vst v63  }
0x186: {  	s20 =	simm.s32 $0x1D740  }
0x187: {  	[tilespmem:s30], [sflag:$0x1] =	stream.indirect.gather [hbm4b:s4+s28], $0x80, s20, s28, $0xb8;
	[tilespmem:$0x1E000] =	vst v63  }
0x188: {  	_ =	swait.ge [sflag:s22], $0x4000  }
0x189: {  	[sflag:s22] =	ssyncset.done $0x0  }
0x18a: {  	s20 =	simm.s32 $0x1D780;
	[sflag:s22] =	ssyncadd.s32 $0xFFFFC000  }
0x18b: {  	[tilespmem:s7], [sflag:$0x2] =	stream.indirect.gather [hbm4b:s4+s28], $0x80, s20, s28, $0xb8;
	[tilespmem:$0x1E000] =	vst v63  }
0x18c: {  	s20 =	simm.s32 $0x1D7C0  }
0x18d: {  	[tilespmem:s12], [sflag:$0x2] =	stream.indirect.gather [hbm4b:s4+s28], $0x80, s20, s28, $0xb8;
	[tilespmem:$0x1E000] =	vst v63  }
0x18e: {  	_ =	swait.ge [sflag:s15], $0x4000  }
0x18f: {  	[sflag:s15] =	ssyncset.done $0x0  }
0x190: {  	s20 =	simm.s32 $0x1DF00;
	[sflag:s15] =	ssyncadd.s32 $0xFFFFC000  }
0x191: {  	[spmem:s1] =	stream.indirect.scatter.add.f32 [tilespmem:s23], [sflag:$0x3], $0x80, s20, s16, $0xb8;
	[tilespmem:$0x1E000] =	vst v63  }
0x192: {  	_ =	swait.ge [sflag:s17], $0x4000  }
0x193: {  	[sflag:s17] =	ssyncset.done $0x0  }
0x194: {  	s20 =	simm.s32 $0x1DF80;
	[sflag:s17] =	ssyncadd.s32 $0xFFFFC000  }
0x195: {  	[spmem:s1] =	stream.indirect.scatter.add.f32 [tilespmem:s7], [sflag:$0x4], $0x80, s20, s16, $0xb8;
	[tilespmem:$0x1E000] =	vst v63  }
0x196: {  	_ =	swait.ge [sflag:s19], $0x4000  }
0x197: {  	[sflag:s19] =	ssyncset.done $0x0  }
0x198: {  	[sflag:s19] =	ssyncadd.s32 $0xFFFFC000  }
0x199: {  	_ =	swait.ge [sflag:s22], $0x4000  }
0x19a: {  	[sflag:s22] =	ssyncset.done $0x0  }
0x19b: {  	[sflag:s22] =	ssyncadd.s32 $0xFFFFC000  }
0x19c: {  	_ =	swait.ge [sflag:s10], $0x800  }
0x19d: {  	[sflag:s10] =	ssyncset.done $0x0  }
0x19e: {  	[sflag:s10] =	ssyncadd.s32 $0xFFFFF800  }
0x19f: {  	_ =	swait.ge [sflag:s10], $0x800  }
0x1a0: {  	[sflag:s10] =	ssyncset.done $0x0  }
0x1a1: {  	[sflag:s10] =	ssyncadd.s32 $0xFFFFF800  }
0x1a2: {  	[tilespmem:s23], [sflag:$0x1] =	stream.indirect.gather [hbm4b:s4+s28], $0x80, s26, s28, $0xb8;
	[tilespmem:$0x1E000] =	vst v63  }
0x1a3: {  	s20 =	simm.s32 $0x1C040  }
0x1a4: {  	[tilespmem:s30], [sflag:$0x1] =	stream.indirect.gather [hbm4b:s4+s28], $0x80, s20, s28, $0xb8;
	[tilespmem:$0x1E000] =	vst v63  }
0x1a5: {  	s20 =	rddreg [dreg:$0xb]  }
0x1a6: {  	[tilespmem:s0], [sflag:$0x5] =	stream.linear.gather [hbm4b:s20+s13], $0x800, $0x38;
	[tilespmem:$0x1E000] =	vst v63  }
0x1a7: {  	s20 =	rddreg [dreg:$0x9]  }
0x1a8: {  	s20 =	sadd.s32 s20, s9  }
0x1a9: {  	[tilespmem:s6], [sflag:$0x5] =	stream.linear.gather [hbm4b:s20+s13], $0x800, $0x38;
	[tilespmem:$0x1E000] =	vst v63  }
0x1aa: {  	s20 =	simm.s32 $0x1C080  }
0x1ab: {  	[tilespmem:s7], [sflag:$0x2] =	stream.indirect.gather [hbm4b:s4+s28], $0x80, s20, s28, $0xb8;
	[tilespmem:$0x1E000] =	vst v63  }
0x1ac: {  	s20 =	simm.s32 $0x1C0C0  }
0x1ad: {  	[tilespmem:s12], [sflag:$0x2] =	stream.indirect.gather [hbm4b:s4+s28], $0x80, s20, s28, $0xb8;
	[tilespmem:$0x1E000] =	vst v63  }
0x1ae: {  	_ =	swait.ge [sflag:s15], $0x4000  }
0x1af: {  	[sflag:s15] =	ssyncset.done $0x0  }
0x1b0: {  	[sflag:s15] =	ssyncadd.s32 $0xFFFFC000  }
0x1b1: {  	[spmem:s1] =	stream.indirect.scatter.add.f32 [tilespmem:s23], [sflag:$0x3], $0x80, s3, s16, $0xb8;
	[tilespmem:$0x1E000] =	vst v63  }
0x1b2: {  	_ =	swait.ge [sflag:s17], $0x4000  }
0x1b3: {  	[sflag:s17] =	ssyncset.done $0x0  }
0x1b4: {  	s20 =	simm.s32 $0x1C880;
	[sflag:s17] =	ssyncadd.s32 $0xFFFFC000  }
0x1b5: {  	[spmem:s1] =	stream.indirect.scatter.add.f32 [tilespmem:s7], [sflag:$0x4], $0x80, s20, s16, $0xb8;
	[tilespmem:$0x1E000] =	vst v63  }
0x1b6: {  	_ =	swait.ge [sflag:s19], $0x4000  }
0x1b7: {  	[sflag:s19] =	ssyncset.done $0x0  }
0x1b8: {  	s20 =	simm.s32 $0x1C100;
	[sflag:s19] =	ssyncadd.s32 $0xFFFFC000  }
0x1b9: {  	[tilespmem:s23], [sflag:$0x1] =	stream.indirect.gather [hbm4b:s4+s28], $0x80, s20, s28, $0xb8;
	[tilespmem:$0x1E000] =	vst v63  }
0x1ba: {  	s20 =	simm.s32 $0x1C140  }
0x1bb: {  	[tilespmem:s30], [sflag:$0x1] =	stream.indirect.gather [hbm4b:s4+s28], $0x80, s20, s28, $0xb8;
	[tilespmem:$0x1E000] =	vst v63  }
0x1bc: {  	_ =	swait.ge [sflag:s22], $0x4000  }
0x1bd: {  	[sflag:s22] =	ssyncset.done $0x0  }
0x1be: {  	s20 =	simm.s32 $0x1C180;
	[sflag:s22] =	ssyncadd.s32 $0xFFFFC000  }
0x1bf: {  	[tilespmem:s7], [sflag:$0x2] =	stream.indirect.gather [hbm4b:s4+s28], $0x80, s20, s28, $0xb8;
	[tilespmem:$0x1E000] =	vst v63  }
0x1c0: {  	s20 =	simm.s32 $0x1C1C0  }
0x1c1: {  	[tilespmem:s12], [sflag:$0x2] =	stream.indirect.gather [hbm4b:s4+s28], $0x80, s20, s28, $0xb8;
	[tilespmem:$0x1E000] =	vst v63  }
0x1c2: {  	_ =	swait.ge [sflag:s15], $0x4000  }
0x1c3: {  	[sflag:s15] =	ssyncset.done $0x0  }
0x1c4: {  	s20 =	simm.s32 $0x1C900;
	[sflag:s15] =	ssyncadd.s32 $0xFFFFC000  }
0x1c5: {  	[spmem:s1] =	stream.indirect.scatter.add.f32 [tilespmem:s23], [sflag:$0x3], $0x80, s20, s16, $0xb8;
	[tilespmem:$0x1E000] =	vst v63  }
0x1c6: {  	_ =	swait.ge [sflag:s17], $0x4000  }
0x1c7: {  	[sflag:s17] =	ssyncset.done $0x0  }
0x1c8: {  	s20 =	simm.s32 $0x1C980;
	[sflag:s17] =	ssyncadd.s32 $0xFFFFC000  }
0x1c9: {  	[spmem:s1] =	stream.indirect.scatter.add.f32 [tilespmem:s7], [sflag:$0x4], $0x80, s20, s16, $0xb8;
	[tilespmem:$0x1E000] =	vst v63  }
0x1ca: {  	_ =	swait.ge [sflag:s19], $0x4000  }
0x1cb: {  	[sflag:s19] =	ssyncset.done $0x0  }
0x1cc: {  	s20 =	simm.s32 $0x1C200;
	[sflag:s19] =	ssyncadd.s32 $0xFFFFC000  }
0x1cd: {  	[tilespmem:s23], [sflag:$0x1] =	stream.indirect.gather [hbm4b:s4+s28], $0x80, s20, s28, $0xb8;
	[tilespmem:$0x1E000] =	vst v63  }
0x1ce: {  	s20 =	simm.s32 $0x1C240  }
0x1cf: {  	[tilespmem:s30], [sflag:$0x1] =	stream.indirect.gather [hbm4b:s4+s28], $0x80, s20, s28, $0xb8;
	[tilespmem:$0x1E000] =	vst v63  }
0x1d0: {  	_ =	swait.ge [sflag:s22], $0x4000  }
0x1d1: {  	[sflag:s22] =	ssyncset.done $0x0  }
0x1d2: {  	s20 =	simm.s32 $0x1C280;
	[sflag:s22] =	ssyncadd.s32 $0xFFFFC000  }
0x1d3: {  	[tilespmem:s7], [sflag:$0x2] =	stream.indirect.gather [hbm4b:s4+s28], $0x80, s20, s28, $0xb8;
	[tilespmem:$0x1E000] =	vst v63  }
0x1d4: {  	s20 =	simm.s32 $0x1C2C0  }
0x1d5: {  	[tilespmem:s12], [sflag:$0x2] =	stream.indirect.gather [hbm4b:s4+s28], $0x80, s20, s28, $0xb8;
	[tilespmem:$0x1E000] =	vst v63  }
0x1d6: {  	_ =	swait.ge [sflag:s15], $0x4000  }
0x1d7: {  	[sflag:s15] =	ssyncset.done $0x0  }
0x1d8: {  	s20 =	simm.s32 $0x1CA00;
	[sflag:s15] =	ssyncadd.s32 $0xFFFFC000  }
0x1d9: {  	[spmem:s1] =	stream.indirect.scatter.add.f32 [tilespmem:s23], [sflag:$0x3], $0x80, s20, s16, $0xb8;
	[tilespmem:$0x1E000] =	vst v63  }
0x1da: {  	_ =	swait.ge [sflag:s17], $0x4000  }
0x1db: {  	[sflag:s17] =	ssyncset.done $0x0  }
0x1dc: {  	s20 =	simm.s32 $0x1CA80;
	[sflag:s17] =	ssyncadd.s32 $0xFFFFC000  }
0x1dd: {  	[spmem:s1] =	stream.indirect.scatter.add.f32 [tilespmem:s7], [sflag:$0x4], $0x80, s20, s16, $0xb8;
	[tilespmem:$0x1E000] =	vst v63  }
0x1de: {  	_ =	swait.ge [sflag:s19], $0x4000  }
0x1df: {  	[sflag:s19] =	ssyncset.done $0x0  }
0x1e0: {  	s20 =	simm.s32 $0x1C300;
	[sflag:s19] =	ssyncadd.s32 $0xFFFFC000  }
0x1e1: {  	[tilespmem:s23], [sflag:$0x1] =	stream.indirect.gather [hbm4b:s4+s28], $0x80, s20, s28, $0xb8;
	[tilespmem:$0x1E000] =	vst v63  }
0x1e2: {  	s20 =	simm.s32 $0x1C340  }
0x1e3: {  	[tilespmem:s30], [sflag:$0x1] =	stream.indirect.gather [hbm4b:s4+s28], $0x80, s20, s28, $0xb8;
	[tilespmem:$0x1E000] =	vst v63  }
0x1e4: {  	_ =	swait.ge [sflag:s22], $0x4000  }
0x1e5: {  	[sflag:s22] =	ssyncset.done $0x0  }
0x1e6: {  	s20 =	simm.s32 $0x1C380;
	[sflag:s22] =	ssyncadd.s32 $0xFFFFC000  }
0x1e7: {  	[tilespmem:s7], [sflag:$0x2] =	stream.indirect.gather [hbm4b:s4+s28], $0x80, s20, s28, $0xb8;
	[tilespmem:$0x1E000] =	vst v63  }
0x1e8: {  	s20 =	simm.s32 $0x1C3C0  }
0x1e9: {  	[tilespmem:s12], [sflag:$0x2] =	stream.indirect.gather [hbm4b:s4+s28], $0x80, s20, s28, $0xb8;
	[tilespmem:$0x1E000] =	vst v63  }
0x1ea: {  	_ =	swait.ge [sflag:s15], $0x4000  }
0x1eb: {  	[sflag:s15] =	ssyncset.done $0x0  }
0x1ec: {  	s20 =	simm.s32 $0x1CB00;
	[sflag:s15] =	ssyncadd.s32 $0xFFFFC000  }
0x1ed: {  	[spmem:s1] =	stream.indirect.scatter.add.f32 [tilespmem:s23], [sflag:$0x3], $0x80, s20, s16, $0xb8;
	[tilespmem:$0x1E000] =	vst v63  }
0x1ee: {  	_ =	swait.ge [sflag:s17], $0x4000  }
0x1ef: {  	[sflag:s17] =	ssyncset.done $0x0  }
0x1f0: {  	s20 =	simm.s32 $0x1CB80;
	[sflag:s17] =	ssyncadd.s32 $0xFFFFC000  }
0x1f1: {  	[spmem:s1] =	stream.indirect.scatter.add.f32 [tilespmem:s7], [sflag:$0x4], $0x80, s20, s16, $0xb8;
	[tilespmem:$0x1E000] =	vst v63  }
0x1f2: {  	_ =	swait.ge [sflag:s19], $0x4000  }
0x1f3: {  	[sflag:s19] =	ssyncset.done $0x0  }
0x1f4: {  	s20 =	simm.s32 $0x1C400;
	[sflag:s19] =	ssyncadd.s32 $0xFFFFC000  }
0x1f5: {  	[tilespmem:s23], [sflag:$0x1] =	stream.indirect.gather [hbm4b:s4+s28], $0x80, s20, s28, $0xb8;
	[tilespmem:$0x1E000] =	vst v63  }
0x1f6: {  	s20 =	simm.s32 $0x1C440  }
0x1f7: {  	[tilespmem:s30], [sflag:$0x1] =	stream.indirect.gather [hbm4b:s4+s28], $0x80, s20, s28, $0xb8;
	[tilespmem:$0x1E000] =	vst v63  }
0x1f8: {  	_ =	swait.ge [sflag:s22], $0x4000  }
0x1f9: {  	[sflag:s22] =	ssyncset.done $0x0  }
0x1fa: {  	s20 =	simm.s32 $0x1C480;
	[sflag:s22] =	ssyncadd.s32 $0xFFFFC000  }
0x1fb: {  	[tilespmem:s7], [sflag:$0x2] =	stream.indirect.gather [hbm4b:s4+s28], $0x80, s20, s28, $0xb8;
	[tilespmem:$0x1E000] =	vst v63  }
0x1fc: {  	s20 =	simm.s32 $0x1C4C0  }
0x1fd: {  	[tilespmem:s12], [sflag:$0x2] =	stream.indirect.gather [hbm4b:s4+s28], $0x80, s20, s28, $0xb8;
	[tilespmem:$0x1E000] =	vst v63  }
0x1fe: {  	_ =	swait.ge [sflag:s15], $0x4000  }
0x1ff: {  	[sflag:s15] =	ssyncset.done $0x0  }
0x200: {  	s20 =	simm.s32 $0x1CC00;
	[sflag:s15] =	ssyncadd.s32 $0xFFFFC000  }
0x201: {  	[spmem:s1] =	stream.indirect.scatter.add.f32 [tilespmem:s23], [sflag:$0x3], $0x80, s20, s16, $0xb8;
	[tilespmem:$0x1E000] =	vst v63  }
0x202: {  	_ =	swait.ge [sflag:s17], $0x4000  }
0x203: {  	[sflag:s17] =	ssyncset.done $0x0  }
0x204: {  	s20 =	simm.s32 $0x1CC80;
	[sflag:s17] =	ssyncadd.s32 $0xFFFFC000  }
0x205: {  	[spmem:s1] =	stream.indirect.scatter.add.f32 [tilespmem:s7], [sflag:$0x4], $0x80, s20, s16, $0xb8;
	[tilespmem:$0x1E000] =	vst v63  }
0x206: {  	_ =	swait.ge [sflag:s19], $0x4000  }
0x207: {  	[sflag:s19] =	ssyncset.done $0x0  }
0x208: {  	s20 =	simm.s32 $0x1C500;
	[sflag:s19] =	ssyncadd.s32 $0xFFFFC000  }
0x209: {  	[tilespmem:s23], [sflag:$0x1] =	stream.indirect.gather [hbm4b:s4+s28], $0x80, s20, s28, $0xb8;
	[tilespmem:$0x1E000] =	vst v63  }
0x20a: {  	s20 =	simm.s32 $0x1C540  }
0x20b: {  	[tilespmem:s30], [sflag:$0x1] =	stream.indirect.gather [hbm4b:s4+s28], $0x80, s20, s28, $0xb8;
	[tilespmem:$0x1E000] =	vst v63  }
0x20c: {  	_ =	swait.ge [sflag:s22], $0x4000  }
0x20d: {  	[sflag:s22] =	ssyncset.done $0x0  }
0x20e: {  	s20 =	simm.s32 $0x1C580;
	[sflag:s22] =	ssyncadd.s32 $0xFFFFC000  }
0x20f: {  	[tilespmem:s7], [sflag:$0x2] =	stream.indirect.gather [hbm4b:s4+s28], $0x80, s20, s28, $0xb8;
	[tilespmem:$0x1E000] =	vst v63  }
0x210: {  	s20 =	simm.s32 $0x1C5C0  }
0x211: {  	[tilespmem:s12], [sflag:$0x2] =	stream.indirect.gather [hbm4b:s4+s28], $0x80, s20, s28, $0xb8;
	[tilespmem:$0x1E000] =	vst v63  }
0x212: {  	_ =	swait.ge [sflag:s15], $0x4000  }
0x213: {  	[sflag:s15] =	ssyncset.done $0x0  }
0x214: {  	s20 =	simm.s32 $0x1CD00;
	[sflag:s15] =	ssyncadd.s32 $0xFFFFC000  }
0x215: {  	[spmem:s1] =	stream.indirect.scatter.add.f32 [tilespmem:s23], [sflag:$0x3], $0x80, s20, s16, $0xb8;
	[tilespmem:$0x1E000] =	vst v63  }
0x216: {  	_ =	swait.ge [sflag:s17], $0x4000  }
0x217: {  	[sflag:s17] =	ssyncset.done $0x0  }
0x218: {  	s20 =	simm.s32 $0x1CD80;
	[sflag:s17] =	ssyncadd.s32 $0xFFFFC000  }
0x219: {  	[spmem:s1] =	stream.indirect.scatter.add.f32 [tilespmem:s7], [sflag:$0x4], $0x80, s20, s16, $0xb8;
	[tilespmem:$0x1E000] =	vst v63  }
0x21a: {  	_ =	swait.ge [sflag:s19], $0x4000  }
0x21b: {  	[sflag:s19] =	ssyncset.done $0x0  }
0x21c: {  	s20 =	simm.s32 $0x1C600;
	[sflag:s19] =	ssyncadd.s32 $0xFFFFC000  }
0x21d: {  	[tilespmem:s23], [sflag:$0x1] =	stream.indirect.gather [hbm4b:s4+s28], $0x80, s20, s28, $0xb8;
	[tilespmem:$0x1E000] =	vst v63  }
0x21e: {  	s20 =	simm.s32 $0x1C640  }
0x21f: {  	[tilespmem:s30], [sflag:$0x1] =	stream.indirect.gather [hbm4b:s4+s28], $0x80, s20, s28, $0xb8;
	[tilespmem:$0x1E000] =	vst v63  }
0x220: {  	_ =	swait.ge [sflag:s22], $0x4000  }
0x221: {  	[sflag:s22] =	ssyncset.done $0x0  }
0x222: {  	s20 =	simm.s32 $0x1C680;
	[sflag:s22] =	ssyncadd.s32 $0xFFFFC000  }
0x223: {  	[tilespmem:s7], [sflag:$0x2] =	stream.indirect.gather [hbm4b:s4+s28], $0x80, s20, s28, $0xb8;
	[tilespmem:$0x1E000] =	vst v63  }
0x224: {  	s20 =	simm.s32 $0x1C6C0  }
0x225: {  	[tilespmem:s12], [sflag:$0x2] =	stream.indirect.gather [hbm4b:s4+s28], $0x80, s20, s28, $0xb8;
	[tilespmem:$0x1E000] =	vst v63  }
0x226: {  	_ =	swait.ge [sflag:s15], $0x4000  }
0x227: {  	[sflag:s15] =	ssyncset.done $0x0  }
0x228: {  	s20 =	simm.s32 $0x1CE00;
	[sflag:s15] =	ssyncadd.s32 $0xFFFFC000  }
0x229: {  	[spmem:s1] =	stream.indirect.scatter.add.f32 [tilespmem:s23], [sflag:$0x3], $0x80, s20, s16, $0xb8;
	[tilespmem:$0x1E000] =	vst v63  }
0x22a: {  	_ =	swait.ge [sflag:s17], $0x4000  }
0x22b: {  	[sflag:s17] =	ssyncset.done $0x0  }
0x22c: {  	s20 =	simm.s32 $0x1CE80;
	[sflag:s17] =	ssyncadd.s32 $0xFFFFC000  }
0x22d: {  	[spmem:s1] =	stream.indirect.scatter.add.f32 [tilespmem:s7], [sflag:$0x4], $0x80, s20, s16, $0xb8;
	[tilespmem:$0x1E000] =	vst v63  }
0x22e: {  	_ =	swait.ge [sflag:s19], $0x4000  }
0x22f: {  	[sflag:s19] =	ssyncset.done $0x0  }
0x230: {  	s20 =	simm.s32 $0x1C700;
	[sflag:s19] =	ssyncadd.s32 $0xFFFFC000  }
0x231: {  	[tilespmem:s23], [sflag:$0x1] =	stream.indirect.gather [hbm4b:s4+s28], $0x80, s20, s28, $0xb8;
	[tilespmem:$0x1E000] =	vst v63  }
0x232: {  	s20 =	simm.s32 $0x1C740  }
0x233: {  	[tilespmem:s30], [sflag:$0x1] =	stream.indirect.gather [hbm4b:s4+s28], $0x80, s20, s28, $0xb8;
	[tilespmem:$0x1E000] =	vst v63  }
0x234: {  	_ =	swait.ge [sflag:s22], $0x4000  }
0x235: {  	[sflag:s22] =	ssyncset.done $0x0  }
0x236: {  	s20 =	simm.s32 $0x1C780;
	[sflag:s22] =	ssyncadd.s32 $0xFFFFC000  }
0x237: {  	[tilespmem:s7], [sflag:$0x2] =	stream.indirect.gather [hbm4b:s4+s28], $0x80, s20, s28, $0xb8;
	[tilespmem:$0x1E000] =	vst v63  }
0x238: {  	s20 =	simm.s32 $0x1C7C0  }
0x239: {  	[tilespmem:s12], [sflag:$0x2] =	stream.indirect.gather [hbm4b:s4+s28], $0x80, s20, s28, $0xb8;
	[tilespmem:$0x1E000] =	vst v63  }
0x23a: {  	_ =	swait.ge [sflag:s15], $0x4000  }
0x23b: {  	[sflag:s15] =	ssyncset.done $0x0  }
0x23c: {  	s20 =	simm.s32 $0x1CF00;
	[sflag:s15] =	ssyncadd.s32 $0xFFFFC000  }
0x23d: {  	[spmem:s1] =	stream.indirect.scatter.add.f32 [tilespmem:s23], [sflag:$0x3], $0x80, s20, s16, $0xb8;
	[tilespmem:$0x1E000] =	vst v63  }
0x23e: {  	_ =	swait.ge [sflag:s17], $0x4000  }
0x23f: {  	[sflag:s17] =	ssyncset.done $0x0  }
0x240: {  	s20 =	simm.s32 $0x1CF80;
	[sflag:s17] =	ssyncadd.s32 $0xFFFFC000  }
0x241: {  	[spmem:s1] =	stream.indirect.scatter.add.f32 [tilespmem:s7], [sflag:$0x4], $0x80, s20, s16, $0xb8;
	[tilespmem:$0x1E000] =	vst v63  }
0x242: {  	_ =	swait.ge [sflag:s19], $0x4000  }
0x243: {  	[sflag:s19] =	ssyncset.done $0x0  }
0x244: {  	[sflag:s19] =	ssyncadd.s32 $0xFFFFC000  }
0x245: {  	_ =	swait.ge [sflag:s22], $0x4000  }
0x246: {  	[sflag:s22] =	ssyncset.done $0x0  }
0x247: {  	[sflag:s22] =	ssyncadd.s32 $0xFFFFC000  }
0x248: {  	_ =	swait.ge [sflag:s10], $0x800  }
0x249: {  	[sflag:s10] =	ssyncset.done $0x0  }
0x24a: {  	[sflag:s10] =	ssyncadd.s32 $0xFFFFF800  }
0x24b: {  	_ =	swait.ge [sflag:s10], $0x800  }
0x24c: {  	[sflag:s10] =	ssyncset.done $0x0  }
0x24d: {  	[sflag:s10] =	ssyncadd.s32 $0xFFFFF800  }
0x24e: {  	[tilespmem:s23], [sflag:$0x1] =	stream.indirect.gather [hbm4b:s4+s28], $0x80, s0, s28, $0xb8;
	[tilespmem:$0x1E000] =	vst v63  }
0x24f: {  	s0 =	rddreg [dreg:$0xc]  }
0x250: {  	[tilespmem:s30], [sflag:$0x1] =	stream.indirect.gather [hbm4b:s4+s28], $0x80, s2, s28, $0xb8;
	[tilespmem:$0x1E000] =	vst v63  }
0x251: {  	s2 =	rddreg [dreg:$0xa]  }
0x252: {  	[tilespmem:s26], [sflag:$0x5] =	stream.linear.gather [hbm4b:s0+s13], $0x800, $0x38;
	[tilespmem:$0x1E000] =	vst v63  }
0x253: {  	s20 =	sadd.s32 s2, s9  }
0x254: {  	[tilespmem:s3], [sflag:$0x5] =	stream.linear.gather [hbm4b:s20+s13], $0x800, $0x38;
	[tilespmem:$0x1E000] =	vst v63  }
0x255: {  	_ = 	snop  }
0x256: {  	[tilespmem:s7], [sflag:$0x2] =	stream.indirect.gather [hbm4b:s4+s28], $0x80, s5, s28, $0xb8;
	[tilespmem:$0x1E000] =	vst v63  }
0x257: {  	_ = 	snop  }
0x258: {  	[tilespmem:s12], [sflag:$0x2] =	stream.indirect.gather [hbm4b:s4+s28], $0x80, s8, s28, $0xb8;
	[tilespmem:$0x1E000] =	vst v63  }
0x259: {  	_ =	swait.ge [sflag:s15], $0x4000  }
0x25a: {  	[sflag:s15] =	ssyncset.done $0x0  }
0x25b: {  	[sflag:s15] =	ssyncadd.s32 $0xFFFFC000  }
0x25c: {  	[spmem:s1] =	stream.indirect.scatter.add.f32 [tilespmem:s23], [sflag:$0x3], $0x80, s6, s16, $0xb8;
	[tilespmem:$0x1E000] =	vst v63  }
0x25d: {  	_ =	swait.ge [sflag:s17], $0x4000  }
0x25e: {  	[sflag:s17] =	ssyncset.done $0x0  }
0x25f: {  	[sflag:s17] =	ssyncadd.s32 $0xFFFFC000  }
0x260: {  	[spmem:s1] =	stream.indirect.scatter.add.f32 [tilespmem:s7], [sflag:$0x4], $0x80, s11, s16, $0xb8;
	[tilespmem:$0x1E000] =	vst v63  }
0x261: {  	_ =	swait.ge [sflag:s19], $0x4000  }
0x262: {  	[sflag:s19] =	ssyncset.done $0x0  }
0x263: {  	[sflag:s19] =	ssyncadd.s32 $0xFFFFC000  }
0x264: {  	[tilespmem:s23], [sflag:$0x1] =	stream.indirect.gather [hbm4b:s4+s28], $0x80, s14, s28, $0xb8;
	[tilespmem:$0x1E000] =	vst v63  }
0x265: {  	_ = 	snop  }
0x266: {  	[tilespmem:s30], [sflag:$0x1] =	stream.indirect.gather [hbm4b:s4+s28], $0x80, s21, s28, $0xb8;
	[tilespmem:$0x1E000] =	vst v63  }
0x267: {  	_ =	swait.ge [sflag:s22], $0x4000  }
0x268: {  	[sflag:s22] =	ssyncset.done $0x0  }
0x269: {  	[sflag:s22] =	ssyncadd.s32 $0xFFFFC000  }
0x26a: {  	[tilespmem:s7], [sflag:$0x2] =	stream.indirect.gather [hbm4b:s4+s28], $0x80, s25, s28, $0xb8;
	[tilespmem:$0x1E000] =	vst v63  }
0x26b: {  	_ = 	snop  }
0x26c: {  	[tilespmem:s12], [sflag:$0x2] =	stream.indirect.gather [hbm4b:s4+s28], $0x80, s29, s28, $0xb8;
	[tilespmem:$0x1E000] =	vst v63  }
0x26d: {  	_ =	swait.ge [sflag:s15], $0x4000  }
0x26e: {  	[sflag:s15] =	ssyncset.done $0x0  }
0x26f: {  	[sflag:s15] =	ssyncadd.s32 $0xFFFFC000  }
0x270: {  	[spmem:s1] =	stream.indirect.scatter.add.f32 [tilespmem:s23], [sflag:$0x3], $0x80, s31, s16, $0xb8;
	[tilespmem:$0x1E000] =	vst v63  }
0x271: {  	_ =	swait.ge [sflag:s17], $0x4000  }
0x272: {  	[sflag:s17] =	ssyncset.done $0x0  }
0x273: {  	s20 =	simm.s32 $0x1D980;
	[sflag:s17] =	ssyncadd.s32 $0xFFFFC000  }
0x274: {  	[spmem:s1] =	stream.indirect.scatter.add.f32 [tilespmem:s7], [sflag:$0x4], $0x80, s20, s16, $0xb8;
	[tilespmem:$0x1E000] =	vst v63  }
0x275: {  	_ =	swait.ge [sflag:s19], $0x4000  }
0x276: {  	[sflag:s19] =	ssyncset.done $0x0  }
0x277: {  	s21 =	simm.s32 $0x1D200;
	[sflag:s19] =	ssyncadd.s32 $0xFFFFC000  }
0x278: {  	[tilespmem:s23], [sflag:$0x1] =	stream.indirect.gather [hbm4b:s4+s28], $0x80, s21, s28, $0xb8;
	[tilespmem:$0x1E000] =	vst v63  }
0x279: {  	s2 =	simm.s32 $0x1D240  }
0x27a: {  	[tilespmem:s30], [sflag:$0x1] =	stream.indirect.gather [hbm4b:s4+s28], $0x80, s2, s28, $0xb8;
	[tilespmem:$0x1E000] =	vst v63  }
0x27b: {  	_ =	swait.ge [sflag:s22], $0x4000  }
0x27c: {  	[sflag:s22] =	ssyncset.done $0x0  }
0x27d: {  	s5 =	simm.s32 $0x1D280;
	[sflag:s22] =	ssyncadd.s32 $0xFFFFC000  }
0x27e: {  	[tilespmem:s7], [sflag:$0x2] =	stream.indirect.gather [hbm4b:s4+s28], $0x80, s5, s28, $0xb8;
	[tilespmem:$0x1E000] =	vst v63  }
0x27f: {  	s20 =	simm.s32 $0x1D2C0  }
0x280: {  	[tilespmem:s12], [sflag:$0x2] =	stream.indirect.gather [hbm4b:s4+s28], $0x80, s20, s28, $0xb8;
	[tilespmem:$0x1E000] =	vst v63  }
0x281: {  	_ =	swait.ge [sflag:s15], $0x4000  }
0x282: {  	[sflag:s15] =	ssyncset.done $0x0  }
0x283: {  	s21 =	simm.s32 $0x1DA00;
	[sflag:s15] =	ssyncadd.s32 $0xFFFFC000  }
0x284: {  	[spmem:s1] =	stream.indirect.scatter.add.f32 [tilespmem:s23], [sflag:$0x3], $0x80, s21, s16, $0xb8;
	[tilespmem:$0x1E000] =	vst v63  }
0x285: {  	_ =	swait.ge [sflag:s17], $0x4000  }
0x286: {  	[sflag:s17] =	ssyncset.done $0x0  }
0x287: {  	s2 =	simm.s32 $0x1DA80;
	[sflag:s17] =	ssyncadd.s32 $0xFFFFC000  }
0x288: {  	[spmem:s1] =	stream.indirect.scatter.add.f32 [tilespmem:s7], [sflag:$0x4], $0x80, s2, s16, $0xb8;
	[tilespmem:$0x1E000] =	vst v63  }
0x289: {  	_ =	swait.ge [sflag:s19], $0x4000  }
0x28a: {  	[sflag:s19] =	ssyncset.done $0x0  }
0x28b: {  	s5 =	simm.s32 $0x1D300;
	[sflag:s19] =	ssyncadd.s32 $0xFFFFC000  }
0x28c: {  	[tilespmem:s23], [sflag:$0x1] =	stream.indirect.gather [hbm4b:s4+s28], $0x80, s5, s28, $0xb8;
	[tilespmem:$0x1E000] =	vst v63  }
0x28d: {  	s20 =	simm.s32 $0x1D340  }
0x28e: {  	[tilespmem:s30], [sflag:$0x1] =	stream.indirect.gather [hbm4b:s4+s28], $0x80, s20, s28, $0xb8;
	[tilespmem:$0x1E000] =	vst v63  }
0x28f: {  	_ =	swait.ge [sflag:s22], $0x4000  }
0x290: {  	[sflag:s22] =	ssyncset.done $0x0  }
0x291: {  	s21 =	simm.s32 $0x1D380;
	[sflag:s22] =	ssyncadd.s32 $0xFFFFC000  }
0x292: {  	[tilespmem:s7], [sflag:$0x2] =	stream.indirect.gather [hbm4b:s4+s28], $0x80, s21, s28, $0xb8;
	[tilespmem:$0x1E000] =	vst v63  }
0x293: {  	s2 =	simm.s32 $0x1D3C0  }
0x294: {  	[tilespmem:s12], [sflag:$0x2] =	stream.indirect.gather [hbm4b:s4+s28], $0x80, s2, s28, $0xb8;
	[tilespmem:$0x1E000] =	vst v63  }
0x295: {  	_ =	swait.ge [sflag:s15], $0x4000  }
0x296: {  	[sflag:s15] =	ssyncset.done $0x0  }
0x297: {  	s5 =	simm.s32 $0x1DB00;
	[sflag:s15] =	ssyncadd.s32 $0xFFFFC000  }
0x298: {  	[spmem:s1] =	stream.indirect.scatter.add.f32 [tilespmem:s23], [sflag:$0x3], $0x80, s5, s16, $0xb8;
	[tilespmem:$0x1E000] =	vst v63  }
0x299: {  	_ =	swait.ge [sflag:s17], $0x4000  }
0x29a: {  	[sflag:s17] =	ssyncset.done $0x0  }
0x29b: {  	s20 =	simm.s32 $0x1DB80;
	[sflag:s17] =	ssyncadd.s32 $0xFFFFC000  }
0x29c: {  	[spmem:s1] =	stream.indirect.scatter.add.f32 [tilespmem:s7], [sflag:$0x4], $0x80, s20, s16, $0xb8;
	[tilespmem:$0x1E000] =	vst v63  }
0x29d: {  	_ =	swait.ge [sflag:s19], $0x4000  }
0x29e: {  	[sflag:s19] =	ssyncset.done $0x0  }
0x29f: {  	s21 =	simm.s32 $0x1D400;
	[sflag:s19] =	ssyncadd.s32 $0xFFFFC000  }
0x2a0: {  	[tilespmem:s23], [sflag:$0x1] =	stream.indirect.gather [hbm4b:s4+s28], $0x80, s21, s28, $0xb8;
	[tilespmem:$0x1E000] =	vst v63  }
0x2a1: {  	s2 =	simm.s32 $0x1D440  }
0x2a2: {  	[tilespmem:s30], [sflag:$0x1] =	stream.indirect.gather [hbm4b:s4+s28], $0x80, s2, s28, $0xb8;
	[tilespmem:$0x1E000] =	vst v63  }
0x2a3: {  	_ =	swait.ge [sflag:s22], $0x4000  }
0x2a4: {  	[sflag:s22] =	ssyncset.done $0x0  }
0x2a5: {  	s5 =	simm.s32 $0x1D480;
	[sflag:s22] =	ssyncadd.s32 $0xFFFFC000  }
0x2a6: {  	[tilespmem:s7], [sflag:$0x2] =	stream.indirect.gather [hbm4b:s4+s28], $0x80, s5, s28, $0xb8;
	[tilespmem:$0x1E000] =	vst v63  }
0x2a7: {  	s20 =	simm.s32 $0x1D4C0  }
0x2a8: {  	[tilespmem:s12], [sflag:$0x2] =	stream.indirect.gather [hbm4b:s4+s28], $0x80, s20, s28, $0xb8;
	[tilespmem:$0x1E000] =	vst v63  }
0x2a9: {  	_ =	swait.ge [sflag:s15], $0x4000  }
0x2aa: {  	[sflag:s15] =	ssyncset.done $0x0  }
0x2ab: {  	s21 =	simm.s32 $0x1DC00;
	[sflag:s15] =	ssyncadd.s32 $0xFFFFC000  }
0x2ac: {  	[spmem:s1] =	stream.indirect.scatter.add.f32 [tilespmem:s23], [sflag:$0x3], $0x80, s21, s16, $0xb8;
	[tilespmem:$0x1E000] =	vst v63  }
0x2ad: {  	_ =	swait.ge [sflag:s17], $0x4000  }
0x2ae: {  	[sflag:s17] =	ssyncset.done $0x0  }
0x2af: {  	s2 =	simm.s32 $0x1DC80;
	[sflag:s17] =	ssyncadd.s32 $0xFFFFC000  }
0x2b0: {  	[spmem:s1] =	stream.indirect.scatter.add.f32 [tilespmem:s7], [sflag:$0x4], $0x80, s2, s16, $0xb8;
	[tilespmem:$0x1E000] =	vst v63  }
0x2b1: {  	_ =	swait.ge [sflag:s19], $0x4000  }
0x2b2: {  	[sflag:s19] =	ssyncset.done $0x0  }
0x2b3: {  	s5 =	simm.s32 $0x1D500;
	[sflag:s19] =	ssyncadd.s32 $0xFFFFC000  }
0x2b4: {  	[tilespmem:s23], [sflag:$0x1] =	stream.indirect.gather [hbm4b:s4+s28], $0x80, s5, s28, $0xb8;
	[tilespmem:$0x1E000] =	vst v63  }
0x2b5: {  	s20 =	simm.s32 $0x1D540  }
0x2b6: {  	[tilespmem:s30], [sflag:$0x1] =	stream.indirect.gather [hbm4b:s4+s28], $0x80, s20, s28, $0xb8;
	[tilespmem:$0x1E000] =	vst v63  }
0x2b7: {  	_ =	swait.ge [sflag:s22], $0x4000  }
0x2b8: {  	[sflag:s22] =	ssyncset.done $0x0  }
0x2b9: {  	s21 =	simm.s32 $0x1D580;
	[sflag:s22] =	ssyncadd.s32 $0xFFFFC000  }
0x2ba: {  	[tilespmem:s7], [sflag:$0x2] =	stream.indirect.gather [hbm4b:s4+s28], $0x80, s21, s28, $0xb8;
	[tilespmem:$0x1E000] =	vst v63  }
0x2bb: {  	s2 =	simm.s32 $0x1D5C0  }
0x2bc: {  	[tilespmem:s12], [sflag:$0x2] =	stream.indirect.gather [hbm4b:s4+s28], $0x80, s2, s28, $0xb8;
	[tilespmem:$0x1E000] =	vst v63  }
0x2bd: {  	_ =	swait.ge [sflag:s15], $0x4000  }
0x2be: {  	[sflag:s15] =	ssyncset.done $0x0  }
0x2bf: {  	s5 =	simm.s32 $0x1DD00;
	[sflag:s15] =	ssyncadd.s32 $0xFFFFC000  }
0x2c0: {  	[spmem:s1] =	stream.indirect.scatter.add.f32 [tilespmem:s23], [sflag:$0x3], $0x80, s5, s16, $0xb8;
	[tilespmem:$0x1E000] =	vst v63  }
0x2c1: {  	_ =	swait.ge [sflag:s17], $0x4000  }
0x2c2: {  	[sflag:s17] =	ssyncset.done $0x0  }
0x2c3: {  	s20 =	simm.s32 $0x1DD80;
	[sflag:s17] =	ssyncadd.s32 $0xFFFFC000  }
0x2c4: {  	[spmem:s1] =	stream.indirect.scatter.add.f32 [tilespmem:s7], [sflag:$0x4], $0x80, s20, s16, $0xb8;
	[tilespmem:$0x1E000] =	vst v63  }
0x2c5: {  	_ =	swait.ge [sflag:s19], $0x4000  }
0x2c6: {  	[sflag:s19] =	ssyncset.done $0x0  }
0x2c7: {  	s21 =	simm.s32 $0x1D600;
	[sflag:s19] =	ssyncadd.s32 $0xFFFFC000  }
0x2c8: {  	[tilespmem:s23], [sflag:$0x1] =	stream.indirect.gather [hbm4b:s4+s28], $0x80, s21, s28, $0xb8;
	[tilespmem:$0x1E000] =	vst v63  }
0x2c9: {  	s2 =	simm.s32 $0x1D640  }
0x2ca: {  	[tilespmem:s30], [sflag:$0x1] =	stream.indirect.gather [hbm4b:s4+s28], $0x80, s2, s28, $0xb8;
	[tilespmem:$0x1E000] =	vst v63  }
0x2cb: {  	_ =	swait.ge [sflag:s22], $0x4000  }
0x2cc: {  	[sflag:s22] =	ssyncset.done $0x0  }
0x2cd: {  	s5 =	simm.s32 $0x1D680;
	[sflag:s22] =	ssyncadd.s32 $0xFFFFC000  }
0x2ce: {  	[tilespmem:s7], [sflag:$0x2] =	stream.indirect.gather [hbm4b:s4+s28], $0x80, s5, s28, $0xb8;
	[tilespmem:$0x1E000] =	vst v63  }
0x2cf: {  	s20 =	simm.s32 $0x1D6C0  }
0x2d0: {  	[tilespmem:s12], [sflag:$0x2] =	stream.indirect.gather [hbm4b:s4+s28], $0x80, s20, s28, $0xb8;
	[tilespmem:$0x1E000] =	vst v63  }
0x2d1: {  	_ =	swait.ge [sflag:s15], $0x4000  }
0x2d2: {  	[sflag:s15] =	ssyncset.done $0x0  }
0x2d3: {  	s21 =	simm.s32 $0x1DE00;
	[sflag:s15] =	ssyncadd.s32 $0xFFFFC000  }
0x2d4: {  	[spmem:s1] =	stream.indirect.scatter.add.f32 [tilespmem:s23], [sflag:$0x3], $0x80, s21, s16, $0xb8;
	[tilespmem:$0x1E000] =	vst v63  }
0x2d5: {  	_ =	swait.ge [sflag:s17], $0x4000  }
0x2d6: {  	[sflag:s17] =	ssyncset.done $0x0  }
0x2d7: {  	s2 =	simm.s32 $0x1DE80;
	[sflag:s17] =	ssyncadd.s32 $0xFFFFC000  }
0x2d8: {  	[spmem:s1] =	stream.indirect.scatter.add.f32 [tilespmem:s7], [sflag:$0x4], $0x80, s2, s16, $0xb8;
	[tilespmem:$0x1E000] =	vst v63  }
0x2d9: {  	_ =	swait.ge [sflag:s19], $0x4000  }
0x2da: {  	[sflag:s19] =	ssyncset.done $0x0  }
0x2db: {  	s5 =	simm.s32 $0x1D700;
	[sflag:s19] =	ssyncadd.s32 $0xFFFFC000  }
0x2dc: {  	[tilespmem:s23], [sflag:$0x1] =	stream.indirect.gather [hbm4b:s4+s28], $0x80, s5, s28, $0xb8;
	[tilespmem:$0x1E000] =	vst v63  }
0x2dd: {  	s20 =	simm.s32 $0x1D740  }
0x2de: {  	[tilespmem:s30], [sflag:$0x1] =	stream.indirect.gather [hbm4b:s4+s28], $0x80, s20, s28, $0xb8;
	[tilespmem:$0x1E000] =	vst v63  }
0x2df: {  	_ =	swait.ge [sflag:s22], $0x4000  }
0x2e0: {  	[sflag:s22] =	ssyncset.done $0x0  }
0x2e1: {  	s21 =	simm.s32 $0x1D780;
	[sflag:s22] =	ssyncadd.s32 $0xFFFFC000  }
0x2e2: {  	[tilespmem:s7], [sflag:$0x2] =	stream.indirect.gather [hbm4b:s4+s28], $0x80, s21, s28, $0xb8;
	[tilespmem:$0x1E000] =	vst v63  }
0x2e3: {  	s2 =	simm.s32 $0x1D7C0  }
0x2e4: {  	[tilespmem:s12], [sflag:$0x2] =	stream.indirect.gather [hbm4b:s4+s28], $0x80, s2, s28, $0xb8;
	[tilespmem:$0x1E000] =	vst v63  }
0x2e5: {  	_ =	swait.ge [sflag:s15], $0x4000  }
0x2e6: {  	[sflag:s15] =	ssyncset.done $0x0  }
0x2e7: {  	s5 =	simm.s32 $0x1DF00;
	[sflag:s15] =	ssyncadd.s32 $0xFFFFC000  }
0x2e8: {  	[spmem:s1] =	stream.indirect.scatter.add.f32 [tilespmem:s23], [sflag:$0x3], $0x80, s5, s16, $0xb8;
	[tilespmem:$0x1E000] =	vst v63  }
0x2e9: {  	_ =	swait.ge [sflag:s17], $0x4000  }
0x2ea: {  	[sflag:s17] =	ssyncset.done $0x0  }
0x2eb: {  	s20 =	simm.s32 $0x1DF80;
	[sflag:s17] =	ssyncadd.s32 $0xFFFFC000  }
0x2ec: {  	[spmem:s1] =	stream.indirect.scatter.add.f32 [tilespmem:s7], [sflag:$0x4], $0x80, s20, s16, $0xb8;
	[tilespmem:$0x1E000] =	vst v63  }
0x2ed: {  	_ =	swait.ge [sflag:s19], $0x4000  }
0x2ee: {  	[sflag:s19] =	ssyncset.done $0x0  }
0x2ef: {  	[sflag:s19] =	ssyncadd.s32 $0xFFFFC000  }
0x2f0: {  	_ =	swait.ge [sflag:s22], $0x4000  }
0x2f1: {  	[sflag:s22] =	ssyncset.done $0x0  }
0x2f2: {  	[sflag:s22] =	ssyncadd.s32 $0xFFFFC000  }
0x2f3: {  	_ =	swait.ge [sflag:s10], $0x800  }
0x2f4: {  	[sflag:s10] =	ssyncset.done $0x0  }
0x2f5: {  	[sflag:s10] =	ssyncadd.s32 $0xFFFFF800  }
0x2f6: {  	_ =	swait.ge [sflag:s10], $0x800  }
0x2f7: {  	[sflag:s10] =	ssyncset.done $0x0  }
0x2f8: {  	[sflag:s10] =	ssyncadd.s32 $0xFFFFF800  }
0x2f9: {  	[tilespmem:s23], [sflag:$0x1] =	stream.indirect.gather [hbm4b:s4+s28], $0x80, s26, s28, $0xb8;
	[tilespmem:$0x1E000] =	vst v63  }
0x2fa: {  	s21 =	simm.s32 $0x1C040  }
0x2fb: {  	[tilespmem:s30], [sflag:$0x1] =	stream.indirect.gather [hbm4b:s4+s28], $0x80, s21, s28, $0xb8;
	[tilespmem:$0x1E000] =	vst v63  }
0x2fc: {  	s2 =	simm.s32 $0x1C080  }
0x2fd: {  	[tilespmem:s7], [sflag:$0x2] =	stream.indirect.gather [hbm4b:s4+s28], $0x80, s2, s28, $0xb8;
	[tilespmem:$0x1E000] =	vst v63  }
0x2fe: {  	s5 =	simm.s32 $0x1C0C0  }
0x2ff: {  	[tilespmem:s12], [sflag:$0x2] =	stream.indirect.gather [hbm4b:s4+s28], $0x80, s5, s28, $0xb8;
	[tilespmem:$0x1E000] =	vst v63  }
0x300: {  	_ =	swait.ge [sflag:s15], $0x4000  }
0x301: {  	[sflag:s15] =	ssyncset.done $0x0  }
0x302: {  	[sflag:s15] =	ssyncadd.s32 $0xFFFFC000  }
0x303: {  	[spmem:s1] =	stream.indirect.scatter.add.f32 [tilespmem:s23], [sflag:$0x3], $0x80, s3, s16, $0xb8;
	[tilespmem:$0x1E000] =	vst v63  }
0x304: {  	_ =	swait.ge [sflag:s17], $0x4000  }
0x305: {  	[sflag:s17] =	ssyncset.done $0x0  }
0x306: {  	s20 =	simm.s32 $0x1C880;
	[sflag:s17] =	ssyncadd.s32 $0xFFFFC000  }
0x307: {  	[spmem:s1] =	stream.indirect.scatter.add.f32 [tilespmem:s7], [sflag:$0x4], $0x80, s20, s16, $0xb8;
	[tilespmem:$0x1E000] =	vst v63  }
0x308: {  	_ =	swait.ge [sflag:s19], $0x4000  }
0x309: {  	[sflag:s19] =	ssyncset.done $0x0  }
0x30a: {  	s21 =	simm.s32 $0x1C100;
	[sflag:s19] =	ssyncadd.s32 $0xFFFFC000  }
0x30b: {  	[tilespmem:s23], [sflag:$0x1] =	stream.indirect.gather [hbm4b:s4+s28], $0x80, s21, s28, $0xb8;
	[tilespmem:$0x1E000] =	vst v63  }
0x30c: {  	s2 =	simm.s32 $0x1C140  }
0x30d: {  	[tilespmem:s30], [sflag:$0x1] =	stream.indirect.gather [hbm4b:s4+s28], $0x80, s2, s28, $0xb8;
	[tilespmem:$0x1E000] =	vst v63  }
0x30e: {  	_ =	swait.ge [sflag:s22], $0x4000  }
0x30f: {  	[sflag:s22] =	ssyncset.done $0x0  }
0x310: {  	s5 =	simm.s32 $0x1C180;
	[sflag:s22] =	ssyncadd.s32 $0xFFFFC000  }
0x311: {  	[tilespmem:s7], [sflag:$0x2] =	stream.indirect.gather [hbm4b:s4+s28], $0x80, s5, s28, $0xb8;
	[tilespmem:$0x1E000] =	vst v63  }
0x312: {  	s20 =	simm.s32 $0x1C1C0  }
0x313: {  	[tilespmem:s12], [sflag:$0x2] =	stream.indirect.gather [hbm4b:s4+s28], $0x80, s20, s28, $0xb8;
	[tilespmem:$0x1E000] =	vst v63  }
0x314: {  	_ =	swait.ge [sflag:s15], $0x4000  }
0x315: {  	[sflag:s15] =	ssyncset.done $0x0  }
0x316: {  	s21 =	simm.s32 $0x1C900;
	[sflag:s15] =	ssyncadd.s32 $0xFFFFC000  }
0x317: {  	[spmem:s1] =	stream.indirect.scatter.add.f32 [tilespmem:s23], [sflag:$0x3], $0x80, s21, s16, $0xb8;
	[tilespmem:$0x1E000] =	vst v63  }
0x318: {  	_ =	swait.ge [sflag:s17], $0x4000  }
0x319: {  	[sflag:s17] =	ssyncset.done $0x0  }
0x31a: {  	s2 =	simm.s32 $0x1C980;
	[sflag:s17] =	ssyncadd.s32 $0xFFFFC000  }
0x31b: {  	[spmem:s1] =	stream.indirect.scatter.add.f32 [tilespmem:s7], [sflag:$0x4], $0x80, s2, s16, $0xb8;
	[tilespmem:$0x1E000] =	vst v63  }
0x31c: {  	_ =	swait.ge [sflag:s19], $0x4000  }
0x31d: {  	[sflag:s19] =	ssyncset.done $0x0  }
0x31e: {  	s5 =	simm.s32 $0x1C200;
	[sflag:s19] =	ssyncadd.s32 $0xFFFFC000  }
0x31f: {  	[tilespmem:s23], [sflag:$0x1] =	stream.indirect.gather [hbm4b:s4+s28], $0x80, s5, s28, $0xb8;
	[tilespmem:$0x1E000] =	vst v63  }
0x320: {  	s20 =	simm.s32 $0x1C240  }
0x321: {  	[tilespmem:s30], [sflag:$0x1] =	stream.indirect.gather [hbm4b:s4+s28], $0x80, s20, s28, $0xb8;
	[tilespmem:$0x1E000] =	vst v63  }
0x322: {  	_ =	swait.ge [sflag:s22], $0x4000  }
0x323: {  	[sflag:s22] =	ssyncset.done $0x0  }
0x324: {  	s21 =	simm.s32 $0x1C280;
	[sflag:s22] =	ssyncadd.s32 $0xFFFFC000  }
0x325: {  	[tilespmem:s7], [sflag:$0x2] =	stream.indirect.gather [hbm4b:s4+s28], $0x80, s21, s28, $0xb8;
	[tilespmem:$0x1E000] =	vst v63  }
0x326: {  	s2 =	simm.s32 $0x1C2C0  }
0x327: {  	[tilespmem:s12], [sflag:$0x2] =	stream.indirect.gather [hbm4b:s4+s28], $0x80, s2, s28, $0xb8;
	[tilespmem:$0x1E000] =	vst v63  }
0x328: {  	_ =	swait.ge [sflag:s15], $0x4000  }
0x329: {  	[sflag:s15] =	ssyncset.done $0x0  }
0x32a: {  	s5 =	simm.s32 $0x1CA00;
	[sflag:s15] =	ssyncadd.s32 $0xFFFFC000  }
0x32b: {  	[spmem:s1] =	stream.indirect.scatter.add.f32 [tilespmem:s23], [sflag:$0x3], $0x80, s5, s16, $0xb8;
	[tilespmem:$0x1E000] =	vst v63  }
0x32c: {  	_ =	swait.ge [sflag:s17], $0x4000  }
0x32d: {  	[sflag:s17] =	ssyncset.done $0x0  }
0x32e: {  	s20 =	simm.s32 $0x1CA80;
	[sflag:s17] =	ssyncadd.s32 $0xFFFFC000  }
0x32f: {  	[spmem:s1] =	stream.indirect.scatter.add.f32 [tilespmem:s7], [sflag:$0x4], $0x80, s20, s16, $0xb8;
	[tilespmem:$0x1E000] =	vst v63  }
0x330: {  	_ =	swait.ge [sflag:s19], $0x4000  }
0x331: {  	[sflag:s19] =	ssyncset.done $0x0  }
0x332: {  	s21 =	simm.s32 $0x1C300;
	[sflag:s19] =	ssyncadd.s32 $0xFFFFC000  }
0x333: {  	[tilespmem:s23], [sflag:$0x1] =	stream.indirect.gather [hbm4b:s4+s28], $0x80, s21, s28, $0xb8;
	[tilespmem:$0x1E000] =	vst v63  }
0x334: {  	s2 =	simm.s32 $0x1C340  }
0x335: {  	[tilespmem:s30], [sflag:$0x1] =	stream.indirect.gather [hbm4b:s4+s28], $0x80, s2, s28, $0xb8;
	[tilespmem:$0x1E000] =	vst v63  }
0x336: {  	_ =	swait.ge [sflag:s22], $0x4000  }
0x337: {  	[sflag:s22] =	ssyncset.done $0x0  }
0x338: {  	s5 =	simm.s32 $0x1C380;
	[sflag:s22] =	ssyncadd.s32 $0xFFFFC000  }
0x339: {  	[tilespmem:s7], [sflag:$0x2] =	stream.indirect.gather [hbm4b:s4+s28], $0x80, s5, s28, $0xb8;
	[tilespmem:$0x1E000] =	vst v63  }
0x33a: {  	s20 =	simm.s32 $0x1C3C0  }
0x33b: {  	[tilespmem:s12], [sflag:$0x2] =	stream.indirect.gather [hbm4b:s4+s28], $0x80, s20, s28, $0xb8;
	[tilespmem:$0x1E000] =	vst v63  }
0x33c: {  	_ =	swait.ge [sflag:s15], $0x4000  }
0x33d: {  	[sflag:s15] =	ssyncset.done $0x0  }
0x33e: {  	s21 =	simm.s32 $0x1CB00;
	[sflag:s15] =	ssyncadd.s32 $0xFFFFC000  }
0x33f: {  	[spmem:s1] =	stream.indirect.scatter.add.f32 [tilespmem:s23], [sflag:$0x3], $0x80, s21, s16, $0xb8;
	[tilespmem:$0x1E000] =	vst v63  }
0x340: {  	_ =	swait.ge [sflag:s17], $0x4000  }
0x341: {  	[sflag:s17] =	ssyncset.done $0x0  }
0x342: {  	s2 =	simm.s32 $0x1CB80;
	[sflag:s17] =	ssyncadd.s32 $0xFFFFC000  }
0x343: {  	[spmem:s1] =	stream.indirect.scatter.add.f32 [tilespmem:s7], [sflag:$0x4], $0x80, s2, s16, $0xb8;
	[tilespmem:$0x1E000] =	vst v63  }
0x344: {  	_ =	swait.ge [sflag:s19], $0x4000  }
0x345: {  	[sflag:s19] =	ssyncset.done $0x0  }
0x346: {  	s5 =	simm.s32 $0x1C400;
	[sflag:s19] =	ssyncadd.s32 $0xFFFFC000  }
0x347: {  	[tilespmem:s23], [sflag:$0x1] =	stream.indirect.gather [hbm4b:s4+s28], $0x80, s5, s28, $0xb8;
	[tilespmem:$0x1E000] =	vst v63  }
0x348: {  	s20 =	simm.s32 $0x1C440  }
0x349: {  	[tilespmem:s30], [sflag:$0x1] =	stream.indirect.gather [hbm4b:s4+s28], $0x80, s20, s28, $0xb8;
	[tilespmem:$0x1E000] =	vst v63  }
0x34a: {  	_ =	swait.ge [sflag:s22], $0x4000  }
0x34b: {  	[sflag:s22] =	ssyncset.done $0x0  }
0x34c: {  	s21 =	simm.s32 $0x1C480;
	[sflag:s22] =	ssyncadd.s32 $0xFFFFC000  }
0x34d: {  	[tilespmem:s7], [sflag:$0x2] =	stream.indirect.gather [hbm4b:s4+s28], $0x80, s21, s28, $0xb8;
	[tilespmem:$0x1E000] =	vst v63  }
0x34e: {  	s2 =	simm.s32 $0x1C4C0  }
0x34f: {  	[tilespmem:s12], [sflag:$0x2] =	stream.indirect.gather [hbm4b:s4+s28], $0x80, s2, s28, $0xb8;
	[tilespmem:$0x1E000] =	vst v63  }
0x350: {  	_ =	swait.ge [sflag:s15], $0x4000  }
0x351: {  	[sflag:s15] =	ssyncset.done $0x0  }
0x352: {  	s5 =	simm.s32 $0x1CC00;
	[sflag:s15] =	ssyncadd.s32 $0xFFFFC000  }
0x353: {  	[spmem:s1] =	stream.indirect.scatter.add.f32 [tilespmem:s23], [sflag:$0x3], $0x80, s5, s16, $0xb8;
	[tilespmem:$0x1E000] =	vst v63  }
0x354: {  	_ =	swait.ge [sflag:s17], $0x4000  }
0x355: {  	[sflag:s17] =	ssyncset.done $0x0  }
0x356: {  	s20 =	simm.s32 $0x1CC80;
	[sflag:s17] =	ssyncadd.s32 $0xFFFFC000  }
0x357: {  	[spmem:s1] =	stream.indirect.scatter.add.f32 [tilespmem:s7], [sflag:$0x4], $0x80, s20, s16, $0xb8;
	[tilespmem:$0x1E000] =	vst v63  }
0x358: {  	_ =	swait.ge [sflag:s19], $0x4000  }
0x359: {  	[sflag:s19] =	ssyncset.done $0x0  }
0x35a: {  	s21 =	simm.s32 $0x1C500;
	[sflag:s19] =	ssyncadd.s32 $0xFFFFC000  }
0x35b: {  	[tilespmem:s23], [sflag:$0x1] =	stream.indirect.gather [hbm4b:s4+s28], $0x80, s21, s28, $0xb8;
	[tilespmem:$0x1E000] =	vst v63  }
0x35c: {  	s2 =	simm.s32 $0x1C540  }
0x35d: {  	[tilespmem:s30], [sflag:$0x1] =	stream.indirect.gather [hbm4b:s4+s28], $0x80, s2, s28, $0xb8;
	[tilespmem:$0x1E000] =	vst v63  }
0x35e: {  	_ =	swait.ge [sflag:s22], $0x4000  }
0x35f: {  	[sflag:s22] =	ssyncset.done $0x0  }
0x360: {  	s5 =	simm.s32 $0x1C580;
	[sflag:s22] =	ssyncadd.s32 $0xFFFFC000  }
0x361: {  	[tilespmem:s7], [sflag:$0x2] =	stream.indirect.gather [hbm4b:s4+s28], $0x80, s5, s28, $0xb8;
	[tilespmem:$0x1E000] =	vst v63  }
0x362: {  	s20 =	simm.s32 $0x1C5C0  }
0x363: {  	[tilespmem:s12], [sflag:$0x2] =	stream.indirect.gather [hbm4b:s4+s28], $0x80, s20, s28, $0xb8;
	[tilespmem:$0x1E000] =	vst v63  }
0x364: {  	_ =	swait.ge [sflag:s15], $0x4000  }
0x365: {  	[sflag:s15] =	ssyncset.done $0x0  }
0x366: {  	s21 =	simm.s32 $0x1CD00;
	[sflag:s15] =	ssyncadd.s32 $0xFFFFC000  }
0x367: {  	[spmem:s1] =	stream.indirect.scatter.add.f32 [tilespmem:s23], [sflag:$0x3], $0x80, s21, s16, $0xb8;
	[tilespmem:$0x1E000] =	vst v63  }
0x368: {  	_ =	swait.ge [sflag:s17], $0x4000  }
0x369: {  	[sflag:s17] =	ssyncset.done $0x0  }
0x36a: {  	s2 =	simm.s32 $0x1CD80;
	[sflag:s17] =	ssyncadd.s32 $0xFFFFC000  }
0x36b: {  	[spmem:s1] =	stream.indirect.scatter.add.f32 [tilespmem:s7], [sflag:$0x4], $0x80, s2, s16, $0xb8;
	[tilespmem:$0x1E000] =	vst v63  }
0x36c: {  	_ =	swait.ge [sflag:s19], $0x4000  }
0x36d: {  	[sflag:s19] =	ssyncset.done $0x0  }
0x36e: {  	s5 =	simm.s32 $0x1C600;
	[sflag:s19] =	ssyncadd.s32 $0xFFFFC000  }
0x36f: {  	[tilespmem:s23], [sflag:$0x1] =	stream.indirect.gather [hbm4b:s4+s28], $0x80, s5, s28, $0xb8;
	[tilespmem:$0x1E000] =	vst v63  }
0x370: {  	s20 =	simm.s32 $0x1C640  }
0x371: {  	[tilespmem:s30], [sflag:$0x1] =	stream.indirect.gather [hbm4b:s4+s28], $0x80, s20, s28, $0xb8;
	[tilespmem:$0x1E000] =	vst v63  }
0x372: {  	_ =	swait.ge [sflag:s22], $0x4000  }
0x373: {  	[sflag:s22] =	ssyncset.done $0x0  }
0x374: {  	s21 =	simm.s32 $0x1C680;
	[sflag:s22] =	ssyncadd.s32 $0xFFFFC000  }
0x375: {  	[tilespmem:s7], [sflag:$0x2] =	stream.indirect.gather [hbm4b:s4+s28], $0x80, s21, s28, $0xb8;
	[tilespmem:$0x1E000] =	vst v63  }
0x376: {  	s2 =	simm.s32 $0x1C6C0  }
0x377: {  	[tilespmem:s12], [sflag:$0x2] =	stream.indirect.gather [hbm4b:s4+s28], $0x80, s2, s28, $0xb8;
	[tilespmem:$0x1E000] =	vst v63  }
0x378: {  	_ =	swait.ge [sflag:s15], $0x4000  }
0x379: {  	[sflag:s15] =	ssyncset.done $0x0  }
0x37a: {  	s5 =	simm.s32 $0x1CE00;
	[sflag:s15] =	ssyncadd.s32 $0xFFFFC000  }
0x37b: {  	[spmem:s1] =	stream.indirect.scatter.add.f32 [tilespmem:s23], [sflag:$0x3], $0x80, s5, s16, $0xb8;
	[tilespmem:$0x1E000] =	vst v63  }
0x37c: {  	_ =	swait.ge [sflag:s17], $0x4000  }
0x37d: {  	[sflag:s17] =	ssyncset.done $0x0  }
0x37e: {  	s20 =	simm.s32 $0x1CE80;
	[sflag:s17] =	ssyncadd.s32 $0xFFFFC000  }
0x37f: {  	[spmem:s1] =	stream.indirect.scatter.add.f32 [tilespmem:s7], [sflag:$0x4], $0x80, s20, s16, $0xb8;
	[tilespmem:$0x1E000] =	vst v63  }
0x380: {  	_ =	swait.ge [sflag:s19], $0x4000  }
0x381: {  	[sflag:s19] =	ssyncset.done $0x0  }
0x382: {  	s21 =	simm.s32 $0x1C700;
	[sflag:s19] =	ssyncadd.s32 $0xFFFFC000  }
0x383: {  	[tilespmem:s23], [sflag:$0x1] =	stream.indirect.gather [hbm4b:s4+s28], $0x80, s21, s28, $0xb8;
	[tilespmem:$0x1E000] =	vst v63  }
0x384: {  	s2 =	simm.s32 $0x1C740  }
0x385: {  	[tilespmem:s30], [sflag:$0x1] =	stream.indirect.gather [hbm4b:s4+s28], $0x80, s2, s28, $0xb8;
	[tilespmem:$0x1E000] =	vst v63  }
0x386: {  	_ =	swait.ge [sflag:s22], $0x4000  }
0x387: {  	[sflag:s22] =	ssyncset.done $0x0  }
0x388: {  	s5 =	simm.s32 $0x1C780;
	[sflag:s22] =	ssyncadd.s32 $0xFFFFC000  }
0x389: {  	[tilespmem:s7], [sflag:$0x2] =	stream.indirect.gather [hbm4b:s4+s28], $0x80, s5, s28, $0xb8;
	[tilespmem:$0x1E000] =	vst v63  }
0x38a: {  	s20 =	simm.s32 $0x1C7C0  }
0x38b: {  	[tilespmem:s12], [sflag:$0x2] =	stream.indirect.gather [hbm4b:s4+s28], $0x80, s20, s28, $0xb8;
	[tilespmem:$0x1E000] =	vst v63  }
0x38c: {  	_ =	swait.ge [sflag:s15], $0x4000  }
0x38d: {  	[sflag:s15] =	ssyncset.done $0x0  }
0x38e: {  	s21 =	simm.s32 $0x1CF00;
	[sflag:s15] =	ssyncadd.s32 $0xFFFFC000  }
0x38f: {  	[spmem:s1] =	stream.indirect.scatter.add.f32 [tilespmem:s23], [sflag:$0x3], $0x80, s21, s16, $0xb8;
	[tilespmem:$0x1E000] =	vst v63  }
0x390: {  	_ =	swait.ge [sflag:s17], $0x4000  }
0x391: {  	[sflag:s17] =	ssyncset.done $0x0  }
0x392: {  	s2 =	simm.s32 $0x1CF80;
	[sflag:s17] =	ssyncadd.s32 $0xFFFFC000  }
0x393: {  	[spmem:s1] =	stream.indirect.scatter.add.f32 [tilespmem:s7], [sflag:$0x4], $0x80, s2, s16, $0xb8;
	[tilespmem:$0x1E000] =	vst v63  }
0x394: {  	_ =	swait.ge [sflag:s19], $0x4000  }
0x395: {  	[sflag:s19] =	ssyncset.done $0x0  }
0x396: {  	[sflag:s19] =	ssyncadd.s32 $0xFFFFC000  }
0x397: {  	_ =	swait.ge [sflag:s22], $0x4000  }
0x398: {  	[sflag:s22] =	ssyncset.done $0x0  }
0x399: {  	[sflag:s22] =	ssyncadd.s32 $0xFFFFC000  }
0x39a: {  	s5 =	stileid.u32;
	[bflag:$0x0] =	sbarrier.arrive $0xFFFF  }
0x39b: {  	s20 =	sshll.u32 s5, $0x6;
	s21 =	rddreg [dreg:$0x13]  }
0x39c: {  	s20 =	sor.u32 $0x1C06, s20;
	s2 =	rddreg [dreg:$0xd];
	s0 =	sshrl.u32 s21, $0x3  }
0x39d: {  	[hbm:s2], [sflag:s20] =	dma.local [spmem:s0], $0x2800  }
0x39e: {  	_ =	swait.ge [sflag:s24], $0x2800  }
0x39f: {  	s18 =	sadd.s32 $0x1, s18;
	s21 =	rddreg [dreg:$0xe]  }
0x3a0: {  	p0 =	sne.s32 s18, s21  }
.Ltmp1:
0x3a1: {  	_ = 	snop;
	(pc) =	sbr.rel @p0 .LBB2_1-.Ltmp1, $3  }
0x3a2: {  	_ =	sdelay $0x1  }
0x3a3: {  	[sflag:s24] =	ssyncset.done $0x0  }
0x3a4: {  	[sflag:s24] =	ssyncadd.s32 $0xFFFFD800  }
0x3a5: {  	_ =	sfence.sel $0x180000  }
0x3a6: {  	[bflag:$0x0] =	sbarrier.arrive $0xFFFF  }
0x3a7: {  	_ =	strace $0x9000004D  }
0x3a8: {  	s0 =	stileid.u32;
	[bflag:$0x2] =	sbarrier.arrive $0xFFFF  }
0x3a9: {  	p0 =	sne.s32 s0, $0x0;
	s0 =	rddreg [dreg:$0x2]  }
0x3aa: {  	s0 =	sadd.s32 @!p0 $0x100000, s0  }
0x3ab: {  	[sflag:s0] =	ssyncadd.tile.s32 @!p0 $0x1;
	_ =	shalt  }
.Lfunc_end2:
_tile_overlayer_lowered:
.L_overlay_start_2:
0x3ac: {  	(tag) =	ssettag $0x2  }
0x3ad: {  	s0 =	rddreg [dreg:$0x0];
	s2 =	stileid.u32  }
0x3ae: {  	s1 =	rddreg [dreg:$0x1];
	p0 =	sne.s32 s2, $0x0  }
0x3af: {  	s3 =	rddreg [dreg:$0x2];
	[bflag:$0x3] =	sbarrier.arrive $0xFFFF;
	s2 =	simm.s32 @!p0 $0x1C06  }
0x3b0: {  	[timem:s3], [sflag:s2] =	dma.local @!p0 [hbm:s0], s1  }
0x3b1: {  	s0 =	simm.s32 @!p0 $0x6  }
0x3b2: {  	_ =	swait.ge @!p0 [sflag:s0], s1  }
0x3b3: {  	s1 =	ssub.s32 @!p0 $0x0, s1;
	[sflag:s0] =	ssyncset.done @!p0 $0x0  }
0x3b4: {  	[sflag:s0] =	ssyncadd.s32 @!p0 s1  }
0x3b5: {  	[bflag:$0x3] =	sbarrier.arrive $0xFFFF  }
0x3b6: {  	_ =	shalt  }

// kernel: kernel.7.cloned.1.call-start
scs
__scs_entry_jumppad:
0x0: {  	(pc) =	sbr.rel $0x88, $3  }
0x1: {  	(tag) =	ssettag $0x0;
	lr =	simm.s32 $0x1  }
0x2: {  	[smem:$0x3F94] =	sst lr;
	_ =	strace $0xD0000000  }
0x3: {  	_ = 	snop  }
0x4: {  	_ = 	snop  }
0x5: {  	_ = 	snop  }
0x6: {  	_ = 	snop  }
0x7: {  	_ = 	snop  }
__scs_overlays_trampoline_lowered:
0x8: {  	[smem:$0x3FA3] =	sst s0  }
0x9: {  	[smem:$0x3FA4] =	sst s1  }
0xa: {  	[smem:$0x3FA5] =	sst s2  }
0xb: {  	[smem:$0x3FA6] =	sst s3  }
0xc: {  	[smem:$0x3FA7] =	sst s4  }
0xd: {  	[smem:$0x3FA8] =	sst s5  }
0xe: {  	[smem:$0x3FA9] =	sst s6  }
0xf: {  	[smem:$0x3FAA] =	sst s7  }
0x10: {  	[smem:$0x3FAB] =	sst s8  }
0x11: {  	[smem:$0x3FAC] =	sst s9;
	s0 =	simm.s32 @!p0 $0x0  }
0x12: {  	s1 =	sld [smem:$0x3F92];
	s0 =	simm.s32 @p0 $0x1  }
0x13: {  	[smem:$0x3FAD] =	sst s0;
	s0 =	simm.s32 @!p1 $0x0  }
0x14: {  	s2 =	sld [smem:$0x3F91];
	s0 =	simm.s32 @p1 $0x1  }
0x15: {  	[smem:$0x3FAE] =	sst s0;
	s0 =	simm.s32 @!p2 $0x0  }
0x16: {  	s3 =	sld [smem:$0x3FDB];
	s0 =	simm.s32 @p2 $0x1  }
0x17: {  	s4 =	simm.s32 $0x1BF5;
	[smem:$0x3FB0] =	sst s0  }
0x18: {  	s0 =	sld [smem:$0x3F93];
	_ =	swait.ge [sflag:s4], $0x0  }
0x19: {  	s7 =	sld [smem:$0x3F94]  }
0x1a: {  	s8 =	sadd.s32 $0xFFFFE003, lr  }
0x1b: {  	s9 =	sadd.s32 $0xFFFFFEF7, lr;
	s5 =	simm.s32 $0xFFFFFFFF;
	p2 =	slt.u32 s8, $0xFFFFF086  }
0x1c: {  	p1 =	slt.u32 s9, $0xF7A;
	s5 =	simm.s32 @!p2 $0x0  }
0x1d: {  	s5 =	simm.s32 @p1 $0x1;
	p0 =	seq.s32 s7, s2  }
0x1e: {  	s7 =	smul.u32 @!p0 $0xF7A, s2;
	p2 =	seq.s32 @!p0 s5, $0x0  }
0x1f: {  	s9 =	smul.u32 $0xF7A, s1;
	s8 =	simm.s32 @!p0 $0x1BF5;
	p2 =	por !p2, p0  }
0x20: {  	[sflag:s8] =	ssyncset.s32 @!p0 $0xFFFFF086;
	s6 =	sadd.s32 @!p0 s3, s7;
	s7 =	simm.s32 @!p0 $0x108  }
0x21: {  	s3 =	sadd.s32 s3, s9;
	s6 =	sadd.s32 @!p0 $0x88, s6;
	s7 =	simm.s32 @p2 $0x1082  }
0x22: {  	[simem:s7], [sflag:s8] =	dma.local @!p0 [hbm:s6], $0xF7A  }
0x23: {  	s9 =	sor.u32 $0xD0000000, s2;
	s6 =	simm.s32 $0x108;
	_ =	swait.ge @!p0 [sflag:s8], $0x0  }
0x24: {  	s3 =	sadd.s32 $0x88, s3;
	s6 =	simm.s32 @!p1 $0x1082;
	[sflag:s4] =	ssyncset.s32 $0xFFFFF086  }
0x25: {  	[simem:s6], [sflag:s4] =	dma.local [hbm:s3], $0xF7A  }
0x26: {  	[smem:$0x3F94] =	sst s1;
	(tag) =	ssettag s2;
	_ =	strace s9  }
0x27: {  	s1 =	sld [smem:$0x3FA4]  }
0x28: {  	s2 =	sld [smem:$0x3FA5]  }
0x29: {  	s4 =	sld [smem:$0x3FA7]  }
0x2a: {  	p0 =	seq.s32 s5, $0x0;
	s5 =	sld [smem:$0x3FA8]  }
0x2b: {  	s6 =	sld [smem:$0x3FA9]  }
0x2c: {  	s7 =	sld [smem:$0x3FAA]  }
0x2d: {  	s3 =	simm.s32 $0x108;
	s8 =	sld [smem:$0x3FAB]  }
0x2e: {  	s3 =	simm.s32 @!p0 $0x1082;
	s9 =	sld [smem:$0x3FAC]  }
0x2f: {  	lr =	sadd.s32 s0, s3;
	s0 =	sld [smem:$0x3FA3]  }
0x30: {  	s3 =	sld [smem:$0x3FA6]  }
0x31: {  	[smem:$0x3FAF] =	sst s10  }
0x32: {  	s10 =	sld [smem:$0x3FAD];
	_ =	sdelay $0x3  }
0x33: {  	p0 =	seq.s32 s10, $0x1;
	s10 =	sld [smem:$0x3FAF];
	_ =	sdelay $0x3  }
0x34: {  	[smem:$0x3FAF] =	sst s10  }
0x35: {  	s10 =	sld [smem:$0x3FAE];
	_ =	sdelay $0x3  }
0x36: {  	p1 =	seq.s32 s10, $0x1;
	s10 =	sld [smem:$0x3FAF];
	_ =	sdelay $0x3  }
0x37: {  	[smem:$0x3FAF] =	sst s10  }
0x38: {  	s10 =	sld [smem:$0x3FB0]  }
0x39: {  	_ = 	snop;
	(pc) =	sbr.ind lr, $3  }
0x3a: {  	_ = 	snop  }
0x3b: {  	_ = 	snop  }
0x3c: {  	p2 =	seq.s32 s10, $0x1;
	s10 =	sld [smem:$0x3FAF]  }
0x3d: {  	_ =	shalt  }
0x3e: {  	_ =	shalt  }
0x3f: {  	_ =	shalt  }
0x40: {  	_ =	shalt  }
0x41: {  	_ =	shalt  }
0x42: {  	_ =	shalt  }
0x43: {  	_ =	shalt  }
0x44: {  	_ =	shalt  }
0x45: {  	_ =	shalt  }
0x46: {  	_ =	shalt  }
0x47: {  	_ =	shalt  }
0x48: {  	_ =	shalt  }
0x49: {  	_ =	shalt  }
0x4a: {  	_ =	shalt  }
0x4b: {  	_ =	shalt  }
0x4c: {  	_ =	shalt  }
0x4d: {  	_ =	shalt  }
0x4e: {  	_ =	shalt  }
0x4f: {  	_ =	shalt  }
0x50: {  	_ =	shalt  }
0x51: {  	_ =	shalt  }
0x52: {  	_ =	shalt  }
0x53: {  	_ =	shalt  }
0x54: {  	_ =	shalt  }
0x55: {  	_ =	shalt  }
0x56: {  	_ =	shalt  }
0x57: {  	_ =	shalt  }
0x58: {  	_ =	shalt  }
0x59: {  	_ =	shalt  }
0x5a: {  	_ =	shalt  }
0x5b: {  	_ =	shalt  }
0x5c: {  	_ =	shalt  }
0x5d: {  	_ =	shalt  }
0x5e: {  	_ =	shalt  }
0x5f: {  	_ =	shalt  }
0x60: {  	_ =	shalt  }
0x61: {  	_ =	shalt  }
0x62: {  	_ =	shalt  }
0x63: {  	_ =	shalt  }
0x64: {  	_ =	shalt  }
0x65: {  	_ =	shalt  }
0x66: {  	_ =	shalt  }
0x67: {  	_ =	shalt  }
0x68: {  	_ =	shalt  }
0x69: {  	_ =	shalt  }
0x6a: {  	_ =	shalt  }
0x6b: {  	_ =	shalt  }
0x6c: {  	_ =	shalt  }
0x6d: {  	_ =	shalt  }
0x6e: {  	_ =	shalt  }
0x6f: {  	_ =	shalt  }
0x70: {  	_ =	shalt  }
0x71: {  	_ =	shalt  }
0x72: {  	_ =	shalt  }
0x73: {  	_ =	shalt  }
0x74: {  	_ =	shalt  }
0x75: {  	_ =	shalt  }
0x76: {  	_ =	shalt  }
0x77: {  	_ =	shalt  }
0x78: {  	_ =	shalt  }
0x79: {  	_ =	shalt  }
0x7a: {  	_ =	shalt  }
0x7b: {  	_ =	shalt  }
0x7c: {  	_ =	shalt  }
0x7d: {  	_ =	shalt  }
0x7e: {  	_ =	shalt  }
0x7f: {  	_ =	shalt  }
0x80: {  	_ =	shalt  }
0x81: {  	_ =	shalt  }
0x82: {  	_ =	shalt  }
0x83: {  	_ =	shalt  }
0x84: {  	_ =	shalt  }
0x85: {  	_ =	shalt  }
0x86: {  	_ =	shalt  }
0x87: {  	_ =	shalt  }
.Lfunc_end0:
.L_simem_size_0:
called_computation_lowered:
.L_overlay_start_0:
0x88: {  	s2 =	sld [smem:$0x3FD9]  }
0x89: {  	s3 =	sld [smem:$0x3FFE];
	_ =	sdelay $0x1  }
0x8a: {  	s1 =	srdreg.scid  }
0x8b: {  	s0 =	sand.u32 $0x1, s1  }
0x8c: {  	s16 =	sshll.u32 s0, $0xA;
	s2 =	sadd.s32 s3, s2  }
0x8d: {  	s2 =	sadd.s32 s2, s16  }
0x8e: {  	[smem:$0x3FBB] =	sst s2  }
0x8f: {  	_ = 	snop  }
0x90: {  	(tm) =	ssettm $0x1  }
0x91: {  	s17 =	sld [smem:$0x3FFB];
	_ =	sdelay $0x3  }
0x92: {  	_ =	strace s17  }
0x93: {  	s2 =	sld [smem:$0x3FFC];
	_ =	sdelay $0x3  }
0x94: {  	_ =	strace s2  }
0x95: {  	s2 =	sld [smem:$0x3FFD];
	_ =	sdelay $0x3  }
0x96: {  	_ =	strace s2  }
0x97: {  	_ =	strace $0x8FFFFFFF  }
0x98: {  	s18 =	sld [smem:$0x3FDB];
	_ =	sdelay $0x1  }
0x99: {  	s19 =	simm.s32 $_scs_section_size  }
0x9a: {  	s4 =	simm.s32 $_size__tile_overlayer_lowered;
	s5 =	simm.s32 $_tile_overlayer_lowered  }
0x9b: {  	s22 =	simm.s32 $0x1BFF;
	s21 =	sshll.u32 s5, $0x1;
	s2 =	sadd.s32 s19, s18  }
0x9c: {  	s6 =	simm.s32 $0x0;
	s20 =	sshll.u32 s4, $0x1;
	s4 =	sadd.s32 s21, s2  }
0x9d: {  	[timem:s6], [sflag:s22] =	dma.local [hbm:s4], s20  }
0x9e: {  	_ =	swait.ge [sflag:s22], s20  }
0x9f: {  	s3 =	ssub.s32 $0x0, s20;
	[sflag:s22] =	ssyncset.done $0x0  }
0xa0: {  	[sflag:s22] =	ssyncadd.s32 s3;
	_ =	sdelay $0x1  }
0xa1: {  	s23 =	simm.s32 $0x1B8B  }
0xa2: {  	_ =	swait.ge [sflag:s23], $0x1  }
0xa3: {  	[sflag:s23] =	ssyncset.done $0x0  }
0xa4: {  	s25 =	simm.s32 $0x1B8E;
	s24 =	sld [smem:$0x3FFE];
	[sflag:s23] =	ssyncadd.s32 $0xFFFFFFFF  }
0xa5: {  	s26 =	simm.s32 $execute0_lowered;
	[smem:$0x3FD2] =	sst s25  }
0xa6: {  	s4 =	sshll.u32 s26, $0x1;
	_ =	strace $0x80000046;
	[dreg:$0x1] =	wrdreg $0xFFFFFFFF  }
0xa7: {  	s28 =	simm.s32 $_size_execute0_lowered;
	s2 =	sadd.s32 s2, s4;
	[dreg:$0x0] =	wrdreg $0x0  }
0xa8: {  	s4 =	sshll.u32 s28, $0x1;
	[dreg:$0x2] =	wrdreg s2  }
0xa9: {  	[dreg:$0x3] =	wrdreg s4  }
0xaa: {  	[dreg:$0x4] =	wrdreg $0xC0  }
0xab: {  	_ =	task [dreg:s6], $0x5FFFF  }
0xac: {  	[dreg:$0x1] =	wrdreg $0xFFFFFFFF  }
0xad: {  	[dreg:$0x0] =	wrdreg $0x60  }
0xae: {  	[dreg:$0x2] =	wrdreg s24  }
0xaf: {  	[dreg:$0x3] =	wrdreg $0x0  }
0xb0: {  	[dreg:$0x4] =	wrdreg $0x9  }
0xb1: {  	_ =	task.clear_ibuf [dreg:s6], $0x5FFFF;
	_ =	strace $0x90000046  }
0xb2: {  	s29 =	simm.s32 $0x9;
	_ =	strace $0x80000048  }
0xb3: {  	_ =	swait.ge [sflag:s29], $0x1  }
0xb4: {  	[sflag:s29] =	ssyncadd.s32 $0xFFFFFFFF  }
0xb5: {  	_ =	strace $0x90000048  }
0xb6: {  	_ =	sfence  }
0xb7: {  	s30 =	sld [smem:$0x0];
	_ =	sdelay $0x2  }
0xb8: {  	s31 =	sshll.u32 s1, $0xD;
	s1 =	sshrl.u32 s1, $0x2  }
0xb9: {  	s3 =	sand.u32 $0x4000, s31;
	s1 =	sadd.s32 s1, s30  }
0xba: {  	s0 =	sor.u32 s3, s0;
	s1 =	sshll.u32 s1, $0x11  }
0xbb: {  	s0 =	sor.u32 s1, s0  }
0xbc: {  	s0 =	sadd.s32 $0x8F2B, s0  }
0xbd: {  	[sflag:s0] =	ssyncadd.remote.s32 $0x1  }
0xbe: {  	_ =	sfence.sel $0xFFFF  }
0xbf: {  	[dreg:$0x0] =	wrdreg $0xFFFFFFFF;
	(pc) =	sbr.abs _section_cstart, $3  }
0xc0: {  	[dreg:$0x1] =	wrdreg $0xFFFFFFFF  }
0xc1: {  	_ =	task.clear_ibuf [dreg:s6], $0x2FFFF;
	_ =	strace $0x9FFFFFFF  }
0xc2: {  	(tm) =	ssettm $0x7FFFFFFF  }
0xc3: {  	_ =	shalt  }
tec
execute0_lowered:
.L_overlay_start_1:
0x0: {  	(tag) =	ssettag $0x1  }
0x1: {  	s0 =	srdreg.scid;
	s1 =	rddreg [dreg:$0x0]  }
0x2: {  	s8 =	stileid.u32;
	s2 =	rddreg [dreg:$0x1]  }
0x3: {  	s3 =	simm.s32 $0x0;
	s11 =	simm.s32 $0x14000;
	s12 =	simm.s32 $0x3  }
0x4: {  	s14 =	simm.s32 $0x18000;
	s15 =	simm.s32 $0x80;
	s16 =	simm.s32 $0x18080  }
0x5: {  	s17 =	simm.s32 $0x1;
	s18 =	simm.s32 $0x2;
	s5 =	smul.u32 $0x14000, s8  }
0x6: {  	s19 =	simm.s32 $0x18100;
	s28 =	simm.s32 $0x18500;
	s20 =	smul.u32 $0x50000, s8  }
0x7: {  	s29 =	simm.s32 $0x18580;
	s0 =	sand.u32 $0x1, s0;
	s23 =	smul.u32 $0x2800, s8  }
0x8: {  	s30 =	simm.s32 $0x18600;
	s31 =	simm.s32 $0x18680;
	s4 =	smul.u32 $0x140000, s0  }
0x9: {  	[smem:$0x7FF] =	sst s3;
	s6 =	ssub.s32 $0x2, s0;
	s0 =	smul.u32 $0x28000, s0  }
0xa: {  	_ =	strace $0x80000047;
	s21 =	sshrl.u32 s6, $0x1;
	s4 =	sadd.s32 s5, s4  }
0xb: {  	s5 =	sshrl.u32 s20, $0x2;
	s6 =	ssub.s32 s6, s21;
	s0 =	sadd.s32 s23, s0  }
0xc: {  	s20 =	simm.s32 $0x18180;
	s21 =	simm.s32 $0x18200;
	s23 =	simm.s32 $0x18300  }
0xd: {  	s4 =	sshrl.u32 s4, $0x3;
	s6 =	smax.u32 s6, $0x1;
	s0 =	sshrl.u32 s0, $0x3  }
0xe: {  	s7 =	sadd.s32 s4, s1;
	s4 =	sadd.s32 s5, s2;
	s1 =	sadd.s32 $0xD200, s1  }
0xf: {  	[dreg:$0x4] =	wrdreg s6;
	s5 =	simm.s32 $0x0;
	s22 =	sadd.s32 $0x17200, s7  }
0x10: {  	s24 =	sadd.s32 $0x4000, s4;
	s25 =	sadd.s32 $0x8000, s4;
	[dreg:$0x3] =	wrdreg s22  }
0x11: {  	s26 =	sadd.s32 $0xC000, s4;
	s10 =	sadd.s32 $0x10000, s4;
	[dreg:$0x5] =	wrdreg s24  }
0x12: {  	s13 =	sadd.s32 s1, s0;
	s1 =	simm.s32 $0x18700;
	[dreg:$0x6] =	wrdreg s25  }
0x13: {  	s0 =	simm.s32 $0x18780;
	[dreg:$0x7] =	wrdreg s26;
	s22 =	simm.s32 $0x18280  }
0x14: {  	v0 =	vimm.f32 $0.0e+00;
	v1 =	vimm.f32 $1.000000000e+00;
	s24 =	simm.s32 $0x18380;
	s25 =	simm.s32 $0x18400;
	s26 =	simm.s32 $0x18480  }
.LBB2_1:
0x15: {  	s6 =	simm.s32 $0x0;
	s7 =	simm.s32 $0x200  }
.LBB2_2:
0x16: {  	p0 =	sne.s32 s7, $0xFE00;
	[tilespmem:s6+$0x14070] =	vst v0  }
0x17: {  	[tilespmem:s6+$0x14000] =	vst v0  }
0x18: {  	[tilespmem:s6+$0x14010] =	vst v0  }
.Ltmp0:
0x19: {  	[tilespmem:s6+$0x14020] =	vst v0;
	(pc) =	sbr.rel @p0 .LBB2_2-.Ltmp0, $4  }
0x1a: {  	[tilespmem:s6+$0x14030] =	vst v0  }
0x1b: {  	[tilespmem:s6+$0x14040] =	vst v0  }
0x1c: {  	[tilespmem:s6+$0x14050] =	vst v0  }
0x1d: {  	[tilespmem:s6+$0x14060] =	vst v0;
	s6 =	sshra.s32 s7, $0x2;
	s7 =	sadd.s32 $0x200, s7  }
0x1e: {  	[tilespmem:s6+$0x14070] =	vst v0  }
0x1f: {  	[tilespmem:s6+$0x14000] =	vst v0  }
0x20: {  	[tilespmem:s6+$0x14010] =	vst v0  }
0x21: {  	[tilespmem:s6+$0x14020] =	vst v0  }
0x22: {  	[tilespmem:s6+$0x14030] =	vst v0  }
0x23: {  	[tilespmem:s6+$0x14040] =	vst v0  }
0x24: {  	[tilespmem:s6+$0x14050] =	vst v0  }
0x25: {  	[tilespmem:s6+$0x14060] =	vst v0  }
0x26: {  	[spmem:s4] =	stream.linear.scatter [tilespmem:s11], [sflag:$0x3], $0x4000, $0x38;
	[tilespmem:$0x18800] =	vst v63  }
0x27: {  	_ =	swait.ge [sflag:s12], $0x4000  }
0x28: {  	[sflag:s12] =	ssyncset.done $0x0  }
0x29: {  	s7 =	rddreg [dreg:$0x5];
	[sflag:s12] =	ssyncadd.s32 $0xFFFFC000  }
0x2a: {  	[spmem:s7] =	stream.linear.scatter [tilespmem:s11], [sflag:$0x3], $0x4000, $0x38;
	[tilespmem:$0x18800] =	vst v63  }
0x2b: {  	_ =	swait.ge [sflag:s12], $0x4000  }
0x2c: {  	[sflag:s12] =	ssyncset.done $0x0  }
0x2d: {  	s8 =	rddreg [dreg:$0x6];
	[sflag:s12] =	ssyncadd.s32 $0xFFFFC000  }
0x2e: {  	[spmem:s8] =	stream.linear.scatter [tilespmem:s11], [sflag:$0x3], $0x4000, $0x38;
	[tilespmem:$0x18800] =	vst v63  }
0x2f: {  	_ =	swait.ge [sflag:s12], $0x4000  }
0x30: {  	[sflag:s12] =	ssyncset.done $0x0  }
0x31: {  	s9 =	rddreg [dreg:$0x7];
	[sflag:s12] =	ssyncadd.s32 $0xFFFFC000  }
0x32: {  	[spmem:s9] =	stream.linear.scatter [tilespmem:s11], [sflag:$0x3], $0x4000, $0x38;
	[tilespmem:$0x18800] =	vst v63  }
0x33: {  	_ =	swait.ge [sflag:s12], $0x4000  }
0x34: {  	[sflag:s12] =	ssyncset.done $0x0  }
0x35: {  	[sflag:s12] =	ssyncadd.s32 $0xFFFFC000  }
0x36: {  	[spmem:s10] =	stream.linear.scatter [tilespmem:s11], [sflag:$0x3], $0x4000, $0x38;
	[tilespmem:$0x18800] =	vst v63  }
0x37: {  	_ =	swait.ge [sflag:s12], $0x4000  }
0x38: {  	[sflag:s12] =	ssyncset.done $0x0  }
0x39: {  	s6 =	simm.s32 $0x0;
	s7 =	simm.s32 $0x200;
	[sflag:s12] =	ssyncadd.s32 $0xFFFFC000  }
.LBB2_4:
0x3a: {  	p0 =	sne.s32 s7, $0xFE00;
	[tilespmem:s6+$0x14070] =	vst v1  }
0x3b: {  	[tilespmem:s6+$0x14000] =	vst v1  }
0x3c: {  	[tilespmem:s6+$0x14010] =	vst v1  }
.Ltmp1:
0x3d: {  	[tilespmem:s6+$0x14020] =	vst v1;
	(pc) =	sbr.rel @p0 .LBB2_4-.Ltmp1, $4  }
0x3e: {  	[tilespmem:s6+$0x14030] =	vst v1  }
0x3f: {  	[tilespmem:s6+$0x14040] =	vst v1  }
0x40: {  	[tilespmem:s6+$0x14050] =	vst v1  }
0x41: {  	[tilespmem:s6+$0x14060] =	vst v1;
	s6 =	sshra.s32 s7, $0x2;
	s7 =	sadd.s32 $0x200, s7  }
0x42: {  	[tilespmem:s6+$0x14070] =	vst v1  }
0x43: {  	[tilespmem:s6+$0x14000] =	vst v1  }
0x44: {  	[tilespmem:s6+$0x14010] =	vst v1  }
0x45: {  	[tilespmem:s6+$0x14020] =	vst v1  }
0x46: {  	[tilespmem:s6+$0x14030] =	vst v1  }
0x47: {  	[tilespmem:s6+$0x14040] =	vst v1  }
0x48: {  	[tilespmem:s6+$0x14050] =	vst v1  }
0x49: {  	[tilespmem:s6+$0x14060] =	vst v1  }
0x4a: {  	s9 =	sadd.s32 $0x0, s13;
	[bflag:$0x0] =	sbarrier.arrive $0xFFFF  }
0x4b: {  	[tilespmem:s14], [sflag:$0x3] =	stream.linear.gather [hbm4b:s9+s3], $0x800, $0x38;
	[tilespmem:$0x18800] =	vst v63  }
0x4c: {  	_ =	swait.ge [sflag:s12], $0x800  }
0x4d: {  	[sflag:s12] =	ssyncset.done $0x0  }
0x4e: {  	[sflag:s12] =	ssyncadd.s32 $0xFFFFF800  }
0x4f: {  	[spmem:s2] =	stream.indirect.scatter.add.f32 [tilespmem:s11], [sflag:$0x1], $0x80, s14, s15, $0xb8;
	[tilespmem:$0x18800] =	vst v63  }
0x50: {  	_ = 	snop  }
0x51: {  	[spmem:s2] =	stream.indirect.scatter.add.f32 [tilespmem:s11], [sflag:$0x2], $0x80, s16, s15, $0xb8;
	[tilespmem:$0x18800] =	vst v63  }
0x52: {  	_ =	swait.ge [sflag:s17], $0x4000  }
0x53: {  	[sflag:s17] =	ssyncset.done $0x0  }
0x54: {  	[sflag:s17] =	ssyncadd.s32 $0xFFFFC000  }
0x55: {  	_ =	swait.ge [sflag:s18], $0x4000  }
0x56: {  	[sflag:s18] =	ssyncset.done $0x0  }
0x57: {  	[sflag:s18] =	ssyncadd.s32 $0xFFFFC000  }
0x58: {  	[spmem:s2] =	stream.indirect.scatter.add.f32 [tilespmem:s11], [sflag:$0x1], $0x80, s19, s15, $0xb8;
	[tilespmem:$0x18800] =	vst v63  }
0x59: {  	_ = 	snop  }
0x5a: {  	[spmem:s2] =	stream.indirect.scatter.add.f32 [tilespmem:s11], [sflag:$0x2], $0x80, s20, s15, $0xb8;
	[tilespmem:$0x18800] =	vst v63  }
0x5b: {  	_ =	swait.ge [sflag:s17], $0x4000  }
0x5c: {  	[sflag:s17] =	ssyncset.done $0x0  }
0x5d: {  	[sflag:s17] =	ssyncadd.s32 $0xFFFFC000  }
0x5e: {  	_ =	swait.ge [sflag:s18], $0x4000  }
0x5f: {  	[sflag:s18] =	ssyncset.done $0x0  }
0x60: {  	[sflag:s18] =	ssyncadd.s32 $0xFFFFC000  }
0x61: {  	[spmem:s2] =	stream.indirect.scatter.add.f32 [tilespmem:s11], [sflag:$0x1], $0x80, s21, s15, $0xb8;
	[tilespmem:$0x18800] =	vst v63  }
0x62: {  	_ = 	snop  }
0x63: {  	[spmem:s2] =	stream.indirect.scatter.add.f32 [tilespmem:s11], [sflag:$0x2], $0x80, s22, s15, $0xb8;
	[tilespmem:$0x18800] =	vst v63  }
0x64: {  	_ =	swait.ge [sflag:s17], $0x4000  }
0x65: {  	[sflag:s17] =	ssyncset.done $0x0  }
0x66: {  	[sflag:s17] =	ssyncadd.s32 $0xFFFFC000  }
0x67: {  	_ =	swait.ge [sflag:s18], $0x4000  }
0x68: {  	[sflag:s18] =	ssyncset.done $0x0  }
0x69: {  	[sflag:s18] =	ssyncadd.s32 $0xFFFFC000  }
0x6a: {  	[spmem:s2] =	stream.indirect.scatter.add.f32 [tilespmem:s11], [sflag:$0x1], $0x80, s23, s15, $0xb8;
	[tilespmem:$0x18800] =	vst v63  }
0x6b: {  	_ = 	snop  }
0x6c: {  	[spmem:s2] =	stream.indirect.scatter.add.f32 [tilespmem:s11], [sflag:$0x2], $0x80, s24, s15, $0xb8;
	[tilespmem:$0x18800] =	vst v63  }
0x6d: {  	_ =	swait.ge [sflag:s17], $0x4000  }
0x6e: {  	[sflag:s17] =	ssyncset.done $0x0  }
0x6f: {  	[sflag:s17] =	ssyncadd.s32 $0xFFFFC000  }
0x70: {  	_ =	swait.ge [sflag:s18], $0x4000  }
0x71: {  	[sflag:s18] =	ssyncset.done $0x0  }
0x72: {  	[sflag:s18] =	ssyncadd.s32 $0xFFFFC000  }
0x73: {  	[spmem:s2] =	stream.indirect.scatter.add.f32 [tilespmem:s11], [sflag:$0x1], $0x80, s25, s15, $0xb8;
	[tilespmem:$0x18800] =	vst v63  }
0x74: {  	_ = 	snop  }
0x75: {  	[spmem:s2] =	stream.indirect.scatter.add.f32 [tilespmem:s11], [sflag:$0x2], $0x80, s26, s15, $0xb8;
	[tilespmem:$0x18800] =	vst v63  }
0x76: {  	_ =	swait.ge [sflag:s17], $0x4000  }
0x77: {  	[sflag:s17] =	ssyncset.done $0x0  }
0x78: {  	[sflag:s17] =	ssyncadd.s32 $0xFFFFC000  }
0x79: {  	_ =	swait.ge [sflag:s18], $0x4000  }
0x7a: {  	[sflag:s18] =	ssyncset.done $0x0  }
0x7b: {  	[sflag:s18] =	ssyncadd.s32 $0xFFFFC000  }
0x7c: {  	[spmem:s2] =	stream.indirect.scatter.add.f32 [tilespmem:s11], [sflag:$0x1], $0x80, s28, s15, $0xb8;
	[tilespmem:$0x18800] =	vst v63  }
0x7d: {  	_ = 	snop  }
0x7e: {  	[spmem:s2] =	stream.indirect.scatter.add.f32 [tilespmem:s11], [sflag:$0x2], $0x80, s29, s15, $0xb8;
	[tilespmem:$0x18800] =	vst v63  }
0x7f: {  	_ =	swait.ge [sflag:s17], $0x4000  }
0x80: {  	[sflag:s17] =	ssyncset.done $0x0  }
0x81: {  	[sflag:s17] =	ssyncadd.s32 $0xFFFFC000  }
0x82: {  	_ =	swait.ge [sflag:s18], $0x4000  }
0x83: {  	[sflag:s18] =	ssyncset.done $0x0  }
0x84: {  	[sflag:s18] =	ssyncadd.s32 $0xFFFFC000  }
0x85: {  	[spmem:s2] =	stream.indirect.scatter.add.f32 [tilespmem:s11], [sflag:$0x1], $0x80, s30, s15, $0xb8;
	[tilespmem:$0x18800] =	vst v63  }
0x86: {  	_ = 	snop  }
0x87: {  	[spmem:s2] =	stream.indirect.scatter.add.f32 [tilespmem:s11], [sflag:$0x2], $0x80, s31, s15, $0xb8;
	[tilespmem:$0x18800] =	vst v63  }
0x88: {  	_ =	swait.ge [sflag:s17], $0x4000  }
0x89: {  	[sflag:s17] =	ssyncset.done $0x0  }
0x8a: {  	[sflag:s17] =	ssyncadd.s32 $0xFFFFC000  }
0x8b: {  	_ =	swait.ge [sflag:s18], $0x4000  }
0x8c: {  	[sflag:s18] =	ssyncset.done $0x0  }
0x8d: {  	[sflag:s18] =	ssyncadd.s32 $0xFFFFC000  }
0x8e: {  	[spmem:s2] =	stream.indirect.scatter.add.f32 [tilespmem:s11], [sflag:$0x1], $0x80, s1, s15, $0xb8;
	[tilespmem:$0x18800] =	vst v63  }
0x8f: {  	_ = 	snop  }
0x90: {  	[spmem:s2] =	stream.indirect.scatter.add.f32 [tilespmem:s11], [sflag:$0x2], $0x80, s0, s15, $0xb8;
	[tilespmem:$0x18800] =	vst v63  }
0x91: {  	_ =	swait.ge [sflag:s17], $0x4000  }
0x92: {  	[sflag:s17] =	ssyncset.done $0x0  }
0x93: {  	[sflag:s17] =	ssyncadd.s32 $0xFFFFC000  }
0x94: {  	_ =	swait.ge [sflag:s18], $0x4000  }
0x95: {  	s6 =	simm.s32 $0x100;
	s7 =	simm.s32 $0x200;
	[sflag:s18] =	ssyncset.done $0x0  }
.LBB2_6:
0x96: {  	s9 =	sadd.s32 s6, s13  }
0x97: {  	[sflag:s18] =	ssyncadd.s32 $0xFFFFC000;
	s6 =	smov.u32 s7;
	s8 =	sadd.s32 $0x100, s7  }
0x98: {  	[tilespmem:s14], [sflag:$0x3] =	stream.linear.gather [hbm4b:s9+s3], $0x800, $0x38;
	[tilespmem:$0x18800] =	vst v63  }
0x99: {  	p0 =	sne.s32 s7, $0x400;
	_ =	swait.ge [sflag:s12], $0x800  }
0x9a: {  	[sflag:s12] =	ssyncset.done $0x0  }
0x9b: {  	[sflag:s12] =	ssyncadd.s32 $0xFFFFF800  }
0x9c: {  	[spmem:s2] =	stream.indirect.scatter.add.f32 [tilespmem:s11], [sflag:$0x1], $0x80, s14, s15, $0xb8;
	[tilespmem:$0x18800] =	vst v63  }
0x9d: {  	_ = 	snop  }
0x9e: {  	[spmem:s2] =	stream.indirect.scatter.add.f32 [tilespmem:s11], [sflag:$0x2], $0x80, s16, s15, $0xb8;
	[tilespmem:$0x18800] =	vst v63  }
0x9f: {  	_ =	swait.ge [sflag:s17], $0x4000  }
0xa0: {  	[sflag:s17] =	ssyncset.done $0x0  }
0xa1: {  	[sflag:s17] =	ssyncadd.s32 $0xFFFFC000  }
0xa2: {  	_ =	swait.ge [sflag:s18], $0x4000  }
0xa3: {  	[sflag:s18] =	ssyncset.done $0x0  }
0xa4: {  	[sflag:s18] =	ssyncadd.s32 $0xFFFFC000  }
0xa5: {  	[spmem:s2] =	stream.indirect.scatter.add.f32 [tilespmem:s11], [sflag:$0x1], $0x80, s19, s15, $0xb8;
	[tilespmem:$0x18800] =	vst v63  }
0xa6: {  	_ = 	snop  }
0xa7: {  	[spmem:s2] =	stream.indirect.scatter.add.f32 [tilespmem:s11], [sflag:$0x2], $0x80, s20, s15, $0xb8;
	[tilespmem:$0x18800] =	vst v63  }
0xa8: {  	_ =	swait.ge [sflag:s17], $0x4000  }
0xa9: {  	[sflag:s17] =	ssyncset.done $0x0  }
0xaa: {  	[sflag:s17] =	ssyncadd.s32 $0xFFFFC000  }
0xab: {  	_ =	swait.ge [sflag:s18], $0x4000  }
0xac: {  	[sflag:s18] =	ssyncset.done $0x0  }
0xad: {  	[sflag:s18] =	ssyncadd.s32 $0xFFFFC000  }
0xae: {  	[spmem:s2] =	stream.indirect.scatter.add.f32 [tilespmem:s11], [sflag:$0x1], $0x80, s21, s15, $0xb8;
	[tilespmem:$0x18800] =	vst v63  }
0xaf: {  	_ = 	snop  }
0xb0: {  	[spmem:s2] =	stream.indirect.scatter.add.f32 [tilespmem:s11], [sflag:$0x2], $0x80, s22, s15, $0xb8;
	[tilespmem:$0x18800] =	vst v63  }
0xb1: {  	_ =	swait.ge [sflag:s17], $0x4000  }
0xb2: {  	[sflag:s17] =	ssyncset.done $0x0  }
0xb3: {  	[sflag:s17] =	ssyncadd.s32 $0xFFFFC000  }
0xb4: {  	_ =	swait.ge [sflag:s18], $0x4000  }
0xb5: {  	[sflag:s18] =	ssyncset.done $0x0  }
0xb6: {  	[sflag:s18] =	ssyncadd.s32 $0xFFFFC000  }
0xb7: {  	[spmem:s2] =	stream.indirect.scatter.add.f32 [tilespmem:s11], [sflag:$0x1], $0x80, s23, s15, $0xb8;
	[tilespmem:$0x18800] =	vst v63  }
0xb8: {  	_ = 	snop  }
0xb9: {  	[spmem:s2] =	stream.indirect.scatter.add.f32 [tilespmem:s11], [sflag:$0x2], $0x80, s24, s15, $0xb8;
	[tilespmem:$0x18800] =	vst v63  }
0xba: {  	_ =	swait.ge [sflag:s17], $0x4000  }
0xbb: {  	[sflag:s17] =	ssyncset.done $0x0  }
0xbc: {  	[sflag:s17] =	ssyncadd.s32 $0xFFFFC000  }
0xbd: {  	_ =	swait.ge [sflag:s18], $0x4000  }
0xbe: {  	[sflag:s18] =	ssyncset.done $0x0  }
0xbf: {  	[sflag:s18] =	ssyncadd.s32 $0xFFFFC000  }
0xc0: {  	[spmem:s2] =	stream.indirect.scatter.add.f32 [tilespmem:s11], [sflag:$0x1], $0x80, s25, s15, $0xb8;
	[tilespmem:$0x18800] =	vst v63  }
0xc1: {  	_ = 	snop  }
0xc2: {  	[spmem:s2] =	stream.indirect.scatter.add.f32 [tilespmem:s11], [sflag:$0x2], $0x80, s26, s15, $0xb8;
	[tilespmem:$0x18800] =	vst v63  }
0xc3: {  	_ =	swait.ge [sflag:s17], $0x4000  }
0xc4: {  	[sflag:s17] =	ssyncset.done $0x0  }
0xc5: {  	[sflag:s17] =	ssyncadd.s32 $0xFFFFC000  }
0xc6: {  	_ =	swait.ge [sflag:s18], $0x4000  }
0xc7: {  	[sflag:s18] =	ssyncset.done $0x0  }
0xc8: {  	[sflag:s18] =	ssyncadd.s32 $0xFFFFC000  }
0xc9: {  	[spmem:s2] =	stream.indirect.scatter.add.f32 [tilespmem:s11], [sflag:$0x1], $0x80, s28, s15, $0xb8;
	[tilespmem:$0x18800] =	vst v63  }
0xca: {  	_ = 	snop  }
0xcb: {  	[spmem:s2] =	stream.indirect.scatter.add.f32 [tilespmem:s11], [sflag:$0x2], $0x80, s29, s15, $0xb8;
	[tilespmem:$0x18800] =	vst v63  }
0xcc: {  	_ =	swait.ge [sflag:s17], $0x4000  }
0xcd: {  	[sflag:s17] =	ssyncset.done $0x0  }
0xce: {  	[sflag:s17] =	ssyncadd.s32 $0xFFFFC000  }
0xcf: {  	_ =	swait.ge [sflag:s18], $0x4000  }
0xd0: {  	[sflag:s18] =	ssyncset.done $0x0  }
0xd1: {  	[sflag:s18] =	ssyncadd.s32 $0xFFFFC000  }
0xd2: {  	[spmem:s2] =	stream.indirect.scatter.add.f32 [tilespmem:s11], [sflag:$0x1], $0x80, s30, s15, $0xb8;
	[tilespmem:$0x18800] =	vst v63  }
0xd3: {  	_ = 	snop  }
0xd4: {  	[spmem:s2] =	stream.indirect.scatter.add.f32 [tilespmem:s11], [sflag:$0x2], $0x80, s31, s15, $0xb8;
	[tilespmem:$0x18800] =	vst v63  }
0xd5: {  	_ =	swait.ge [sflag:s17], $0x4000  }
0xd6: {  	[sflag:s17] =	ssyncset.done $0x0  }
0xd7: {  	[sflag:s17] =	ssyncadd.s32 $0xFFFFC000  }
0xd8: {  	_ =	swait.ge [sflag:s18], $0x4000  }
0xd9: {  	[sflag:s18] =	ssyncset.done $0x0  }
0xda: {  	[sflag:s18] =	ssyncadd.s32 $0xFFFFC000  }
0xdb: {  	[spmem:s2] =	stream.indirect.scatter.add.f32 [tilespmem:s11], [sflag:$0x1], $0x80, s1, s15, $0xb8;
	[tilespmem:$0x18800] =	vst v63  }
0xdc: {  	_ = 	snop  }
0xdd: {  	[spmem:s2] =	stream.indirect.scatter.add.f32 [tilespmem:s11], [sflag:$0x2], $0x80, s0, s15, $0xb8;
	[tilespmem:$0x18800] =	vst v63  }
.Ltmp2:
0xde: {  	_ =	swait.ge [sflag:s17], $0x4000;
	(pc) =	sbr.rel @p0 .LBB2_6-.Ltmp2, $4  }
0xdf: {  	[sflag:s17] =	ssyncset.done $0x0  }
0xe0: {  	[sflag:s17] =	ssyncadd.s32 $0xFFFFC000  }
0xe1: {  	_ =	swait.ge [sflag:s18], $0x4000  }
0xe2: {  	s7 =	smov.u32 s8;
	[sflag:s18] =	ssyncset.done $0x0  }
0xe3: {  	s6 =	sadd.s32 s6, s13;
	[sflag:s18] =	ssyncadd.s32 $0xFFFFC000  }
0xe4: {  	[tilespmem:s14], [sflag:$0x3] =	stream.linear.gather [hbm4b:s6+s3], $0x800, $0x38;
	[tilespmem:$0x18800] =	vst v63  }
0xe5: {  	_ =	swait.ge [sflag:s12], $0x800  }
0xe6: {  	[sflag:s12] =	ssyncset.done $0x0  }
0xe7: {  	[sflag:s12] =	ssyncadd.s32 $0xFFFFF800  }
0xe8: {  	[spmem:s2] =	stream.indirect.scatter.add.f32 [tilespmem:s11], [sflag:$0x1], $0x80, s14, s15, $0xb8;
	[tilespmem:$0x18800] =	vst v63  }
0xe9: {  	_ = 	snop  }
0xea: {  	[spmem:s2] =	stream.indirect.scatter.add.f32 [tilespmem:s11], [sflag:$0x2], $0x80, s16, s15, $0xb8;
	[tilespmem:$0x18800] =	vst v63  }
0xeb: {  	_ =	swait.ge [sflag:s17], $0x4000  }
0xec: {  	[sflag:s17] =	ssyncset.done $0x0  }
0xed: {  	[sflag:s17] =	ssyncadd.s32 $0xFFFFC000  }
0xee: {  	_ =	swait.ge [sflag:s18], $0x4000  }
0xef: {  	[sflag:s18] =	ssyncset.done $0x0  }
0xf0: {  	[sflag:s18] =	ssyncadd.s32 $0xFFFFC000  }
0xf1: {  	[spmem:s2] =	stream.indirect.scatter.add.f32 [tilespmem:s11], [sflag:$0x1], $0x80, s19, s15, $0xb8;
	[tilespmem:$0x18800] =	vst v63  }
0xf2: {  	_ = 	snop  }
0xf3: {  	[spmem:s2] =	stream.indirect.scatter.add.f32 [tilespmem:s11], [sflag:$0x2], $0x80, s20, s15, $0xb8;
	[tilespmem:$0x18800] =	vst v63  }
0xf4: {  	_ =	swait.ge [sflag:s17], $0x4000  }
0xf5: {  	[sflag:s17] =	ssyncset.done $0x0  }
0xf6: {  	[sflag:s17] =	ssyncadd.s32 $0xFFFFC000  }
0xf7: {  	_ =	swait.ge [sflag:s18], $0x4000  }
0xf8: {  	[sflag:s18] =	ssyncset.done $0x0  }
0xf9: {  	[sflag:s18] =	ssyncadd.s32 $0xFFFFC000  }
0xfa: {  	[spmem:s2] =	stream.indirect.scatter.add.f32 [tilespmem:s11], [sflag:$0x1], $0x80, s21, s15, $0xb8;
	[tilespmem:$0x18800] =	vst v63  }
0xfb: {  	_ = 	snop  }
0xfc: {  	[spmem:s2] =	stream.indirect.scatter.add.f32 [tilespmem:s11], [sflag:$0x2], $0x80, s22, s15, $0xb8;
	[tilespmem:$0x18800] =	vst v63  }
0xfd: {  	_ =	swait.ge [sflag:s17], $0x4000  }
0xfe: {  	[sflag:s17] =	ssyncset.done $0x0  }
0xff: {  	[sflag:s17] =	ssyncadd.s32 $0xFFFFC000  }
0x100: {  	_ =	swait.ge [sflag:s18], $0x4000  }
0x101: {  	[sflag:s18] =	ssyncset.done $0x0  }
0x102: {  	[sflag:s18] =	ssyncadd.s32 $0xFFFFC000  }
0x103: {  	[spmem:s2] =	stream.indirect.scatter.add.f32 [tilespmem:s11], [sflag:$0x1], $0x80, s23, s15, $0xb8;
	[tilespmem:$0x18800] =	vst v63  }
0x104: {  	_ = 	snop  }
0x105: {  	[spmem:s2] =	stream.indirect.scatter.add.f32 [tilespmem:s11], [sflag:$0x2], $0x80, s24, s15, $0xb8;
	[tilespmem:$0x18800] =	vst v63  }
0x106: {  	_ =	swait.ge [sflag:s17], $0x4000  }
0x107: {  	[sflag:s17] =	ssyncset.done $0x0  }
0x108: {  	[sflag:s17] =	ssyncadd.s32 $0xFFFFC000  }
0x109: {  	_ =	swait.ge [sflag:s18], $0x4000  }
0x10a: {  	[sflag:s18] =	ssyncset.done $0x0  }
0x10b: {  	[sflag:s18] =	ssyncadd.s32 $0xFFFFC000  }
0x10c: {  	[spmem:s2] =	stream.indirect.scatter.add.f32 [tilespmem:s11], [sflag:$0x1], $0x80, s25, s15, $0xb8;
	[tilespmem:$0x18800] =	vst v63  }
0x10d: {  	_ = 	snop  }
0x10e: {  	[spmem:s2] =	stream.indirect.scatter.add.f32 [tilespmem:s11], [sflag:$0x2], $0x80, s26, s15, $0xb8;
	[tilespmem:$0x18800] =	vst v63  }
0x10f: {  	_ =	swait.ge [sflag:s17], $0x4000  }
0x110: {  	[sflag:s17] =	ssyncset.done $0x0  }
0x111: {  	[sflag:s17] =	ssyncadd.s32 $0xFFFFC000  }
0x112: {  	_ =	swait.ge [sflag:s18], $0x4000  }
0x113: {  	[sflag:s18] =	ssyncset.done $0x0  }
0x114: {  	[sflag:s18] =	ssyncadd.s32 $0xFFFFC000  }
0x115: {  	[spmem:s2] =	stream.indirect.scatter.add.f32 [tilespmem:s11], [sflag:$0x1], $0x80, s28, s15, $0xb8;
	[tilespmem:$0x18800] =	vst v63  }
0x116: {  	_ = 	snop  }
0x117: {  	[spmem:s2] =	stream.indirect.scatter.add.f32 [tilespmem:s11], [sflag:$0x2], $0x80, s29, s15, $0xb8;
	[tilespmem:$0x18800] =	vst v63  }
0x118: {  	_ =	swait.ge [sflag:s17], $0x4000  }
0x119: {  	[sflag:s17] =	ssyncset.done $0x0  }
0x11a: {  	[sflag:s17] =	ssyncadd.s32 $0xFFFFC000  }
0x11b: {  	_ =	swait.ge [sflag:s18], $0x4000  }
0x11c: {  	[sflag:s18] =	ssyncset.done $0x0  }
0x11d: {  	[sflag:s18] =	ssyncadd.s32 $0xFFFFC000  }
0x11e: {  	[spmem:s2] =	stream.indirect.scatter.add.f32 [tilespmem:s11], [sflag:$0x1], $0x80, s30, s15, $0xb8;
	[tilespmem:$0x18800] =	vst v63  }
0x11f: {  	_ = 	snop  }
0x120: {  	[spmem:s2] =	stream.indirect.scatter.add.f32 [tilespmem:s11], [sflag:$0x2], $0x80, s31, s15, $0xb8;
	[tilespmem:$0x18800] =	vst v63  }
0x121: {  	_ =	swait.ge [sflag:s17], $0x4000  }
0x122: {  	[sflag:s17] =	ssyncset.done $0x0  }
0x123: {  	[sflag:s17] =	ssyncadd.s32 $0xFFFFC000  }
0x124: {  	_ =	swait.ge [sflag:s18], $0x4000  }
0x125: {  	[sflag:s18] =	ssyncset.done $0x0  }
0x126: {  	[sflag:s18] =	ssyncadd.s32 $0xFFFFC000  }
0x127: {  	[spmem:s2] =	stream.indirect.scatter.add.f32 [tilespmem:s11], [sflag:$0x1], $0x80, s1, s15, $0xb8;
	[tilespmem:$0x18800] =	vst v63  }
0x128: {  	_ = 	snop  }
0x129: {  	[spmem:s2] =	stream.indirect.scatter.add.f32 [tilespmem:s11], [sflag:$0x2], $0x80, s0, s15, $0xb8;
	[tilespmem:$0x18800] =	vst v63  }
0x12a: {  	_ =	swait.ge [sflag:s17], $0x4000  }
0x12b: {  	[sflag:s17] =	ssyncset.done $0x0  }
0x12c: {  	[sflag:s17] =	ssyncadd.s32 $0xFFFFC000  }
0x12d: {  	_ =	swait.ge [sflag:s18], $0x4000  }
0x12e: {  	[sflag:s18] =	ssyncset.done $0x0  }
0x12f: {  	s8 =	stileid.u32;
	[sflag:s18] =	ssyncadd.s32 $0xFFFFC000  }
0x130: {  	s6 =	sshll.u32 s8, $0x6;
	[bflag:$0x0] =	sbarrier.arrive $0xFFFF  }
0x131: {  	s7 =	sshrl.u32 s4, $0x3;
	s6 =	sor.u32 $0x1C03, s6;
	s8 =	rddreg [dreg:$0x3]  }
0x132: {  	[hbm:s8], [sflag:s6] =	dma.local [spmem:s7], $0x2800  }
0x133: {  	_ =	swait.ge [sflag:s12], $0x2800  }
0x134: {  	s5 =	sadd.s32 $0x1, s5;
	s9 =	rddreg [dreg:$0x4]  }
0x135: {  	p0 =	sne.s32 s5, s9  }
.Ltmp3:
0x136: {  	_ = 	snop;
	(pc) =	sbr.rel @p0 .LBB2_1-.Ltmp3, $3  }
0x137: {  	_ =	sdelay $0x1  }
0x138: {  	[sflag:s12] =	ssyncset.done $0x0  }
0x139: {  	[sflag:s12] =	ssyncadd.s32 $0xFFFFD800  }
0x13a: {  	_ =	sfence.sel $0x180000  }
0x13b: {  	[bflag:$0x0] =	sbarrier.arrive $0xFFFF  }
0x13c: {  	_ =	strace $0x90000047  }
0x13d: {  	s0 =	stileid.u32;
	[bflag:$0x2] =	sbarrier.arrive $0xFFFF  }
0x13e: {  	p0 =	sne.s32 s0, $0x0;
	s0 =	rddreg [dreg:$0x2]  }
0x13f: {  	s0 =	sadd.s32 @!p0 $0x100000, s0  }
0x140: {  	[sflag:s0] =	ssyncadd.tile.s32 @!p0 $0x1;
	_ =	shalt  }
.Lfunc_end2:
_tile_overlayer_lowered:
.L_overlay_start_2:
0x141: {  	(tag) =	ssettag $0x2  }
0x142: {  	s0 =	rddreg [dreg:$0x0];
	s2 =	stileid.u32  }
0x143: {  	s1 =	rddreg [dreg:$0x1];
	p0 =	sne.s32 s2, $0x0  }
0x144: {  	s3 =	rddreg [dreg:$0x2];
	[bflag:$0x3] =	sbarrier.arrive $0xFFFF;
	s2 =	simm.s32 @!p0 $0x1C03  }
0x145: {  	[timem:s3], [sflag:s2] =	dma.local @!p0 [hbm:s0], s1  }
0x146: {  	s0 =	simm.s32 @!p0 $0x3  }
0x147: {  	_ =	swait.ge @!p0 [sflag:s0], s1  }
0x148: {  	s1 =	ssub.s32 @!p0 $0x0, s1;
	[sflag:s0] =	ssyncset.done @!p0 $0x0  }
0x149: {  	[sflag:s0] =	ssyncadd.s32 @!p0 s1  }
0x14a: {  	[bflag:$0x3] =	sbarrier.arrive $0xFFFF  }
0x14b: {  	_ =	shalt  }

</sc_bundles>
